<compile_context>
chip_gen: v7x
topology: tpu7x:2x2x1
jax: 0.10.2.dev20260603
libtpu: 0.0.44.dev20260713+nightly
codegen_flags: <defaults>
</compile_context>

<pallas_src>
import functools
import math

import jax
import jax.numpy as jnp
from jax import lax
from jax.experimental import pallas as pl
from jax.experimental.pallas import tpu as pltpu
from jax.experimental.pallas import tpu_sc as plsc

N_HEAD = 16
N_EMBD = 2048
HEAD_DIM = 128
LORA_SCALE = 2.0
B_SZ = 2
N_SEQ = 4096
M_ROWS = B_SZ * N_SEQ
CHUNK_SIZES = (256, 64, 16)
N_WORKERS = 32



def _qkv_body(x_ref, w_ref, b_ref, o_ref):
    acc = jnp.dot(x_ref[...], w_ref[0], preferred_element_type=jnp.float32)
    o_ref[0] = acc + b_ref[0, 0:1, :]


def _bf(x):
    return x.astype(jnp.bfloat16)


def _qkv_proj(xf, w_all, b_all):
    mblk = 256
    nblk = 1024
    grid = (3, N_EMBD // nblk, M_ROWS // mblk)
    return pl.pallas_call(
        _qkv_body,
        grid=grid,
        in_specs=[
            pl.BlockSpec((mblk, N_EMBD), lambda l, n, m: (m, 0)),
            pl.BlockSpec((1, N_EMBD, nblk), lambda l, n, m: (l, 0, n)),
            pl.BlockSpec((1, 8, nblk), lambda l, n, m: (l, 0, n)),
        ],
        out_specs=pl.BlockSpec((1, mblk, nblk), lambda l, n, m: (l, m, n)),
        out_shape=jax.ShapeDtypeStruct((3, M_ROWS, N_EMBD), jnp.float32),
    )(xf, w_all, b_all)



def _rank_body(q_ref, k_ref, o_ref):
    q = q_ref[0][:, 0:1]
    k = k_ref[0][0:1, :]
    j = lax.broadcasted_iota(jnp.int32, (1, N_SEQ), 1)
    i_glob = pl.program_id(1) * 128 + lax.broadcasted_iota(
        jnp.int32, (128, 1), 0)
    lt = (k < q).astype(jnp.int32)
    eq = jnp.where((k == q) & (j < i_glob), 1, 0)
    pos = jnp.sum(lt + eq, axis=1, keepdims=True)
    b = pl.program_id(0) % 2
    o_ref[0] = jnp.broadcast_to(pos + b * N_SEQ, (128, 8))


def _sort_ranks(wb_all6):
    wb_q = jnp.broadcast_to(wb_all6[:, :, None], (6, N_SEQ, 8))
    wb_k = jnp.broadcast_to(wb_all6[:, None, :], (6, 8, N_SEQ))
    pos8 = pl.pallas_call(
        _rank_body,
        grid=(6, N_SEQ // 128),
        in_specs=[
            pl.BlockSpec((1, 128, 8), lambda r, i: (r, i, 0)),
            pl.BlockSpec((1, 8, N_SEQ), lambda r, i: (r, 0, 0)),
        ],
        out_specs=pl.BlockSpec((1, 128, 8), lambda r, i: (r, i, 0)),
        out_shape=jax.ShapeDtypeStruct((6, N_SEQ, 8), jnp.int32),
    )(wb_q, wb_k)
    return pos8[:, :, 0].reshape(3, M_ROWS)



_SC_MESH = dict(core_axis_name="c", subcore_axis_name="s",
                num_cores=2, num_subcores=16)


def _sc_scatter_qkv(qkv_flat, pos_lvl):
    width = N_EMBD
    rows_pw = (3 * M_ROWS) // N_WORKERS
    n_chunks = rows_pw // 16

    @functools.partial(
        pl.kernel,
        out_type=jax.ShapeDtypeStruct((3 * M_ROWS, width), jnp.float32),
        mesh=plsc.VectorSubcoreMesh(**_SC_MESH),
        scratch_types=[
            pltpu.VMEM((n_chunks, 16), jnp.int32),
            pltpu.VMEM((16, width), jnp.float32),
            pltpu.VMEM((16, width), jnp.float32),
            pltpu.SemaphoreType.DMA,
            pltpu.SemaphoreType.DMA,
        ],
    )
    def k(src_hbm, pos_hbm, dst, idx_v, buf0, buf1, sem0, sem1):
        wid = lax.axis_index("s") * 2 + lax.axis_index("c")
        base = wid * rows_pw
        bufs = (buf0, buf1)
        sems = (sem0, sem1)
        pltpu.sync_copy(pos_hbm.at[wid], idx_v)

        def pair_body(i, _):
            for b in (0, 1):
                c = i * 2 + b

                @pl.when(i > 0)
                def _():
                    pltpu.make_async_copy(
                        src_hbm.at[pl.ds(0, 16)], bufs[b], sems[b]).wait()

                pltpu.sync_copy(
                    src_hbm.at[pl.ds(base + c * 16, 16)], bufs[b])
                pltpu.async_copy(bufs[b], dst.at[idx_v[c]], sems[b])
            return 0

        lax.fori_loop(0, n_chunks // 2, pair_body, 0, unroll=False)
        for b in (0, 1):
            pltpu.make_async_copy(
                src_hbm.at[pl.ds(0, 16)], bufs[b], sems[b]).wait()

    return k(qkv_flat, pos_lvl)



def _attn_body(q_ref, kp_ref, kc_ref, vp_ref, vc_ref, o_ref, *, cs, rblk):
    i = pl.program_id(1)
    p = i * rblk + lax.broadcasted_iota(jnp.int32, (rblk, 1), 0)
    cp = p // cs
    g = (i - 1) * rblk + lax.broadcasted_iota(jnp.int32, (1, 2 * rblk), 1)
    valid = (g >= (cp - 1) * cs) & (g < (cp + 1) * cs) & (g >= 0)
    neg = jnp.float32(-1e30)
    for h in range(N_HEAD):
        sl = slice(h * HEAD_DIM, (h + 1) * HEAD_DIM)
        q = _bf(q_ref[:, sl])
        kk = _bf(jnp.concatenate([kp_ref[:, sl], kc_ref[:, sl]], 0))
        scores = lax.dot_general(
            q, kk, (((1,), (1,)), ((), ())),
            preferred_element_type=jnp.float32) * (1.0 / math.sqrt(HEAD_DIM))
        scores = jnp.where(valid, scores, neg)
        m = jnp.max(scores, axis=1, keepdims=True)
        e = jnp.exp(scores - m)
        attn = _bf(e / jnp.sum(e, axis=1, keepdims=True))
        vv = _bf(jnp.concatenate([vp_ref[:, sl], vc_ref[:, sl]], 0))
        o_ref[:, sl] = jnp.dot(attn, vv, preferred_element_type=jnp.float32)


def _attention_level(qkv_s, cs):
    rblk = max(cs, 128)
    nb = N_SEQ // rblk
    koff = M_ROWS // rblk
    voff = 2 * koff

    def q_map(b, i):
        return (b * nb + i, 0)

    def kp_map(b, i):
        return (koff + b * nb + jnp.maximum(i - 1, 0), 0)

    def kc_map(b, i):
        return (koff + b * nb + i, 0)

    def vp_map(b, i):
        return (voff + b * nb + jnp.maximum(i - 1, 0), 0)

    def vc_map(b, i):
        return (voff + b * nb + i, 0)

    blk = (rblk, N_EMBD)
    return pl.pallas_call(
        functools.partial(_attn_body, cs=cs, rblk=rblk),
        grid=(B_SZ, nb),
        in_specs=[
            pl.BlockSpec(blk, q_map),
            pl.BlockSpec(blk, kp_map),
            pl.BlockSpec(blk, kc_map),
            pl.BlockSpec(blk, vp_map),
            pl.BlockSpec(blk, vc_map),
        ],
        out_specs=pl.BlockSpec(blk, q_map),
        out_shape=jax.ShapeDtypeStruct((M_ROWS, N_EMBD), jnp.float32),
    )(qkv_s, qkv_s, qkv_s, qkv_s, qkv_s)



def _sc_unsort(s_lvl, posg_lvl):
    rows_pw = M_ROWS // N_WORKERS
    n_chunks = rows_pw // 16

    width = N_EMBD

    @functools.partial(
        pl.kernel,
        out_type=jax.ShapeDtypeStruct((M_ROWS, width), jnp.float32),
        mesh=plsc.VectorSubcoreMesh(**_SC_MESH),
        scratch_types=[
            pltpu.VMEM((n_chunks, 16), jnp.int32),
            pltpu.VMEM((16, width), jnp.float32),
            pltpu.VMEM((16, width), jnp.float32),
            pltpu.SemaphoreType.DMA,
            pltpu.SemaphoreType.DMA,
        ],
    )
    def k(src, pos_hbm, dst, idx_v, buf0, buf1, sem0, sem1):
        wid = lax.axis_index("s") * 2 + lax.axis_index("c")
        base = wid * rows_pw
        bufs = (buf0, buf1)
        sems = (sem0, sem1)
        pltpu.sync_copy(pos_hbm.at[wid], idx_v)
        pltpu.async_copy(src.at[idx_v[0]], buf0, sem0)

        def pair_body(i, _):
            for b in (0, 1):
                c = i * 2 + b

                @pl.when(c + 1 < n_chunks)
                def _():
                    pltpu.async_copy(
                        src.at[idx_v[c + 1]], bufs[1 - b], sems[1 - b])

                pltpu.make_async_copy(
                    src.at[pl.ds(0, 16)], bufs[b], sems[b]).wait()
                pltpu.sync_copy(
                    bufs[b], dst.at[pl.ds(base + c * 16, 16)])
            return 0

        lax.fori_loop(0, n_chunks // 2, pair_body, 0, unroll=False)

    return k(s_lvl, posg_lvl)



def _oproj_body(g0_ref, g1_ref, g2_ref, w_ref, b_ref, o_ref):
    s = (g0_ref[...] + g1_ref[...] + g2_ref[...]) * (1.0 / 3.0)
    o_ref[...] = (jnp.dot(_bf(s), w_ref[...],
                          preferred_element_type=jnp.float32)
                  + b_ref[0:1, :])


def _out_proj(g0, g1, g2, w, b8):
    mblk = 256
    nblk = 1024
    gspec = pl.BlockSpec((mblk, N_EMBD), lambda n, m: (m, 0))
    return pl.pallas_call(
        _oproj_body,
        grid=(N_EMBD // nblk, M_ROWS // mblk),
        in_specs=[
            gspec, gspec, gspec,
            pl.BlockSpec((N_EMBD, nblk), lambda n, m: (0, n)),
            pl.BlockSpec((8, nblk), lambda n, m: (0, n)),
        ],
        out_specs=pl.BlockSpec((mblk, nblk), lambda n, m: (m, n)),
        out_shape=jax.ShapeDtypeStruct((M_ROWS, N_EMBD), jnp.float32),
    )(g0, g1, g2, w, b8)



def _eff_w(W, A, Bm):
    return W.T + LORA_SCALE * (A.T @ Bm.T)


def kernel(x, wb_coarse, wb_mid, wb_fine,
           Wq, bq, Aq, Bq, Wk, bk, Ak, Bk, Wv, bv, Av, Bv, Wo, bo, Ao, Bo):
    xf = x.reshape(M_ROWS, N_EMBD)

    w_all = jnp.stack([_eff_w(Wq, Aq, Bq), _eff_w(Wk, Ak, Bk),
                       _eff_w(Wv, Av, Bv)])
    b_all = jnp.broadcast_to(
        jnp.stack([bq, bk, bv])[:, None, :], (3, 8, N_EMBD))

    qkv = _qkv_proj(_bf(xf), _bf(w_all), b_all)

    wb_all6 = jnp.stack([wb_coarse, wb_mid, wb_fine]).reshape(6, N_SEQ)
    pos_g = _sort_ranks(wb_all6.astype(jnp.int32))

    pos3 = (pos_g[:, None, :] +
            (jnp.arange(3, dtype=jnp.int32) * M_ROWS)[None, :, None])
    pos3 = pos3.reshape(3, N_WORKERS, 48, 16)
    posg = pos_g.reshape(3, N_WORKERS, 16, 16)
    qkv_flat = qkv.reshape(3 * M_ROWS, N_EMBD)

    gathered = []
    for lvl in range(3):
        qkv_s = _sc_scatter_qkv(qkv_flat, pos3[lvl])
        s_lvl = _attention_level(qkv_s, CHUNK_SIZES[lvl])
        gathered.append(_sc_unsort(s_lvl, posg[lvl]))
    g0, g1, g2 = gathered

    w_o = _eff_w(Wo, Ao, Bo)
    b_o8 = jnp.broadcast_to(bo[None, :], (8, N_EMBD))
    y = _out_proj(g0, g1, g2, _bf(w_o), b_o8)
    return y.reshape(B_SZ, N_SEQ, N_EMBD)

# --- scband reference (transcript-rebuilt; emitter-appended) ---
"""Pipeline reference for scband-rewa-hierarchical-attention-90237262889099 (READ-ONLY COPY).

The authoritative reference and input builder live on the scoring server;
editing this copy changes nothing except your own understanding.
"""

import math
import jax, jax.numpy as jnp
import numpy as np

N_HEAD = 16
N_EMBD = 2048
HEAD_DIM = N_EMBD // N_HEAD
LORA_R = 8
LORA_SCALE = 16.0 / 8.0
BUCKET_SIZES = (256, 64, 16)
B_SZ, N_SEQ = 2, 4096


def lora_linear(x, W, b, A, Bm):
    # F.linear(x, W, b) + scale * (x @ A.T @ B.T)
    base = x @ W.T + b
    upd = (x @ A.T) @ Bm.T
    return base + LORA_SCALE * upd


def batched_gather(t, idx):
    # t: [B, N, D], idx: [B, N] -> gather along dim 1
    return jnp.take_along_axis(t, idx[:, :, None], axis=1)


def chunked_attention(q, k, v, bucket_idx, chunk_size):
    Bn, N, D = q.shape
    sorted_idx = jnp.argsort(bucket_idx, axis=1)
    unsort_idx = jnp.argsort(sorted_idx, axis=1)
    q_s = batched_gather(q, sorted_idx)
    k_s = batched_gather(k, sorted_idx)
    v_s = batched_gather(v, sorted_idx)
    n_chunks = math.ceil(N / chunk_size)
    outs = []
    for i in range(n_chunks):
        lo = i * chunk_size
        hi = min(N, lo + chunk_size)
        q_i = q_s[:, lo:hi]
        if i > 0:
            k_cat = k_s[:, lo - chunk_size:hi]
            v_cat = v_s[:, lo - chunk_size:hi]
        else:
            k_cat = k_s[:, lo:hi]
            v_cat = v_s[:, lo:hi]
        scores = jnp.matmul(q_i, jnp.swapaxes(k_cat, -2, -1)) / math.sqrt(D)
        attn = jax.nn.softmax(scores, axis=-1)
        outs.append(jnp.matmul(attn, v_cat))
    out_sorted = jnp.concatenate(outs, axis=1)
    return batched_gather(out_sorted, unsort_idx)


def setup_inputs(seed: int = 0) -> dict:
    key = jax.random.key(seed)
    ks = jax.random.split(key, 24)
    x = jax.random.normal(ks[0], (B_SZ, N_SEQ, N_EMBD), dtype=jnp.float32)
    wb_coarse = jax.random.randint(ks[1], (B_SZ, N_SEQ), 0, 16)
    wb_mid = jax.random.randint(ks[2], (B_SZ, N_SEQ), 0, 64)
    wb_fine = jax.random.randint(ks[3], (B_SZ, N_SEQ), 0, 256)
    inp = {"x": x, "wb_coarse": wb_coarse, "wb_mid": wb_mid, "wb_fine": wb_fine}
    names = ["q", "k", "v", "o"]
    ki = 4
    for nm in names:
        inp["W" + nm] = jax.random.normal(ks[ki], (N_EMBD, N_EMBD), dtype=jnp.float32) * 0.02; ki += 1
        inp["b" + nm] = jnp.zeros((N_EMBD,), dtype=jnp.float32)
        inp["A" + nm] = jax.random.normal(ks[ki], (LORA_R, N_EMBD), dtype=jnp.float32) * 0.02; ki += 1
        inp["B" + nm] = jax.random.normal(ks[ki], (N_EMBD, LORA_R), dtype=jnp.float32) * 0.02; ki += 1
    return inp


def reference(x, wb_coarse, wb_mid, wb_fine,
              Wq, bq, Aq, Bq, Wk, bk, Ak, Bk, Wv, bv, Av, Bv, Wo, bo, Ao, Bo):
    B, N, E = x.shape
    q = lora_linear(x, Wq, bq, Aq, Bq)
    k = lora_linear(x, Wk, bk, Ak, Bk)
    v = lora_linear(x, Wv, bv, Av, Bv)
    qh = q.reshape(B, N, N_HEAD, HEAD_DIM).transpose(0, 2, 1, 3).reshape(B * N_HEAD, N, HEAD_DIM)
    kh = k.reshape(B, N, N_HEAD, HEAD_DIM).transpose(0, 2, 1, 3).reshape(B * N_HEAD, N, HEAD_DIM)
    vh = v.reshape(B, N, N_HEAD, HEAD_DIM).transpose(0, 2, 1, 3).reshape(B * N_HEAD, N, HEAD_DIM)

    def expand(w):
        return jnp.broadcast_to(w[:, None, :], (B, N_HEAD, N)).reshape(B * N_HEAD, N)

    wb = [expand(wb_coarse), expand(wb_mid), expand(wb_fine)]
    outs = jnp.zeros_like(qh)
    for lvl in range(3):
        outs = outs + chunked_attention(qh, kh, vh, wb[lvl], BUCKET_SIZES[lvl])
    outs = outs / 3.0
    outs = outs.reshape(B, N_HEAD, N, HEAD_DIM).transpose(0, 2, 1, 3).reshape(B, N, E)
    return lora_linear(outs, Wo, bo, Ao, Bo)

if __name__ == "__main__":
    import jax
    _d = setup_inputs()
    print(jax.jit(kernel)(*tuple(_d.values())))

</pallas_src>

<mosaic_0001>
#map = affine_map<(d0, d1) -> (0, 0)>
#map1 = affine_map<(d0, d1) -> (0, 0, 0)>
module attributes {stable_mosaic.version = 14 : i64} {
  func.func @k(%arg0: i32, %arg1: i32, %arg2: memref<24576x2048xf32, #tpu.memory_space<hbm>>, %arg3: memref<32x48x16xi32, #tpu.memory_space<hbm>>, %arg4: memref<24576x2048xf32, #tpu.memory_space<hbm>>, %arg5: memref<48x16xi32, #tpu.memory_space<vmem>>, %arg6: memref<16x2048xf32, #tpu.memory_space<vmem>>, %arg7: memref<16x2048xf32, #tpu.memory_space<vmem>>, %arg8: memref<!tpu.dma_semaphore, #tpu.memory_space<semaphore_mem>>, %arg9: memref<!tpu.dma_semaphore, #tpu.memory_space<semaphore_mem>>) attributes {dimension_semantics = [#tpu.dimension_semantics<core_parallel>, #tpu.dimension_semantics<subcore_parallel>], iteration_bounds = array<i64: 2, 16>, scalar_prefetch = 0 : i64, scratch_operands = 5 : i64, tpu.core_type = #tpu.core_type<sc_vector_subcore>, window_params = [{transform_indices = #map}, {transform_indices = #map1}, {transform_indices = #map}]} {
    %mul3A = arith.constant 2 : i32
    %mul3A_0 = arith.muli %arg1, %mul3A : i32
    %add3A = arith.addi %mul3A_0, %arg0 : i32
    %mul3A_1 = arith.constant 768 : i32
    %mul3A_2 = arith.muli %add3A, %mul3A_1 : i32
    "tpu.region"() ({
      %run_scoped3A = tpu.sem_alloc : memref<!tpu.dma_semaphore, #tpu.memory_space<semaphore_mem>>
      %dma_start3A = arith.constant 0 : i32
      %dma_start3A_20 = arith.constant 0 : i32
      %dma_start3A_21 = tpu.memref_slice %arg3[%add3A, %dma_start3A, %dma_start3A_20] : memref<32x48x16xi32, #tpu.memory_space<hbm>> -> memref<1x48x16xi32, #tpu.memory_space<hbm>>
      %dma_start3A_22 = tpu.memref_squeeze %dma_start3A_21 : memref<1x48x16xi32, #tpu.memory_space<hbm>> -> memref<48x16xi32, #tpu.memory_space<hbm>>
      %dma_start3A_23 = arith.constant 0 : i32
      %dma_start3A_24 = arith.constant 0 : i32
      %dma_start3A_25 = tpu.memref_slice %arg3[%add3A, %dma_start3A_23, %dma_start3A_24] : memref<32x48x16xi32, #tpu.memory_space<hbm>> -> memref<1x48x16xi32, #tpu.memory_space<hbm>>
      %dma_start3A_26 = tpu.memref_squeeze %dma_start3A_25 : memref<1x48x16xi32, #tpu.memory_space<hbm>> -> memref<48x16xi32, #tpu.memory_space<hbm>>
      tpu.enqueue_dma source(%dma_start3A_26 : memref<48x16xi32, #tpu.memory_space<hbm>>) target(%arg5 : memref<48x16xi32, #tpu.memory_space<vmem>>) target_semaphore(%run_scoped3A : memref<!tpu.dma_semaphore, #tpu.memory_space<semaphore_mem>>)
      %dma_wait3A_27 = arith.constant 0 : i32
      %dma_wait3A_28 = arith.constant 0 : i32
      %dma_wait3A_29 = tpu.memref_slice %arg3[%add3A, %dma_wait3A_27, %dma_wait3A_28] : memref<32x48x16xi32, #tpu.memory_space<hbm>> -> memref<1x48x16xi32, #tpu.memory_space<hbm>>
      %dma_wait3A_30 = tpu.memref_squeeze %dma_wait3A_29 : memref<1x48x16xi32, #tpu.memory_space<hbm>> -> memref<48x16xi32, #tpu.memory_space<hbm>>
      %dma_wait3A_31 = arith.constant 0 : i32
      %dma_wait3A_32 = arith.constant 0 : i32
      %dma_wait3A_33 = tpu.memref_slice %arg3[%add3A, %dma_wait3A_31, %dma_wait3A_32] : memref<32x48x16xi32, #tpu.memory_space<hbm>> -> memref<1x48x16xi32, #tpu.memory_space<hbm>>
      %dma_wait3A_34 = tpu.memref_squeeze %dma_wait3A_33 : memref<1x48x16xi32, #tpu.memory_space<hbm>> -> memref<48x16xi32, #tpu.memory_space<hbm>>
      tpu.wait_dma2 semaphore(%run_scoped3A : memref<!tpu.dma_semaphore, #tpu.memory_space<semaphore_mem>>) src(%dma_wait3A_34 : memref<48x16xi32, #tpu.memory_space<hbm>>) dst(%arg5 : memref<48x16xi32, #tpu.memory_space<vmem>>)
      tpu.yield
    }) : () -> ()
    %scan3A = arith.constant 0 : i32
    %scan3A_3 = arith.constant 0 : i32
    %scan3A_4 = arith.constant 24 : i32
    %scan3A_5 = arith.addi %scan3A_3, %scan3A_4 : i32
    %scan3A_6 = arith.constant 1 : i32
    %scan3A_7 = scf.for %scan3A_20 = %scan3A_3 to %scan3A_5 step %scan3A_6 iter_args(%scan3A_21 = %scan3A) -> (i32)  : i32 {
      %mul3A_22 = arith.constant 2 : i32
      %mul3A_23 = arith.muli %scan3A_20, %mul3A_22 : i32
      %add3A_24 = arith.constant 0 : i32
      %add3A_25 = arith.addi %mul3A_23, %add3A_24 : i32
      %gt3A = arith.constant 0 : i32
      %gt3A_26 = arith.cmpi sgt, %scan3A_20, %gt3A : i32
      %convert_element_type3A = arith.extui %gt3A_26 : i1 to i32
      %cond3A = arith.constant 0 : i32
      %cond3A_27 = arith.cmpi ne, %convert_element_type3A, %cond3A : i32
      scf.if %cond3A_27 {
        %dma_wait3A_56 = arith.constant 0 : i32
        %dma_wait3A_57 = arith.constant 0 : i32
        %dma_wait3A_58 = tpu.memref_slice %arg2[%dma_wait3A_56, %dma_wait3A_57] : memref<24576x2048xf32, #tpu.memory_space<hbm>> -> memref<16x2048xf32, #tpu.memory_space<hbm>>
        %dma_wait3A_59 = arith.constant 0 : i32
        %dma_wait3A_60 = arith.constant 0 : i32
        %dma_wait3A_61 = tpu.memref_slice %arg2[%dma_wait3A_59, %dma_wait3A_60] : memref<24576x2048xf32, #tpu.memory_space<hbm>> -> memref<16x2048xf32, #tpu.memory_space<hbm>>
        tpu.wait_dma2 semaphore(%arg8 : memref<!tpu.dma_semaphore, #tpu.memory_space<semaphore_mem>>) src(%dma_wait3A_61 : memref<16x2048xf32, #tpu.memory_space<hbm>>) dst(%arg6 : memref<16x2048xf32, #tpu.memory_space<vmem>>)
      } else {
      }
      %mul3A_28 = arith.constant 16 : i32
      %mul3A_29 = arith.muli %add3A_25, %mul3A_28 : i32
      %add3A_30 = arith.addi %mul3A_2, %mul3A_29 : i32
      "tpu.region"() ({
        %run_scoped3A = tpu.sem_alloc : memref<!tpu.dma_semaphore, #tpu.memory_space<semaphore_mem>>
        %dma_start3A_56 = arith.constant 0 : i32
        %dma_start3A_57 = tpu.memref_slice %arg2[%add3A_30, %dma_start3A_56] : memref<24576x2048xf32, #tpu.memory_space<hbm>> -> memref<16x2048xf32, #tpu.memory_space<hbm>>
        %dma_start3A_58 = arith.constant 0 : i32
        %dma_start3A_59 = tpu.memref_slice %arg2[%add3A_30, %dma_start3A_58] : memref<24576x2048xf32, #tpu.memory_space<hbm>> -> memref<16x2048xf32, #tpu.memory_space<hbm>>
        tpu.enqueue_dma source(%dma_start3A_59 : memref<16x2048xf32, #tpu.memory_space<hbm>>) target(%arg6 : memref<16x2048xf32, #tpu.memory_space<vmem>>) target_semaphore(%run_scoped3A : memref<!tpu.dma_semaphore, #tpu.memory_space<semaphore_mem>>)
        %dma_wait3A_60 = arith.constant 0 : i32
        %dma_wait3A_61 = tpu.memref_slice %arg2[%add3A_30, %dma_wait3A_60] : memref<24576x2048xf32, #tpu.memory_space<hbm>> -> memref<16x2048xf32, #tpu.memory_space<hbm>>
        %dma_wait3A_62 = arith.constant 0 : i32
        %dma_wait3A_63 = tpu.memref_slice %arg2[%add3A_30, %dma_wait3A_62] : memref<24576x2048xf32, #tpu.memory_space<hbm>> -> memref<16x2048xf32, #tpu.memory_space<hbm>>
        tpu.wait_dma2 semaphore(%run_scoped3A : memref<!tpu.dma_semaphore, #tpu.memory_space<semaphore_mem>>) src(%dma_wait3A_63 : memref<16x2048xf32, #tpu.memory_space<hbm>>) dst(%arg6 : memref<16x2048xf32, #tpu.memory_space<vmem>>)
        tpu.yield
      }) : () -> ()
      %get3A = arith.index_cast %add3A_25 : i32 to index
      %get3A_31 = arith.constant 0 : index
      %get3A_32 = tpu.vector_load %arg5[%get3A, %get3A_31] {strides = array<i32>} : memref<48x16xi32, #tpu.memory_space<vmem>>, vector<1x16xi32>,
      %get3A_33 = vector.shape_cast %get3A_32 : vector<1x16xi32> to vector<16xi32>
      %dma_start3A = arith.constant 0 : i32
      %dma_start3A_34 = arith.constant 0 : i32
      %dma_start3A_35 = tpu.memref_slice %arg4[%dma_start3A, %dma_start3A_34] : memref<24576x2048xf32, #tpu.memory_space<hbm>> -> memref<24576x2048xf32, #tpu.memory_space<hbm>>
      tpu.enqueue_indirect_dma source(%arg6 : memref<16x2048xf32, #tpu.memory_space<vmem>>) target(%dma_start3A_35 : memref<24576x2048xf32, #tpu.memory_space<hbm>>) offsets(%get3A_33 : vector<16xi32>) semaphore(%arg8 : memref<!tpu.dma_semaphore, #tpu.memory_space<semaphore_mem>>)
      %mul3A_36 = arith.constant 2 : i32
      %mul3A_37 = arith.muli %scan3A_20, %mul3A_36 : i32
      %add3A_38 = arith.constant 1 : i32
      %add3A_39 = arith.addi %mul3A_37, %add3A_38 : i32
      %gt3A_40 = arith.constant 0 : i32
      %gt3A_41 = arith.cmpi sgt, %scan3A_20, %gt3A_40 : i32
      %convert_element_type3A_42 = arith.extui %gt3A_41 : i1 to i32
      %cond3A_43 = arith.constant 0 : i32
      %cond3A_44 = arith.cmpi ne, %convert_element_type3A_42, %cond3A_43 : i32
      scf.if %cond3A_44 {
        %dma_wait3A_56 = arith.constant 0 : i32
        %dma_wait3A_57 = arith.constant 0 : i32
        %dma_wait3A_58 = tpu.memref_slice %arg2[%dma_wait3A_56, %dma_wait3A_57] : memref<24576x2048xf32, #tpu.memory_space<hbm>> -> memref<16x2048xf32, #tpu.memory_space<hbm>>
        %dma_wait3A_59 = arith.constant 0 : i32
        %dma_wait3A_60 = arith.constant 0 : i32
        %dma_wait3A_61 = tpu.memref_slice %arg2[%dma_wait3A_59, %dma_wait3A_60] : memref<24576x2048xf32, #tpu.memory_space<hbm>> -> memref<16x2048xf32, #tpu.memory_space<hbm>>
        tpu.wait_dma2 semaphore(%arg9 : memref<!tpu.dma_semaphore, #tpu.memory_space<semaphore_mem>>) src(%dma_wait3A_61 : memref<16x2048xf32, #tpu.memory_space<hbm>>) dst(%arg7 : memref<16x2048xf32, #tpu.memory_space<vmem>>)
      } else {
      }
      %mul3A_45 = arith.constant 16 : i32
      %mul3A_46 = arith.muli %add3A_39, %mul3A_45 : i32
      %add3A_47 = arith.addi %mul3A_2, %mul3A_46 : i32
      "tpu.region"() ({
        %run_scoped3A = tpu.sem_alloc : memref<!tpu.dma_semaphore, #tpu.memory_space<semaphore_mem>>
        %dma_start3A_56 = arith.constant 0 : i32
        %dma_start3A_57 = tpu.memref_slice %arg2[%add3A_47, %dma_start3A_56] : memref<24576x2048xf32, #tpu.memory_space<hbm>> -> memref<16x2048xf32, #tpu.memory_space<hbm>>
        %dma_start3A_58 = arith.constant 0 : i32
        %dma_start3A_59 = tpu.memref_slice %arg2[%add3A_47, %dma_start3A_58] : memref<24576x2048xf32, #tpu.memory_space<hbm>> -> memref<16x2048xf32, #tpu.memory_space<hbm>>
        tpu.enqueue_dma source(%dma_start3A_59 : memref<16x2048xf32, #tpu.memory_space<hbm>>) target(%arg7 : memref<16x2048xf32, #tpu.memory_space<vmem>>) target_semaphore(%run_scoped3A : memref<!tpu.dma_semaphore, #tpu.memory_space<semaphore_mem>>)
        %dma_wait3A_60 = arith.constant 0 : i32
        %dma_wait3A_61 = tpu.memref_slice %arg2[%add3A_47, %dma_wait3A_60] : memref<24576x2048xf32, #tpu.memory_space<hbm>> -> memref<16x2048xf32, #tpu.memory_space<hbm>>
        %dma_wait3A_62 = arith.constant 0 : i32
        %dma_wait3A_63 = tpu.memref_slice %arg2[%add3A_47, %dma_wait3A_62] : memref<24576x2048xf32, #tpu.memory_space<hbm>> -> memref<16x2048xf32, #tpu.memory_space<hbm>>
        tpu.wait_dma2 semaphore(%run_scoped3A : memref<!tpu.dma_semaphore, #tpu.memory_space<semaphore_mem>>) src(%dma_wait3A_63 : memref<16x2048xf32, #tpu.memory_space<hbm>>) dst(%arg7 : memref<16x2048xf32, #tpu.memory_space<vmem>>)
        tpu.yield
      }) : () -> ()
      %get3A_48 = arith.index_cast %add3A_39 : i32 to index
      %get3A_49 = arith.constant 0 : index
      %get3A_50 = tpu.vector_load %arg5[%get3A_48, %get3A_49] {strides = array<i32>} : memref<48x16xi32, #tpu.memory_space<vmem>>, vector<1x16xi32>,
      %get3A_51 = vector.shape_cast %get3A_50 : vector<1x16xi32> to vector<16xi32>
      %dma_start3A_52 = arith.constant 0 : i32
      %dma_start3A_53 = arith.constant 0 : i32
      %dma_start3A_54 = tpu.memref_slice %arg4[%dma_start3A_52, %dma_start3A_53] : memref<24576x2048xf32, #tpu.memory_space<hbm>> -> memref<24576x2048xf32, #tpu.memory_space<hbm>>
      tpu.enqueue_indirect_dma source(%arg7 : memref<16x2048xf32, #tpu.memory_space<vmem>>) target(%dma_start3A_54 : memref<24576x2048xf32, #tpu.memory_space<hbm>>) offsets(%get3A_51 : vector<16xi32>) semaphore(%arg9 : memref<!tpu.dma_semaphore, #tpu.memory_space<semaphore_mem>>)
      %scan3A_55 = arith.constant 0 : i32
      scf.yield %scan3A_55 : i32
    }
    %scan3A_8 = arith.constant 24 : i32
    %dma_wait3A = arith.constant 0 : i32
    %dma_wait3A_9 = arith.constant 0 : i32
    %dma_wait3A_10 = tpu.memref_slice %arg2[%dma_wait3A, %dma_wait3A_9] : memref<24576x2048xf32, #tpu.memory_space<hbm>> -> memref<16x2048xf32, #tpu.memory_space<hbm>>
    %dma_wait3A_11 = arith.constant 0 : i32
    %dma_wait3A_12 = arith.constant 0 : i32
    %dma_wait3A_13 = tpu.memref_slice %arg2[%dma_wait3A_11, %dma_wait3A_12] : memref<24576x2048xf32, #tpu.memory_space<hbm>> -> memref<16x2048xf32, #tpu.memory_space<hbm>>
    tpu.wait_dma2 semaphore(%arg8 : memref<!tpu.dma_semaphore, #tpu.memory_space<semaphore_mem>>) src(%dma_wait3A_13 : memref<16x2048xf32, #tpu.memory_space<hbm>>) dst(%arg6 : memref<16x2048xf32, #tpu.memory_space<vmem>>)
    %dma_wait3A_14 = arith.constant 0 : i32
    %dma_wait3A_15 = arith.constant 0 : i32
    %dma_wait3A_16 = tpu.memref_slice %arg2[%dma_wait3A_14, %dma_wait3A_15] : memref<24576x2048xf32, #tpu.memory_space<hbm>> -> memref<16x2048xf32, #tpu.memory_space<hbm>>
    %dma_wait3A_17 = arith.constant 0 : i32
    %dma_wait3A_18 = arith.constant 0 : i32
    %dma_wait3A_19 = tpu.memref_slice %arg2[%dma_wait3A_17, %dma_wait3A_18] : memref<24576x2048xf32, #tpu.memory_space<hbm>> -> memref<16x2048xf32, #tpu.memory_space<hbm>>
    tpu.wait_dma2 semaphore(%arg9 : memref<!tpu.dma_semaphore, #tpu.memory_space<semaphore_mem>>) src(%dma_wait3A_19 : memref<16x2048xf32, #tpu.memory_space<hbm>>) dst(%arg7 : memref<16x2048xf32, #tpu.memory_space<vmem>>)
    return
  }
}

#map = affine_map<(d0, d1) -> (0, 0)>
#map1 = affine_map<(d0, d1) -> (0, 0, 0)>
module attributes {stable_mosaic.version = 14 : i64} {
  func.func @k(%arg0: i32, %arg1: i32, %arg2: memref<24576x2048xf32, #tpu.memory_space<hbm>>, %arg3: memref<32x48x16xi32, #tpu.memory_space<hbm>>, %arg4: memref<24576x2048xf32, #tpu.memory_space<hbm>>, %arg5: memref<48x16xi32, #tpu.memory_space<vmem>>, %arg6: memref<16x2048xf32, #tpu.memory_space<vmem>>, %arg7: memref<16x2048xf32, #tpu.memory_space<vmem>>, %arg8: memref<!tpu.dma_semaphore, #tpu.memory_space<semaphore_mem>>, %arg9: memref<!tpu.dma_semaphore, #tpu.memory_space<semaphore_mem>>) attributes {dimension_semantics = [#tpu.dimension_semantics<core_parallel>, #tpu.dimension_semantics<subcore_parallel>], iteration_bounds = array<i64: 2, 16>, scalar_prefetch = 0 : i64, scratch_operands = 5 : i64, tpu.core_type = #tpu.core_type<sc_vector_subcore>, window_params = [{transform_indices = #map}, {transform_indices = #map1}, {transform_indices = #map}]} {
    %mul3A = arith.constant 2 : i32
    %mul3A_0 = arith.muli %arg1, %mul3A : i32
    %add3A = arith.addi %mul3A_0, %arg0 : i32
    %mul3A_1 = arith.constant 768 : i32
    %mul3A_2 = arith.muli %add3A, %mul3A_1 : i32
    "tpu.region"() ({
      %run_scoped3A = tpu.sem_alloc : memref<!tpu.dma_semaphore, #tpu.memory_space<semaphore_mem>>
      %dma_start3A = arith.constant 0 : i32
      %dma_start3A_20 = arith.constant 0 : i32
      %dma_start3A_21 = tpu.memref_slice %arg3[%add3A, %dma_start3A, %dma_start3A_20] : memref<32x48x16xi32, #tpu.memory_space<hbm>> -> memref<1x48x16xi32, #tpu.memory_space<hbm>>
      %dma_start3A_22 = tpu.memref_squeeze %dma_start3A_21 : memref<1x48x16xi32, #tpu.memory_space<hbm>> -> memref<48x16xi32, #tpu.memory_space<hbm>>
      %dma_start3A_23 = arith.constant 0 : i32
      %dma_start3A_24 = arith.constant 0 : i32
      %dma_start3A_25 = tpu.memref_slice %arg3[%add3A, %dma_start3A_23, %dma_start3A_24] : memref<32x48x16xi32, #tpu.memory_space<hbm>> -> memref<1x48x16xi32, #tpu.memory_space<hbm>>
      %dma_start3A_26 = tpu.memref_squeeze %dma_start3A_25 : memref<1x48x16xi32, #tpu.memory_space<hbm>> -> memref<48x16xi32, #tpu.memory_space<hbm>>
      tpu.enqueue_dma source(%dma_start3A_26 : memref<48x16xi32, #tpu.memory_space<hbm>>) target(%arg5 : memref<48x16xi32, #tpu.memory_space<vmem>>) target_semaphore(%run_scoped3A : memref<!tpu.dma_semaphore, #tpu.memory_space<semaphore_mem>>)
      %dma_wait3A_27 = arith.constant 0 : i32
      %dma_wait3A_28 = arith.constant 0 : i32
      %dma_wait3A_29 = tpu.memref_slice %arg3[%add3A, %dma_wait3A_27, %dma_wait3A_28] : memref<32x48x16xi32, #tpu.memory_space<hbm>> -> memref<1x48x16xi32, #tpu.memory_space<hbm>>
      %dma_wait3A_30 = tpu.memref_squeeze %dma_wait3A_29 : memref<1x48x16xi32, #tpu.memory_space<hbm>> -> memref<48x16xi32, #tpu.memory_space<hbm>>
      %dma_wait3A_31 = arith.constant 0 : i32
      %dma_wait3A_32 = arith.constant 0 : i32
      %dma_wait3A_33 = tpu.memref_slice %arg3[%add3A, %dma_wait3A_31, %dma_wait3A_32] : memref<32x48x16xi32, #tpu.memory_space<hbm>> -> memref<1x48x16xi32, #tpu.memory_space<hbm>>
      %dma_wait3A_34 = tpu.memref_squeeze %dma_wait3A_33 : memref<1x48x16xi32, #tpu.memory_space<hbm>> -> memref<48x16xi32, #tpu.memory_space<hbm>>
      tpu.wait_dma2 semaphore(%run_scoped3A : memref<!tpu.dma_semaphore, #tpu.memory_space<semaphore_mem>>) src(%dma_wait3A_34 : memref<48x16xi32, #tpu.memory_space<hbm>>) dst(%arg5 : memref<48x16xi32, #tpu.memory_space<vmem>>)
      tpu.yield
    }) : () -> ()
    %scan3A = arith.constant 0 : i32
    %scan3A_3 = arith.constant 0 : i32
    %scan3A_4 = arith.constant 24 : i32
    %scan3A_5 = arith.addi %scan3A_3, %scan3A_4 : i32
    %scan3A_6 = arith.constant 1 : i32
    %scan3A_7 = scf.for %scan3A_20 = %scan3A_3 to %scan3A_5 step %scan3A_6 iter_args(%scan3A_21 = %scan3A) -> (i32)  : i32 {
      %mul3A_22 = arith.constant 2 : i32
      %mul3A_23 = arith.muli %scan3A_20, %mul3A_22 : i32
      %add3A_24 = arith.constant 0 : i32
      %add3A_25 = arith.addi %mul3A_23, %add3A_24 : i32
      %gt3A = arith.constant 0 : i32
      %gt3A_26 = arith.cmpi sgt, %scan3A_20, %gt3A : i32
      %convert_element_type3A = arith.extui %gt3A_26 : i1 to i32
      %cond3A = arith.constant 0 : i32
      %cond3A_27 = arith.cmpi ne, %convert_element_type3A, %cond3A : i32
      scf.if %cond3A_27 {
        %dma_wait3A_56 = arith.constant 0 : i32
        %dma_wait3A_57 = arith.constant 0 : i32
        %dma_wait3A_58 = tpu.memref_slice %arg2[%dma_wait3A_56, %dma_wait3A_57] : memref<24576x2048xf32, #tpu.memory_space<hbm>> -> memref<16x2048xf32, #tpu.memory_space<hbm>>
        %dma_wait3A_59 = arith.constant 0 : i32
        %dma_wait3A_60 = arith.constant 0 : i32
        %dma_wait3A_61 = tpu.memref_slice %arg2[%dma_wait3A_59, %dma_wait3A_60] : memref<24576x2048xf32, #tpu.memory_space<hbm>> -> memref<16x2048xf32, #tpu.memory_space<hbm>>
        tpu.wait_dma2 semaphore(%arg8 : memref<!tpu.dma_semaphore, #tpu.memory_space<semaphore_mem>>) src(%dma_wait3A_61 : memref<16x2048xf32, #tpu.memory_space<hbm>>) dst(%arg6 : memref<16x2048xf32, #tpu.memory_space<vmem>>)
      } else {
      }
      %mul3A_28 = arith.constant 16 : i32
      %mul3A_29 = arith.muli %add3A_25, %mul3A_28 : i32
      %add3A_30 = arith.addi %mul3A_2, %mul3A_29 : i32
      "tpu.region"() ({
        %run_scoped3A = tpu.sem_alloc : memref<!tpu.dma_semaphore, #tpu.memory_space<semaphore_mem>>
        %dma_start3A_56 = arith.constant 0 : i32
        %dma_start3A_57 = tpu.memref_slice %arg2[%add3A_30, %dma_start3A_56] : memref<24576x2048xf32, #tpu.memory_space<hbm>> -> memref<16x2048xf32, #tpu.memory_space<hbm>>
        %dma_start3A_58 = arith.constant 0 : i32
        %dma_start3A_59 = tpu.memref_slice %arg2[%add3A_30, %dma_start3A_58] : memref<24576x2048xf32, #tpu.memory_space<hbm>> -> memref<16x2048xf32, #tpu.memory_space<hbm>>
        tpu.enqueue_dma source(%dma_start3A_59 : memref<16x2048xf32, #tpu.memory_space<hbm>>) target(%arg6 : memref<16x2048xf32, #tpu.memory_space<vmem>>) target_semaphore(%run_scoped3A : memref<!tpu.dma_semaphore, #tpu.memory_space<semaphore_mem>>)
        %dma_wait3A_60 = arith.constant 0 : i32
        %dma_wait3A_61 = tpu.memref_slice %arg2[%add3A_30, %dma_wait3A_60] : memref<24576x2048xf32, #tpu.memory_space<hbm>> -> memref<16x2048xf32, #tpu.memory_space<hbm>>
        %dma_wait3A_62 = arith.constant 0 : i32
        %dma_wait3A_63 = tpu.memref_slice %arg2[%add3A_30, %dma_wait3A_62] : memref<24576x2048xf32, #tpu.memory_space<hbm>> -> memref<16x2048xf32, #tpu.memory_space<hbm>>
        tpu.wait_dma2 semaphore(%run_scoped3A : memref<!tpu.dma_semaphore, #tpu.memory_space<semaphore_mem>>) src(%dma_wait3A_63 : memref<16x2048xf32, #tpu.memory_space<hbm>>) dst(%arg6 : memref<16x2048xf32, #tpu.memory_space<vmem>>)
        tpu.yield
      }) : () -> ()
      %get3A = arith.index_cast %add3A_25 : i32 to index
      %get3A_31 = arith.constant 0 : index
      %get3A_32 = tpu.vector_load %arg5[%get3A, %get3A_31] {strides = array<i32>} : memref<48x16xi32, #tpu.memory_space<vmem>>, vector<1x16xi32>,
      %get3A_33 = vector.shape_cast %get3A_32 : vector<1x16xi32> to vector<16xi32>
      %dma_start3A = arith.constant 0 : i32
      %dma_start3A_34 = arith.constant 0 : i32
      %dma_start3A_35 = tpu.memref_slice %arg4[%dma_start3A, %dma_start3A_34] : memref<24576x2048xf32, #tpu.memory_space<hbm>> -> memref<24576x2048xf32, #tpu.memory_space<hbm>>
      tpu.enqueue_indirect_dma source(%arg6 : memref<16x2048xf32, #tpu.memory_space<vmem>>) target(%dma_start3A_35 : memref<24576x2048xf32, #tpu.memory_space<hbm>>) offsets(%get3A_33 : vector<16xi32>) semaphore(%arg8 : memref<!tpu.dma_semaphore, #tpu.memory_space<semaphore_mem>>)
      %mul3A_36 = arith.constant 2 : i32
      %mul3A_37 = arith.muli %scan3A_20, %mul3A_36 : i32
      %add3A_38 = arith.constant 1 : i32
      %add3A_39 = arith.addi %mul3A_37, %add3A_38 : i32
      %gt3A_40 = arith.constant 0 : i32
      %gt3A_41 = arith.cmpi sgt, %scan3A_20, %gt3A_40 : i32
      %convert_element_type3A_42 = arith.extui %gt3A_41 : i1 to i32
      %cond3A_43 = arith.constant 0 : i32
      %cond3A_44 = arith.cmpi ne, %convert_element_type3A_42, %cond3A_43 : i32
      scf.if %cond3A_44 {
        %dma_wait3A_56 = arith.constant 0 : i32
        %dma_wait3A_57 = arith.constant 0 : i32
        %dma_wait3A_58 = tpu.memref_slice %arg2[%dma_wait3A_56, %dma_wait3A_57] : memref<24576x2048xf32, #tpu.memory_space<hbm>> -> memref<16x2048xf32, #tpu.memory_space<hbm>>
        %dma_wait3A_59 = arith.constant 0 : i32
        %dma_wait3A_60 = arith.constant 0 : i32
        %dma_wait3A_61 = tpu.memref_slice %arg2[%dma_wait3A_59, %dma_wait3A_60] : memref<24576x2048xf32, #tpu.memory_space<hbm>> -> memref<16x2048xf32, #tpu.memory_space<hbm>>
        tpu.wait_dma2 semaphore(%arg9 : memref<!tpu.dma_semaphore, #tpu.memory_space<semaphore_mem>>) src(%dma_wait3A_61 : memref<16x2048xf32, #tpu.memory_space<hbm>>) dst(%arg7 : memref<16x2048xf32, #tpu.memory_space<vmem>>)
      } else {
      }
      %mul3A_45 = arith.constant 16 : i32
      %mul3A_46 = arith.muli %add3A_39, %mul3A_45 : i32
      %add3A_47 = arith.addi %mul3A_2, %mul3A_46 : i32
      "tpu.region"() ({
        %run_scoped3A = tpu.sem_alloc : memref<!tpu.dma_semaphore, #tpu.memory_space<semaphore_mem>>
        %dma_start3A_56 = arith.constant 0 : i32
        %dma_start3A_57 = tpu.memref_slice %arg2[%add3A_47, %dma_start3A_56] : memref<24576x2048xf32, #tpu.memory_space<hbm>> -> memref<16x2048xf32, #tpu.memory_space<hbm>>
        %dma_start3A_58 = arith.constant 0 : i32
        %dma_start3A_59 = tpu.memref_slice %arg2[%add3A_47, %dma_start3A_58] : memref<24576x2048xf32, #tpu.memory_space<hbm>> -> memref<16x2048xf32, #tpu.memory_space<hbm>>
        tpu.enqueue_dma source(%dma_start3A_59 : memref<16x2048xf32, #tpu.memory_space<hbm>>) target(%arg7 : memref<16x2048xf32, #tpu.memory_space<vmem>>) target_semaphore(%run_scoped3A : memref<!tpu.dma_semaphore, #tpu.memory_space<semaphore_mem>>)
        %dma_wait3A_60 = arith.constant 0 : i32
        %dma_wait3A_61 = tpu.memref_slice %arg2[%add3A_47, %dma_wait3A_60] : memref<24576x2048xf32, #tpu.memory_space<hbm>> -> memref<16x2048xf32, #tpu.memory_space<hbm>>
        %dma_wait3A_62 = arith.constant 0 : i32
        %dma_wait3A_63 = tpu.memref_slice %arg2[%add3A_47, %dma_wait3A_62] : memref<24576x2048xf32, #tpu.memory_space<hbm>> -> memref<16x2048xf32, #tpu.memory_space<hbm>>
        tpu.wait_dma2 semaphore(%run_scoped3A : memref<!tpu.dma_semaphore, #tpu.memory_space<semaphore_mem>>) src(%dma_wait3A_63 : memref<16x2048xf32, #tpu.memory_space<hbm>>) dst(%arg7 : memref<16x2048xf32, #tpu.memory_space<vmem>>)
        tpu.yield
      }) : () -> ()
      %get3A_48 = arith.index_cast %add3A_39 : i32 to index
      %get3A_49 = arith.constant 0 : index
      %get3A_50 = tpu.vector_load %arg5[%get3A_48, %get3A_49] {strides = array<i32>} : memref<48x16xi32, #tpu.memory_space<vmem>>, vector<1x16xi32>,
      %get3A_51 = vector.shape_cast %get3A_50 : vector<1x16xi32> to vector<16xi32>
      %dma_start3A_52 = arith.constant 0 : i32
      %dma_start3A_53 = arith.constant 0 : i32
      %dma_start3A_54 = tpu.memref_slice %arg4[%dma_start3A_52, %dma_start3A_53] : memref<24576x2048xf32, #tpu.memory_space<hbm>> -> memref<24576x2048xf32, #tpu.memory_space<hbm>>
      tpu.enqueue_indirect_dma source(%arg7 : memref<16x2048xf32, #tpu.memory_space<vmem>>) target(%dma_start3A_54 : memref<24576x2048xf32, #tpu.memory_space<hbm>>) offsets(%get3A_51 : vector<16xi32>) semaphore(%arg9 : memref<!tpu.dma_semaphore, #tpu.memory_space<semaphore_mem>>)
      %scan3A_55 = arith.constant 0 : i32
      scf.yield %scan3A_55 : i32
    }
    %scan3A_8 = arith.constant 24 : i32
    %dma_wait3A = arith.constant 0 : i32
    %dma_wait3A_9 = arith.constant 0 : i32
    %dma_wait3A_10 = tpu.memref_slice %arg2[%dma_wait3A, %dma_wait3A_9] : memref<24576x2048xf32, #tpu.memory_space<hbm>> -> memref<16x2048xf32, #tpu.memory_space<hbm>>
    %dma_wait3A_11 = arith.constant 0 : i32
    %dma_wait3A_12 = arith.constant 0 : i32
    %dma_wait3A_13 = tpu.memref_slice %arg2[%dma_wait3A_11, %dma_wait3A_12] : memref<24576x2048xf32, #tpu.memory_space<hbm>> -> memref<16x2048xf32, #tpu.memory_space<hbm>>
    tpu.wait_dma2 semaphore(%arg8 : memref<!tpu.dma_semaphore, #tpu.memory_space<semaphore_mem>>) src(%dma_wait3A_13 : memref<16x2048xf32, #tpu.memory_space<hbm>>) dst(%arg6 : memref<16x2048xf32, #tpu.memory_space<vmem>>)
    %dma_wait3A_14 = arith.constant 0 : i32
    %dma_wait3A_15 = arith.constant 0 : i32
    %dma_wait3A_16 = tpu.memref_slice %arg2[%dma_wait3A_14, %dma_wait3A_15] : memref<24576x2048xf32, #tpu.memory_space<hbm>> -> memref<16x2048xf32, #tpu.memory_space<hbm>>
    %dma_wait3A_17 = arith.constant 0 : i32
    %dma_wait3A_18 = arith.constant 0 : i32
    %dma_wait3A_19 = tpu.memref_slice %arg2[%dma_wait3A_17, %dma_wait3A_18] : memref<24576x2048xf32, #tpu.memory_space<hbm>> -> memref<16x2048xf32, #tpu.memory_space<hbm>>
    tpu.wait_dma2 semaphore(%arg9 : memref<!tpu.dma_semaphore, #tpu.memory_space<semaphore_mem>>) src(%dma_wait3A_19 : memref<16x2048xf32, #tpu.memory_space<hbm>>) dst(%arg7 : memref<16x2048xf32, #tpu.memory_space<vmem>>)
    return
  }
}

#map = affine_map<(d0, d1) -> (0, 0)>
#map1 = affine_map<(d0, d1) -> (0, 0, 0)>
module attributes {stable_mosaic.version = 14 : i64} {
  func.func @k(%arg0: i32, %arg1: i32, %arg2: memref<8192x2048xf32, #tpu.memory_space<hbm>>, %arg3: memref<32x16x16xi32, #tpu.memory_space<hbm>>, %arg4: memref<8192x2048xf32, #tpu.memory_space<hbm>>, %arg5: memref<16x16xi32, #tpu.memory_space<vmem>>, %arg6: memref<16x2048xf32, #tpu.memory_space<vmem>>, %arg7: memref<16x2048xf32, #tpu.memory_space<vmem>>, %arg8: memref<!tpu.dma_semaphore, #tpu.memory_space<semaphore_mem>>, %arg9: memref<!tpu.dma_semaphore, #tpu.memory_space<semaphore_mem>>) attributes {dimension_semantics = [#tpu.dimension_semantics<core_parallel>, #tpu.dimension_semantics<subcore_parallel>], iteration_bounds = array<i64: 2, 16>, scalar_prefetch = 0 : i64, scratch_operands = 5 : i64, tpu.core_type = #tpu.core_type<sc_vector_subcore>, window_params = [{transform_indices = #map}, {transform_indices = #map1}, {transform_indices = #map}]} {
    %mul3A = arith.constant 2 : i32
    %mul3A_0 = arith.muli %arg1, %mul3A : i32
    %add3A = arith.addi %mul3A_0, %arg0 : i32
    %mul3A_1 = arith.constant 256 : i32
    %mul3A_2 = arith.muli %add3A, %mul3A_1 : i32
    "tpu.region"() ({
      %run_scoped3A = tpu.sem_alloc : memref<!tpu.dma_semaphore, #tpu.memory_space<semaphore_mem>>
      %dma_start3A_15 = arith.constant 0 : i32
      %dma_start3A_16 = arith.constant 0 : i32
      %dma_start3A_17 = tpu.memref_slice %arg3[%add3A, %dma_start3A_15, %dma_start3A_16] : memref<32x16x16xi32, #tpu.memory_space<hbm>> -> memref<1x16x16xi32, #tpu.memory_space<hbm>>
      %dma_start3A_18 = tpu.memref_squeeze %dma_start3A_17 : memref<1x16x16xi32, #tpu.memory_space<hbm>> -> memref<16x16xi32, #tpu.memory_space<hbm>>
      %dma_start3A_19 = arith.constant 0 : i32
      %dma_start3A_20 = arith.constant 0 : i32
      %dma_start3A_21 = tpu.memref_slice %arg3[%add3A, %dma_start3A_19, %dma_start3A_20] : memref<32x16x16xi32, #tpu.memory_space<hbm>> -> memref<1x16x16xi32, #tpu.memory_space<hbm>>
      %dma_start3A_22 = tpu.memref_squeeze %dma_start3A_21 : memref<1x16x16xi32, #tpu.memory_space<hbm>> -> memref<16x16xi32, #tpu.memory_space<hbm>>
      tpu.enqueue_dma source(%dma_start3A_22 : memref<16x16xi32, #tpu.memory_space<hbm>>) target(%arg5 : memref<16x16xi32, #tpu.memory_space<vmem>>) target_semaphore(%run_scoped3A : memref<!tpu.dma_semaphore, #tpu.memory_space<semaphore_mem>>)
      %dma_wait3A = arith.constant 0 : i32
      %dma_wait3A_23 = arith.constant 0 : i32
      %dma_wait3A_24 = tpu.memref_slice %arg3[%add3A, %dma_wait3A, %dma_wait3A_23] : memref<32x16x16xi32, #tpu.memory_space<hbm>> -> memref<1x16x16xi32, #tpu.memory_space<hbm>>
      %dma_wait3A_25 = tpu.memref_squeeze %dma_wait3A_24 : memref<1x16x16xi32, #tpu.memory_space<hbm>> -> memref<16x16xi32, #tpu.memory_space<hbm>>
      %dma_wait3A_26 = arith.constant 0 : i32
      %dma_wait3A_27 = arith.constant 0 : i32
      %dma_wait3A_28 = tpu.memref_slice %arg3[%add3A, %dma_wait3A_26, %dma_wait3A_27] : memref<32x16x16xi32, #tpu.memory_space<hbm>> -> memref<1x16x16xi32, #tpu.memory_space<hbm>>
      %dma_wait3A_29 = tpu.memref_squeeze %dma_wait3A_28 : memref<1x16x16xi32, #tpu.memory_space<hbm>> -> memref<16x16xi32, #tpu.memory_space<hbm>>
      tpu.wait_dma2 semaphore(%run_scoped3A : memref<!tpu.dma_semaphore, #tpu.memory_space<semaphore_mem>>) src(%dma_wait3A_29 : memref<16x16xi32, #tpu.memory_space<hbm>>) dst(%arg5 : memref<16x16xi32, #tpu.memory_space<vmem>>)
      tpu.yield
    }) : () -> ()
    %get3A = arith.constant 0 : i32
    %get3A_3 = arith.index_cast %get3A : i32 to index
    %get3A_4 = arith.constant 0 : index
    %get3A_5 = tpu.vector_load %arg5[%get3A_3, %get3A_4] {strides = array<i32>} : memref<16x16xi32, #tpu.memory_space<vmem>>, vector<1x16xi32>,
    %get3A_6 = vector.shape_cast %get3A_5 : vector<1x16xi32> to vector<16xi32>
    %dma_start3A = arith.constant 0 : i32
    %dma_start3A_7 = arith.constant 0 : i32
    %dma_start3A_8 = tpu.memref_slice %arg2[%dma_start3A, %dma_start3A_7] : memref<8192x2048xf32, #tpu.memory_space<hbm>> -> memref<8192x2048xf32, #tpu.memory_space<hbm>>
    tpu.enqueue_indirect_dma source(%dma_start3A_8 : memref<8192x2048xf32, #tpu.memory_space<hbm>>) target(%arg6 : memref<16x2048xf32, #tpu.memory_space<vmem>>) offsets(%get3A_6 : vector<16xi32>) semaphore(%arg8 : memref<!tpu.dma_semaphore, #tpu.memory_space<semaphore_mem>>)
    %scan3A = arith.constant 0 : i32
    %scan3A_9 = arith.constant 0 : i32
    %scan3A_10 = arith.constant 8 : i32
    %scan3A_11 = arith.addi %scan3A_9, %scan3A_10 : i32
    %scan3A_12 = arith.constant 1 : i32
    %scan3A_13 = scf.for %scan3A_15 = %scan3A_9 to %scan3A_11 step %scan3A_12 iter_args(%scan3A_16 = %scan3A) -> (i32)  : i32 {
      %mul3A_17 = arith.constant 2 : i32
      %mul3A_18 = arith.muli %scan3A_15, %mul3A_17 : i32
      %add3A_19 = arith.constant 0 : i32
      %add3A_20 = arith.addi %mul3A_18, %add3A_19 : i32
      %add3A_21 = arith.constant 1 : i32
      %add3A_22 = arith.addi %add3A_20, %add3A_21 : i32
      %lt3A = arith.constant 16 : i32
      %lt3A_23 = arith.cmpi slt, %add3A_22, %lt3A : i32
      %convert_element_type3A = arith.extui %lt3A_23 : i1 to i32
      %cond3A = arith.constant 0 : i32
      %cond3A_24 = arith.cmpi ne, %convert_element_type3A, %cond3A : i32
      scf.if %cond3A_24 {
        %add3A_54 = arith.constant 1 : i32
        %add3A_55 = arith.addi %add3A_20, %add3A_54 : i32
        %get3A_56 = arith.index_cast %add3A_55 : i32 to index
        %get3A_57 = arith.constant 0 : index
        %get3A_58 = tpu.vector_load %arg5[%get3A_56, %get3A_57] {strides = array<i32>} : memref<16x16xi32, #tpu.memory_space<vmem>>, vector<1x16xi32>,
        %get3A_59 = vector.shape_cast %get3A_58 : vector<1x16xi32> to vector<16xi32>
        %dma_start3A_60 = arith.constant 0 : i32
        %dma_start3A_61 = arith.constant 0 : i32
        %dma_start3A_62 = tpu.memref_slice %arg2[%dma_start3A_60, %dma_start3A_61] : memref<8192x2048xf32, #tpu.memory_space<hbm>> -> memref<8192x2048xf32, #tpu.memory_space<hbm>>
        tpu.enqueue_indirect_dma source(%dma_start3A_62 : memref<8192x2048xf32, #tpu.memory_space<hbm>>) target(%arg7 : memref<16x2048xf32, #tpu.memory_space<vmem>>) offsets(%get3A_59 : vector<16xi32>) semaphore(%arg9 : memref<!tpu.dma_semaphore, #tpu.memory_space<semaphore_mem>>)
      } else {
      }
      %dma_wait3A = arith.constant 0 : i32
      %dma_wait3A_25 = arith.constant 0 : i32
      %dma_wait3A_26 = tpu.memref_slice %arg2[%dma_wait3A, %dma_wait3A_25] : memref<8192x2048xf32, #tpu.memory_space<hbm>> -> memref<16x2048xf32, #tpu.memory_space<hbm>>
      %dma_wait3A_27 = arith.constant 0 : i32
      %dma_wait3A_28 = arith.constant 0 : i32
      %dma_wait3A_29 = tpu.memref_slice %arg2[%dma_wait3A_27, %dma_wait3A_28] : memref<8192x2048xf32, #tpu.memory_space<hbm>> -> memref<16x2048xf32, #tpu.memory_space<hbm>>
      tpu.wait_dma2 semaphore(%arg8 : memref<!tpu.dma_semaphore, #tpu.memory_space<semaphore_mem>>) src(%dma_wait3A_29 : memref<16x2048xf32, #tpu.memory_space<hbm>>) dst(%arg6 : memref<16x2048xf32, #tpu.memory_space<vmem>>)
      %mul3A_30 = arith.constant 16 : i32
      %mul3A_31 = arith.muli %add3A_20, %mul3A_30 : i32
      %add3A_32 = arith.addi %mul3A_2, %mul3A_31 : i32
      "tpu.region"() ({
        %run_scoped3A = tpu.sem_alloc : memref<!tpu.dma_semaphore, #tpu.memory_space<semaphore_mem>>
        %dma_start3A_54 = arith.constant 0 : i32
        %dma_start3A_55 = tpu.memref_slice %arg4[%add3A_32, %dma_start3A_54] : memref<8192x2048xf32, #tpu.memory_space<hbm>> -> memref<16x2048xf32, #tpu.memory_space<hbm>>
        %dma_start3A_56 = arith.constant 0 : i32
        %dma_start3A_57 = tpu.memref_slice %arg4[%add3A_32, %dma_start3A_56] : memref<8192x2048xf32, #tpu.memory_space<hbm>> -> memref<16x2048xf32, #tpu.memory_space<hbm>>
        tpu.enqueue_dma source(%arg6 : memref<16x2048xf32, #tpu.memory_space<vmem>>) target(%dma_start3A_57 : memref<16x2048xf32, #tpu.memory_space<hbm>>) target_semaphore(%run_scoped3A : memref<!tpu.dma_semaphore, #tpu.memory_space<semaphore_mem>>)
        %dma_wait3A_58 = arith.constant 0 : i32
        %dma_wait3A_59 = tpu.memref_slice %arg4[%add3A_32, %dma_wait3A_58] : memref<8192x2048xf32, #tpu.memory_space<hbm>> -> memref<16x2048xf32, #tpu.memory_space<hbm>>
        %dma_wait3A_60 = arith.constant 0 : i32
        %dma_wait3A_61 = tpu.memref_slice %arg4[%add3A_32, %dma_wait3A_60] : memref<8192x2048xf32, #tpu.memory_space<hbm>> -> memref<16x2048xf32, #tpu.memory_space<hbm>>
        tpu.wait_dma2 semaphore(%run_scoped3A : memref<!tpu.dma_semaphore, #tpu.memory_space<semaphore_mem>>) src(%arg6 : memref<16x2048xf32, #tpu.memory_space<vmem>>) dst(%dma_wait3A_61 : memref<16x2048xf32, #tpu.memory_space<hbm>>)
        tpu.yield
      }) : () -> ()
      %mul3A_33 = arith.constant 2 : i32
      %mul3A_34 = arith.muli %scan3A_15, %mul3A_33 : i32
      %add3A_35 = arith.constant 1 : i32
      %add3A_36 = arith.addi %mul3A_34, %add3A_35 : i32
      %add3A_37 = arith.constant 1 : i32
      %add3A_38 = arith.addi %add3A_36, %add3A_37 : i32
      %lt3A_39 = arith.constant 16 : i32
      %lt3A_40 = arith.cmpi slt, %add3A_38, %lt3A_39 : i32
      %convert_element_type3A_41 = arith.extui %lt3A_40 : i1 to i32
      %cond3A_42 = arith.constant 0 : i32
      %cond3A_43 = arith.cmpi ne, %convert_element_type3A_41, %cond3A_42 : i32
      scf.if %cond3A_43 {
        %add3A_54 = arith.constant 1 : i32
        %add3A_55 = arith.addi %add3A_36, %add3A_54 : i32
        %get3A_56 = arith.index_cast %add3A_55 : i32 to index
        %get3A_57 = arith.constant 0 : index
        %get3A_58 = tpu.vector_load %arg5[%get3A_56, %get3A_57] {strides = array<i32>} : memref<16x16xi32, #tpu.memory_space<vmem>>, vector<1x16xi32>,
        %get3A_59 = vector.shape_cast %get3A_58 : vector<1x16xi32> to vector<16xi32>
        %dma_start3A_60 = arith.constant 0 : i32
        %dma_start3A_61 = arith.constant 0 : i32
        %dma_start3A_62 = tpu.memref_slice %arg2[%dma_start3A_60, %dma_start3A_61] : memref<8192x2048xf32, #tpu.memory_space<hbm>> -> memref<8192x2048xf32, #tpu.memory_space<hbm>>
        tpu.enqueue_indirect_dma source(%dma_start3A_62 : memref<8192x2048xf32, #tpu.memory_space<hbm>>) target(%arg6 : memref<16x2048xf32, #tpu.memory_space<vmem>>) offsets(%get3A_59 : vector<16xi32>) semaphore(%arg8 : memref<!tpu.dma_semaphore, #tpu.memory_space<semaphore_mem>>)
      } else {
      }
      %dma_wait3A_44 = arith.constant 0 : i32
      %dma_wait3A_45 = arith.constant 0 : i32
      %dma_wait3A_46 = tpu.memref_slice %arg2[%dma_wait3A_44, %dma_wait3A_45] : memref<8192x2048xf32, #tpu.memory_space<hbm>> -> memref<16x2048xf32, #tpu.memory_space<hbm>>
      %dma_wait3A_47 = arith.constant 0 : i32
      %dma_wait3A_48 = arith.constant 0 : i32
      %dma_wait3A_49 = tpu.memref_slice %arg2[%dma_wait3A_47, %dma_wait3A_48] : memref<8192x2048xf32, #tpu.memory_space<hbm>> -> memref<16x2048xf32, #tpu.memory_space<hbm>>
      tpu.wait_dma2 semaphore(%arg9 : memref<!tpu.dma_semaphore, #tpu.memory_space<semaphore_mem>>) src(%dma_wait3A_49 : memref<16x2048xf32, #tpu.memory_space<hbm>>) dst(%arg7 : memref<16x2048xf32, #tpu.memory_space<vmem>>)
      %mul3A_50 = arith.constant 16 : i32
      %mul3A_51 = arith.muli %add3A_36, %mul3A_50 : i32
      %add3A_52 = arith.addi %mul3A_2, %mul3A_51 : i32
      "tpu.region"() ({
        %run_scoped3A = tpu.sem_alloc : memref<!tpu.dma_semaphore, #tpu.memory_space<semaphore_mem>>
        %dma_start3A_54 = arith.constant 0 : i32
        %dma_start3A_55 = tpu.memref_slice %arg4[%add3A_52, %dma_start3A_54] : memref<8192x2048xf32, #tpu.memory_space<hbm>> -> memref<16x2048xf32, #tpu.memory_space<hbm>>
        %dma_start3A_56 = arith.constant 0 : i32
        %dma_start3A_57 = tpu.memref_slice %arg4[%add3A_52, %dma_start3A_56] : memref<8192x2048xf32, #tpu.memory_space<hbm>> -> memref<16x2048xf32, #tpu.memory_space<hbm>>
        tpu.enqueue_dma source(%arg7 : memref<16x2048xf32, #tpu.memory_space<vmem>>) target(%dma_start3A_57 : memref<16x2048xf32, #tpu.memory_space<hbm>>) target_semaphore(%run_scoped3A : memref<!tpu.dma_semaphore, #tpu.memory_space<semaphore_mem>>)
        %dma_wait3A_58 = arith.constant 0 : i32
        %dma_wait3A_59 = tpu.memref_slice %arg4[%add3A_52, %dma_wait3A_58] : memref<8192x2048xf32, #tpu.memory_space<hbm>> -> memref<16x2048xf32, #tpu.memory_space<hbm>>
        %dma_wait3A_60 = arith.constant 0 : i32
        %dma_wait3A_61 = tpu.memref_slice %arg4[%add3A_52, %dma_wait3A_60] : memref<8192x2048xf32, #tpu.memory_space<hbm>> -> memref<16x2048xf32, #tpu.memory_space<hbm>>
        tpu.wait_dma2 semaphore(%run_scoped3A : memref<!tpu.dma_semaphore, #tpu.memory_space<semaphore_mem>>) src(%arg7 : memref<16x2048xf32, #tpu.memory_space<vmem>>) dst(%dma_wait3A_61 : memref<16x2048xf32, #tpu.memory_space<hbm>>)
        tpu.yield
      }) : () -> ()
      %scan3A_53 = arith.constant 0 : i32
      scf.yield %scan3A_53 : i32
    }
    %scan3A_14 = arith.constant 8 : i32
    return
  }
}

#map = affine_map<(d0, d1) -> (0, 0)>
#map1 = affine_map<(d0, d1) -> (0, 0, 0)>
module attributes {stable_mosaic.version = 14 : i64} {
  func.func @k(%arg0: i32, %arg1: i32, %arg2: memref<24576x2048xf32, #tpu.memory_space<hbm>>, %arg3: memref<32x48x16xi32, #tpu.memory_space<hbm>>, %arg4: memref<24576x2048xf32, #tpu.memory_space<hbm>>, %arg5: memref<48x16xi32, #tpu.memory_space<vmem>>, %arg6: memref<16x2048xf32, #tpu.memory_space<vmem>>, %arg7: memref<16x2048xf32, #tpu.memory_space<vmem>>, %arg8: memref<!tpu.dma_semaphore, #tpu.memory_space<semaphore_mem>>, %arg9: memref<!tpu.dma_semaphore, #tpu.memory_space<semaphore_mem>>) attributes {dimension_semantics = [#tpu.dimension_semantics<core_parallel>, #tpu.dimension_semantics<subcore_parallel>], iteration_bounds = array<i64: 2, 16>, scalar_prefetch = 0 : i64, scratch_operands = 5 : i64, tpu.core_type = #tpu.core_type<sc_vector_subcore>, window_params = [{transform_indices = #map}, {transform_indices = #map1}, {transform_indices = #map}]} {
    %mul3A = arith.constant 2 : i32
    %mul3A_0 = arith.muli %arg1, %mul3A : i32
    %add3A = arith.addi %mul3A_0, %arg0 : i32
    %mul3A_1 = arith.constant 768 : i32
    %mul3A_2 = arith.muli %add3A, %mul3A_1 : i32
    "tpu.region"() ({
      %run_scoped3A = tpu.sem_alloc : memref<!tpu.dma_semaphore, #tpu.memory_space<semaphore_mem>>
      %dma_start3A = arith.constant 0 : i32
      %dma_start3A_20 = arith.constant 0 : i32
      %dma_start3A_21 = tpu.memref_slice %arg3[%add3A, %dma_start3A, %dma_start3A_20] : memref<32x48x16xi32, #tpu.memory_space<hbm>> -> memref<1x48x16xi32, #tpu.memory_space<hbm>>
      %dma_start3A_22 = tpu.memref_squeeze %dma_start3A_21 : memref<1x48x16xi32, #tpu.memory_space<hbm>> -> memref<48x16xi32, #tpu.memory_space<hbm>>
      %dma_start3A_23 = arith.constant 0 : i32
      %dma_start3A_24 = arith.constant 0 : i32
      %dma_start3A_25 = tpu.memref_slice %arg3[%add3A, %dma_start3A_23, %dma_start3A_24] : memref<32x48x16xi32, #tpu.memory_space<hbm>> -> memref<1x48x16xi32, #tpu.memory_space<hbm>>
      %dma_start3A_26 = tpu.memref_squeeze %dma_start3A_25 : memref<1x48x16xi32, #tpu.memory_space<hbm>> -> memref<48x16xi32, #tpu.memory_space<hbm>>
      tpu.enqueue_dma source(%dma_start3A_26 : memref<48x16xi32, #tpu.memory_space<hbm>>) target(%arg5 : memref<48x16xi32, #tpu.memory_space<vmem>>) target_semaphore(%run_scoped3A : memref<!tpu.dma_semaphore, #tpu.memory_space<semaphore_mem>>)
      %dma_wait3A_27 = arith.constant 0 : i32
      %dma_wait3A_28 = arith.constant 0 : i32
      %dma_wait3A_29 = tpu.memref_slice %arg3[%add3A, %dma_wait3A_27, %dma_wait3A_28] : memref<32x48x16xi32, #tpu.memory_space<hbm>> -> memref<1x48x16xi32, #tpu.memory_space<hbm>>
      %dma_wait3A_30 = tpu.memref_squeeze %dma_wait3A_29 : memref<1x48x16xi32, #tpu.memory_space<hbm>> -> memref<48x16xi32, #tpu.memory_space<hbm>>
      %dma_wait3A_31 = arith.constant 0 : i32
      %dma_wait3A_32 = arith.constant 0 : i32
      %dma_wait3A_33 = tpu.memref_slice %arg3[%add3A, %dma_wait3A_31, %dma_wait3A_32] : memref<32x48x16xi32, #tpu.memory_space<hbm>> -> memref<1x48x16xi32, #tpu.memory_space<hbm>>
      %dma_wait3A_34 = tpu.memref_squeeze %dma_wait3A_33 : memref<1x48x16xi32, #tpu.memory_space<hbm>> -> memref<48x16xi32, #tpu.memory_space<hbm>>
      tpu.wait_dma2 semaphore(%run_scoped3A : memref<!tpu.dma_semaphore, #tpu.memory_space<semaphore_mem>>) src(%dma_wait3A_34 : memref<48x16xi32, #tpu.memory_space<hbm>>) dst(%arg5 : memref<48x16xi32, #tpu.memory_space<vmem>>)
      tpu.yield
    }) : () -> ()
    %scan3A = arith.constant 0 : i32
    %scan3A_3 = arith.constant 0 : i32
    %scan3A_4 = arith.constant 24 : i32
    %scan3A_5 = arith.addi %scan3A_3, %scan3A_4 : i32
    %scan3A_6 = arith.constant 1 : i32
    %scan3A_7 = scf.for %scan3A_20 = %scan3A_3 to %scan3A_5 step %scan3A_6 iter_args(%scan3A_21 = %scan3A) -> (i32)  : i32 {
      %mul3A_22 = arith.constant 2 : i32
      %mul3A_23 = arith.muli %scan3A_20, %mul3A_22 : i32
      %add3A_24 = arith.constant 0 : i32
      %add3A_25 = arith.addi %mul3A_23, %add3A_24 : i32
      %gt3A = arith.constant 0 : i32
      %gt3A_26 = arith.cmpi sgt, %scan3A_20, %gt3A : i32
      %convert_element_type3A = arith.extui %gt3A_26 : i1 to i32
      %cond3A = arith.constant 0 : i32
      %cond3A_27 = arith.cmpi ne, %convert_element_type3A, %cond3A : i32
      scf.if %cond3A_27 {
        %dma_wait3A_56 = arith.constant 0 : i32
        %dma_wait3A_57 = arith.constant 0 : i32
        %dma_wait3A_58 = tpu.memref_slice %arg2[%dma_wait3A_56, %dma_wait3A_57] : memref<24576x2048xf32, #tpu.memory_space<hbm>> -> memref<16x2048xf32, #tpu.memory_space<hbm>>
        %dma_wait3A_59 = arith.constant 0 : i32
        %dma_wait3A_60 = arith.constant 0 : i32
        %dma_wait3A_61 = tpu.memref_slice %arg2[%dma_wait3A_59, %dma_wait3A_60] : memref<24576x2048xf32, #tpu.memory_space<hbm>> -> memref<16x2048xf32, #tpu.memory_space<hbm>>
        tpu.wait_dma2 semaphore(%arg8 : memref<!tpu.dma_semaphore, #tpu.memory_space<semaphore_mem>>) src(%dma_wait3A_61 : memref<16x2048xf32, #tpu.memory_space<hbm>>) dst(%arg6 : memref<16x2048xf32, #tpu.memory_space<vmem>>)
      } else {
      }
      %mul3A_28 = arith.constant 16 : i32
      %mul3A_29 = arith.muli %add3A_25, %mul3A_28 : i32
      %add3A_30 = arith.addi %mul3A_2, %mul3A_29 : i32
      "tpu.region"() ({
        %run_scoped3A = tpu.sem_alloc : memref<!tpu.dma_semaphore, #tpu.memory_space<semaphore_mem>>
        %dma_start3A_56 = arith.constant 0 : i32
        %dma_start3A_57 = tpu.memref_slice %arg2[%add3A_30, %dma_start3A_56] : memref<24576x2048xf32, #tpu.memory_space<hbm>> -> memref<16x2048xf32, #tpu.memory_space<hbm>>
        %dma_start3A_58 = arith.constant 0 : i32
        %dma_start3A_59 = tpu.memref_slice %arg2[%add3A_30, %dma_start3A_58] : memref<24576x2048xf32, #tpu.memory_space<hbm>> -> memref<16x2048xf32, #tpu.memory_space<hbm>>
        tpu.enqueue_dma source(%dma_start3A_59 : memref<16x2048xf32, #tpu.memory_space<hbm>>) target(%arg6 : memref<16x2048xf32, #tpu.memory_space<vmem>>) target_semaphore(%run_scoped3A : memref<!tpu.dma_semaphore, #tpu.memory_space<semaphore_mem>>)
        %dma_wait3A_60 = arith.constant 0 : i32
        %dma_wait3A_61 = tpu.memref_slice %arg2[%add3A_30, %dma_wait3A_60] : memref<24576x2048xf32, #tpu.memory_space<hbm>> -> memref<16x2048xf32, #tpu.memory_space<hbm>>
        %dma_wait3A_62 = arith.constant 0 : i32
        %dma_wait3A_63 = tpu.memref_slice %arg2[%add3A_30, %dma_wait3A_62] : memref<24576x2048xf32, #tpu.memory_space<hbm>> -> memref<16x2048xf32, #tpu.memory_space<hbm>>
        tpu.wait_dma2 semaphore(%run_scoped3A : memref<!tpu.dma_semaphore, #tpu.memory_space<semaphore_mem>>) src(%dma_wait3A_63 : memref<16x2048xf32, #tpu.memory_space<hbm>>) dst(%arg6 : memref<16x2048xf32, #tpu.memory_space<vmem>>)
        tpu.yield
      }) : () -> ()
      %get3A = arith.index_cast %add3A_25 : i32 to index
      %get3A_31 = arith.constant 0 : index
      %get3A_32 = tpu.vector_load %arg5[%get3A, %get3A_31] {strides = array<i32>} : memref<48x16xi32, #tpu.memory_space<vmem>>, vector<1x16xi32>,
      %get3A_33 = vector.shape_cast %get3A_32 : vector<1x16xi32> to vector<16xi32>
      %dma_start3A = arith.constant 0 : i32
      %dma_start3A_34 = arith.constant 0 : i32
      %dma_start3A_35 = tpu.memref_slice %arg4[%dma_start3A, %dma_start3A_34] : memref<24576x2048xf32, #tpu.memory_space<hbm>> -> memref<24576x2048xf32, #tpu.memory_space<hbm>>
      tpu.enqueue_indirect_dma source(%arg6 : memref<16x2048xf32, #tpu.memory_space<vmem>>) target(%dma_start3A_35 : memref<24576x2048xf32, #tpu.memory_space<hbm>>) offsets(%get3A_33 : vector<16xi32>) semaphore(%arg8 : memref<!tpu.dma_semaphore, #tpu.memory_space<semaphore_mem>>)
      %mul3A_36 = arith.constant 2 : i32
      %mul3A_37 = arith.muli %scan3A_20, %mul3A_36 : i32
      %add3A_38 = arith.constant 1 : i32
      %add3A_39 = arith.addi %mul3A_37, %add3A_38 : i32
      %gt3A_40 = arith.constant 0 : i32
      %gt3A_41 = arith.cmpi sgt, %scan3A_20, %gt3A_40 : i32
      %convert_element_type3A_42 = arith.extui %gt3A_41 : i1 to i32
      %cond3A_43 = arith.constant 0 : i32
      %cond3A_44 = arith.cmpi ne, %convert_element_type3A_42, %cond3A_43 : i32
      scf.if %cond3A_44 {
        %dma_wait3A_56 = arith.constant 0 : i32
        %dma_wait3A_57 = arith.constant 0 : i32
        %dma_wait3A_58 = tpu.memref_slice %arg2[%dma_wait3A_56, %dma_wait3A_57] : memref<24576x2048xf32, #tpu.memory_space<hbm>> -> memref<16x2048xf32, #tpu.memory_space<hbm>>
        %dma_wait3A_59 = arith.constant 0 : i32
        %dma_wait3A_60 = arith.constant 0 : i32
        %dma_wait3A_61 = tpu.memref_slice %arg2[%dma_wait3A_59, %dma_wait3A_60] : memref<24576x2048xf32, #tpu.memory_space<hbm>> -> memref<16x2048xf32, #tpu.memory_space<hbm>>
        tpu.wait_dma2 semaphore(%arg9 : memref<!tpu.dma_semaphore, #tpu.memory_space<semaphore_mem>>) src(%dma_wait3A_61 : memref<16x2048xf32, #tpu.memory_space<hbm>>) dst(%arg7 : memref<16x2048xf32, #tpu.memory_space<vmem>>)
      } else {
      }
      %mul3A_45 = arith.constant 16 : i32
      %mul3A_46 = arith.muli %add3A_39, %mul3A_45 : i32
      %add3A_47 = arith.addi %mul3A_2, %mul3A_46 : i32
      "tpu.region"() ({
        %run_scoped3A = tpu.sem_alloc : memref<!tpu.dma_semaphore, #tpu.memory_space<semaphore_mem>>
        %dma_start3A_56 = arith.constant 0 : i32
        %dma_start3A_57 = tpu.memref_slice %arg2[%add3A_47, %dma_start3A_56] : memref<24576x2048xf32, #tpu.memory_space<hbm>> -> memref<16x2048xf32, #tpu.memory_space<hbm>>
        %dma_start3A_58 = arith.constant 0 : i32
        %dma_start3A_59 = tpu.memref_slice %arg2[%add3A_47, %dma_start3A_58] : memref<24576x2048xf32, #tpu.memory_space<hbm>> -> memref<16x2048xf32, #tpu.memory_space<hbm>>
        tpu.enqueue_dma source(%dma_start3A_59 : memref<16x2048xf32, #tpu.memory_space<hbm>>) target(%arg7 : memref<16x2048xf32, #tpu.memory_space<vmem>>) target_semaphore(%run_scoped3A : memref<!tpu.dma_semaphore, #tpu.memory_space<semaphore_mem>>)
        %dma_wait3A_60 = arith.constant 0 : i32
        %dma_wait3A_61 = tpu.memref_slice %arg2[%add3A_47, %dma_wait3A_60] : memref<24576x2048xf32, #tpu.memory_space<hbm>> -> memref<16x2048xf32, #tpu.memory_space<hbm>>
        %dma_wait3A_62 = arith.constant 0 : i32
        %dma_wait3A_63 = tpu.memref_slice %arg2[%add3A_47, %dma_wait3A_62] : memref<24576x2048xf32, #tpu.memory_space<hbm>> -> memref<16x2048xf32, #tpu.memory_space<hbm>>
        tpu.wait_dma2 semaphore(%run_scoped3A : memref<!tpu.dma_semaphore, #tpu.memory_space<semaphore_mem>>) src(%dma_wait3A_63 : memref<16x2048xf32, #tpu.memory_space<hbm>>) dst(%arg7 : memref<16x2048xf32, #tpu.memory_space<vmem>>)
        tpu.yield
      }) : () -> ()
      %get3A_48 = arith.index_cast %add3A_39 : i32 to index
      %get3A_49 = arith.constant 0 : index
      %get3A_50 = tpu.vector_load %arg5[%get3A_48, %get3A_49] {strides = array<i32>} : memref<48x16xi32, #tpu.memory_space<vmem>>, vector<1x16xi32>,
      %get3A_51 = vector.shape_cast %get3A_50 : vector<1x16xi32> to vector<16xi32>
      %dma_start3A_52 = arith.constant 0 : i32
      %dma_start3A_53 = arith.constant 0 : i32
      %dma_start3A_54 = tpu.memref_slice %arg4[%dma_start3A_52, %dma_start3A_53] : memref<24576x2048xf32, #tpu.memory_space<hbm>> -> memref<24576x2048xf32, #tpu.memory_space<hbm>>
      tpu.enqueue_indirect_dma source(%arg7 : memref<16x2048xf32, #tpu.memory_space<vmem>>) target(%dma_start3A_54 : memref<24576x2048xf32, #tpu.memory_space<hbm>>) offsets(%get3A_51 : vector<16xi32>) semaphore(%arg9 : memref<!tpu.dma_semaphore, #tpu.memory_space<semaphore_mem>>)
      %scan3A_55 = arith.constant 0 : i32
      scf.yield %scan3A_55 : i32
    }
    %scan3A_8 = arith.constant 24 : i32
    %dma_wait3A = arith.constant 0 : i32
    %dma_wait3A_9 = arith.constant 0 : i32
    %dma_wait3A_10 = tpu.memref_slice %arg2[%dma_wait3A, %dma_wait3A_9] : memref<24576x2048xf32, #tpu.memory_space<hbm>> -> memref<16x2048xf32, #tpu.memory_space<hbm>>
    %dma_wait3A_11 = arith.constant 0 : i32
    %dma_wait3A_12 = arith.constant 0 : i32
    %dma_wait3A_13 = tpu.memref_slice %arg2[%dma_wait3A_11, %dma_wait3A_12] : memref<24576x2048xf32, #tpu.memory_space<hbm>> -> memref<16x2048xf32, #tpu.memory_space<hbm>>
    tpu.wait_dma2 semaphore(%arg8 : memref<!tpu.dma_semaphore, #tpu.memory_space<semaphore_mem>>) src(%dma_wait3A_13 : memref<16x2048xf32, #tpu.memory_space<hbm>>) dst(%arg6 : memref<16x2048xf32, #tpu.memory_space<vmem>>)
    %dma_wait3A_14 = arith.constant 0 : i32
    %dma_wait3A_15 = arith.constant 0 : i32
    %dma_wait3A_16 = tpu.memref_slice %arg2[%dma_wait3A_14, %dma_wait3A_15] : memref<24576x2048xf32, #tpu.memory_space<hbm>> -> memref<16x2048xf32, #tpu.memory_space<hbm>>
    %dma_wait3A_17 = arith.constant 0 : i32
    %dma_wait3A_18 = arith.constant 0 : i32
    %dma_wait3A_19 = tpu.memref_slice %arg2[%dma_wait3A_17, %dma_wait3A_18] : memref<24576x2048xf32, #tpu.memory_space<hbm>> -> memref<16x2048xf32, #tpu.memory_space<hbm>>
    tpu.wait_dma2 semaphore(%arg9 : memref<!tpu.dma_semaphore, #tpu.memory_space<semaphore_mem>>) src(%dma_wait3A_19 : memref<16x2048xf32, #tpu.memory_space<hbm>>) dst(%arg7 : memref<16x2048xf32, #tpu.memory_space<vmem>>)
    return
  }
}

#map = affine_map<(d0, d1) -> (0, 0)>
#map1 = affine_map<(d0, d1) -> (0, 0, 0)>
module attributes {stable_mosaic.version = 14 : i64} {
  func.func @k(%arg0: i32, %arg1: i32, %arg2: memref<8192x2048xf32, #tpu.memory_space<hbm>>, %arg3: memref<32x16x16xi32, #tpu.memory_space<hbm>>, %arg4: memref<8192x2048xf32, #tpu.memory_space<hbm>>, %arg5: memref<16x16xi32, #tpu.memory_space<vmem>>, %arg6: memref<16x2048xf32, #tpu.memory_space<vmem>>, %arg7: memref<16x2048xf32, #tpu.memory_space<vmem>>, %arg8: memref<!tpu.dma_semaphore, #tpu.memory_space<semaphore_mem>>, %arg9: memref<!tpu.dma_semaphore, #tpu.memory_space<semaphore_mem>>) attributes {dimension_semantics = [#tpu.dimension_semantics<core_parallel>, #tpu.dimension_semantics<subcore_parallel>], iteration_bounds = array<i64: 2, 16>, scalar_prefetch = 0 : i64, scratch_operands = 5 : i64, tpu.core_type = #tpu.core_type<sc_vector_subcore>, window_params = [{transform_indices = #map}, {transform_indices = #map1}, {transform_indices = #map}]} {
    %mul3A = arith.constant 2 : i32
    %mul3A_0 = arith.muli %arg1, %mul3A : i32
    %add3A = arith.addi %mul3A_0, %arg0 : i32
    %mul3A_1 = arith.constant 256 : i32
    %mul3A_2 = arith.muli %add3A, %mul3A_1 : i32
    "tpu.region"() ({
      %run_scoped3A = tpu.sem_alloc : memref<!tpu.dma_semaphore, #tpu.memory_space<semaphore_mem>>
      %dma_start3A_15 = arith.constant 0 : i32
      %dma_start3A_16 = arith.constant 0 : i32
      %dma_start3A_17 = tpu.memref_slice %arg3[%add3A, %dma_start3A_15, %dma_start3A_16] : memref<32x16x16xi32, #tpu.memory_space<hbm>> -> memref<1x16x16xi32, #tpu.memory_space<hbm>>
      %dma_start3A_18 = tpu.memref_squeeze %dma_start3A_17 : memref<1x16x16xi32, #tpu.memory_space<hbm>> -> memref<16x16xi32, #tpu.memory_space<hbm>>
      %dma_start3A_19 = arith.constant 0 : i32
      %dma_start3A_20 = arith.constant 0 : i32
      %dma_start3A_21 = tpu.memref_slice %arg3[%add3A, %dma_start3A_19, %dma_start3A_20] : memref<32x16x16xi32, #tpu.memory_space<hbm>> -> memref<1x16x16xi32, #tpu.memory_space<hbm>>
      %dma_start3A_22 = tpu.memref_squeeze %dma_start3A_21 : memref<1x16x16xi32, #tpu.memory_space<hbm>> -> memref<16x16xi32, #tpu.memory_space<hbm>>
      tpu.enqueue_dma source(%dma_start3A_22 : memref<16x16xi32, #tpu.memory_space<hbm>>) target(%arg5 : memref<16x16xi32, #tpu.memory_space<vmem>>) target_semaphore(%run_scoped3A : memref<!tpu.dma_semaphore, #tpu.memory_space<semaphore_mem>>)
      %dma_wait3A = arith.constant 0 : i32
      %dma_wait3A_23 = arith.constant 0 : i32
      %dma_wait3A_24 = tpu.memref_slice %arg3[%add3A, %dma_wait3A, %dma_wait3A_23] : memref<32x16x16xi32, #tpu.memory_space<hbm>> -> memref<1x16x16xi32, #tpu.memory_space<hbm>>
      %dma_wait3A_25 = tpu.memref_squeeze %dma_wait3A_24 : memref<1x16x16xi32, #tpu.memory_space<hbm>> -> memref<16x16xi32, #tpu.memory_space<hbm>>
      %dma_wait3A_26 = arith.constant 0 : i32
      %dma_wait3A_27 = arith.constant 0 : i32
      %dma_wait3A_28 = tpu.memref_slice %arg3[%add3A, %dma_wait3A_26, %dma_wait3A_27] : memref<32x16x16xi32, #tpu.memory_space<hbm>> -> memref<1x16x16xi32, #tpu.memory_space<hbm>>
      %dma_wait3A_29 = tpu.memref_squeeze %dma_wait3A_28 : memref<1x16x16xi32, #tpu.memory_space<hbm>> -> memref<16x16xi32, #tpu.memory_space<hbm>>
      tpu.wait_dma2 semaphore(%run_scoped3A : memref<!tpu.dma_semaphore, #tpu.memory_space<semaphore_mem>>) src(%dma_wait3A_29 : memref<16x16xi32, #tpu.memory_space<hbm>>) dst(%arg5 : memref<16x16xi32, #tpu.memory_space<vmem>>)
      tpu.yield
    }) : () -> ()
    %get3A = arith.constant 0 : i32
    %get3A_3 = arith.index_cast %get3A : i32 to index
    %get3A_4 = arith.constant 0 : index
    %get3A_5 = tpu.vector_load %arg5[%get3A_3, %get3A_4] {strides = array<i32>} : memref<16x16xi32, #tpu.memory_space<vmem>>, vector<1x16xi32>,
    %get3A_6 = vector.shape_cast %get3A_5 : vector<1x16xi32> to vector<16xi32>
    %dma_start3A = arith.constant 0 : i32
    %dma_start3A_7 = arith.constant 0 : i32
    %dma_start3A_8 = tpu.memref_slice %arg2[%dma_start3A, %dma_start3A_7] : memref<8192x2048xf32, #tpu.memory_space<hbm>> -> memref<8192x2048xf32, #tpu.memory_space<hbm>>
    tpu.enqueue_indirect_dma source(%dma_start3A_8 : memref<8192x2048xf32, #tpu.memory_space<hbm>>) target(%arg6 : memref<16x2048xf32, #tpu.memory_space<vmem>>) offsets(%get3A_6 : vector<16xi32>) semaphore(%arg8 : memref<!tpu.dma_semaphore, #tpu.memory_space<semaphore_mem>>)
    %scan3A = arith.constant 0 : i32
    %scan3A_9 = arith.constant 0 : i32
    %scan3A_10 = arith.constant 8 : i32
    %scan3A_11 = arith.addi %scan3A_9, %scan3A_10 : i32
    %scan3A_12 = arith.constant 1 : i32
    %scan3A_13 = scf.for %scan3A_15 = %scan3A_9 to %scan3A_11 step %scan3A_12 iter_args(%scan3A_16 = %scan3A) -> (i32)  : i32 {
      %mul3A_17 = arith.constant 2 : i32
      %mul3A_18 = arith.muli %scan3A_15, %mul3A_17 : i32
      %add3A_19 = arith.constant 0 : i32
      %add3A_20 = arith.addi %mul3A_18, %add3A_19 : i32
      %add3A_21 = arith.constant 1 : i32
      %add3A_22 = arith.addi %add3A_20, %add3A_21 : i32
      %lt3A = arith.constant 16 : i32
      %lt3A_23 = arith.cmpi slt, %add3A_22, %lt3A : i32
      %convert_element_type3A = arith.extui %lt3A_23 : i1 to i32
      %cond3A = arith.constant 0 : i32
      %cond3A_24 = arith.cmpi ne, %convert_element_type3A, %cond3A : i32
      scf.if %cond3A_24 {
        %add3A_54 = arith.constant 1 : i32
        %add3A_55 = arith.addi %add3A_20, %add3A_54 : i32
        %get3A_56 = arith.index_cast %add3A_55 : i32 to index
        %get3A_57 = arith.constant 0 : index
        %get3A_58 = tpu.vector_load %arg5[%get3A_56, %get3A_57] {strides = array<i32>} : memref<16x16xi32, #tpu.memory_space<vmem>>, vector<1x16xi32>,
        %get3A_59 = vector.shape_cast %get3A_58 : vector<1x16xi32> to vector<16xi32>
        %dma_start3A_60 = arith.constant 0 : i32
        %dma_start3A_61 = arith.constant 0 : i32
        %dma_start3A_62 = tpu.memref_slice %arg2[%dma_start3A_60, %dma_start3A_61] : memref<8192x2048xf32, #tpu.memory_space<hbm>> -> memref<8192x2048xf32, #tpu.memory_space<hbm>>
        tpu.enqueue_indirect_dma source(%dma_start3A_62 : memref<8192x2048xf32, #tpu.memory_space<hbm>>) target(%arg7 : memref<16x2048xf32, #tpu.memory_space<vmem>>) offsets(%get3A_59 : vector<16xi32>) semaphore(%arg9 : memref<!tpu.dma_semaphore, #tpu.memory_space<semaphore_mem>>)
      } else {
      }
      %dma_wait3A = arith.constant 0 : i32
      %dma_wait3A_25 = arith.constant 0 : i32
      %dma_wait3A_26 = tpu.memref_slice %arg2[%dma_wait3A, %dma_wait3A_25] : memref<8192x2048xf32, #tpu.memory_space<hbm>> -> memref<16x2048xf32, #tpu.memory_space<hbm>>
      %dma_wait3A_27 = arith.constant 0 : i32
      %dma_wait3A_28 = arith.constant 0 : i32
      %dma_wait3A_29 = tpu.memref_slice %arg2[%dma_wait3A_27, %dma_wait3A_28] : memref<8192x2048xf32, #tpu.memory_space<hbm>> -> memref<16x2048xf32, #tpu.memory_space<hbm>>
      tpu.wait_dma2 semaphore(%arg8 : memref<!tpu.dma_semaphore, #tpu.memory_space<semaphore_mem>>) src(%dma_wait3A_29 : memref<16x2048xf32, #tpu.memory_space<hbm>>) dst(%arg6 : memref<16x2048xf32, #tpu.memory_space<vmem>>)
      %mul3A_30 = arith.constant 16 : i32
      %mul3A_31 = arith.muli %add3A_20, %mul3A_30 : i32
      %add3A_32 = arith.addi %mul3A_2, %mul3A_31 : i32
      "tpu.region"() ({
        %run_scoped3A = tpu.sem_alloc : memref<!tpu.dma_semaphore, #tpu.memory_space<semaphore_mem>>
        %dma_start3A_54 = arith.constant 0 : i32
        %dma_start3A_55 = tpu.memref_slice %arg4[%add3A_32, %dma_start3A_54] : memref<8192x2048xf32, #tpu.memory_space<hbm>> -> memref<16x2048xf32, #tpu.memory_space<hbm>>
        %dma_start3A_56 = arith.constant 0 : i32
        %dma_start3A_57 = tpu.memref_slice %arg4[%add3A_32, %dma_start3A_56] : memref<8192x2048xf32, #tpu.memory_space<hbm>> -> memref<16x2048xf32, #tpu.memory_space<hbm>>
        tpu.enqueue_dma source(%arg6 : memref<16x2048xf32, #tpu.memory_space<vmem>>) target(%dma_start3A_57 : memref<16x2048xf32, #tpu.memory_space<hbm>>) target_semaphore(%run_scoped3A : memref<!tpu.dma_semaphore, #tpu.memory_space<semaphore_mem>>)
        %dma_wait3A_58 = arith.constant 0 : i32
        %dma_wait3A_59 = tpu.memref_slice %arg4[%add3A_32, %dma_wait3A_58] : memref<8192x2048xf32, #tpu.memory_space<hbm>> -> memref<16x2048xf32, #tpu.memory_space<hbm>>
        %dma_wait3A_60 = arith.constant 0 : i32
        %dma_wait3A_61 = tpu.memref_slice %arg4[%add3A_32, %dma_wait3A_60] : memref<8192x2048xf32, #tpu.memory_space<hbm>> -> memref<16x2048xf32, #tpu.memory_space<hbm>>
        tpu.wait_dma2 semaphore(%run_scoped3A : memref<!tpu.dma_semaphore, #tpu.memory_space<semaphore_mem>>) src(%arg6 : memref<16x2048xf32, #tpu.memory_space<vmem>>) dst(%dma_wait3A_61 : memref<16x2048xf32, #tpu.memory_space<hbm>>)
        tpu.yield
      }) : () -> ()
      %mul3A_33 = arith.constant 2 : i32
      %mul3A_34 = arith.muli %scan3A_15, %mul3A_33 : i32
      %add3A_35 = arith.constant 1 : i32
      %add3A_36 = arith.addi %mul3A_34, %add3A_35 : i32
      %add3A_37 = arith.constant 1 : i32
      %add3A_38 = arith.addi %add3A_36, %add3A_37 : i32
      %lt3A_39 = arith.constant 16 : i32
      %lt3A_40 = arith.cmpi slt, %add3A_38, %lt3A_39 : i32
      %convert_element_type3A_41 = arith.extui %lt3A_40 : i1 to i32
      %cond3A_42 = arith.constant 0 : i32
      %cond3A_43 = arith.cmpi ne, %convert_element_type3A_41, %cond3A_42 : i32
      scf.if %cond3A_43 {
        %add3A_54 = arith.constant 1 : i32
        %add3A_55 = arith.addi %add3A_36, %add3A_54 : i32
        %get3A_56 = arith.index_cast %add3A_55 : i32 to index
        %get3A_57 = arith.constant 0 : index
        %get3A_58 = tpu.vector_load %arg5[%get3A_56, %get3A_57] {strides = array<i32>} : memref<16x16xi32, #tpu.memory_space<vmem>>, vector<1x16xi32>,
        %get3A_59 = vector.shape_cast %get3A_58 : vector<1x16xi32> to vector<16xi32>
        %dma_start3A_60 = arith.constant 0 : i32
        %dma_start3A_61 = arith.constant 0 : i32
        %dma_start3A_62 = tpu.memref_slice %arg2[%dma_start3A_60, %dma_start3A_61] : memref<8192x2048xf32, #tpu.memory_space<hbm>> -> memref<8192x2048xf32, #tpu.memory_space<hbm>>
        tpu.enqueue_indirect_dma source(%dma_start3A_62 : memref<8192x2048xf32, #tpu.memory_space<hbm>>) target(%arg6 : memref<16x2048xf32, #tpu.memory_space<vmem>>) offsets(%get3A_59 : vector<16xi32>) semaphore(%arg8 : memref<!tpu.dma_semaphore, #tpu.memory_space<semaphore_mem>>)
      } else {
      }
      %dma_wait3A_44 = arith.constant 0 : i32
      %dma_wait3A_45 = arith.constant 0 : i32
      %dma_wait3A_46 = tpu.memref_slice %arg2[%dma_wait3A_44, %dma_wait3A_45] : memref<8192x2048xf32, #tpu.memory_space<hbm>> -> memref<16x2048xf32, #tpu.memory_space<hbm>>
      %dma_wait3A_47 = arith.constant 0 : i32
      %dma_wait3A_48 = arith.constant 0 : i32
      %dma_wait3A_49 = tpu.memref_slice %arg2[%dma_wait3A_47, %dma_wait3A_48] : memref<8192x2048xf32, #tpu.memory_space<hbm>> -> memref<16x2048xf32, #tpu.memory_space<hbm>>
      tpu.wait_dma2 semaphore(%arg9 : memref<!tpu.dma_semaphore, #tpu.memory_space<semaphore_mem>>) src(%dma_wait3A_49 : memref<16x2048xf32, #tpu.memory_space<hbm>>) dst(%arg7 : memref<16x2048xf32, #tpu.memory_space<vmem>>)
      %mul3A_50 = arith.constant 16 : i32
      %mul3A_51 = arith.muli %add3A_36, %mul3A_50 : i32
      %add3A_52 = arith.addi %mul3A_2, %mul3A_51 : i32
      "tpu.region"() ({
        %run_scoped3A = tpu.sem_alloc : memref<!tpu.dma_semaphore, #tpu.memory_space<semaphore_mem>>
        %dma_start3A_54 = arith.constant 0 : i32
        %dma_start3A_55 = tpu.memref_slice %arg4[%add3A_52, %dma_start3A_54] : memref<8192x2048xf32, #tpu.memory_space<hbm>> -> memref<16x2048xf32, #tpu.memory_space<hbm>>
        %dma_start3A_56 = arith.constant 0 : i32
        %dma_start3A_57 = tpu.memref_slice %arg4[%add3A_52, %dma_start3A_56] : memref<8192x2048xf32, #tpu.memory_space<hbm>> -> memref<16x2048xf32, #tpu.memory_space<hbm>>
        tpu.enqueue_dma source(%arg7 : memref<16x2048xf32, #tpu.memory_space<vmem>>) target(%dma_start3A_57 : memref<16x2048xf32, #tpu.memory_space<hbm>>) target_semaphore(%run_scoped3A : memref<!tpu.dma_semaphore, #tpu.memory_space<semaphore_mem>>)
        %dma_wait3A_58 = arith.constant 0 : i32
        %dma_wait3A_59 = tpu.memref_slice %arg4[%add3A_52, %dma_wait3A_58] : memref<8192x2048xf32, #tpu.memory_space<hbm>> -> memref<16x2048xf32, #tpu.memory_space<hbm>>
        %dma_wait3A_60 = arith.constant 0 : i32
        %dma_wait3A_61 = tpu.memref_slice %arg4[%add3A_52, %dma_wait3A_60] : memref<8192x2048xf32, #tpu.memory_space<hbm>> -> memref<16x2048xf32, #tpu.memory_space<hbm>>
        tpu.wait_dma2 semaphore(%run_scoped3A : memref<!tpu.dma_semaphore, #tpu.memory_space<semaphore_mem>>) src(%arg7 : memref<16x2048xf32, #tpu.memory_space<vmem>>) dst(%dma_wait3A_61 : memref<16x2048xf32, #tpu.memory_space<hbm>>)
        tpu.yield
      }) : () -> ()
      %scan3A_53 = arith.constant 0 : i32
      scf.yield %scan3A_53 : i32
    }
    %scan3A_14 = arith.constant 8 : i32
    return
  }
}

#map = affine_map<(d0, d1) -> (0, 0)>
#map1 = affine_map<(d0, d1) -> (0, 0, 0)>
module attributes {stable_mosaic.version = 14 : i64} {
  func.func @k(%arg0: i32, %arg1: i32, %arg2: memref<8192x2048xf32, #tpu.memory_space<hbm>>, %arg3: memref<32x16x16xi32, #tpu.memory_space<hbm>>, %arg4: memref<8192x2048xf32, #tpu.memory_space<hbm>>, %arg5: memref<16x16xi32, #tpu.memory_space<vmem>>, %arg6: memref<16x2048xf32, #tpu.memory_space<vmem>>, %arg7: memref<16x2048xf32, #tpu.memory_space<vmem>>, %arg8: memref<!tpu.dma_semaphore, #tpu.memory_space<semaphore_mem>>, %arg9: memref<!tpu.dma_semaphore, #tpu.memory_space<semaphore_mem>>) attributes {dimension_semantics = [#tpu.dimension_semantics<core_parallel>, #tpu.dimension_semantics<subcore_parallel>], iteration_bounds = array<i64: 2, 16>, scalar_prefetch = 0 : i64, scratch_operands = 5 : i64, tpu.core_type = #tpu.core_type<sc_vector_subcore>, window_params = [{transform_indices = #map}, {transform_indices = #map1}, {transform_indices = #map}]} {
    %mul3A = arith.constant 2 : i32
    %mul3A_0 = arith.muli %arg1, %mul3A : i32
    %add3A = arith.addi %mul3A_0, %arg0 : i32
    %mul3A_1 = arith.constant 256 : i32
    %mul3A_2 = arith.muli %add3A, %mul3A_1 : i32
    "tpu.region"() ({
      %run_scoped3A = tpu.sem_alloc : memref<!tpu.dma_semaphore, #tpu.memory_space<semaphore_mem>>
      %dma_start3A_15 = arith.constant 0 : i32
      %dma_start3A_16 = arith.constant 0 : i32
      %dma_start3A_17 = tpu.memref_slice %arg3[%add3A, %dma_start3A_15, %dma_start3A_16] : memref<32x16x16xi32, #tpu.memory_space<hbm>> -> memref<1x16x16xi32, #tpu.memory_space<hbm>>
      %dma_start3A_18 = tpu.memref_squeeze %dma_start3A_17 : memref<1x16x16xi32, #tpu.memory_space<hbm>> -> memref<16x16xi32, #tpu.memory_space<hbm>>
      %dma_start3A_19 = arith.constant 0 : i32
      %dma_start3A_20 = arith.constant 0 : i32
      %dma_start3A_21 = tpu.memref_slice %arg3[%add3A, %dma_start3A_19, %dma_start3A_20] : memref<32x16x16xi32, #tpu.memory_space<hbm>> -> memref<1x16x16xi32, #tpu.memory_space<hbm>>
      %dma_start3A_22 = tpu.memref_squeeze %dma_start3A_21 : memref<1x16x16xi32, #tpu.memory_space<hbm>> -> memref<16x16xi32, #tpu.memory_space<hbm>>
      tpu.enqueue_dma source(%dma_start3A_22 : memref<16x16xi32, #tpu.memory_space<hbm>>) target(%arg5 : memref<16x16xi32, #tpu.memory_space<vmem>>) target_semaphore(%run_scoped3A : memref<!tpu.dma_semaphore, #tpu.memory_space<semaphore_mem>>)
      %dma_wait3A = arith.constant 0 : i32
      %dma_wait3A_23 = arith.constant 0 : i32
      %dma_wait3A_24 = tpu.memref_slice %arg3[%add3A, %dma_wait3A, %dma_wait3A_23] : memref<32x16x16xi32, #tpu.memory_space<hbm>> -> memref<1x16x16xi32, #tpu.memory_space<hbm>>
      %dma_wait3A_25 = tpu.memref_squeeze %dma_wait3A_24 : memref<1x16x16xi32, #tpu.memory_space<hbm>> -> memref<16x16xi32, #tpu.memory_space<hbm>>
      %dma_wait3A_26 = arith.constant 0 : i32
      %dma_wait3A_27 = arith.constant 0 : i32
      %dma_wait3A_28 = tpu.memref_slice %arg3[%add3A, %dma_wait3A_26, %dma_wait3A_27] : memref<32x16x16xi32, #tpu.memory_space<hbm>> -> memref<1x16x16xi32, #tpu.memory_space<hbm>>
      %dma_wait3A_29 = tpu.memref_squeeze %dma_wait3A_28 : memref<1x16x16xi32, #tpu.memory_space<hbm>> -> memref<16x16xi32, #tpu.memory_space<hbm>>
      tpu.wait_dma2 semaphore(%run_scoped3A : memref<!tpu.dma_semaphore, #tpu.memory_space<semaphore_mem>>) src(%dma_wait3A_29 : memref<16x16xi32, #tpu.memory_space<hbm>>) dst(%arg5 : memref<16x16xi32, #tpu.memory_space<vmem>>)
      tpu.yield
    }) : () -> ()
    %get3A = arith.constant 0 : i32
    %get3A_3 = arith.index_cast %get3A : i32 to index
    %get3A_4 = arith.constant 0 : index
    %get3A_5 = tpu.vector_load %arg5[%get3A_3, %get3A_4] {strides = array<i32>} : memref<16x16xi32, #tpu.memory_space<vmem>>, vector<1x16xi32>,
    %get3A_6 = vector.shape_cast %get3A_5 : vector<1x16xi32> to vector<16xi32>
    %dma_start3A = arith.constant 0 : i32
    %dma_start3A_7 = arith.constant 0 : i32
    %dma_start3A_8 = tpu.memref_slice %arg2[%dma_start3A, %dma_start3A_7] : memref<8192x2048xf32, #tpu.memory_space<hbm>> -> memref<8192x2048xf32, #tpu.memory_space<hbm>>
    tpu.enqueue_indirect_dma source(%dma_start3A_8 : memref<8192x2048xf32, #tpu.memory_space<hbm>>) target(%arg6 : memref<16x2048xf32, #tpu.memory_space<vmem>>) offsets(%get3A_6 : vector<16xi32>) semaphore(%arg8 : memref<!tpu.dma_semaphore, #tpu.memory_space<semaphore_mem>>)
    %scan3A = arith.constant 0 : i32
    %scan3A_9 = arith.constant 0 : i32
    %scan3A_10 = arith.constant 8 : i32
    %scan3A_11 = arith.addi %scan3A_9, %scan3A_10 : i32
    %scan3A_12 = arith.constant 1 : i32
    %scan3A_13 = scf.for %scan3A_15 = %scan3A_9 to %scan3A_11 step %scan3A_12 iter_args(%scan3A_16 = %scan3A) -> (i32)  : i32 {
      %mul3A_17 = arith.constant 2 : i32
      %mul3A_18 = arith.muli %scan3A_15, %mul3A_17 : i32
      %add3A_19 = arith.constant 0 : i32
      %add3A_20 = arith.addi %mul3A_18, %add3A_19 : i32
      %add3A_21 = arith.constant 1 : i32
      %add3A_22 = arith.addi %add3A_20, %add3A_21 : i32
      %lt3A = arith.constant 16 : i32
      %lt3A_23 = arith.cmpi slt, %add3A_22, %lt3A : i32
      %convert_element_type3A = arith.extui %lt3A_23 : i1 to i32
      %cond3A = arith.constant 0 : i32
      %cond3A_24 = arith.cmpi ne, %convert_element_type3A, %cond3A : i32
      scf.if %cond3A_24 {
        %add3A_54 = arith.constant 1 : i32
        %add3A_55 = arith.addi %add3A_20, %add3A_54 : i32
        %get3A_56 = arith.index_cast %add3A_55 : i32 to index
        %get3A_57 = arith.constant 0 : index
        %get3A_58 = tpu.vector_load %arg5[%get3A_56, %get3A_57] {strides = array<i32>} : memref<16x16xi32, #tpu.memory_space<vmem>>, vector<1x16xi32>,
        %get3A_59 = vector.shape_cast %get3A_58 : vector<1x16xi32> to vector<16xi32>
        %dma_start3A_60 = arith.constant 0 : i32
        %dma_start3A_61 = arith.constant 0 : i32
        %dma_start3A_62 = tpu.memref_slice %arg2[%dma_start3A_60, %dma_start3A_61] : memref<8192x2048xf32, #tpu.memory_space<hbm>> -> memref<8192x2048xf32, #tpu.memory_space<hbm>>
        tpu.enqueue_indirect_dma source(%dma_start3A_62 : memref<8192x2048xf32, #tpu.memory_space<hbm>>) target(%arg7 : memref<16x2048xf32, #tpu.memory_space<vmem>>) offsets(%get3A_59 : vector<16xi32>) semaphore(%arg9 : memref<!tpu.dma_semaphore, #tpu.memory_space<semaphore_mem>>)
      } else {
      }
      %dma_wait3A = arith.constant 0 : i32
      %dma_wait3A_25 = arith.constant 0 : i32
      %dma_wait3A_26 = tpu.memref_slice %arg2[%dma_wait3A, %dma_wait3A_25] : memref<8192x2048xf32, #tpu.memory_space<hbm>> -> memref<16x2048xf32, #tpu.memory_space<hbm>>
      %dma_wait3A_27 = arith.constant 0 : i32
      %dma_wait3A_28 = arith.constant 0 : i32
      %dma_wait3A_29 = tpu.memref_slice %arg2[%dma_wait3A_27, %dma_wait3A_28] : memref<8192x2048xf32, #tpu.memory_space<hbm>> -> memref<16x2048xf32, #tpu.memory_space<hbm>>
      tpu.wait_dma2 semaphore(%arg8 : memref<!tpu.dma_semaphore, #tpu.memory_space<semaphore_mem>>) src(%dma_wait3A_29 : memref<16x2048xf32, #tpu.memory_space<hbm>>) dst(%arg6 : memref<16x2048xf32, #tpu.memory_space<vmem>>)
      %mul3A_30 = arith.constant 16 : i32
      %mul3A_31 = arith.muli %add3A_20, %mul3A_30 : i32
      %add3A_32 = arith.addi %mul3A_2, %mul3A_31 : i32
      "tpu.region"() ({
        %run_scoped3A = tpu.sem_alloc : memref<!tpu.dma_semaphore, #tpu.memory_space<semaphore_mem>>
        %dma_start3A_54 = arith.constant 0 : i32
        %dma_start3A_55 = tpu.memref_slice %arg4[%add3A_32, %dma_start3A_54] : memref<8192x2048xf32, #tpu.memory_space<hbm>> -> memref<16x2048xf32, #tpu.memory_space<hbm>>
        %dma_start3A_56 = arith.constant 0 : i32
        %dma_start3A_57 = tpu.memref_slice %arg4[%add3A_32, %dma_start3A_56] : memref<8192x2048xf32, #tpu.memory_space<hbm>> -> memref<16x2048xf32, #tpu.memory_space<hbm>>
        tpu.enqueue_dma source(%arg6 : memref<16x2048xf32, #tpu.memory_space<vmem>>) target(%dma_start3A_57 : memref<16x2048xf32, #tpu.memory_space<hbm>>) target_semaphore(%run_scoped3A : memref<!tpu.dma_semaphore, #tpu.memory_space<semaphore_mem>>)
        %dma_wait3A_58 = arith.constant 0 : i32
        %dma_wait3A_59 = tpu.memref_slice %arg4[%add3A_32, %dma_wait3A_58] : memref<8192x2048xf32, #tpu.memory_space<hbm>> -> memref<16x2048xf32, #tpu.memory_space<hbm>>
        %dma_wait3A_60 = arith.constant 0 : i32
        %dma_wait3A_61 = tpu.memref_slice %arg4[%add3A_32, %dma_wait3A_60] : memref<8192x2048xf32, #tpu.memory_space<hbm>> -> memref<16x2048xf32, #tpu.memory_space<hbm>>
        tpu.wait_dma2 semaphore(%run_scoped3A : memref<!tpu.dma_semaphore, #tpu.memory_space<semaphore_mem>>) src(%arg6 : memref<16x2048xf32, #tpu.memory_space<vmem>>) dst(%dma_wait3A_61 : memref<16x2048xf32, #tpu.memory_space<hbm>>)
        tpu.yield
      }) : () -> ()
      %mul3A_33 = arith.constant 2 : i32
      %mul3A_34 = arith.muli %scan3A_15, %mul3A_33 : i32
      %add3A_35 = arith.constant 1 : i32
      %add3A_36 = arith.addi %mul3A_34, %add3A_35 : i32
      %add3A_37 = arith.constant 1 : i32
      %add3A_38 = arith.addi %add3A_36, %add3A_37 : i32
      %lt3A_39 = arith.constant 16 : i32
      %lt3A_40 = arith.cmpi slt, %add3A_38, %lt3A_39 : i32
      %convert_element_type3A_41 = arith.extui %lt3A_40 : i1 to i32
      %cond3A_42 = arith.constant 0 : i32
      %cond3A_43 = arith.cmpi ne, %convert_element_type3A_41, %cond3A_42 : i32
      scf.if %cond3A_43 {
        %add3A_54 = arith.constant 1 : i32
        %add3A_55 = arith.addi %add3A_36, %add3A_54 : i32
        %get3A_56 = arith.index_cast %add3A_55 : i32 to index
        %get3A_57 = arith.constant 0 : index
        %get3A_58 = tpu.vector_load %arg5[%get3A_56, %get3A_57] {strides = array<i32>} : memref<16x16xi32, #tpu.memory_space<vmem>>, vector<1x16xi32>,
        %get3A_59 = vector.shape_cast %get3A_58 : vector<1x16xi32> to vector<16xi32>
        %dma_start3A_60 = arith.constant 0 : i32
        %dma_start3A_61 = arith.constant 0 : i32
        %dma_start3A_62 = tpu.memref_slice %arg2[%dma_start3A_60, %dma_start3A_61] : memref<8192x2048xf32, #tpu.memory_space<hbm>> -> memref<8192x2048xf32, #tpu.memory_space<hbm>>
        tpu.enqueue_indirect_dma source(%dma_start3A_62 : memref<8192x2048xf32, #tpu.memory_space<hbm>>) target(%arg6 : memref<16x2048xf32, #tpu.memory_space<vmem>>) offsets(%get3A_59 : vector<16xi32>) semaphore(%arg8 : memref<!tpu.dma_semaphore, #tpu.memory_space<semaphore_mem>>)
      } else {
      }
      %dma_wait3A_44 = arith.constant 0 : i32
      %dma_wait3A_45 = arith.constant 0 : i32
      %dma_wait3A_46 = tpu.memref_slice %arg2[%dma_wait3A_44, %dma_wait3A_45] : memref<8192x2048xf32, #tpu.memory_space<hbm>> -> memref<16x2048xf32, #tpu.memory_space<hbm>>
      %dma_wait3A_47 = arith.constant 0 : i32
      %dma_wait3A_48 = arith.constant 0 : i32
      %dma_wait3A_49 = tpu.memref_slice %arg2[%dma_wait3A_47, %dma_wait3A_48] : memref<8192x2048xf32, #tpu.memory_space<hbm>> -> memref<16x2048xf32, #tpu.memory_space<hbm>>
      tpu.wait_dma2 semaphore(%arg9 : memref<!tpu.dma_semaphore, #tpu.memory_space<semaphore_mem>>) src(%dma_wait3A_49 : memref<16x2048xf32, #tpu.memory_space<hbm>>) dst(%arg7 : memref<16x2048xf32, #tpu.memory_space<vmem>>)
      %mul3A_50 = arith.constant 16 : i32
      %mul3A_51 = arith.muli %add3A_36, %mul3A_50 : i32
      %add3A_52 = arith.addi %mul3A_2, %mul3A_51 : i32
      "tpu.region"() ({
        %run_scoped3A = tpu.sem_alloc : memref<!tpu.dma_semaphore, #tpu.memory_space<semaphore_mem>>
        %dma_start3A_54 = arith.constant 0 : i32
        %dma_start3A_55 = tpu.memref_slice %arg4[%add3A_52, %dma_start3A_54] : memref<8192x2048xf32, #tpu.memory_space<hbm>> -> memref<16x2048xf32, #tpu.memory_space<hbm>>
        %dma_start3A_56 = arith.constant 0 : i32
        %dma_start3A_57 = tpu.memref_slice %arg4[%add3A_52, %dma_start3A_56] : memref<8192x2048xf32, #tpu.memory_space<hbm>> -> memref<16x2048xf32, #tpu.memory_space<hbm>>
        tpu.enqueue_dma source(%arg7 : memref<16x2048xf32, #tpu.memory_space<vmem>>) target(%dma_start3A_57 : memref<16x2048xf32, #tpu.memory_space<hbm>>) target_semaphore(%run_scoped3A : memref<!tpu.dma_semaphore, #tpu.memory_space<semaphore_mem>>)
        %dma_wait3A_58 = arith.constant 0 : i32
        %dma_wait3A_59 = tpu.memref_slice %arg4[%add3A_52, %dma_wait3A_58] : memref<8192x2048xf32, #tpu.memory_space<hbm>> -> memref<16x2048xf32, #tpu.memory_space<hbm>>
        %dma_wait3A_60 = arith.constant 0 : i32
        %dma_wait3A_61 = tpu.memref_slice %arg4[%add3A_52, %dma_wait3A_60] : memref<8192x2048xf32, #tpu.memory_space<hbm>> -> memref<16x2048xf32, #tpu.memory_space<hbm>>
        tpu.wait_dma2 semaphore(%run_scoped3A : memref<!tpu.dma_semaphore, #tpu.memory_space<semaphore_mem>>) src(%arg7 : memref<16x2048xf32, #tpu.memory_space<vmem>>) dst(%dma_wait3A_61 : memref<16x2048xf32, #tpu.memory_space<hbm>>)
        tpu.yield
      }) : () -> ()
      %scan3A_53 = arith.constant 0 : i32
      scf.yield %scan3A_53 : i32
    }
    %scan3A_14 = arith.constant 8 : i32
    return
  }
}

module attributes {stable_mosaic.version = 14 : i64} {
  func.func @_rank_body(%arg0: i32, %arg1: i32, %arg2: memref<1x128x8xi32, #tpu.memory_space<vmem>>, %arg3: memref<1x8x4096xi32, #tpu.memory_space<vmem>>, %arg4: memref<1x128x8xi32, #tpu.memory_space<vmem>>) attributes {dimension_semantics = [#tpu.dimension_semantics<arbitrary>, #tpu.dimension_semantics<arbitrary>], iteration_bounds = array<i64: 6, 32>, scalar_prefetch = 0 : i64, scratch_operands = 0 : i64, tpu.core_type = #tpu.core_type<tc>, window_params = [{transform_indices = @transform_0, window_bounds = array<i64: 1, 128, 8>}, {transform_indices = @transform_1, window_bounds = array<i64: 1, 8, 4096>}, {transform_indices = @transform_2, window_bounds = array<i64: 1, 128, 8>}]} {
    %get3A = arith.constant 0 : index
    %get3A_0 = arith.constant 0 : index
    %get3A_1 = arith.constant 0 : index
    %get3A_2 = vector.load %arg2[%get3A, %get3A_0, %get3A_1] : memref<1x128x8xi32, #tpu.memory_space<vmem>>, vector<1x128x8xi32>
    %get3A_3 = vector.shape_cast %get3A_2 : vector<1x128x8xi32> to vector<128x8xi32>
    %slice3A = vector.extract_strided_slice %get3A_3 {offsets = [0, 0], sizes = [128, 1], strides = [1, 1]} : vector<128x8xi32> to vector<128x1xi32>
    %get3A_4 = arith.constant 0 : index
    %get3A_5 = arith.constant 0 : index
    %get3A_6 = arith.constant 0 : index
    %get3A_7 = vector.load %arg3[%get3A_4, %get3A_5, %get3A_6] : memref<1x8x4096xi32, #tpu.memory_space<vmem>>, vector<1x8x4096xi32>
    %get3A_8 = vector.shape_cast %get3A_7 : vector<1x8x4096xi32> to vector<8x4096xi32>
    %slice3A_9 = vector.extract_strided_slice %get3A_8 {offsets = [0, 0], sizes = [1, 4096], strides = [1, 1]} : vector<8x4096xi32> to vector<1x4096xi32>
    %iota3A = tpu.iota {dimensions = array<i32: 1>} : vector<1x4096xi32>
    %mul3A = arith.constant 128 : i32
    %mul3A_10 = arith.muli %arg1, %mul3A : i32
    %iota3A_11 = tpu.iota {dimensions = array<i32: 0>} : vector<128x1xi32>
    %add3A = vector.broadcast %mul3A_10 : i32 to vector<128x1xi32>
    %add3A_12 = arith.addi %add3A, %iota3A_11 : vector<128x1xi32>
    %lt3A = vector.broadcast %slice3A_9 : vector<1x4096xi32> to vector<128x4096xi32>
    %lt3A_13 = vector.broadcast %slice3A : vector<128x1xi32> to vector<128x4096xi32>
    %lt3A_14 = arith.cmpi slt, %lt3A, %lt3A_13 : vector<128x4096xi32>
    %convert_element_type3A = arith.extui %lt3A_14 : vector<128x4096xi1> to vector<128x4096xi32>
    %eq3A = vector.broadcast %slice3A_9 : vector<1x4096xi32> to vector<128x4096xi32>
    %eq3A_15 = vector.broadcast %slice3A : vector<128x1xi32> to vector<128x4096xi32>
    %eq3A_16 = arith.cmpi eq, %eq3A, %eq3A_15 : vector<128x4096xi32>
    %lt3A_17 = vector.broadcast %iota3A : vector<1x4096xi32> to vector<128x4096xi32>
    %lt3A_18 = vector.broadcast %add3A_12 : vector<128x1xi32> to vector<128x4096xi32>
    %lt3A_19 = arith.cmpi slt, %lt3A_17, %lt3A_18 : vector<128x4096xi32>
    %and3A = arith.andi %eq3A_16, %lt3A_19 : vector<128x4096xi1>
    %jit3A = arith.constant 1 : i32
    %jit3A_20 = arith.constant 0 : i32
    %broadcast_in_dim3A = vector.broadcast %jit3A : i32 to vector<128x4096xi32>
    %broadcast_in_dim3A_21 = vector.broadcast %jit3A_20 : i32 to vector<128x4096xi32>
    %select_n3A = arith.select %and3A, %broadcast_in_dim3A, %broadcast_in_dim3A_21 : vector<128x4096xi1>, vector<128x4096xi32>
    %add3A_22 = arith.addi %convert_element_type3A, %select_n3A : vector<128x4096xi32>
    %reduce_sum3A = arith.constant dense<0> : vector<128xi32>
    %reduce_sum3A_23 = vector.multi_reduction <add>, %add3A_22, %reduce_sum3A [1] : vector<128x4096xi32> to vector<128xi32>
    %broadcast_in_dim3A_24 = vector.shape_cast %reduce_sum3A_23 : vector<128xi32> to vector<128x1xi32>
    %jit3A_25 = arith.constant 2 : i32
    %eq3A_26 = arith.constant 0 : i32
    %eq3A_27 = arith.cmpi eq, %jit3A_25, %eq3A_26 : i32
    %jit3A_28 = arith.constant 1 : i32
    %select_n3A_29 = arith.select %eq3A_27, %jit3A_28, %jit3A_25 : i32
    %rem3A = arith.remsi %arg0, %select_n3A_29 : i32
    %ne3A = arith.constant 0 : i32
    %ne3A_30 = arith.cmpi ne, %rem3A, %ne3A : i32
    %lt3A_31 = arith.constant 0 : i32
    %lt3A_32 = arith.cmpi slt, %rem3A, %lt3A_31 : i32
    %lt3A_33 = arith.constant 0 : i32
    %lt3A_34 = arith.cmpi slt, %select_n3A_29, %lt3A_33 : i32
    %ne3A_35 = arith.xori %lt3A_32, %lt3A_34 : i1
    %and3A_36 = arith.andi %ne3A_35, %ne3A_30 : i1
    %add3A_37 = arith.addi %rem3A, %select_n3A_29 : i32
    %select_n3A_38 = arith.select %and3A_36, %add3A_37, %rem3A : i32
    %mul3A_39 = arith.constant 4096 : i32
    %mul3A_40 = arith.muli %select_n3A_38, %mul3A_39 : i32
    %add3A_41 = vector.broadcast %mul3A_40 : i32 to vector<128x1xi32>
    %add3A_42 = arith.addi %broadcast_in_dim3A_24, %add3A_41 : vector<128x1xi32>
    %broadcast_in_dim3A_43 = vector.shape_cast %add3A_42 : vector<128x1xi32> to vector<128x1xi32>
    %broadcast_in_dim3A_44 = vector.broadcast %broadcast_in_dim3A_43 : vector<128x1xi32> to vector<128x8xi32>
    %swap3A = arith.constant 0 : index
    %swap3A_45 = arith.constant 0 : index
    %swap3A_46 = arith.constant 0 : index
    %swap3A_47 = vector.load %arg4[%swap3A, %swap3A_45, %swap3A_46] : memref<1x128x8xi32, #tpu.memory_space<vmem>>, vector<1x128x8xi32>
    %swap3A_48 = vector.shape_cast %swap3A_47 : vector<1x128x8xi32> to vector<128x8xi32>
    %swap3A_49 = vector.shape_cast %broadcast_in_dim3A_44 : vector<128x8xi32> to vector<1x128x8xi32>
    tpu.vector_store %arg4[%swap3A, %swap3A_45, %swap3A_46], %swap3A_49 {strides = array<i32>} : memref<1x128x8xi32, #tpu.memory_space<vmem>>, vector<1x128x8xi32>,
    return
  }
  func.func @transform_0(%arg0: i32, %arg1: i32) -> (i32, i32, i32) {
    %c0_i32 = arith.constant 0 : i32
    %c0_i32_0 = arith.constant 0 : i32
    return %arg0, %arg1, %c0_i32 : i32, i32, i32
  }
  func.func @transform_1(%arg0: i32, %arg1: i32) -> (i32, i32, i32) {
    %c0_i32 = arith.constant 0 : i32
    %c0_i32_0 = arith.constant 0 : i32
    %c0_i32_1 = arith.constant 0 : i32
    return %arg0, %c0_i32, %c0_i32_0 : i32, i32, i32
  }
  func.func @transform_2(%arg0: i32, %arg1: i32) -> (i32, i32, i32) {
    %c0_i32 = arith.constant 0 : i32
    %c0_i32_0 = arith.constant 0 : i32
    return %arg0, %arg1, %c0_i32 : i32, i32, i32
  }
}

module attributes {stable_mosaic.version = 14 : i64} {
  func.func @_qkv_body(%arg0: i32, %arg1: i32, %arg2: i32, %arg3: memref<256x2048xbf16, #tpu.memory_space<vmem>>, %arg4: memref<1x2048x1024xbf16, #tpu.memory_space<vmem>>, %arg5: memref<1x8x1024xf32, #tpu.memory_space<vmem>>, %arg6: memref<1x256x1024xf32, #tpu.memory_space<vmem>>) attributes {dimension_semantics = [#tpu.dimension_semantics<arbitrary>, #tpu.dimension_semantics<arbitrary>, #tpu.dimension_semantics<arbitrary>], iteration_bounds = array<i64: 3, 2, 32>, scalar_prefetch = 0 : i64, scratch_operands = 0 : i64, tpu.core_type = #tpu.core_type<tc>, window_params = [{transform_indices = @transform_0, window_bounds = array<i64: 256, 2048>}, {transform_indices = @transform_1, window_bounds = array<i64: 1, 2048, 1024>}, {transform_indices = @transform_2, window_bounds = array<i64: 1, 8, 1024>}, {transform_indices = @transform_3, window_bounds = array<i64: 1, 256, 1024>}]} {
    %get3A = arith.constant 0 : index
    %get3A_0 = arith.constant 0 : index
    %get3A_1 = vector.load %arg3[%get3A, %get3A_0] : memref<256x2048xbf16, #tpu.memory_space<vmem>>, vector<256x2048xbf16>
    %get3A_2 = arith.constant 0 : index
    %get3A_3 = arith.constant 0 : index
    %get3A_4 = arith.constant 0 : index
    %get3A_5 = vector.load %arg4[%get3A_2, %get3A_3, %get3A_4] : memref<1x2048x1024xbf16, #tpu.memory_space<vmem>>, vector<1x2048x1024xbf16>
    %get3A_6 = vector.shape_cast %get3A_5 : vector<1x2048x1024xbf16> to vector<2048x1024xbf16>
    %dot_general3A = arith.constant dense<0.000000e+00> : vector<256x1024xf32>
    %dot_general3A_7 = tpu.matmul %get3A_1, %get3A_6, %dot_general3A {dimension_numbers = #tpu.dot_dimension_numbers<[1], [0], [0], [1], [0, 0, 1, 1], [], []>, transpose_lhs_hint = false} : vector<256x2048xbf16>, vector<2048x1024xbf16>, vector<256x1024xf32> -> vector<256x1024xf32>
    %get3A_8 = arith.constant 0 : index
    %get3A_9 = arith.constant 0 : index
    %get3A_10 = arith.constant 0 : index
    %get3A_11 = vector.load %arg5[%get3A_8, %get3A_9, %get3A_10] : memref<1x8x1024xf32, #tpu.memory_space<vmem>>, vector<1x1x1024xf32>
    %get3A_12 = vector.shape_cast %get3A_11 : vector<1x1x1024xf32> to vector<1x1024xf32>
    %add3A = vector.broadcast %get3A_12 : vector<1x1024xf32> to vector<256x1024xf32>
    %add3A_13 = arith.addf %dot_general3A_7, %add3A : vector<256x1024xf32>
    %swap3A = arith.constant 0 : index
    %swap3A_14 = arith.constant 0 : index
    %swap3A_15 = arith.constant 0 : index
    %swap3A_16 = vector.load %arg6[%swap3A, %swap3A_14, %swap3A_15] : memref<1x256x1024xf32, #tpu.memory_space<vmem>>, vector<1x256x1024xf32>
    %swap3A_17 = vector.shape_cast %swap3A_16 : vector<1x256x1024xf32> to vector<256x1024xf32>
    %swap3A_18 = vector.shape_cast %add3A_13 : vector<256x1024xf32> to vector<1x256x1024xf32>
    tpu.vector_store %arg6[%swap3A, %swap3A_14, %swap3A_15], %swap3A_18 {strides = array<i32>} : memref<1x256x1024xf32, #tpu.memory_space<vmem>>, vector<1x256x1024xf32>,
    return
  }
  func.func @transform_0(%arg0: i32, %arg1: i32, %arg2: i32) -> (i32, i32) {
    %c0_i32 = arith.constant 0 : i32
    %c0_i32_0 = arith.constant 0 : i32
    return %arg2, %c0_i32 : i32, i32
  }
  func.func @transform_1(%arg0: i32, %arg1: i32, %arg2: i32) -> (i32, i32, i32) {
    %c0_i32 = arith.constant 0 : i32
    %c0_i32_0 = arith.constant 0 : i32
    return %arg0, %c0_i32, %arg1 : i32, i32, i32
  }
  func.func @transform_2(%arg0: i32, %arg1: i32, %arg2: i32) -> (i32, i32, i32) {
    %c0_i32 = arith.constant 0 : i32
    %c0_i32_0 = arith.constant 0 : i32
    return %arg0, %c0_i32, %arg1 : i32, i32, i32
  }
  func.func @transform_3(%arg0: i32, %arg1: i32, %arg2: i32) -> (i32, i32, i32) {
    %c0_i32 = arith.constant 0 : i32
    return %arg0, %arg2, %arg1 : i32, i32, i32
  }
}

module attributes {stable_mosaic.version = 14 : i64} {
  func.func @_attn_body(%arg0: i32, %arg1: i32, %arg2: memref<256x2048xf32, #tpu.memory_space<vmem>>, %arg3: memref<256x2048xf32, #tpu.memory_space<vmem>>, %arg4: memref<256x2048xf32, #tpu.memory_space<vmem>>, %arg5: memref<256x2048xf32, #tpu.memory_space<vmem>>, %arg6: memref<256x2048xf32, #tpu.memory_space<vmem>>, %arg7: memref<256x2048xf32, #tpu.memory_space<vmem>>) attributes {dimension_semantics = [#tpu.dimension_semantics<arbitrary>, #tpu.dimension_semantics<arbitrary>], iteration_bounds = array<i64: 2, 16>, scalar_prefetch = 0 : i64, scratch_operands = 0 : i64, tpu.core_type = #tpu.core_type<tc>, window_params = [{transform_indices = @transform_0, window_bounds = array<i64: 256, 2048>}, {transform_indices = @transform_1, window_bounds = array<i64: 256, 2048>}, {transform_indices = @transform_2, window_bounds = array<i64: 256, 2048>}, {transform_indices = @transform_3, window_bounds = array<i64: 256, 2048>}, {transform_indices = @transform_4, window_bounds = array<i64: 256, 2048>}, {transform_indices = @transform_5, window_bounds = array<i64: 256, 2048>}]} {
    %mul3A = arith.constant 256 : i32
    %mul3A_0 = arith.muli %arg1, %mul3A : i32
    %iota3A = tpu.iota {dimensions = array<i32: 0>} : vector<256x1xi32>
    %add3A = vector.broadcast %mul3A_0 : i32 to vector<256x1xi32>
    %add3A_1 = arith.addi %add3A, %iota3A : vector<256x1xi32>
    %jit3A = arith.constant 256 : i32
    %div3A = vector.broadcast %jit3A : i32 to vector<256x1xi32>
    %div3A_2 = arith.divsi %add3A_1, %div3A : vector<256x1xi32>
    %sign3A = arith.constant 0 : i32
    %sign3A_3 = vector.broadcast %sign3A : i32 to vector<256x1xi32>
    %sign3A_4 = arith.cmpi sgt, %add3A_1, %sign3A_3 : vector<256x1xi32>
    %sign3A_5 = arith.extui %sign3A_4 : vector<256x1xi1> to vector<256x1xi32>
    %sign3A_6 = arith.constant 0 : i32
    %sign3A_7 = vector.broadcast %sign3A_6 : i32 to vector<256x1xi32>
    %sign3A_8 = arith.cmpi slt, %add3A_1, %sign3A_7 : vector<256x1xi32>
    %sign3A_9 = arith.extui %sign3A_8 : vector<256x1xi1> to vector<256x1xi32>
    %sign3A_10 = arith.subi %sign3A_5, %sign3A_9 : vector<256x1xi32>
    %sign3A_11 = arith.constant 0 : i32
    %sign3A_12 = arith.cmpi sgt, %jit3A, %sign3A_11 : i32
    %sign3A_13 = arith.extui %sign3A_12 : i1 to i32
    %sign3A_14 = arith.constant 0 : i32
    %sign3A_15 = arith.cmpi slt, %jit3A, %sign3A_14 : i32
    %sign3A_16 = arith.extui %sign3A_15 : i1 to i32
    %sign3A_17 = arith.subi %sign3A_13, %sign3A_16 : i32
    %ne3A = vector.broadcast %sign3A_17 : i32 to vector<256x1xi32>
    %ne3A_18 = arith.cmpi ne, %sign3A_10, %ne3A : vector<256x1xi32>
    %rem3A = vector.broadcast %jit3A : i32 to vector<256x1xi32>
    %rem3A_19 = arith.remsi %add3A_1, %rem3A : vector<256x1xi32>
    %ne3A_20 = arith.constant 0 : i32
    %ne3A_21 = vector.broadcast %ne3A_20 : i32 to vector<256x1xi32>
    %ne3A_22 = arith.cmpi ne, %rem3A_19, %ne3A_21 : vector<256x1xi32>
    %and3A = arith.andi %ne3A_18, %ne3A_22 : vector<256x1xi1>
    %sub3A = arith.constant 1 : i32
    %sub3A_23 = vector.broadcast %sub3A : i32 to vector<256x1xi32>
    %sub3A_24 = arith.subi %div3A_2, %sub3A_23 : vector<256x1xi32>
    %select_n3A = arith.select %and3A, %sub3A_24, %div3A_2 : vector<256x1xi1>, vector<256x1xi32>
    %sub3A_25 = arith.constant 1 : i32
    %sub3A_26 = arith.subi %arg1, %sub3A_25 : i32
    %mul3A_27 = arith.constant 256 : i32
    %mul3A_28 = arith.muli %sub3A_26, %mul3A_27 : i32
    %iota3A_29 = tpu.iota {dimensions = array<i32: 1>} : vector<1x512xi32>
    %add3A_30 = vector.broadcast %mul3A_28 : i32 to vector<1x512xi32>
    %add3A_31 = arith.addi %add3A_30, %iota3A_29 : vector<1x512xi32>
    %sub3A_32 = arith.constant 1 : i32
    %sub3A_33 = vector.broadcast %sub3A_32 : i32 to vector<256x1xi32>
    %sub3A_34 = arith.subi %select_n3A, %sub3A_33 : vector<256x1xi32>
    %mul3A_35 = arith.constant 256 : i32
    %mul3A_36 = vector.broadcast %mul3A_35 : i32 to vector<256x1xi32>
    %mul3A_37 = arith.muli %sub3A_34, %mul3A_36 : vector<256x1xi32>
    %ge3A = vector.broadcast %add3A_31 : vector<1x512xi32> to vector<256x512xi32>
    %ge3A_38 = vector.broadcast %mul3A_37 : vector<256x1xi32> to vector<256x512xi32>
    %ge3A_39 = arith.cmpi sge, %ge3A, %ge3A_38 : vector<256x512xi32>
    %add3A_40 = arith.constant 1 : i32
    %add3A_41 = vector.broadcast %add3A_40 : i32 to vector<256x1xi32>
    %add3A_42 = arith.addi %select_n3A, %add3A_41 : vector<256x1xi32>
    %mul3A_43 = arith.constant 256 : i32
    %mul3A_44 = vector.broadcast %mul3A_43 : i32 to vector<256x1xi32>
    %mul3A_45 = arith.muli %add3A_42, %mul3A_44 : vector<256x1xi32>
    %lt3A = vector.broadcast %add3A_31 : vector<1x512xi32> to vector<256x512xi32>
    %lt3A_46 = vector.broadcast %mul3A_45 : vector<256x1xi32> to vector<256x512xi32>
    %lt3A_47 = arith.cmpi slt, %lt3A, %lt3A_46 : vector<256x512xi32>
    %and3A_48 = arith.andi %ge3A_39, %lt3A_47 : vector<256x512xi1>
    %ge3A_49 = arith.constant 0 : i32
    %ge3A_50 = vector.broadcast %ge3A_49 : i32 to vector<1x512xi32>
    %ge3A_51 = arith.cmpi sge, %add3A_31, %ge3A_50 : vector<1x512xi32>
    %and3A_52 = vector.broadcast %ge3A_51 : vector<1x512xi1> to vector<256x512xi1>
    %and3A_53 = arith.andi %and3A_48, %and3A_52 : vector<256x512xi1>
    %get3A = arith.constant 0 : index
    %get3A_54 = arith.constant 0 : index
    %get3A_55 = vector.load %arg2[%get3A, %get3A_54] : memref<256x2048xf32, #tpu.memory_space<vmem>>, vector<256x128xf32>
    %convert_element_type3A = arith.truncf %get3A_55 : vector<256x128xf32> to vector<256x128xbf16>
    %get3A_56 = arith.constant 0 : index
    %get3A_57 = arith.constant 0 : index
    %get3A_58 = vector.load %arg3[%get3A_56, %get3A_57] : memref<256x2048xf32, #tpu.memory_space<vmem>>, vector<256x128xf32>
    %get3A_59 = arith.constant 0 : index
    %get3A_60 = arith.constant 0 : index
    %get3A_61 = vector.load %arg4[%get3A_59, %get3A_60] : memref<256x2048xf32, #tpu.memory_space<vmem>>, vector<256x128xf32>
    %concatenate3A = tpu.concatenate %get3A_58, %get3A_61 in 0 : vector<256x128xf32>, vector<256x128xf32> -> vector<512x128xf32>
    %convert_element_type3A_62 = arith.truncf %concatenate3A : vector<512x128xf32> to vector<512x128xbf16>
    %dot_general3A = arith.constant dense<0.000000e+00> : vector<256x512xf32>
    %dot_general3A_63 = tpu.matmul %convert_element_type3A, %convert_element_type3A_62, %dot_general3A {dimension_numbers = #tpu.dot_dimension_numbers<[1], [1], [0], [0], [0, 0, 1, 0], [], []>, transpose_lhs_hint = false} : vector<256x128xbf16>, vector<512x128xbf16>, vector<256x512xf32> -> vector<256x512xf32>
    %mul3A_64 = arith.constant 0.0883883461 : f32
    %mul3A_65 = vector.broadcast %mul3A_64 : f32 to vector<256x512xf32>
    %mul3A_66 = arith.mulf %dot_general3A_63, %mul3A_65 : vector<256x512xf32>
    %jit3A_67 = arith.constant -1.000000e+30 : f32
    %broadcast_in_dim3A = vector.broadcast %jit3A_67 : f32 to vector<256x512xf32>
    %select_n3A_68 = arith.select %and3A_53, %mul3A_66, %broadcast_in_dim3A : vector<256x512xi1>, vector<256x512xf32>
    %reduce_max3A = arith.constant dense<0xFF800000> : vector<256xf32>
    %reduce_max3A_69 = vector.multi_reduction <maximumf>, %select_n3A_68, %reduce_max3A [1] : vector<256x512xf32> to vector<256xf32>
    %broadcast_in_dim3A_70 = vector.shape_cast %reduce_max3A_69 : vector<256xf32> to vector<256x1xf32>
    %sub3A_71 = vector.broadcast %broadcast_in_dim3A_70 : vector<256x1xf32> to vector<256x512xf32>
    %sub3A_72 = arith.subf %select_n3A_68, %sub3A_71 : vector<256x512xf32>
    %exp3A = math.exp %sub3A_72 : vector<256x512xf32>
    %reduce_sum3A = arith.constant dense<0.000000e+00> : vector<256xf32>
    %reduce_sum3A_73 = vector.multi_reduction <add>, %exp3A, %reduce_sum3A [1] : vector<256x512xf32> to vector<256xf32>
    %broadcast_in_dim3A_74 = vector.shape_cast %reduce_sum3A_73 : vector<256xf32> to vector<256x1xf32>
    %div3A_75 = vector.broadcast %broadcast_in_dim3A_74 : vector<256x1xf32> to vector<256x512xf32>
    %div3A_76 = arith.divf %exp3A, %div3A_75 : vector<256x512xf32>
    %convert_element_type3A_77 = arith.truncf %div3A_76 : vector<256x512xf32> to vector<256x512xbf16>
    %get3A_78 = arith.constant 0 : index
    %get3A_79 = arith.constant 0 : index
    %get3A_80 = vector.load %arg5[%get3A_78, %get3A_79] : memref<256x2048xf32, #tpu.memory_space<vmem>>, vector<256x128xf32>
    %get3A_81 = arith.constant 0 : index
    %get3A_82 = arith.constant 0 : index
    %get3A_83 = vector.load %arg6[%get3A_81, %get3A_82] : memref<256x2048xf32, #tpu.memory_space<vmem>>, vector<256x128xf32>
    %concatenate3A_84 = tpu.concatenate %get3A_80, %get3A_83 in 0 : vector<256x128xf32>, vector<256x128xf32> -> vector<512x128xf32>
    %convert_element_type3A_85 = arith.truncf %concatenate3A_84 : vector<512x128xf32> to vector<512x128xbf16>
    %dot_general3A_86 = arith.constant dense<0.000000e+00> : vector<256x128xf32>
    %dot_general3A_87 = tpu.matmul %convert_element_type3A_77, %convert_element_type3A_85, %dot_general3A_86 {dimension_numbers = #tpu.dot_dimension_numbers<[1], [0], [0], [1], [0, 0, 1, 1], [], []>, transpose_lhs_hint = false} : vector<256x512xbf16>, vector<512x128xbf16>, vector<256x128xf32> -> vector<256x128xf32>
    %swap3A = arith.constant 0 : index
    %swap3A_88 = arith.constant 0 : index
    %swap3A_89 = vector.load %arg7[%swap3A, %swap3A_88] : memref<256x2048xf32, #tpu.memory_space<vmem>>, vector<256x128xf32>
    tpu.vector_store %arg7[%swap3A, %swap3A_88], %dot_general3A_87 {strides = array<i32>} : memref<256x2048xf32, #tpu.memory_space<vmem>>, vector<256x128xf32>,
    %get3A_90 = arith.constant 0 : index
    %get3A_91 = arith.constant 128 : index
    %get3A_92 = vector.load %arg2[%get3A_90, %get3A_91] : memref<256x2048xf32, #tpu.memory_space<vmem>>, vector<256x128xf32>
    %convert_element_type3A_93 = arith.truncf %get3A_92 : vector<256x128xf32> to vector<256x128xbf16>
    %get3A_94 = arith.constant 0 : index
    %get3A_95 = arith.constant 128 : index
    %get3A_96 = vector.load %arg3[%get3A_94, %get3A_95] : memref<256x2048xf32, #tpu.memory_space<vmem>>, vector<256x128xf32>
    %get3A_97 = arith.constant 0 : index
    %get3A_98 = arith.constant 128 : index
    %get3A_99 = vector.load %arg4[%get3A_97, %get3A_98] : memref<256x2048xf32, #tpu.memory_space<vmem>>, vector<256x128xf32>
    %concatenate3A_100 = tpu.concatenate %get3A_96, %get3A_99 in 0 : vector<256x128xf32>, vector<256x128xf32> -> vector<512x128xf32>
    %convert_element_type3A_101 = arith.truncf %concatenate3A_100 : vector<512x128xf32> to vector<512x128xbf16>
    %dot_general3A_102 = arith.constant dense<0.000000e+00> : vector<256x512xf32>
    %dot_general3A_103 = tpu.matmul %convert_element_type3A_93, %convert_element_type3A_101, %dot_general3A_102 {dimension_numbers = #tpu.dot_dimension_numbers<[1], [1], [0], [0], [0, 0, 1, 0], [], []>, transpose_lhs_hint = false} : vector<256x128xbf16>, vector<512x128xbf16>, vector<256x512xf32> -> vector<256x512xf32>
    %mul3A_104 = arith.constant 0.0883883461 : f32
    %mul3A_105 = vector.broadcast %mul3A_104 : f32 to vector<256x512xf32>
    %mul3A_106 = arith.mulf %dot_general3A_103, %mul3A_105 : vector<256x512xf32>
    %jit3A_107 = arith.constant -1.000000e+30 : f32
    %broadcast_in_dim3A_108 = vector.broadcast %jit3A_107 : f32 to vector<256x512xf32>
    %select_n3A_109 = arith.select %and3A_53, %mul3A_106, %broadcast_in_dim3A_108 : vector<256x512xi1>, vector<256x512xf32>
    %reduce_max3A_110 = arith.constant dense<0xFF800000> : vector<256xf32>
    %reduce_max3A_111 = vector.multi_reduction <maximumf>, %select_n3A_109, %reduce_max3A_110 [1] : vector<256x512xf32> to vector<256xf32>
    %broadcast_in_dim3A_112 = vector.shape_cast %reduce_max3A_111 : vector<256xf32> to vector<256x1xf32>
    %sub3A_113 = vector.broadcast %broadcast_in_dim3A_112 : vector<256x1xf32> to vector<256x512xf32>
    %sub3A_114 = arith.subf %select_n3A_109, %sub3A_113 : vector<256x512xf32>
    %exp3A_115 = math.exp %sub3A_114 : vector<256x512xf32>
    %reduce_sum3A_116 = arith.constant dense<0.000000e+00> : vector<256xf32>
    %reduce_sum3A_117 = vector.multi_reduction <add>, %exp3A_115, %reduce_sum3A_116 [1] : vector<256x512xf32> to vector<256xf32>
    %broadcast_in_dim3A_118 = vector.shape_cast %reduce_sum3A_117 : vector<256xf32> to vector<256x1xf32>
    %div3A_119 = vector.broadcast %broadcast_in_dim3A_118 : vector<256x1xf32> to vector<256x512xf32>
    %div3A_120 = arith.divf %exp3A_115, %div3A_119 : vector<256x512xf32>
    %convert_element_type3A_121 = arith.truncf %div3A_120 : vector<256x512xf32> to vector<256x512xbf16>
    %get3A_122 = arith.constant 0 : index
    %get3A_123 = arith.constant 128 : index
    %get3A_124 = vector.load %arg5[%get3A_122, %get3A_123] : memref<256x2048xf32, #tpu.memory_space<vmem>>, vector<256x128xf32>
    %get3A_125 = arith.constant 0 : index
    %get3A_126 = arith.constant 128 : index
    %get3A_127 = vector.load %arg6[%get3A_125, %get3A_126] : memref<256x2048xf32, #tpu.memory_space<vmem>>, vector<256x128xf32>
    %concatenate3A_128 = tpu.concatenate %get3A_124, %get3A_127 in 0 : vector<256x128xf32>, vector<256x128xf32> -> vector<512x128xf32>
    %convert_element_type3A_129 = arith.truncf %concatenate3A_128 : vector<512x128xf32> to vector<512x128xbf16>
    %dot_general3A_130 = arith.constant dense<0.000000e+00> : vector<256x128xf32>
    %dot_general3A_131 = tpu.matmul %convert_element_type3A_121, %convert_element_type3A_129, %dot_general3A_130 {dimension_numbers = #tpu.dot_dimension_numbers<[1], [0], [0], [1], [0, 0, 1, 1], [], []>, transpose_lhs_hint = false} : vector<256x512xbf16>, vector<512x128xbf16>, vector<256x128xf32> -> vector<256x128xf32>
    %swap3A_132 = arith.constant 0 : index
    %swap3A_133 = arith.constant 128 : index
    %swap3A_134 = vector.load %arg7[%swap3A_132, %swap3A_133] : memref<256x2048xf32, #tpu.memory_space<vmem>>, vector<256x128xf32>
    tpu.vector_store %arg7[%swap3A_132, %swap3A_133], %dot_general3A_131 {strides = array<i32>} : memref<256x2048xf32, #tpu.memory_space<vmem>>, vector<256x128xf32>,
    %get3A_135 = arith.constant 0 : index
    %get3A_136 = arith.constant 256 : index
    %get3A_137 = vector.load %arg2[%get3A_135, %get3A_136] : memref<256x2048xf32, #tpu.memory_space<vmem>>, vector<256x128xf32>
    %convert_element_type3A_138 = arith.truncf %get3A_137 : vector<256x128xf32> to vector<256x128xbf16>
    %get3A_139 = arith.constant 0 : index
    %get3A_140 = arith.constant 256 : index
    %get3A_141 = vector.load %arg3[%get3A_139, %get3A_140] : memref<256x2048xf32, #tpu.memory_space<vmem>>, vector<256x128xf32>
    %get3A_142 = arith.constant 0 : index
    %get3A_143 = arith.constant 256 : index
    %get3A_144 = vector.load %arg4[%get3A_142, %get3A_143] : memref<256x2048xf32, #tpu.memory_space<vmem>>, vector<256x128xf32>
    %concatenate3A_145 = tpu.concatenate %get3A_141, %get3A_144 in 0 : vector<256x128xf32>, vector<256x128xf32> -> vector<512x128xf32>
    %convert_element_type3A_146 = arith.truncf %concatenate3A_145 : vector<512x128xf32> to vector<512x128xbf16>
    %dot_general3A_147 = arith.constant dense<0.000000e+00> : vector<256x512xf32>
    %dot_general3A_148 = tpu.matmul %convert_element_type3A_138, %convert_element_type3A_146, %dot_general3A_147 {dimension_numbers = #tpu.dot_dimension_numbers<[1], [1], [0], [0], [0, 0, 1, 0], [], []>, transpose_lhs_hint = false} : vector<256x128xbf16>, vector<512x128xbf16>, vector<256x512xf32> -> vector<256x512xf32>
    %mul3A_149 = arith.constant 0.0883883461 : f32
    %mul3A_150 = vector.broadcast %mul3A_149 : f32 to vector<256x512xf32>
    %mul3A_151 = arith.mulf %dot_general3A_148, %mul3A_150 : vector<256x512xf32>
    %jit3A_152 = arith.constant -1.000000e+30 : f32
    %broadcast_in_dim3A_153 = vector.broadcast %jit3A_152 : f32 to vector<256x512xf32>
    %select_n3A_154 = arith.select %and3A_53, %mul3A_151, %broadcast_in_dim3A_153 : vector<256x512xi1>, vector<256x512xf32>
    %reduce_max3A_155 = arith.constant dense<0xFF800000> : vector<256xf32>
    %reduce_max3A_156 = vector.multi_reduction <maximumf>, %select_n3A_154, %reduce_max3A_155 [1] : vector<256x512xf32> to vector<256xf32>
    %broadcast_in_dim3A_157 = vector.shape_cast %reduce_max3A_156 : vector<256xf32> to vector<256x1xf32>
    %sub3A_158 = vector.broadcast %broadcast_in_dim3A_157 : vector<256x1xf32> to vector<256x512xf32>
    %sub3A_159 = arith.subf %select_n3A_154, %sub3A_158 : vector<256x512xf32>
    %exp3A_160 = math.exp %sub3A_159 : vector<256x512xf32>
    %reduce_sum3A_161 = arith.constant dense<0.000000e+00> : vector<256xf32>
    %reduce_sum3A_162 = vector.multi_reduction <add>, %exp3A_160, %reduce_sum3A_161 [1] : vector<256x512xf32> to vector<256xf32>
    %broadcast_in_dim3A_163 = vector.shape_cast %reduce_sum3A_162 : vector<256xf32> to vector<256x1xf32>
    %div3A_164 = vector.broadcast %broadcast_in_dim3A_163 : vector<256x1xf32> to vector<256x512xf32>
    %div3A_165 = arith.divf %exp3A_160, %div3A_164 : vector<256x512xf32>
    %convert_element_type3A_166 = arith.truncf %div3A_165 : vector<256x512xf32> to vector<256x512xbf16>
    %get3A_167 = arith.constant 0 : index
    %get3A_168 = arith.constant 256 : index
    %get3A_169 = vector.load %arg5[%get3A_167, %get3A_168] : memref<256x2048xf32, #tpu.memory_space<vmem>>, vector<256x128xf32>
    %get3A_170 = arith.constant 0 : index
    %get3A_171 = arith.constant 256 : index
    %get3A_172 = vector.load %arg6[%get3A_170, %get3A_171] : memref<256x2048xf32, #tpu.memory_space<vmem>>, vector<256x128xf32>
    %concatenate3A_173 = tpu.concatenate %get3A_169, %get3A_172 in 0 : vector<256x128xf32>, vector<256x128xf32> -> vector<512x128xf32>
    %convert_element_type3A_174 = arith.truncf %concatenate3A_173 : vector<512x128xf32> to vector<512x128xbf16>
    %dot_general3A_175 = arith.constant dense<0.000000e+00> : vector<256x128xf32>
    %dot_general3A_176 = tpu.matmul %convert_element_type3A_166, %convert_element_type3A_174, %dot_general3A_175 {dimension_numbers = #tpu.dot_dimension_numbers<[1], [0], [0], [1], [0, 0, 1, 1], [], []>, transpose_lhs_hint = false} : vector<256x512xbf16>, vector<512x128xbf16>, vector<256x128xf32> -> vector<256x128xf32>
    %swap3A_177 = arith.constant 0 : index
    %swap3A_178 = arith.constant 256 : index
    %swap3A_179 = vector.load %arg7[%swap3A_177, %swap3A_178] : memref<256x2048xf32, #tpu.memory_space<vmem>>, vector<256x128xf32>
    tpu.vector_store %arg7[%swap3A_177, %swap3A_178], %dot_general3A_176 {strides = array<i32>} : memref<256x2048xf32, #tpu.memory_space<vmem>>, vector<256x128xf32>,
    %get3A_180 = arith.constant 0 : index
    %get3A_181 = arith.constant 384 : index
    %get3A_182 = vector.load %arg2[%get3A_180, %get3A_181] : memref<256x2048xf32, #tpu.memory_space<vmem>>, vector<256x128xf32>
    %convert_element_type3A_183 = arith.truncf %get3A_182 : vector<256x128xf32> to vector<256x128xbf16>
    %get3A_184 = arith.constant 0 : index
    %get3A_185 = arith.constant 384 : index
    %get3A_186 = vector.load %arg3[%get3A_184, %get3A_185] : memref<256x2048xf32, #tpu.memory_space<vmem>>, vector<256x128xf32>
    %get3A_187 = arith.constant 0 : index
    %get3A_188 = arith.constant 384 : index
    %get3A_189 = vector.load %arg4[%get3A_187, %get3A_188] : memref<256x2048xf32, #tpu.memory_space<vmem>>, vector<256x128xf32>
    %concatenate3A_190 = tpu.concatenate %get3A_186, %get3A_189 in 0 : vector<256x128xf32>, vector<256x128xf32> -> vector<512x128xf32>
    %convert_element_type3A_191 = arith.truncf %concatenate3A_190 : vector<512x128xf32> to vector<512x128xbf16>
    %dot_general3A_192 = arith.constant dense<0.000000e+00> : vector<256x512xf32>
    %dot_general3A_193 = tpu.matmul %convert_element_type3A_183, %convert_element_type3A_191, %dot_general3A_192 {dimension_numbers = #tpu.dot_dimension_numbers<[1], [1], [0], [0], [0, 0, 1, 0], [], []>, transpose_lhs_hint = false} : vector<256x128xbf16>, vector<512x128xbf16>, vector<256x512xf32> -> vector<256x512xf32>
    %mul3A_194 = arith.constant 0.0883883461 : f32
    %mul3A_195 = vector.broadcast %mul3A_194 : f32 to vector<256x512xf32>
    %mul3A_196 = arith.mulf %dot_general3A_193, %mul3A_195 : vector<256x512xf32>
    %jit3A_197 = arith.constant -1.000000e+30 : f32
    %broadcast_in_dim3A_198 = vector.broadcast %jit3A_197 : f32 to vector<256x512xf32>
    %select_n3A_199 = arith.select %and3A_53, %mul3A_196, %broadcast_in_dim3A_198 : vector<256x512xi1>, vector<256x512xf32>
    %reduce_max3A_200 = arith.constant dense<0xFF800000> : vector<256xf32>
    %reduce_max3A_201 = vector.multi_reduction <maximumf>, %select_n3A_199, %reduce_max3A_200 [1] : vector<256x512xf32> to vector<256xf32>
    %broadcast_in_dim3A_202 = vector.shape_cast %reduce_max3A_201 : vector<256xf32> to vector<256x1xf32>
    %sub3A_203 = vector.broadcast %broadcast_in_dim3A_202 : vector<256x1xf32> to vector<256x512xf32>
    %sub3A_204 = arith.subf %select_n3A_199, %sub3A_203 : vector<256x512xf32>
    %exp3A_205 = math.exp %sub3A_204 : vector<256x512xf32>
    %reduce_sum3A_206 = arith.constant dense<0.000000e+00> : vector<256xf32>
    %reduce_sum3A_207 = vector.multi_reduction <add>, %exp3A_205, %reduce_sum3A_206 [1] : vector<256x512xf32> to vector<256xf32>
    %broadcast_in_dim3A_208 = vector.shape_cast %reduce_sum3A_207 : vector<256xf32> to vector<256x1xf32>
    %div3A_209 = vector.broadcast %broadcast_in_dim3A_208 : vector<256x1xf32> to vector<256x512xf32>
    %div3A_210 = arith.divf %exp3A_205, %div3A_209 : vector<256x512xf32>
    %convert_element_type3A_211 = arith.truncf %div3A_210 : vector<256x512xf32> to vector<256x512xbf16>
    %get3A_212 = arith.constant 0 : index
    %get3A_213 = arith.constant 384 : index
    %get3A_214 = vector.load %arg5[%get3A_212, %get3A_213] : memref<256x2048xf32, #tpu.memory_space<vmem>>, vector<256x128xf32>
    %get3A_215 = arith.constant 0 : index
    %get3A_216 = arith.constant 384 : index
    %get3A_217 = vector.load %arg6[%get3A_215, %get3A_216] : memref<256x2048xf32, #tpu.memory_space<vmem>>, vector<256x128xf32>
    %concatenate3A_218 = tpu.concatenate %get3A_214, %get3A_217 in 0 : vector<256x128xf32>, vector<256x128xf32> -> vector<512x128xf32>
    %convert_element_type3A_219 = arith.truncf %concatenate3A_218 : vector<512x128xf32> to vector<512x128xbf16>
    %dot_general3A_220 = arith.constant dense<0.000000e+00> : vector<256x128xf32>
    %dot_general3A_221 = tpu.matmul %convert_element_type3A_211, %convert_element_type3A_219, %dot_general3A_220 {dimension_numbers = #tpu.dot_dimension_numbers<[1], [0], [0], [1], [0, 0, 1, 1], [], []>, transpose_lhs_hint = false} : vector<256x512xbf16>, vector<512x128xbf16>, vector<256x128xf32> -> vector<256x128xf32>
    %swap3A_222 = arith.constant 0 : index
    %swap3A_223 = arith.constant 384 : index
    %swap3A_224 = vector.load %arg7[%swap3A_222, %swap3A_223] : memref<256x2048xf32, #tpu.memory_space<vmem>>, vector<256x128xf32>
    tpu.vector_store %arg7[%swap3A_222, %swap3A_223], %dot_general3A_221 {strides = array<i32>} : memref<256x2048xf32, #tpu.memory_space<vmem>>, vector<256x128xf32>,
    %get3A_225 = arith.constant 0 : index
    %get3A_226 = arith.constant 512 : index
    %get3A_227 = vector.load %arg2[%get3A_225, %get3A_226] : memref<256x2048xf32, #tpu.memory_space<vmem>>, vector<256x128xf32>
    %convert_element_type3A_228 = arith.truncf %get3A_227 : vector<256x128xf32> to vector<256x128xbf16>
    %get3A_229 = arith.constant 0 : index
    %get3A_230 = arith.constant 512 : index
    %get3A_231 = vector.load %arg3[%get3A_229, %get3A_230] : memref<256x2048xf32, #tpu.memory_space<vmem>>, vector<256x128xf32>
    %get3A_232 = arith.constant 0 : index
    %get3A_233 = arith.constant 512 : index
    %get3A_234 = vector.load %arg4[%get3A_232, %get3A_233] : memref<256x2048xf32, #tpu.memory_space<vmem>>, vector<256x128xf32>
    %concatenate3A_235 = tpu.concatenate %get3A_231, %get3A_234 in 0 : vector<256x128xf32>, vector<256x128xf32> -> vector<512x128xf32>
    %convert_element_type3A_236 = arith.truncf %concatenate3A_235 : vector<512x128xf32> to vector<512x128xbf16>
    %dot_general3A_237 = arith.constant dense<0.000000e+00> : vector<256x512xf32>
    %dot_general3A_238 = tpu.matmul %convert_element_type3A_228, %convert_element_type3A_236, %dot_general3A_237 {dimension_numbers = #tpu.dot_dimension_numbers<[1], [1], [0], [0], [0, 0, 1, 0], [], []>, transpose_lhs_hint = false} : vector<256x128xbf16>, vector<512x128xbf16>, vector<256x512xf32> -> vector<256x512xf32>
    %mul3A_239 = arith.constant 0.0883883461 : f32
    %mul3A_240 = vector.broadcast %mul3A_239 : f32 to vector<256x512xf32>
    %mul3A_241 = arith.mulf %dot_general3A_238, %mul3A_240 : vector<256x512xf32>
    %jit3A_242 = arith.constant -1.000000e+30 : f32
    %broadcast_in_dim3A_243 = vector.broadcast %jit3A_242 : f32 to vector<256x512xf32>
    %select_n3A_244 = arith.select %and3A_53, %mul3A_241, %broadcast_in_dim3A_243 : vector<256x512xi1>, vector<256x512xf32>
    %reduce_max3A_245 = arith.constant dense<0xFF800000> : vector<256xf32>
    %reduce_max3A_246 = vector.multi_reduction <maximumf>, %select_n3A_244, %reduce_max3A_245 [1] : vector<256x512xf32> to vector<256xf32>
    %broadcast_in_dim3A_247 = vector.shape_cast %reduce_max3A_246 : vector<256xf32> to vector<256x1xf32>
    %sub3A_248 = vector.broadcast %broadcast_in_dim3A_247 : vector<256x1xf32> to vector<256x512xf32>
    %sub3A_249 = arith.subf %select_n3A_244, %sub3A_248 : vector<256x512xf32>
    %exp3A_250 = math.exp %sub3A_249 : vector<256x512xf32>
    %reduce_sum3A_251 = arith.constant dense<0.000000e+00> : vector<256xf32>
    %reduce_sum3A_252 = vector.multi_reduction <add>, %exp3A_250, %reduce_sum3A_251 [1] : vector<256x512xf32> to vector<256xf32>
    %broadcast_in_dim3A_253 = vector.shape_cast %reduce_sum3A_252 : vector<256xf32> to vector<256x1xf32>
    %div3A_254 = vector.broadcast %broadcast_in_dim3A_253 : vector<256x1xf32> to vector<256x512xf32>
    %div3A_255 = arith.divf %exp3A_250, %div3A_254 : vector<256x512xf32>
    %convert_element_type3A_256 = arith.truncf %div3A_255 : vector<256x512xf32> to vector<256x512xbf16>
    %get3A_257 = arith.constant 0 : index
    %get3A_258 = arith.constant 512 : index
    %get3A_259 = vector.load %arg5[%get3A_257, %get3A_258] : memref<256x2048xf32, #tpu.memory_space<vmem>>, vector<256x128xf32>
    %get3A_260 = arith.constant 0 : index
    %get3A_261 = arith.constant 512 : index
    %get3A_262 = vector.load %arg6[%get3A_260, %get3A_261] : memref<256x2048xf32, #tpu.memory_space<vmem>>, vector<256x128xf32>
    %concatenate3A_263 = tpu.concatenate %get3A_259, %get3A_262 in 0 : vector<256x128xf32>, vector<256x128xf32> -> vector<512x128xf32>
    %convert_element_type3A_264 = arith.truncf %concatenate3A_263 : vector<512x128xf32> to vector<512x128xbf16>
    %dot_general3A_265 = arith.constant dense<0.000000e+00> : vector<256x128xf32>
    %dot_general3A_266 = tpu.matmul %convert_element_type3A_256, %convert_element_type3A_264, %dot_general3A_265 {dimension_numbers = #tpu.dot_dimension_numbers<[1], [0], [0], [1], [0, 0, 1, 1], [], []>, transpose_lhs_hint = false} : vector<256x512xbf16>, vector<512x128xbf16>, vector<256x128xf32> -> vector<256x128xf32>
    %swap3A_267 = arith.constant 0 : index
    %swap3A_268 = arith.constant 512 : index
    %swap3A_269 = vector.load %arg7[%swap3A_267, %swap3A_268] : memref<256x2048xf32, #tpu.memory_space<vmem>>, vector<256x128xf32>
    tpu.vector_store %arg7[%swap3A_267, %swap3A_268], %dot_general3A_266 {strides = array<i32>} : memref<256x2048xf32, #tpu.memory_space<vmem>>, vector<256x128xf32>,
    %get3A_270 = arith.constant 0 : index
    %get3A_271 = arith.constant 640 : index
    %get3A_272 = vector.load %arg2[%get3A_270, %get3A_271] : memref<256x2048xf32, #tpu.memory_space<vmem>>, vector<256x128xf32>
    %convert_element_type3A_273 = arith.truncf %get3A_272 : vector<256x128xf32> to vector<256x128xbf16>
    %get3A_274 = arith.constant 0 : index
    %get3A_275 = arith.constant 640 : index
    %get3A_276 = vector.load %arg3[%get3A_274, %get3A_275] : memref<256x2048xf32, #tpu.memory_space<vmem>>, vector<256x128xf32>
    %get3A_277 = arith.constant 0 : index
    %get3A_278 = arith.constant 640 : index
    %get3A_279 = vector.load %arg4[%get3A_277, %get3A_278] : memref<256x2048xf32, #tpu.memory_space<vmem>>, vector<256x128xf32>
    %concatenate3A_280 = tpu.concatenate %get3A_276, %get3A_279 in 0 : vector<256x128xf32>, vector<256x128xf32> -> vector<512x128xf32>
    %convert_element_type3A_281 = arith.truncf %concatenate3A_280 : vector<512x128xf32> to vector<512x128xbf16>
    %dot_general3A_282 = arith.constant dense<0.000000e+00> : vector<256x512xf32>
    %dot_general3A_283 = tpu.matmul %convert_element_type3A_273, %convert_element_type3A_281, %dot_general3A_282 {dimension_numbers = #tpu.dot_dimension_numbers<[1], [1], [0], [0], [0, 0, 1, 0], [], []>, transpose_lhs_hint = false} : vector<256x128xbf16>, vector<512x128xbf16>, vector<256x512xf32> -> vector<256x512xf32>
    %mul3A_284 = arith.constant 0.0883883461 : f32
    %mul3A_285 = vector.broadcast %mul3A_284 : f32 to vector<256x512xf32>
    %mul3A_286 = arith.mulf %dot_general3A_283, %mul3A_285 : vector<256x512xf32>
    %jit3A_287 = arith.constant -1.000000e+30 : f32
    %broadcast_in_dim3A_288 = vector.broadcast %jit3A_287 : f32 to vector<256x512xf32>
    %select_n3A_289 = arith.select %and3A_53, %mul3A_286, %broadcast_in_dim3A_288 : vector<256x512xi1>, vector<256x512xf32>
    %reduce_max3A_290 = arith.constant dense<0xFF800000> : vector<256xf32>
    %reduce_max3A_291 = vector.multi_reduction <maximumf>, %select_n3A_289, %reduce_max3A_290 [1] : vector<256x512xf32> to vector<256xf32>
    %broadcast_in_dim3A_292 = vector.shape_cast %reduce_max3A_291 : vector<256xf32> to vector<256x1xf32>
    %sub3A_293 = vector.broadcast %broadcast_in_dim3A_292 : vector<256x1xf32> to vector<256x512xf32>
    %sub3A_294 = arith.subf %select_n3A_289, %sub3A_293 : vector<256x512xf32>
    %exp3A_295 = math.exp %sub3A_294 : vector<256x512xf32>
    %reduce_sum3A_296 = arith.constant dense<0.000000e+00> : vector<256xf32>
    %reduce_sum3A_297 = vector.multi_reduction <add>, %exp3A_295, %reduce_sum3A_296 [1] : vector<256x512xf32> to vector<256xf32>
    %broadcast_in_dim3A_298 = vector.shape_cast %reduce_sum3A_297 : vector<256xf32> to vector<256x1xf32>
    %div3A_299 = vector.broadcast %broadcast_in_dim3A_298 : vector<256x1xf32> to vector<256x512xf32>
    %div3A_300 = arith.divf %exp3A_295, %div3A_299 : vector<256x512xf32>
    %convert_element_type3A_301 = arith.truncf %div3A_300 : vector<256x512xf32> to vector<256x512xbf16>
    %get3A_302 = arith.constant 0 : index
    %get3A_303 = arith.constant 640 : index
    %get3A_304 = vector.load %arg5[%get3A_302, %get3A_303] : memref<256x2048xf32, #tpu.memory_space<vmem>>, vector<256x128xf32>
    %get3A_305 = arith.constant 0 : index
    %get3A_306 = arith.constant 640 : index
    %get3A_307 = vector.load %arg6[%get3A_305, %get3A_306] : memref<256x2048xf32, #tpu.memory_space<vmem>>, vector<256x128xf32>
    %concatenate3A_308 = tpu.concatenate %get3A_304, %get3A_307 in 0 : vector<256x128xf32>, vector<256x128xf32> -> vector<512x128xf32>
    %convert_element_type3A_309 = arith.truncf %concatenate3A_308 : vector<512x128xf32> to vector<512x128xbf16>
    %dot_general3A_310 = arith.constant dense<0.000000e+00> : vector<256x128xf32>
    %dot_general3A_311 = tpu.matmul %convert_element_type3A_301, %convert_element_type3A_309, %dot_general3A_310 {dimension_numbers = #tpu.dot_dimension_numbers<[1], [0], [0], [1], [0, 0, 1, 1], [], []>, transpose_lhs_hint = false} : vector<256x512xbf16>, vector<512x128xbf16>, vector<256x128xf32> -> vector<256x128xf32>
    %swap3A_312 = arith.constant 0 : index
    %swap3A_313 = arith.constant 640 : index
    %swap3A_314 = vector.load %arg7[%swap3A_312, %swap3A_313] : memref<256x2048xf32, #tpu.memory_space<vmem>>, vector<256x128xf32>
    tpu.vector_store %arg7[%swap3A_312, %swap3A_313], %dot_general3A_311 {strides = array<i32>} : memref<256x2048xf32, #tpu.memory_space<vmem>>, vector<256x128xf32>,
    %get3A_315 = arith.constant 0 : index
    %get3A_316 = arith.constant 768 : index
    %get3A_317 = vector.load %arg2[%get3A_315, %get3A_316] : memref<256x2048xf32, #tpu.memory_space<vmem>>, vector<256x128xf32>
    %convert_element_type3A_318 = arith.truncf %get3A_317 : vector<256x128xf32> to vector<256x128xbf16>
    %get3A_319 = arith.constant 0 : index
    %get3A_320 = arith.constant 768 : index
    %get3A_321 = vector.load %arg3[%get3A_319, %get3A_320] : memref<256x2048xf32, #tpu.memory_space<vmem>>, vector<256x128xf32>
    %get3A_322 = arith.constant 0 : index
    %get3A_323 = arith.constant 768 : index
    %get3A_324 = vector.load %arg4[%get3A_322, %get3A_323] : memref<256x2048xf32, #tpu.memory_space<vmem>>, vector<256x128xf32>
    %concatenate3A_325 = tpu.concatenate %get3A_321, %get3A_324 in 0 : vector<256x128xf32>, vector<256x128xf32> -> vector<512x128xf32>
    %convert_element_type3A_326 = arith.truncf %concatenate3A_325 : vector<512x128xf32> to vector<512x128xbf16>
    %dot_general3A_327 = arith.constant dense<0.000000e+00> : vector<256x512xf32>
    %dot_general3A_328 = tpu.matmul %convert_element_type3A_318, %convert_element_type3A_326, %dot_general3A_327 {dimension_numbers = #tpu.dot_dimension_numbers<[1], [1], [0], [0], [0, 0, 1, 0], [], []>, transpose_lhs_hint = false} : vector<256x128xbf16>, vector<512x128xbf16>, vector<256x512xf32> -> vector<256x512xf32>
    %mul3A_329 = arith.constant 0.0883883461 : f32
    %mul3A_330 = vector.broadcast %mul3A_329 : f32 to vector<256x512xf32>
    %mul3A_331 = arith.mulf %dot_general3A_328, %mul3A_330 : vector<256x512xf32>
    %jit3A_332 = arith.constant -1.000000e+30 : f32
    %broadcast_in_dim3A_333 = vector.broadcast %jit3A_332 : f32 to vector<256x512xf32>
    %select_n3A_334 = arith.select %and3A_53, %mul3A_331, %broadcast_in_dim3A_333 : vector<256x512xi1>, vector<256x512xf32>
    %reduce_max3A_335 = arith.constant dense<0xFF800000> : vector<256xf32>
    %reduce_max3A_336 = vector.multi_reduction <maximumf>, %select_n3A_334, %reduce_max3A_335 [1] : vector<256x512xf32> to vector<256xf32>
    %broadcast_in_dim3A_337 = vector.shape_cast %reduce_max3A_336 : vector<256xf32> to vector<256x1xf32>
    %sub3A_338 = vector.broadcast %broadcast_in_dim3A_337 : vector<256x1xf32> to vector<256x512xf32>
    %sub3A_339 = arith.subf %select_n3A_334, %sub3A_338 : vector<256x512xf32>
    %exp3A_340 = math.exp %sub3A_339 : vector<256x512xf32>
    %reduce_sum3A_341 = arith.constant dense<0.000000e+00> : vector<256xf32>
    %reduce_sum3A_342 = vector.multi_reduction <add>, %exp3A_340, %reduce_sum3A_341 [1] : vector<256x512xf32> to vector<256xf32>
    %broadcast_in_dim3A_343 = vector.shape_cast %reduce_sum3A_342 : vector<256xf32> to vector<256x1xf32>
    %div3A_344 = vector.broadcast %broadcast_in_dim3A_343 : vector<256x1xf32> to vector<256x512xf32>
    %div3A_345 = arith.divf %exp3A_340, %div3A_344 : vector<256x512xf32>
    %convert_element_type3A_346 = arith.truncf %div3A_345 : vector<256x512xf32> to vector<256x512xbf16>
    %get3A_347 = arith.constant 0 : index
    %get3A_348 = arith.constant 768 : index
    %get3A_349 = vector.load %arg5[%get3A_347, %get3A_348] : memref<256x2048xf32, #tpu.memory_space<vmem>>, vector<256x128xf32>
    %get3A_350 = arith.constant 0 : index
    %get3A_351 = arith.constant 768 : index
    %get3A_352 = vector.load %arg6[%get3A_350, %get3A_351] : memref<256x2048xf32, #tpu.memory_space<vmem>>, vector<256x128xf32>
    %concatenate3A_353 = tpu.concatenate %get3A_349, %get3A_352 in 0 : vector<256x128xf32>, vector<256x128xf32> -> vector<512x128xf32>
    %convert_element_type3A_354 = arith.truncf %concatenate3A_353 : vector<512x128xf32> to vector<512x128xbf16>
    %dot_general3A_355 = arith.constant dense<0.000000e+00> : vector<256x128xf32>
    %dot_general3A_356 = tpu.matmul %convert_element_type3A_346, %convert_element_type3A_354, %dot_general3A_355 {dimension_numbers = #tpu.dot_dimension_numbers<[1], [0], [0], [1], [0, 0, 1, 1], [], []>, transpose_lhs_hint = false} : vector<256x512xbf16>, vector<512x128xbf16>, vector<256x128xf32> -> vector<256x128xf32>
    %swap3A_357 = arith.constant 0 : index
    %swap3A_358 = arith.constant 768 : index
    %swap3A_359 = vector.load %arg7[%swap3A_357, %swap3A_358] : memref<256x2048xf32, #tpu.memory_space<vmem>>, vector<256x128xf32>
    tpu.vector_store %arg7[%swap3A_357, %swap3A_358], %dot_general3A_356 {strides = array<i32>} : memref<256x2048xf32, #tpu.memory_space<vmem>>, vector<256x128xf32>,
    %get3A_360 = arith.constant 0 : index
    %get3A_361 = arith.constant 896 : index
    %get3A_362 = vector.load %arg2[%get3A_360, %get3A_361] : memref<256x2048xf32, #tpu.memory_space<vmem>>, vector<256x128xf32>
    %convert_element_type3A_363 = arith.truncf %get3A_362 : vector<256x128xf32> to vector<256x128xbf16>
    %get3A_364 = arith.constant 0 : index
    %get3A_365 = arith.constant 896 : index
    %get3A_366 = vector.load %arg3[%get3A_364, %get3A_365] : memref<256x2048xf32, #tpu.memory_space<vmem>>, vector<256x128xf32>
    %get3A_367 = arith.constant 0 : index
    %get3A_368 = arith.constant 896 : index
    %get3A_369 = vector.load %arg4[%get3A_367, %get3A_368] : memref<256x2048xf32, #tpu.memory_space<vmem>>, vector<256x128xf32>
    %concatenate3A_370 = tpu.concatenate %get3A_366, %get3A_369 in 0 : vector<256x128xf32>, vector<256x128xf32> -> vector<512x128xf32>
    %convert_element_type3A_371 = arith.truncf %concatenate3A_370 : vector<512x128xf32> to vector<512x128xbf16>
    %dot_general3A_372 = arith.constant dense<0.000000e+00> : vector<256x512xf32>
    %dot_general3A_373 = tpu.matmul %convert_element_type3A_363, %convert_element_type3A_371, %dot_general3A_372 {dimension_numbers = #tpu.dot_dimension_numbers<[1], [1], [0], [0], [0, 0, 1, 0], [], []>, transpose_lhs_hint = false} : vector<256x128xbf16>, vector<512x128xbf16>, vector<256x512xf32> -> vector<256x512xf32>
    %mul3A_374 = arith.constant 0.0883883461 : f32
    %mul3A_375 = vector.broadcast %mul3A_374 : f32 to vector<256x512xf32>
    %mul3A_376 = arith.mulf %dot_general3A_373, %mul3A_375 : vector<256x512xf32>
    %jit3A_377 = arith.constant -1.000000e+30 : f32
    %broadcast_in_dim3A_378 = vector.broadcast %jit3A_377 : f32 to vector<256x512xf32>
    %select_n3A_379 = arith.select %and3A_53, %mul3A_376, %broadcast_in_dim3A_378 : vector<256x512xi1>, vector<256x512xf32>
    %reduce_max3A_380 = arith.constant dense<0xFF800000> : vector<256xf32>
    %reduce_max3A_381 = vector.multi_reduction <maximumf>, %select_n3A_379, %reduce_max3A_380 [1] : vector<256x512xf32> to vector<256xf32>
    %broadcast_in_dim3A_382 = vector.shape_cast %reduce_max3A_381 : vector<256xf32> to vector<256x1xf32>
    %sub3A_383 = vector.broadcast %broadcast_in_dim3A_382 : vector<256x1xf32> to vector<256x512xf32>
    %sub3A_384 = arith.subf %select_n3A_379, %sub3A_383 : vector<256x512xf32>
    %exp3A_385 = math.exp %sub3A_384 : vector<256x512xf32>
    %reduce_sum3A_386 = arith.constant dense<0.000000e+00> : vector<256xf32>
    %reduce_sum3A_387 = vector.multi_reduction <add>, %exp3A_385, %reduce_sum3A_386 [1] : vector<256x512xf32> to vector<256xf32>
    %broadcast_in_dim3A_388 = vector.shape_cast %reduce_sum3A_387 : vector<256xf32> to vector<256x1xf32>
    %div3A_389 = vector.broadcast %broadcast_in_dim3A_388 : vector<256x1xf32> to vector<256x512xf32>
    %div3A_390 = arith.divf %exp3A_385, %div3A_389 : vector<256x512xf32>
    %convert_element_type3A_391 = arith.truncf %div3A_390 : vector<256x512xf32> to vector<256x512xbf16>
    %get3A_392 = arith.constant 0 : index
    %get3A_393 = arith.constant 896 : index
    %get3A_394 = vector.load %arg5[%get3A_392, %get3A_393] : memref<256x2048xf32, #tpu.memory_space<vmem>>, vector<256x128xf32>
    %get3A_395 = arith.constant 0 : index
    %get3A_396 = arith.constant 896 : index
    %get3A_397 = vector.load %arg6[%get3A_395, %get3A_396] : memref<256x2048xf32, #tpu.memory_space<vmem>>, vector<256x128xf32>
    %concatenate3A_398 = tpu.concatenate %get3A_394, %get3A_397 in 0 : vector<256x128xf32>, vector<256x128xf32> -> vector<512x128xf32>
    %convert_element_type3A_399 = arith.truncf %concatenate3A_398 : vector<512x128xf32> to vector<512x128xbf16>
    %dot_general3A_400 = arith.constant dense<0.000000e+00> : vector<256x128xf32>
    %dot_general3A_401 = tpu.matmul %convert_element_type3A_391, %convert_element_type3A_399, %dot_general3A_400 {dimension_numbers = #tpu.dot_dimension_numbers<[1], [0], [0], [1], [0, 0, 1, 1], [], []>, transpose_lhs_hint = false} : vector<256x512xbf16>, vector<512x128xbf16>, vector<256x128xf32> -> vector<256x128xf32>
    %swap3A_402 = arith.constant 0 : index
    %swap3A_403 = arith.constant 896 : index
    %swap3A_404 = vector.load %arg7[%swap3A_402, %swap3A_403] : memref<256x2048xf32, #tpu.memory_space<vmem>>, vector<256x128xf32>
    tpu.vector_store %arg7[%swap3A_402, %swap3A_403], %dot_general3A_401 {strides = array<i32>} : memref<256x2048xf32, #tpu.memory_space<vmem>>, vector<256x128xf32>,
    %get3A_405 = arith.constant 0 : index
    %get3A_406 = arith.constant 1024 : index
    %get3A_407 = vector.load %arg2[%get3A_405, %get3A_406] : memref<256x2048xf32, #tpu.memory_space<vmem>>, vector<256x128xf32>
    %convert_element_type3A_408 = arith.truncf %get3A_407 : vector<256x128xf32> to vector<256x128xbf16>
    %get3A_409 = arith.constant 0 : index
    %get3A_410 = arith.constant 1024 : index
    %get3A_411 = vector.load %arg3[%get3A_409, %get3A_410] : memref<256x2048xf32, #tpu.memory_space<vmem>>, vector<256x128xf32>
    %get3A_412 = arith.constant 0 : index
    %get3A_413 = arith.constant 1024 : index
    %get3A_414 = vector.load %arg4[%get3A_412, %get3A_413] : memref<256x2048xf32, #tpu.memory_space<vmem>>, vector<256x128xf32>
    %concatenate3A_415 = tpu.concatenate %get3A_411, %get3A_414 in 0 : vector<256x128xf32>, vector<256x128xf32> -> vector<512x128xf32>
    %convert_element_type3A_416 = arith.truncf %concatenate3A_415 : vector<512x128xf32> to vector<512x128xbf16>
    %dot_general3A_417 = arith.constant dense<0.000000e+00> : vector<256x512xf32>
    %dot_general3A_418 = tpu.matmul %convert_element_type3A_408, %convert_element_type3A_416, %dot_general3A_417 {dimension_numbers = #tpu.dot_dimension_numbers<[1], [1], [0], [0], [0, 0, 1, 0], [], []>, transpose_lhs_hint = false} : vector<256x128xbf16>, vector<512x128xbf16>, vector<256x512xf32> -> vector<256x512xf32>
    %mul3A_419 = arith.constant 0.0883883461 : f32
    %mul3A_420 = vector.broadcast %mul3A_419 : f32 to vector<256x512xf32>
    %mul3A_421 = arith.mulf %dot_general3A_418, %mul3A_420 : vector<256x512xf32>
    %jit3A_422 = arith.constant -1.000000e+30 : f32
    %broadcast_in_dim3A_423 = vector.broadcast %jit3A_422 : f32 to vector<256x512xf32>
    %select_n3A_424 = arith.select %and3A_53, %mul3A_421, %broadcast_in_dim3A_423 : vector<256x512xi1>, vector<256x512xf32>
    %reduce_max3A_425 = arith.constant dense<0xFF800000> : vector<256xf32>
    %reduce_max3A_426 = vector.multi_reduction <maximumf>, %select_n3A_424, %reduce_max3A_425 [1] : vector<256x512xf32> to vector<256xf32>
    %broadcast_in_dim3A_427 = vector.shape_cast %reduce_max3A_426 : vector<256xf32> to vector<256x1xf32>
    %sub3A_428 = vector.broadcast %broadcast_in_dim3A_427 : vector<256x1xf32> to vector<256x512xf32>
    %sub3A_429 = arith.subf %select_n3A_424, %sub3A_428 : vector<256x512xf32>
    %exp3A_430 = math.exp %sub3A_429 : vector<256x512xf32>
    %reduce_sum3A_431 = arith.constant dense<0.000000e+00> : vector<256xf32>
    %reduce_sum3A_432 = vector.multi_reduction <add>, %exp3A_430, %reduce_sum3A_431 [1] : vector<256x512xf32> to vector<256xf32>
    %broadcast_in_dim3A_433 = vector.shape_cast %reduce_sum3A_432 : vector<256xf32> to vector<256x1xf32>
    %div3A_434 = vector.broadcast %broadcast_in_dim3A_433 : vector<256x1xf32> to vector<256x512xf32>
    %div3A_435 = arith.divf %exp3A_430, %div3A_434 : vector<256x512xf32>
    %convert_element_type3A_436 = arith.truncf %div3A_435 : vector<256x512xf32> to vector<256x512xbf16>
    %get3A_437 = arith.constant 0 : index
    %get3A_438 = arith.constant 1024 : index
    %get3A_439 = vector.load %arg5[%get3A_437, %get3A_438] : memref<256x2048xf32, #tpu.memory_space<vmem>>, vector<256x128xf32>
    %get3A_440 = arith.constant 0 : index
    %get3A_441 = arith.constant 1024 : index
    %get3A_442 = vector.load %arg6[%get3A_440, %get3A_441] : memref<256x2048xf32, #tpu.memory_space<vmem>>, vector<256x128xf32>
    %concatenate3A_443 = tpu.concatenate %get3A_439, %get3A_442 in 0 : vector<256x128xf32>, vector<256x128xf32> -> vector<512x128xf32>
    %convert_element_type3A_444 = arith.truncf %concatenate3A_443 : vector<512x128xf32> to vector<512x128xbf16>
    %dot_general3A_445 = arith.constant dense<0.000000e+00> : vector<256x128xf32>
    %dot_general3A_446 = tpu.matmul %convert_element_type3A_436, %convert_element_type3A_444, %dot_general3A_445 {dimension_numbers = #tpu.dot_dimension_numbers<[1], [0], [0], [1], [0, 0, 1, 1], [], []>, transpose_lhs_hint = false} : vector<256x512xbf16>, vector<512x128xbf16>, vector<256x128xf32> -> vector<256x128xf32>
    %swap3A_447 = arith.constant 0 : index
    %swap3A_448 = arith.constant 1024 : index
    %swap3A_449 = vector.load %arg7[%swap3A_447, %swap3A_448] : memref<256x2048xf32, #tpu.memory_space<vmem>>, vector<256x128xf32>
    tpu.vector_store %arg7[%swap3A_447, %swap3A_448], %dot_general3A_446 {strides = array<i32>} : memref<256x2048xf32, #tpu.memory_space<vmem>>, vector<256x128xf32>,
    %get3A_450 = arith.constant 0 : index
    %get3A_451 = arith.constant 1152 : index
    %get3A_452 = vector.load %arg2[%get3A_450, %get3A_451] : memref<256x2048xf32, #tpu.memory_space<vmem>>, vector<256x128xf32>
    %convert_element_type3A_453 = arith.truncf %get3A_452 : vector<256x128xf32> to vector<256x128xbf16>
    %get3A_454 = arith.constant 0 : index
    %get3A_455 = arith.constant 1152 : index
    %get3A_456 = vector.load %arg3[%get3A_454, %get3A_455] : memref<256x2048xf32, #tpu.memory_space<vmem>>, vector<256x128xf32>
    %get3A_457 = arith.constant 0 : index
    %get3A_458 = arith.constant 1152 : index
    %get3A_459 = vector.load %arg4[%get3A_457, %get3A_458] : memref<256x2048xf32, #tpu.memory_space<vmem>>, vector<256x128xf32>
    %concatenate3A_460 = tpu.concatenate %get3A_456, %get3A_459 in 0 : vector<256x128xf32>, vector<256x128xf32> -> vector<512x128xf32>
    %convert_element_type3A_461 = arith.truncf %concatenate3A_460 : vector<512x128xf32> to vector<512x128xbf16>
    %dot_general3A_462 = arith.constant dense<0.000000e+00> : vector<256x512xf32>
    %dot_general3A_463 = tpu.matmul %convert_element_type3A_453, %convert_element_type3A_461, %dot_general3A_462 {dimension_numbers = #tpu.dot_dimension_numbers<[1], [1], [0], [0], [0, 0, 1, 0], [], []>, transpose_lhs_hint = false} : vector<256x128xbf16>, vector<512x128xbf16>, vector<256x512xf32> -> vector<256x512xf32>
    %mul3A_464 = arith.constant 0.0883883461 : f32
    %mul3A_465 = vector.broadcast %mul3A_464 : f32 to vector<256x512xf32>
    %mul3A_466 = arith.mulf %dot_general3A_463, %mul3A_465 : vector<256x512xf32>
    %jit3A_467 = arith.constant -1.000000e+30 : f32
    %broadcast_in_dim3A_468 = vector.broadcast %jit3A_467 : f32 to vector<256x512xf32>
    %select_n3A_469 = arith.select %and3A_53, %mul3A_466, %broadcast_in_dim3A_468 : vector<256x512xi1>, vector<256x512xf32>
    %reduce_max3A_470 = arith.constant dense<0xFF800000> : vector<256xf32>
    %reduce_max3A_471 = vector.multi_reduction <maximumf>, %select_n3A_469, %reduce_max3A_470 [1] : vector<256x512xf32> to vector<256xf32>
    %broadcast_in_dim3A_472 = vector.shape_cast %reduce_max3A_471 : vector<256xf32> to vector<256x1xf32>
    %sub3A_473 = vector.broadcast %broadcast_in_dim3A_472 : vector<256x1xf32> to vector<256x512xf32>
    %sub3A_474 = arith.subf %select_n3A_469, %sub3A_473 : vector<256x512xf32>
    %exp3A_475 = math.exp %sub3A_474 : vector<256x512xf32>
    %reduce_sum3A_476 = arith.constant dense<0.000000e+00> : vector<256xf32>
    %reduce_sum3A_477 = vector.multi_reduction <add>, %exp3A_475, %reduce_sum3A_476 [1] : vector<256x512xf32> to vector<256xf32>
    %broadcast_in_dim3A_478 = vector.shape_cast %reduce_sum3A_477 : vector<256xf32> to vector<256x1xf32>
    %div3A_479 = vector.broadcast %broadcast_in_dim3A_478 : vector<256x1xf32> to vector<256x512xf32>
    %div3A_480 = arith.divf %exp3A_475, %div3A_479 : vector<256x512xf32>
    %convert_element_type3A_481 = arith.truncf %div3A_480 : vector<256x512xf32> to vector<256x512xbf16>
    %get3A_482 = arith.constant 0 : index
    %get3A_483 = arith.constant 1152 : index
    %get3A_484 = vector.load %arg5[%get3A_482, %get3A_483] : memref<256x2048xf32, #tpu.memory_space<vmem>>, vector<256x128xf32>
    %get3A_485 = arith.constant 0 : index
    %get3A_486 = arith.constant 1152 : index
    %get3A_487 = vector.load %arg6[%get3A_485, %get3A_486] : memref<256x2048xf32, #tpu.memory_space<vmem>>, vector<256x128xf32>
    %concatenate3A_488 = tpu.concatenate %get3A_484, %get3A_487 in 0 : vector<256x128xf32>, vector<256x128xf32> -> vector<512x128xf32>
    %convert_element_type3A_489 = arith.truncf %concatenate3A_488 : vector<512x128xf32> to vector<512x128xbf16>
    %dot_general3A_490 = arith.constant dense<0.000000e+00> : vector<256x128xf32>
    %dot_general3A_491 = tpu.matmul %convert_element_type3A_481, %convert_element_type3A_489, %dot_general3A_490 {dimension_numbers = #tpu.dot_dimension_numbers<[1], [0], [0], [1], [0, 0, 1, 1], [], []>, transpose_lhs_hint = false} : vector<256x512xbf16>, vector<512x128xbf16>, vector<256x128xf32> -> vector<256x128xf32>
    %swap3A_492 = arith.constant 0 : index
    %swap3A_493 = arith.constant 1152 : index
    %swap3A_494 = vector.load %arg7[%swap3A_492, %swap3A_493] : memref<256x2048xf32, #tpu.memory_space<vmem>>, vector<256x128xf32>
    tpu.vector_store %arg7[%swap3A_492, %swap3A_493], %dot_general3A_491 {strides = array<i32>} : memref<256x2048xf32, #tpu.memory_space<vmem>>, vector<256x128xf32>,
    %get3A_495 = arith.constant 0 : index
    %get3A_496 = arith.constant 1280 : index
    %get3A_497 = vector.load %arg2[%get3A_495, %get3A_496] : memref<256x2048xf32, #tpu.memory_space<vmem>>, vector<256x128xf32>
    %convert_element_type3A_498 = arith.truncf %get3A_497 : vector<256x128xf32> to vector<256x128xbf16>
    %get3A_499 = arith.constant 0 : index
    %get3A_500 = arith.constant 1280 : index
    %get3A_501 = vector.load %arg3[%get3A_499, %get3A_500] : memref<256x2048xf32, #tpu.memory_space<vmem>>, vector<256x128xf32>
    %get3A_502 = arith.constant 0 : index
    %get3A_503 = arith.constant 1280 : index
    %get3A_504 = vector.load %arg4[%get3A_502, %get3A_503] : memref<256x2048xf32, #tpu.memory_space<vmem>>, vector<256x128xf32>
    %concatenate3A_505 = tpu.concatenate %get3A_501, %get3A_504 in 0 : vector<256x128xf32>, vector<256x128xf32> -> vector<512x128xf32>
    %convert_element_type3A_506 = arith.truncf %concatenate3A_505 : vector<512x128xf32> to vector<512x128xbf16>
    %dot_general3A_507 = arith.constant dense<0.000000e+00> : vector<256x512xf32>
    %dot_general3A_508 = tpu.matmul %convert_element_type3A_498, %convert_element_type3A_506, %dot_general3A_507 {dimension_numbers = #tpu.dot_dimension_numbers<[1], [1], [0], [0], [0, 0, 1, 0], [], []>, transpose_lhs_hint = false} : vector<256x128xbf16>, vector<512x128xbf16>, vector<256x512xf32> -> vector<256x512xf32>
    %mul3A_509 = arith.constant 0.0883883461 : f32
    %mul3A_510 = vector.broadcast %mul3A_509 : f32 to vector<256x512xf32>
    %mul3A_511 = arith.mulf %dot_general3A_508, %mul3A_510 : vector<256x512xf32>
    %jit3A_512 = arith.constant -1.000000e+30 : f32
    %broadcast_in_dim3A_513 = vector.broadcast %jit3A_512 : f32 to vector<256x512xf32>
    %select_n3A_514 = arith.select %and3A_53, %mul3A_511, %broadcast_in_dim3A_513 : vector<256x512xi1>, vector<256x512xf32>
    %reduce_max3A_515 = arith.constant dense<0xFF800000> : vector<256xf32>
    %reduce_max3A_516 = vector.multi_reduction <maximumf>, %select_n3A_514, %reduce_max3A_515 [1] : vector<256x512xf32> to vector<256xf32>
    %broadcast_in_dim3A_517 = vector.shape_cast %reduce_max3A_516 : vector<256xf32> to vector<256x1xf32>
    %sub3A_518 = vector.broadcast %broadcast_in_dim3A_517 : vector<256x1xf32> to vector<256x512xf32>
    %sub3A_519 = arith.subf %select_n3A_514, %sub3A_518 : vector<256x512xf32>
    %exp3A_520 = math.exp %sub3A_519 : vector<256x512xf32>
    %reduce_sum3A_521 = arith.constant dense<0.000000e+00> : vector<256xf32>
    %reduce_sum3A_522 = vector.multi_reduction <add>, %exp3A_520, %reduce_sum3A_521 [1] : vector<256x512xf32> to vector<256xf32>
    %broadcast_in_dim3A_523 = vector.shape_cast %reduce_sum3A_522 : vector<256xf32> to vector<256x1xf32>
    %div3A_524 = vector.broadcast %broadcast_in_dim3A_523 : vector<256x1xf32> to vector<256x512xf32>
    %div3A_525 = arith.divf %exp3A_520, %div3A_524 : vector<256x512xf32>
    %convert_element_type3A_526 = arith.truncf %div3A_525 : vector<256x512xf32> to vector<256x512xbf16>
    %get3A_527 = arith.constant 0 : index
    %get3A_528 = arith.constant 1280 : index
    %get3A_529 = vector.load %arg5[%get3A_527, %get3A_528] : memref<256x2048xf32, #tpu.memory_space<vmem>>, vector<256x128xf32>
    %get3A_530 = arith.constant 0 : index
    %get3A_531 = arith.constant 1280 : index
    %get3A_532 = vector.load %arg6[%get3A_530, %get3A_531] : memref<256x2048xf32, #tpu.memory_space<vmem>>, vector<256x128xf32>
    %concatenate3A_533 = tpu.concatenate %get3A_529, %get3A_532 in 0 : vector<256x128xf32>, vector<256x128xf32> -> vector<512x128xf32>
    %convert_element_type3A_534 = arith.truncf %concatenate3A_533 : vector<512x128xf32> to vector<512x128xbf16>
    %dot_general3A_535 = arith.constant dense<0.000000e+00> : vector<256x128xf32>
    %dot_general3A_536 = tpu.matmul %convert_element_type3A_526, %convert_element_type3A_534, %dot_general3A_535 {dimension_numbers = #tpu.dot_dimension_numbers<[1], [0], [0], [1], [0, 0, 1, 1], [], []>, transpose_lhs_hint = false} : vector<256x512xbf16>, vector<512x128xbf16>, vector<256x128xf32> -> vector<256x128xf32>
    %swap3A_537 = arith.constant 0 : index
    %swap3A_538 = arith.constant 1280 : index
    %swap3A_539 = vector.load %arg7[%swap3A_537, %swap3A_538] : memref<256x2048xf32, #tpu.memory_space<vmem>>, vector<256x128xf32>
    tpu.vector_store %arg7[%swap3A_537, %swap3A_538], %dot_general3A_536 {strides = array<i32>} : memref<256x2048xf32, #tpu.memory_space<vmem>>, vector<256x128xf32>,
    %get3A_540 = arith.constant 0 : index
    %get3A_541 = arith.constant 1408 : index
    %get3A_542 = vector.load %arg2[%get3A_540, %get3A_541] : memref<256x2048xf32, #tpu.memory_space<vmem>>, vector<256x128xf32>
    %convert_element_type3A_543 = arith.truncf %get3A_542 : vector<256x128xf32> to vector<256x128xbf16>
    %get3A_544 = arith.constant 0 : index
    %get3A_545 = arith.constant 1408 : index
    %get3A_546 = vector.load %arg3[%get3A_544, %get3A_545] : memref<256x2048xf32, #tpu.memory_space<vmem>>, vector<256x128xf32>
    %get3A_547 = arith.constant 0 : index
    %get3A_548 = arith.constant 1408 : index
    %get3A_549 = vector.load %arg4[%get3A_547, %get3A_548] : memref<256x2048xf32, #tpu.memory_space<vmem>>, vector<256x128xf32>
    %concatenate3A_550 = tpu.concatenate %get3A_546, %get3A_549 in 0 : vector<256x128xf32>, vector<256x128xf32> -> vector<512x128xf32>
    %convert_element_type3A_551 = arith.truncf %concatenate3A_550 : vector<512x128xf32> to vector<512x128xbf16>
    %dot_general3A_552 = arith.constant dense<0.000000e+00> : vector<256x512xf32>
    %dot_general3A_553 = tpu.matmul %convert_element_type3A_543, %convert_element_type3A_551, %dot_general3A_552 {dimension_numbers = #tpu.dot_dimension_numbers<[1], [1], [0], [0], [0, 0, 1, 0], [], []>, transpose_lhs_hint = false} : vector<256x128xbf16>, vector<512x128xbf16>, vector<256x512xf32> -> vector<256x512xf32>
    %mul3A_554 = arith.constant 0.0883883461 : f32
    %mul3A_555 = vector.broadcast %mul3A_554 : f32 to vector<256x512xf32>
    %mul3A_556 = arith.mulf %dot_general3A_553, %mul3A_555 : vector<256x512xf32>
    %jit3A_557 = arith.constant -1.000000e+30 : f32
    %broadcast_in_dim3A_558 = vector.broadcast %jit3A_557 : f32 to vector<256x512xf32>
    %select_n3A_559 = arith.select %and3A_53, %mul3A_556, %broadcast_in_dim3A_558 : vector<256x512xi1>, vector<256x512xf32>
    %reduce_max3A_560 = arith.constant dense<0xFF800000> : vector<256xf32>
    %reduce_max3A_561 = vector.multi_reduction <maximumf>, %select_n3A_559, %reduce_max3A_560 [1] : vector<256x512xf32> to vector<256xf32>
    %broadcast_in_dim3A_562 = vector.shape_cast %reduce_max3A_561 : vector<256xf32> to vector<256x1xf32>
    %sub3A_563 = vector.broadcast %broadcast_in_dim3A_562 : vector<256x1xf32> to vector<256x512xf32>
    %sub3A_564 = arith.subf %select_n3A_559, %sub3A_563 : vector<256x512xf32>
    %exp3A_565 = math.exp %sub3A_564 : vector<256x512xf32>
    %reduce_sum3A_566 = arith.constant dense<0.000000e+00> : vector<256xf32>
    %reduce_sum3A_567 = vector.multi_reduction <add>, %exp3A_565, %reduce_sum3A_566 [1] : vector<256x512xf32> to vector<256xf32>
    %broadcast_in_dim3A_568 = vector.shape_cast %reduce_sum3A_567 : vector<256xf32> to vector<256x1xf32>
    %div3A_569 = vector.broadcast %broadcast_in_dim3A_568 : vector<256x1xf32> to vector<256x512xf32>
    %div3A_570 = arith.divf %exp3A_565, %div3A_569 : vector<256x512xf32>
    %convert_element_type3A_571 = arith.truncf %div3A_570 : vector<256x512xf32> to vector<256x512xbf16>
    %get3A_572 = arith.constant 0 : index
    %get3A_573 = arith.constant 1408 : index
    %get3A_574 = vector.load %arg5[%get3A_572, %get3A_573] : memref<256x2048xf32, #tpu.memory_space<vmem>>, vector<256x128xf32>
    %get3A_575 = arith.constant 0 : index
    %get3A_576 = arith.constant 1408 : index
    %get3A_577 = vector.load %arg6[%get3A_575, %get3A_576] : memref<256x2048xf32, #tpu.memory_space<vmem>>, vector<256x128xf32>
    %concatenate3A_578 = tpu.concatenate %get3A_574, %get3A_577 in 0 : vector<256x128xf32>, vector<256x128xf32> -> vector<512x128xf32>
    %convert_element_type3A_579 = arith.truncf %concatenate3A_578 : vector<512x128xf32> to vector<512x128xbf16>
    %dot_general3A_580 = arith.constant dense<0.000000e+00> : vector<256x128xf32>
    %dot_general3A_581 = tpu.matmul %convert_element_type3A_571, %convert_element_type3A_579, %dot_general3A_580 {dimension_numbers = #tpu.dot_dimension_numbers<[1], [0], [0], [1], [0, 0, 1, 1], [], []>, transpose_lhs_hint = false} : vector<256x512xbf16>, vector<512x128xbf16>, vector<256x128xf32> -> vector<256x128xf32>
    %swap3A_582 = arith.constant 0 : index
    %swap3A_583 = arith.constant 1408 : index
    %swap3A_584 = vector.load %arg7[%swap3A_582, %swap3A_583] : memref<256x2048xf32, #tpu.memory_space<vmem>>, vector<256x128xf32>
    tpu.vector_store %arg7[%swap3A_582, %swap3A_583], %dot_general3A_581 {strides = array<i32>} : memref<256x2048xf32, #tpu.memory_space<vmem>>, vector<256x128xf32>,
    %get3A_585 = arith.constant 0 : index
    %get3A_586 = arith.constant 1536 : index
    %get3A_587 = vector.load %arg2[%get3A_585, %get3A_586] : memref<256x2048xf32, #tpu.memory_space<vmem>>, vector<256x128xf32>
    %convert_element_type3A_588 = arith.truncf %get3A_587 : vector<256x128xf32> to vector<256x128xbf16>
    %get3A_589 = arith.constant 0 : index
    %get3A_590 = arith.constant 1536 : index
    %get3A_591 = vector.load %arg3[%get3A_589, %get3A_590] : memref<256x2048xf32, #tpu.memory_space<vmem>>, vector<256x128xf32>
    %get3A_592 = arith.constant 0 : index
    %get3A_593 = arith.constant 1536 : index
    %get3A_594 = vector.load %arg4[%get3A_592, %get3A_593] : memref<256x2048xf32, #tpu.memory_space<vmem>>, vector<256x128xf32>
    %concatenate3A_595 = tpu.concatenate %get3A_591, %get3A_594 in 0 : vector<256x128xf32>, vector<256x128xf32> -> vector<512x128xf32>
    %convert_element_type3A_596 = arith.truncf %concatenate3A_595 : vector<512x128xf32> to vector<512x128xbf16>
    %dot_general3A_597 = arith.constant dense<0.000000e+00> : vector<256x512xf32>
    %dot_general3A_598 = tpu.matmul %convert_element_type3A_588, %convert_element_type3A_596, %dot_general3A_597 {dimension_numbers = #tpu.dot_dimension_numbers<[1], [1], [0], [0], [0, 0, 1, 0], [], []>, transpose_lhs_hint = false} : vector<256x128xbf16>, vector<512x128xbf16>, vector<256x512xf32> -> vector<256x512xf32>
    %mul3A_599 = arith.constant 0.0883883461 : f32
    %mul3A_600 = vector.broadcast %mul3A_599 : f32 to vector<256x512xf32>
    %mul3A_601 = arith.mulf %dot_general3A_598, %mul3A_600 : vector<256x512xf32>
    %jit3A_602 = arith.constant -1.000000e+30 : f32
    %broadcast_in_dim3A_603 = vector.broadcast %jit3A_602 : f32 to vector<256x512xf32>
    %select_n3A_604 = arith.select %and3A_53, %mul3A_601, %broadcast_in_dim3A_603 : vector<256x512xi1>, vector<256x512xf32>
    %reduce_max3A_605 = arith.constant dense<0xFF800000> : vector<256xf32>
    %reduce_max3A_606 = vector.multi_reduction <maximumf>, %select_n3A_604, %reduce_max3A_605 [1] : vector<256x512xf32> to vector<256xf32>
    %broadcast_in_dim3A_607 = vector.shape_cast %reduce_max3A_606 : vector<256xf32> to vector<256x1xf32>
    %sub3A_608 = vector.broadcast %broadcast_in_dim3A_607 : vector<256x1xf32> to vector<256x512xf32>
    %sub3A_609 = arith.subf %select_n3A_604, %sub3A_608 : vector<256x512xf32>
    %exp3A_610 = math.exp %sub3A_609 : vector<256x512xf32>
    %reduce_sum3A_611 = arith.constant dense<0.000000e+00> : vector<256xf32>
    %reduce_sum3A_612 = vector.multi_reduction <add>, %exp3A_610, %reduce_sum3A_611 [1] : vector<256x512xf32> to vector<256xf32>
    %broadcast_in_dim3A_613 = vector.shape_cast %reduce_sum3A_612 : vector<256xf32> to vector<256x1xf32>
    %div3A_614 = vector.broadcast %broadcast_in_dim3A_613 : vector<256x1xf32> to vector<256x512xf32>
    %div3A_615 = arith.divf %exp3A_610, %div3A_614 : vector<256x512xf32>
    %convert_element_type3A_616 = arith.truncf %div3A_615 : vector<256x512xf32> to vector<256x512xbf16>
    %get3A_617 = arith.constant 0 : index
    %get3A_618 = arith.constant 1536 : index
    %get3A_619 = vector.load %arg5[%get3A_617, %get3A_618] : memref<256x2048xf32, #tpu.memory_space<vmem>>, vector<256x128xf32>
    %get3A_620 = arith.constant 0 : index
    %get3A_621 = arith.constant 1536 : index
    %get3A_622 = vector.load %arg6[%get3A_620, %get3A_621] : memref<256x2048xf32, #tpu.memory_space<vmem>>, vector<256x128xf32>
    %concatenate3A_623 = tpu.concatenate %get3A_619, %get3A_622 in 0 : vector<256x128xf32>, vector<256x128xf32> -> vector<512x128xf32>
    %convert_element_type3A_624 = arith.truncf %concatenate3A_623 : vector<512x128xf32> to vector<512x128xbf16>
    %dot_general3A_625 = arith.constant dense<0.000000e+00> : vector<256x128xf32>
    %dot_general3A_626 = tpu.matmul %convert_element_type3A_616, %convert_element_type3A_624, %dot_general3A_625 {dimension_numbers = #tpu.dot_dimension_numbers<[1], [0], [0], [1], [0, 0, 1, 1], [], []>, transpose_lhs_hint = false} : vector<256x512xbf16>, vector<512x128xbf16>, vector<256x128xf32> -> vector<256x128xf32>
    %swap3A_627 = arith.constant 0 : index
    %swap3A_628 = arith.constant 1536 : index
    %swap3A_629 = vector.load %arg7[%swap3A_627, %swap3A_628] : memref<256x2048xf32, #tpu.memory_space<vmem>>, vector<256x128xf32>
    tpu.vector_store %arg7[%swap3A_627, %swap3A_628], %dot_general3A_626 {strides = array<i32>} : memref<256x2048xf32, #tpu.memory_space<vmem>>, vector<256x128xf32>,
    %get3A_630 = arith.constant 0 : index
    %get3A_631 = arith.constant 1664 : index
    %get3A_632 = vector.load %arg2[%get3A_630, %get3A_631] : memref<256x2048xf32, #tpu.memory_space<vmem>>, vector<256x128xf32>
    %convert_element_type3A_633 = arith.truncf %get3A_632 : vector<256x128xf32> to vector<256x128xbf16>
    %get3A_634 = arith.constant 0 : index
    %get3A_635 = arith.constant 1664 : index
    %get3A_636 = vector.load %arg3[%get3A_634, %get3A_635] : memref<256x2048xf32, #tpu.memory_space<vmem>>, vector<256x128xf32>
    %get3A_637 = arith.constant 0 : index
    %get3A_638 = arith.constant 1664 : index
    %get3A_639 = vector.load %arg4[%get3A_637, %get3A_638] : memref<256x2048xf32, #tpu.memory_space<vmem>>, vector<256x128xf32>
    %concatenate3A_640 = tpu.concatenate %get3A_636, %get3A_639 in 0 : vector<256x128xf32>, vector<256x128xf32> -> vector<512x128xf32>
    %convert_element_type3A_641 = arith.truncf %concatenate3A_640 : vector<512x128xf32> to vector<512x128xbf16>
    %dot_general3A_642 = arith.constant dense<0.000000e+00> : vector<256x512xf32>
    %dot_general3A_643 = tpu.matmul %convert_element_type3A_633, %convert_element_type3A_641, %dot_general3A_642 {dimension_numbers = #tpu.dot_dimension_numbers<[1], [1], [0], [0], [0, 0, 1, 0], [], []>, transpose_lhs_hint = false} : vector<256x128xbf16>, vector<512x128xbf16>, vector<256x512xf32> -> vector<256x512xf32>
    %mul3A_644 = arith.constant 0.0883883461 : f32
    %mul3A_645 = vector.broadcast %mul3A_644 : f32 to vector<256x512xf32>
    %mul3A_646 = arith.mulf %dot_general3A_643, %mul3A_645 : vector<256x512xf32>
    %jit3A_647 = arith.constant -1.000000e+30 : f32
    %broadcast_in_dim3A_648 = vector.broadcast %jit3A_647 : f32 to vector<256x512xf32>
    %select_n3A_649 = arith.select %and3A_53, %mul3A_646, %broadcast_in_dim3A_648 : vector<256x512xi1>, vector<256x512xf32>
    %reduce_max3A_650 = arith.constant dense<0xFF800000> : vector<256xf32>
    %reduce_max3A_651 = vector.multi_reduction <maximumf>, %select_n3A_649, %reduce_max3A_650 [1] : vector<256x512xf32> to vector<256xf32>
    %broadcast_in_dim3A_652 = vector.shape_cast %reduce_max3A_651 : vector<256xf32> to vector<256x1xf32>
    %sub3A_653 = vector.broadcast %broadcast_in_dim3A_652 : vector<256x1xf32> to vector<256x512xf32>
    %sub3A_654 = arith.subf %select_n3A_649, %sub3A_653 : vector<256x512xf32>
    %exp3A_655 = math.exp %sub3A_654 : vector<256x512xf32>
    %reduce_sum3A_656 = arith.constant dense<0.000000e+00> : vector<256xf32>
    %reduce_sum3A_657 = vector.multi_reduction <add>, %exp3A_655, %reduce_sum3A_656 [1] : vector<256x512xf32> to vector<256xf32>
    %broadcast_in_dim3A_658 = vector.shape_cast %reduce_sum3A_657 : vector<256xf32> to vector<256x1xf32>
    %div3A_659 = vector.broadcast %broadcast_in_dim3A_658 : vector<256x1xf32> to vector<256x512xf32>
    %div3A_660 = arith.divf %exp3A_655, %div3A_659 : vector<256x512xf32>
    %convert_element_type3A_661 = arith.truncf %div3A_660 : vector<256x512xf32> to vector<256x512xbf16>
    %get3A_662 = arith.constant 0 : index
    %get3A_663 = arith.constant 1664 : index
    %get3A_664 = vector.load %arg5[%get3A_662, %get3A_663] : memref<256x2048xf32, #tpu.memory_space<vmem>>, vector<256x128xf32>
    %get3A_665 = arith.constant 0 : index
    %get3A_666 = arith.constant 1664 : index
    %get3A_667 = vector.load %arg6[%get3A_665, %get3A_666] : memref<256x2048xf32, #tpu.memory_space<vmem>>, vector<256x128xf32>
    %concatenate3A_668 = tpu.concatenate %get3A_664, %get3A_667 in 0 : vector<256x128xf32>, vector<256x128xf32> -> vector<512x128xf32>
    %convert_element_type3A_669 = arith.truncf %concatenate3A_668 : vector<512x128xf32> to vector<512x128xbf16>
    %dot_general3A_670 = arith.constant dense<0.000000e+00> : vector<256x128xf32>
    %dot_general3A_671 = tpu.matmul %convert_element_type3A_661, %convert_element_type3A_669, %dot_general3A_670 {dimension_numbers = #tpu.dot_dimension_numbers<[1], [0], [0], [1], [0, 0, 1, 1], [], []>, transpose_lhs_hint = false} : vector<256x512xbf16>, vector<512x128xbf16>, vector<256x128xf32> -> vector<256x128xf32>
    %swap3A_672 = arith.constant 0 : index
    %swap3A_673 = arith.constant 1664 : index
    %swap3A_674 = vector.load %arg7[%swap3A_672, %swap3A_673] : memref<256x2048xf32, #tpu.memory_space<vmem>>, vector<256x128xf32>
    tpu.vector_store %arg7[%swap3A_672, %swap3A_673], %dot_general3A_671 {strides = array<i32>} : memref<256x2048xf32, #tpu.memory_space<vmem>>, vector<256x128xf32>,
    %get3A_675 = arith.constant 0 : index
    %get3A_676 = arith.constant 1792 : index
    %get3A_677 = vector.load %arg2[%get3A_675, %get3A_676] : memref<256x2048xf32, #tpu.memory_space<vmem>>, vector<256x128xf32>
    %convert_element_type3A_678 = arith.truncf %get3A_677 : vector<256x128xf32> to vector<256x128xbf16>
    %get3A_679 = arith.constant 0 : index
    %get3A_680 = arith.constant 1792 : index
    %get3A_681 = vector.load %arg3[%get3A_679, %get3A_680] : memref<256x2048xf32, #tpu.memory_space<vmem>>, vector<256x128xf32>
    %get3A_682 = arith.constant 0 : index
    %get3A_683 = arith.constant 1792 : index
    %get3A_684 = vector.load %arg4[%get3A_682, %get3A_683] : memref<256x2048xf32, #tpu.memory_space<vmem>>, vector<256x128xf32>
    %concatenate3A_685 = tpu.concatenate %get3A_681, %get3A_684 in 0 : vector<256x128xf32>, vector<256x128xf32> -> vector<512x128xf32>
    %convert_element_type3A_686 = arith.truncf %concatenate3A_685 : vector<512x128xf32> to vector<512x128xbf16>
    %dot_general3A_687 = arith.constant dense<0.000000e+00> : vector<256x512xf32>
    %dot_general3A_688 = tpu.matmul %convert_element_type3A_678, %convert_element_type3A_686, %dot_general3A_687 {dimension_numbers = #tpu.dot_dimension_numbers<[1], [1], [0], [0], [0, 0, 1, 0], [], []>, transpose_lhs_hint = false} : vector<256x128xbf16>, vector<512x128xbf16>, vector<256x512xf32> -> vector<256x512xf32>
    %mul3A_689 = arith.constant 0.0883883461 : f32
    %mul3A_690 = vector.broadcast %mul3A_689 : f32 to vector<256x512xf32>
    %mul3A_691 = arith.mulf %dot_general3A_688, %mul3A_690 : vector<256x512xf32>
    %jit3A_692 = arith.constant -1.000000e+30 : f32
    %broadcast_in_dim3A_693 = vector.broadcast %jit3A_692 : f32 to vector<256x512xf32>
    %select_n3A_694 = arith.select %and3A_53, %mul3A_691, %broadcast_in_dim3A_693 : vector<256x512xi1>, vector<256x512xf32>
    %reduce_max3A_695 = arith.constant dense<0xFF800000> : vector<256xf32>
    %reduce_max3A_696 = vector.multi_reduction <maximumf>, %select_n3A_694, %reduce_max3A_695 [1] : vector<256x512xf32> to vector<256xf32>
    %broadcast_in_dim3A_697 = vector.shape_cast %reduce_max3A_696 : vector<256xf32> to vector<256x1xf32>
    %sub3A_698 = vector.broadcast %broadcast_in_dim3A_697 : vector<256x1xf32> to vector<256x512xf32>
    %sub3A_699 = arith.subf %select_n3A_694, %sub3A_698 : vector<256x512xf32>
    %exp3A_700 = math.exp %sub3A_699 : vector<256x512xf32>
    %reduce_sum3A_701 = arith.constant dense<0.000000e+00> : vector<256xf32>
    %reduce_sum3A_702 = vector.multi_reduction <add>, %exp3A_700, %reduce_sum3A_701 [1] : vector<256x512xf32> to vector<256xf32>
    %broadcast_in_dim3A_703 = vector.shape_cast %reduce_sum3A_702 : vector<256xf32> to vector<256x1xf32>
    %div3A_704 = vector.broadcast %broadcast_in_dim3A_703 : vector<256x1xf32> to vector<256x512xf32>
    %div3A_705 = arith.divf %exp3A_700, %div3A_704 : vector<256x512xf32>
    %convert_element_type3A_706 = arith.truncf %div3A_705 : vector<256x512xf32> to vector<256x512xbf16>
    %get3A_707 = arith.constant 0 : index
    %get3A_708 = arith.constant 1792 : index
    %get3A_709 = vector.load %arg5[%get3A_707, %get3A_708] : memref<256x2048xf32, #tpu.memory_space<vmem>>, vector<256x128xf32>
    %get3A_710 = arith.constant 0 : index
    %get3A_711 = arith.constant 1792 : index
    %get3A_712 = vector.load %arg6[%get3A_710, %get3A_711] : memref<256x2048xf32, #tpu.memory_space<vmem>>, vector<256x128xf32>
    %concatenate3A_713 = tpu.concatenate %get3A_709, %get3A_712 in 0 : vector<256x128xf32>, vector<256x128xf32> -> vector<512x128xf32>
    %convert_element_type3A_714 = arith.truncf %concatenate3A_713 : vector<512x128xf32> to vector<512x128xbf16>
    %dot_general3A_715 = arith.constant dense<0.000000e+00> : vector<256x128xf32>
    %dot_general3A_716 = tpu.matmul %convert_element_type3A_706, %convert_element_type3A_714, %dot_general3A_715 {dimension_numbers = #tpu.dot_dimension_numbers<[1], [0], [0], [1], [0, 0, 1, 1], [], []>, transpose_lhs_hint = false} : vector<256x512xbf16>, vector<512x128xbf16>, vector<256x128xf32> -> vector<256x128xf32>
    %swap3A_717 = arith.constant 0 : index
    %swap3A_718 = arith.constant 1792 : index
    %swap3A_719 = vector.load %arg7[%swap3A_717, %swap3A_718] : memref<256x2048xf32, #tpu.memory_space<vmem>>, vector<256x128xf32>
    tpu.vector_store %arg7[%swap3A_717, %swap3A_718], %dot_general3A_716 {strides = array<i32>} : memref<256x2048xf32, #tpu.memory_space<vmem>>, vector<256x128xf32>,
    %get3A_720 = arith.constant 0 : index
    %get3A_721 = arith.constant 1920 : index
    %get3A_722 = vector.load %arg2[%get3A_720, %get3A_721] : memref<256x2048xf32, #tpu.memory_space<vmem>>, vector<256x128xf32>
    %convert_element_type3A_723 = arith.truncf %get3A_722 : vector<256x128xf32> to vector<256x128xbf16>
    %get3A_724 = arith.constant 0 : index
    %get3A_725 = arith.constant 1920 : index
    %get3A_726 = vector.load %arg3[%get3A_724, %get3A_725] : memref<256x2048xf32, #tpu.memory_space<vmem>>, vector<256x128xf32>
    %get3A_727 = arith.constant 0 : index
    %get3A_728 = arith.constant 1920 : index
    %get3A_729 = vector.load %arg4[%get3A_727, %get3A_728] : memref<256x2048xf32, #tpu.memory_space<vmem>>, vector<256x128xf32>
    %concatenate3A_730 = tpu.concatenate %get3A_726, %get3A_729 in 0 : vector<256x128xf32>, vector<256x128xf32> -> vector<512x128xf32>
    %convert_element_type3A_731 = arith.truncf %concatenate3A_730 : vector<512x128xf32> to vector<512x128xbf16>
    %dot_general3A_732 = arith.constant dense<0.000000e+00> : vector<256x512xf32>
    %dot_general3A_733 = tpu.matmul %convert_element_type3A_723, %convert_element_type3A_731, %dot_general3A_732 {dimension_numbers = #tpu.dot_dimension_numbers<[1], [1], [0], [0], [0, 0, 1, 0], [], []>, transpose_lhs_hint = false} : vector<256x128xbf16>, vector<512x128xbf16>, vector<256x512xf32> -> vector<256x512xf32>
    %mul3A_734 = arith.constant 0.0883883461 : f32
    %mul3A_735 = vector.broadcast %mul3A_734 : f32 to vector<256x512xf32>
    %mul3A_736 = arith.mulf %dot_general3A_733, %mul3A_735 : vector<256x512xf32>
    %jit3A_737 = arith.constant -1.000000e+30 : f32
    %broadcast_in_dim3A_738 = vector.broadcast %jit3A_737 : f32 to vector<256x512xf32>
    %select_n3A_739 = arith.select %and3A_53, %mul3A_736, %broadcast_in_dim3A_738 : vector<256x512xi1>, vector<256x512xf32>
    %reduce_max3A_740 = arith.constant dense<0xFF800000> : vector<256xf32>
    %reduce_max3A_741 = vector.multi_reduction <maximumf>, %select_n3A_739, %reduce_max3A_740 [1] : vector<256x512xf32> to vector<256xf32>
    %broadcast_in_dim3A_742 = vector.shape_cast %reduce_max3A_741 : vector<256xf32> to vector<256x1xf32>
    %sub3A_743 = vector.broadcast %broadcast_in_dim3A_742 : vector<256x1xf32> to vector<256x512xf32>
    %sub3A_744 = arith.subf %select_n3A_739, %sub3A_743 : vector<256x512xf32>
    %exp3A_745 = math.exp %sub3A_744 : vector<256x512xf32>
    %reduce_sum3A_746 = arith.constant dense<0.000000e+00> : vector<256xf32>
    %reduce_sum3A_747 = vector.multi_reduction <add>, %exp3A_745, %reduce_sum3A_746 [1] : vector<256x512xf32> to vector<256xf32>
    %broadcast_in_dim3A_748 = vector.shape_cast %reduce_sum3A_747 : vector<256xf32> to vector<256x1xf32>
    %div3A_749 = vector.broadcast %broadcast_in_dim3A_748 : vector<256x1xf32> to vector<256x512xf32>
    %div3A_750 = arith.divf %exp3A_745, %div3A_749 : vector<256x512xf32>
    %convert_element_type3A_751 = arith.truncf %div3A_750 : vector<256x512xf32> to vector<256x512xbf16>
    %get3A_752 = arith.constant 0 : index
    %get3A_753 = arith.constant 1920 : index
    %get3A_754 = vector.load %arg5[%get3A_752, %get3A_753] : memref<256x2048xf32, #tpu.memory_space<vmem>>, vector<256x128xf32>
    %get3A_755 = arith.constant 0 : index
    %get3A_756 = arith.constant 1920 : index
    %get3A_757 = vector.load %arg6[%get3A_755, %get3A_756] : memref<256x2048xf32, #tpu.memory_space<vmem>>, vector<256x128xf32>
    %concatenate3A_758 = tpu.concatenate %get3A_754, %get3A_757 in 0 : vector<256x128xf32>, vector<256x128xf32> -> vector<512x128xf32>
    %convert_element_type3A_759 = arith.truncf %concatenate3A_758 : vector<512x128xf32> to vector<512x128xbf16>
    %dot_general3A_760 = arith.constant dense<0.000000e+00> : vector<256x128xf32>
    %dot_general3A_761 = tpu.matmul %convert_element_type3A_751, %convert_element_type3A_759, %dot_general3A_760 {dimension_numbers = #tpu.dot_dimension_numbers<[1], [0], [0], [1], [0, 0, 1, 1], [], []>, transpose_lhs_hint = false} : vector<256x512xbf16>, vector<512x128xbf16>, vector<256x128xf32> -> vector<256x128xf32>
    %swap3A_762 = arith.constant 0 : index
    %swap3A_763 = arith.constant 1920 : index
    %swap3A_764 = vector.load %arg7[%swap3A_762, %swap3A_763] : memref<256x2048xf32, #tpu.memory_space<vmem>>, vector<256x128xf32>
    tpu.vector_store %arg7[%swap3A_762, %swap3A_763], %dot_general3A_761 {strides = array<i32>} : memref<256x2048xf32, #tpu.memory_space<vmem>>, vector<256x128xf32>,
    return
  }
  func.func @transform_0(%arg0: i32, %arg1: i32) -> (i32, i32) {
    %mul3A = arith.constant 16 : i32
    %mul3A_0 = arith.muli %arg0, %mul3A : i32
    %add3A = arith.addi %mul3A_0, %arg1 : i32
    %c0_i32 = arith.constant 0 : i32
    %c0_i32_1 = arith.constant 0 : i32
    return %add3A, %c0_i32 : i32, i32
  }
  func.func @transform_1(%arg0: i32, %arg1: i32) -> (i32, i32) {
    %mul3A = arith.constant 16 : i32
    %mul3A_0 = arith.muli %arg0, %mul3A : i32
    %add3A = arith.constant 32 : i32
    %add3A_1 = arith.addi %add3A, %mul3A_0 : i32
    %sub3A = arith.constant 1 : i32
    %sub3A_2 = arith.subi %arg1, %sub3A : i32
    %max3A = arith.constant 0 : i32
    %max3A_3 = arith.maxsi %sub3A_2, %max3A : i32
    %add3A_4 = arith.addi %add3A_1, %max3A_3 : i32
    %c0_i32 = arith.constant 0 : i32
    %c0_i32_5 = arith.constant 0 : i32
    return %add3A_4, %c0_i32 : i32, i32
  }
  func.func @transform_2(%arg0: i32, %arg1: i32) -> (i32, i32) {
    %mul3A = arith.constant 16 : i32
    %mul3A_0 = arith.muli %arg0, %mul3A : i32
    %add3A = arith.constant 32 : i32
    %add3A_1 = arith.addi %add3A, %mul3A_0 : i32
    %add3A_2 = arith.addi %add3A_1, %arg1 : i32
    %c0_i32 = arith.constant 0 : i32
    %c0_i32_3 = arith.constant 0 : i32
    return %add3A_2, %c0_i32 : i32, i32
  }
  func.func @transform_3(%arg0: i32, %arg1: i32) -> (i32, i32) {
    %mul3A = arith.constant 16 : i32
    %mul3A_0 = arith.muli %arg0, %mul3A : i32
    %add3A = arith.constant 64 : i32
    %add3A_1 = arith.addi %add3A, %mul3A_0 : i32
    %sub3A = arith.constant 1 : i32
    %sub3A_2 = arith.subi %arg1, %sub3A : i32
    %max3A = arith.constant 0 : i32
    %max3A_3 = arith.maxsi %sub3A_2, %max3A : i32
    %add3A_4 = arith.addi %add3A_1, %max3A_3 : i32
    %c0_i32 = arith.constant 0 : i32
    %c0_i32_5 = arith.constant 0 : i32
    return %add3A_4, %c0_i32 : i32, i32
  }
  func.func @transform_4(%arg0: i32, %arg1: i32) -> (i32, i32) {
    %mul3A = arith.constant 16 : i32
    %mul3A_0 = arith.muli %arg0, %mul3A : i32
    %add3A = arith.constant 64 : i32
    %add3A_1 = arith.addi %add3A, %mul3A_0 : i32
    %add3A_2 = arith.addi %add3A_1, %arg1 : i32
    %c0_i32 = arith.constant 0 : i32
    %c0_i32_3 = arith.constant 0 : i32
    return %add3A_2, %c0_i32 : i32, i32
  }
  func.func @transform_5(%arg0: i32, %arg1: i32) -> (i32, i32) {
    %mul3A = arith.constant 16 : i32
    %mul3A_0 = arith.muli %arg0, %mul3A : i32
    %add3A = arith.addi %mul3A_0, %arg1 : i32
    %c0_i32 = arith.constant 0 : i32
    %c0_i32_1 = arith.constant 0 : i32
    return %add3A, %c0_i32 : i32, i32
  }
}

module attributes {stable_mosaic.version = 14 : i64} {
  func.func @_attn_body(%arg0: i32, %arg1: i32, %arg2: memref<128x2048xf32, #tpu.memory_space<vmem>>, %arg3: memref<128x2048xf32, #tpu.memory_space<vmem>>, %arg4: memref<128x2048xf32, #tpu.memory_space<vmem>>, %arg5: memref<128x2048xf32, #tpu.memory_space<vmem>>, %arg6: memref<128x2048xf32, #tpu.memory_space<vmem>>, %arg7: memref<128x2048xf32, #tpu.memory_space<vmem>>) attributes {dimension_semantics = [#tpu.dimension_semantics<arbitrary>, #tpu.dimension_semantics<arbitrary>], iteration_bounds = array<i64: 2, 32>, scalar_prefetch = 0 : i64, scratch_operands = 0 : i64, tpu.core_type = #tpu.core_type<tc>, window_params = [{transform_indices = @transform_0, window_bounds = array<i64: 128, 2048>}, {transform_indices = @transform_1, window_bounds = array<i64: 128, 2048>}, {transform_indices = @transform_2, window_bounds = array<i64: 128, 2048>}, {transform_indices = @transform_3, window_bounds = array<i64: 128, 2048>}, {transform_indices = @transform_4, window_bounds = array<i64: 128, 2048>}, {transform_indices = @transform_5, window_bounds = array<i64: 128, 2048>}]} {
    %mul3A = arith.constant 128 : i32
    %mul3A_0 = arith.muli %arg1, %mul3A : i32
    %iota3A = tpu.iota {dimensions = array<i32: 0>} : vector<128x1xi32>
    %add3A = vector.broadcast %mul3A_0 : i32 to vector<128x1xi32>
    %add3A_1 = arith.addi %add3A, %iota3A : vector<128x1xi32>
    %jit3A = arith.constant 64 : i32
    %div3A = vector.broadcast %jit3A : i32 to vector<128x1xi32>
    %div3A_2 = arith.divsi %add3A_1, %div3A : vector<128x1xi32>
    %sign3A = arith.constant 0 : i32
    %sign3A_3 = vector.broadcast %sign3A : i32 to vector<128x1xi32>
    %sign3A_4 = arith.cmpi sgt, %add3A_1, %sign3A_3 : vector<128x1xi32>
    %sign3A_5 = arith.extui %sign3A_4 : vector<128x1xi1> to vector<128x1xi32>
    %sign3A_6 = arith.constant 0 : i32
    %sign3A_7 = vector.broadcast %sign3A_6 : i32 to vector<128x1xi32>
    %sign3A_8 = arith.cmpi slt, %add3A_1, %sign3A_7 : vector<128x1xi32>
    %sign3A_9 = arith.extui %sign3A_8 : vector<128x1xi1> to vector<128x1xi32>
    %sign3A_10 = arith.subi %sign3A_5, %sign3A_9 : vector<128x1xi32>
    %sign3A_11 = arith.constant 0 : i32
    %sign3A_12 = arith.cmpi sgt, %jit3A, %sign3A_11 : i32
    %sign3A_13 = arith.extui %sign3A_12 : i1 to i32
    %sign3A_14 = arith.constant 0 : i32
    %sign3A_15 = arith.cmpi slt, %jit3A, %sign3A_14 : i32
    %sign3A_16 = arith.extui %sign3A_15 : i1 to i32
    %sign3A_17 = arith.subi %sign3A_13, %sign3A_16 : i32
    %ne3A = vector.broadcast %sign3A_17 : i32 to vector<128x1xi32>
    %ne3A_18 = arith.cmpi ne, %sign3A_10, %ne3A : vector<128x1xi32>
    %rem3A = vector.broadcast %jit3A : i32 to vector<128x1xi32>
    %rem3A_19 = arith.remsi %add3A_1, %rem3A : vector<128x1xi32>
    %ne3A_20 = arith.constant 0 : i32
    %ne3A_21 = vector.broadcast %ne3A_20 : i32 to vector<128x1xi32>
    %ne3A_22 = arith.cmpi ne, %rem3A_19, %ne3A_21 : vector<128x1xi32>
    %and3A = arith.andi %ne3A_18, %ne3A_22 : vector<128x1xi1>
    %sub3A = arith.constant 1 : i32
    %sub3A_23 = vector.broadcast %sub3A : i32 to vector<128x1xi32>
    %sub3A_24 = arith.subi %div3A_2, %sub3A_23 : vector<128x1xi32>
    %select_n3A = arith.select %and3A, %sub3A_24, %div3A_2 : vector<128x1xi1>, vector<128x1xi32>
    %sub3A_25 = arith.constant 1 : i32
    %sub3A_26 = arith.subi %arg1, %sub3A_25 : i32
    %mul3A_27 = arith.constant 128 : i32
    %mul3A_28 = arith.muli %sub3A_26, %mul3A_27 : i32
    %iota3A_29 = tpu.iota {dimensions = array<i32: 1>} : vector<1x256xi32>
    %add3A_30 = vector.broadcast %mul3A_28 : i32 to vector<1x256xi32>
    %add3A_31 = arith.addi %add3A_30, %iota3A_29 : vector<1x256xi32>
    %sub3A_32 = arith.constant 1 : i32
    %sub3A_33 = vector.broadcast %sub3A_32 : i32 to vector<128x1xi32>
    %sub3A_34 = arith.subi %select_n3A, %sub3A_33 : vector<128x1xi32>
    %mul3A_35 = arith.constant 64 : i32
    %mul3A_36 = vector.broadcast %mul3A_35 : i32 to vector<128x1xi32>
    %mul3A_37 = arith.muli %sub3A_34, %mul3A_36 : vector<128x1xi32>
    %ge3A = vector.broadcast %add3A_31 : vector<1x256xi32> to vector<128x256xi32>
    %ge3A_38 = vector.broadcast %mul3A_37 : vector<128x1xi32> to vector<128x256xi32>
    %ge3A_39 = arith.cmpi sge, %ge3A, %ge3A_38 : vector<128x256xi32>
    %add3A_40 = arith.constant 1 : i32
    %add3A_41 = vector.broadcast %add3A_40 : i32 to vector<128x1xi32>
    %add3A_42 = arith.addi %select_n3A, %add3A_41 : vector<128x1xi32>
    %mul3A_43 = arith.constant 64 : i32
    %mul3A_44 = vector.broadcast %mul3A_43 : i32 to vector<128x1xi32>
    %mul3A_45 = arith.muli %add3A_42, %mul3A_44 : vector<128x1xi32>
    %lt3A = vector.broadcast %add3A_31 : vector<1x256xi32> to vector<128x256xi32>
    %lt3A_46 = vector.broadcast %mul3A_45 : vector<128x1xi32> to vector<128x256xi32>
    %lt3A_47 = arith.cmpi slt, %lt3A, %lt3A_46 : vector<128x256xi32>
    %and3A_48 = arith.andi %ge3A_39, %lt3A_47 : vector<128x256xi1>
    %ge3A_49 = arith.constant 0 : i32
    %ge3A_50 = vector.broadcast %ge3A_49 : i32 to vector<1x256xi32>
    %ge3A_51 = arith.cmpi sge, %add3A_31, %ge3A_50 : vector<1x256xi32>
    %and3A_52 = vector.broadcast %ge3A_51 : vector<1x256xi1> to vector<128x256xi1>
    %and3A_53 = arith.andi %and3A_48, %and3A_52 : vector<128x256xi1>
    %get3A = arith.constant 0 : index
    %get3A_54 = arith.constant 0 : index
    %get3A_55 = vector.load %arg2[%get3A, %get3A_54] : memref<128x2048xf32, #tpu.memory_space<vmem>>, vector<128x128xf32>
    %convert_element_type3A = arith.truncf %get3A_55 : vector<128x128xf32> to vector<128x128xbf16>
    %get3A_56 = arith.constant 0 : index
    %get3A_57 = arith.constant 0 : index
    %get3A_58 = vector.load %arg3[%get3A_56, %get3A_57] : memref<128x2048xf32, #tpu.memory_space<vmem>>, vector<128x128xf32>
    %get3A_59 = arith.constant 0 : index
    %get3A_60 = arith.constant 0 : index
    %get3A_61 = vector.load %arg4[%get3A_59, %get3A_60] : memref<128x2048xf32, #tpu.memory_space<vmem>>, vector<128x128xf32>
    %concatenate3A = tpu.concatenate %get3A_58, %get3A_61 in 0 : vector<128x128xf32>, vector<128x128xf32> -> vector<256x128xf32>
    %convert_element_type3A_62 = arith.truncf %concatenate3A : vector<256x128xf32> to vector<256x128xbf16>
    %dot_general3A = arith.constant dense<0.000000e+00> : vector<128x256xf32>
    %dot_general3A_63 = tpu.matmul %convert_element_type3A, %convert_element_type3A_62, %dot_general3A {dimension_numbers = #tpu.dot_dimension_numbers<[1], [1], [0], [0], [0, 0, 1, 0], [], []>, transpose_lhs_hint = false} : vector<128x128xbf16>, vector<256x128xbf16>, vector<128x256xf32> -> vector<128x256xf32>
    %mul3A_64 = arith.constant 0.0883883461 : f32
    %mul3A_65 = vector.broadcast %mul3A_64 : f32 to vector<128x256xf32>
    %mul3A_66 = arith.mulf %dot_general3A_63, %mul3A_65 : vector<128x256xf32>
    %jit3A_67 = arith.constant -1.000000e+30 : f32
    %broadcast_in_dim3A = vector.broadcast %jit3A_67 : f32 to vector<128x256xf32>
    %select_n3A_68 = arith.select %and3A_53, %mul3A_66, %broadcast_in_dim3A : vector<128x256xi1>, vector<128x256xf32>
    %reduce_max3A = arith.constant dense<0xFF800000> : vector<128xf32>
    %reduce_max3A_69 = vector.multi_reduction <maximumf>, %select_n3A_68, %reduce_max3A [1] : vector<128x256xf32> to vector<128xf32>
    %broadcast_in_dim3A_70 = vector.shape_cast %reduce_max3A_69 : vector<128xf32> to vector<128x1xf32>
    %sub3A_71 = vector.broadcast %broadcast_in_dim3A_70 : vector<128x1xf32> to vector<128x256xf32>
    %sub3A_72 = arith.subf %select_n3A_68, %sub3A_71 : vector<128x256xf32>
    %exp3A = math.exp %sub3A_72 : vector<128x256xf32>
    %reduce_sum3A = arith.constant dense<0.000000e+00> : vector<128xf32>
    %reduce_sum3A_73 = vector.multi_reduction <add>, %exp3A, %reduce_sum3A [1] : vector<128x256xf32> to vector<128xf32>
    %broadcast_in_dim3A_74 = vector.shape_cast %reduce_sum3A_73 : vector<128xf32> to vector<128x1xf32>
    %div3A_75 = vector.broadcast %broadcast_in_dim3A_74 : vector<128x1xf32> to vector<128x256xf32>
    %div3A_76 = arith.divf %exp3A, %div3A_75 : vector<128x256xf32>
    %convert_element_type3A_77 = arith.truncf %div3A_76 : vector<128x256xf32> to vector<128x256xbf16>
    %get3A_78 = arith.constant 0 : index
    %get3A_79 = arith.constant 0 : index
    %get3A_80 = vector.load %arg5[%get3A_78, %get3A_79] : memref<128x2048xf32, #tpu.memory_space<vmem>>, vector<128x128xf32>
    %get3A_81 = arith.constant 0 : index
    %get3A_82 = arith.constant 0 : index
    %get3A_83 = vector.load %arg6[%get3A_81, %get3A_82] : memref<128x2048xf32, #tpu.memory_space<vmem>>, vector<128x128xf32>
    %concatenate3A_84 = tpu.concatenate %get3A_80, %get3A_83 in 0 : vector<128x128xf32>, vector<128x128xf32> -> vector<256x128xf32>
    %convert_element_type3A_85 = arith.truncf %concatenate3A_84 : vector<256x128xf32> to vector<256x128xbf16>
    %dot_general3A_86 = arith.constant dense<0.000000e+00> : vector<128x128xf32>
    %dot_general3A_87 = tpu.matmul %convert_element_type3A_77, %convert_element_type3A_85, %dot_general3A_86 {dimension_numbers = #tpu.dot_dimension_numbers<[1], [0], [0], [1], [0, 0, 1, 1], [], []>, transpose_lhs_hint = false} : vector<128x256xbf16>, vector<256x128xbf16>, vector<128x128xf32> -> vector<128x128xf32>
    %swap3A = arith.constant 0 : index
    %swap3A_88 = arith.constant 0 : index
    %swap3A_89 = vector.load %arg7[%swap3A, %swap3A_88] : memref<128x2048xf32, #tpu.memory_space<vmem>>, vector<128x128xf32>
    tpu.vector_store %arg7[%swap3A, %swap3A_88], %dot_general3A_87 {strides = array<i32>} : memref<128x2048xf32, #tpu.memory_space<vmem>>, vector<128x128xf32>,
    %get3A_90 = arith.constant 0 : index
    %get3A_91 = arith.constant 128 : index
    %get3A_92 = vector.load %arg2[%get3A_90, %get3A_91] : memref<128x2048xf32, #tpu.memory_space<vmem>>, vector<128x128xf32>
    %convert_element_type3A_93 = arith.truncf %get3A_92 : vector<128x128xf32> to vector<128x128xbf16>
    %get3A_94 = arith.constant 0 : index
    %get3A_95 = arith.constant 128 : index
    %get3A_96 = vector.load %arg3[%get3A_94, %get3A_95] : memref<128x2048xf32, #tpu.memory_space<vmem>>, vector<128x128xf32>
    %get3A_97 = arith.constant 0 : index
    %get3A_98 = arith.constant 128 : index
    %get3A_99 = vector.load %arg4[%get3A_97, %get3A_98] : memref<128x2048xf32, #tpu.memory_space<vmem>>, vector<128x128xf32>
    %concatenate3A_100 = tpu.concatenate %get3A_96, %get3A_99 in 0 : vector<128x128xf32>, vector<128x128xf32> -> vector<256x128xf32>
    %convert_element_type3A_101 = arith.truncf %concatenate3A_100 : vector<256x128xf32> to vector<256x128xbf16>
    %dot_general3A_102 = arith.constant dense<0.000000e+00> : vector<128x256xf32>
    %dot_general3A_103 = tpu.matmul %convert_element_type3A_93, %convert_element_type3A_101, %dot_general3A_102 {dimension_numbers = #tpu.dot_dimension_numbers<[1], [1], [0], [0], [0, 0, 1, 0], [], []>, transpose_lhs_hint = false} : vector<128x128xbf16>, vector<256x128xbf16>, vector<128x256xf32> -> vector<128x256xf32>
    %mul3A_104 = arith.constant 0.0883883461 : f32
    %mul3A_105 = vector.broadcast %mul3A_104 : f32 to vector<128x256xf32>
    %mul3A_106 = arith.mulf %dot_general3A_103, %mul3A_105 : vector<128x256xf32>
    %jit3A_107 = arith.constant -1.000000e+30 : f32
    %broadcast_in_dim3A_108 = vector.broadcast %jit3A_107 : f32 to vector<128x256xf32>
    %select_n3A_109 = arith.select %and3A_53, %mul3A_106, %broadcast_in_dim3A_108 : vector<128x256xi1>, vector<128x256xf32>
    %reduce_max3A_110 = arith.constant dense<0xFF800000> : vector<128xf32>
    %reduce_max3A_111 = vector.multi_reduction <maximumf>, %select_n3A_109, %reduce_max3A_110 [1] : vector<128x256xf32> to vector<128xf32>
    %broadcast_in_dim3A_112 = vector.shape_cast %reduce_max3A_111 : vector<128xf32> to vector<128x1xf32>
    %sub3A_113 = vector.broadcast %broadcast_in_dim3A_112 : vector<128x1xf32> to vector<128x256xf32>
    %sub3A_114 = arith.subf %select_n3A_109, %sub3A_113 : vector<128x256xf32>
    %exp3A_115 = math.exp %sub3A_114 : vector<128x256xf32>
    %reduce_sum3A_116 = arith.constant dense<0.000000e+00> : vector<128xf32>
    %reduce_sum3A_117 = vector.multi_reduction <add>, %exp3A_115, %reduce_sum3A_116 [1] : vector<128x256xf32> to vector<128xf32>
    %broadcast_in_dim3A_118 = vector.shape_cast %reduce_sum3A_117 : vector<128xf32> to vector<128x1xf32>
    %div3A_119 = vector.broadcast %broadcast_in_dim3A_118 : vector<128x1xf32> to vector<128x256xf32>
    %div3A_120 = arith.divf %exp3A_115, %div3A_119 : vector<128x256xf32>
    %convert_element_type3A_121 = arith.truncf %div3A_120 : vector<128x256xf32> to vector<128x256xbf16>
    %get3A_122 = arith.constant 0 : index
    %get3A_123 = arith.constant 128 : index
    %get3A_124 = vector.load %arg5[%get3A_122, %get3A_123] : memref<128x2048xf32, #tpu.memory_space<vmem>>, vector<128x128xf32>
    %get3A_125 = arith.constant 0 : index
    %get3A_126 = arith.constant 128 : index
    %get3A_127 = vector.load %arg6[%get3A_125, %get3A_126] : memref<128x2048xf32, #tpu.memory_space<vmem>>, vector<128x128xf32>
    %concatenate3A_128 = tpu.concatenate %get3A_124, %get3A_127 in 0 : vector<128x128xf32>, vector<128x128xf32> -> vector<256x128xf32>
    %convert_element_type3A_129 = arith.truncf %concatenate3A_128 : vector<256x128xf32> to vector<256x128xbf16>
    %dot_general3A_130 = arith.constant dense<0.000000e+00> : vector<128x128xf32>
    %dot_general3A_131 = tpu.matmul %convert_element_type3A_121, %convert_element_type3A_129, %dot_general3A_130 {dimension_numbers = #tpu.dot_dimension_numbers<[1], [0], [0], [1], [0, 0, 1, 1], [], []>, transpose_lhs_hint = false} : vector<128x256xbf16>, vector<256x128xbf16>, vector<128x128xf32> -> vector<128x128xf32>
    %swap3A_132 = arith.constant 0 : index
    %swap3A_133 = arith.constant 128 : index
    %swap3A_134 = vector.load %arg7[%swap3A_132, %swap3A_133] : memref<128x2048xf32, #tpu.memory_space<vmem>>, vector<128x128xf32>
    tpu.vector_store %arg7[%swap3A_132, %swap3A_133], %dot_general3A_131 {strides = array<i32>} : memref<128x2048xf32, #tpu.memory_space<vmem>>, vector<128x128xf32>,
    %get3A_135 = arith.constant 0 : index
    %get3A_136 = arith.constant 256 : index
    %get3A_137 = vector.load %arg2[%get3A_135, %get3A_136] : memref<128x2048xf32, #tpu.memory_space<vmem>>, vector<128x128xf32>
    %convert_element_type3A_138 = arith.truncf %get3A_137 : vector<128x128xf32> to vector<128x128xbf16>
    %get3A_139 = arith.constant 0 : index
    %get3A_140 = arith.constant 256 : index
    %get3A_141 = vector.load %arg3[%get3A_139, %get3A_140] : memref<128x2048xf32, #tpu.memory_space<vmem>>, vector<128x128xf32>
    %get3A_142 = arith.constant 0 : index
    %get3A_143 = arith.constant 256 : index
    %get3A_144 = vector.load %arg4[%get3A_142, %get3A_143] : memref<128x2048xf32, #tpu.memory_space<vmem>>, vector<128x128xf32>
    %concatenate3A_145 = tpu.concatenate %get3A_141, %get3A_144 in 0 : vector<128x128xf32>, vector<128x128xf32> -> vector<256x128xf32>
    %convert_element_type3A_146 = arith.truncf %concatenate3A_145 : vector<256x128xf32> to vector<256x128xbf16>
    %dot_general3A_147 = arith.constant dense<0.000000e+00> : vector<128x256xf32>
    %dot_general3A_148 = tpu.matmul %convert_element_type3A_138, %convert_element_type3A_146, %dot_general3A_147 {dimension_numbers = #tpu.dot_dimension_numbers<[1], [1], [0], [0], [0, 0, 1, 0], [], []>, transpose_lhs_hint = false} : vector<128x128xbf16>, vector<256x128xbf16>, vector<128x256xf32> -> vector<128x256xf32>
    %mul3A_149 = arith.constant 0.0883883461 : f32
    %mul3A_150 = vector.broadcast %mul3A_149 : f32 to vector<128x256xf32>
    %mul3A_151 = arith.mulf %dot_general3A_148, %mul3A_150 : vector<128x256xf32>
    %jit3A_152 = arith.constant -1.000000e+30 : f32
    %broadcast_in_dim3A_153 = vector.broadcast %jit3A_152 : f32 to vector<128x256xf32>
    %select_n3A_154 = arith.select %and3A_53, %mul3A_151, %broadcast_in_dim3A_153 : vector<128x256xi1>, vector<128x256xf32>
    %reduce_max3A_155 = arith.constant dense<0xFF800000> : vector<128xf32>
    %reduce_max3A_156 = vector.multi_reduction <maximumf>, %select_n3A_154, %reduce_max3A_155 [1] : vector<128x256xf32> to vector<128xf32>
    %broadcast_in_dim3A_157 = vector.shape_cast %reduce_max3A_156 : vector<128xf32> to vector<128x1xf32>
    %sub3A_158 = vector.broadcast %broadcast_in_dim3A_157 : vector<128x1xf32> to vector<128x256xf32>
    %sub3A_159 = arith.subf %select_n3A_154, %sub3A_158 : vector<128x256xf32>
    %exp3A_160 = math.exp %sub3A_159 : vector<128x256xf32>
    %reduce_sum3A_161 = arith.constant dense<0.000000e+00> : vector<128xf32>
    %reduce_sum3A_162 = vector.multi_reduction <add>, %exp3A_160, %reduce_sum3A_161 [1] : vector<128x256xf32> to vector<128xf32>
    %broadcast_in_dim3A_163 = vector.shape_cast %reduce_sum3A_162 : vector<128xf32> to vector<128x1xf32>
    %div3A_164 = vector.broadcast %broadcast_in_dim3A_163 : vector<128x1xf32> to vector<128x256xf32>
    %div3A_165 = arith.divf %exp3A_160, %div3A_164 : vector<128x256xf32>
    %convert_element_type3A_166 = arith.truncf %div3A_165 : vector<128x256xf32> to vector<128x256xbf16>
    %get3A_167 = arith.constant 0 : index
    %get3A_168 = arith.constant 256 : index
    %get3A_169 = vector.load %arg5[%get3A_167, %get3A_168] : memref<128x2048xf32, #tpu.memory_space<vmem>>, vector<128x128xf32>
    %get3A_170 = arith.constant 0 : index
    %get3A_171 = arith.constant 256 : index
    %get3A_172 = vector.load %arg6[%get3A_170, %get3A_171] : memref<128x2048xf32, #tpu.memory_space<vmem>>, vector<128x128xf32>
    %concatenate3A_173 = tpu.concatenate %get3A_169, %get3A_172 in 0 : vector<128x128xf32>, vector<128x128xf32> -> vector<256x128xf32>
    %convert_element_type3A_174 = arith.truncf %concatenate3A_173 : vector<256x128xf32> to vector<256x128xbf16>
    %dot_general3A_175 = arith.constant dense<0.000000e+00> : vector<128x128xf32>
    %dot_general3A_176 = tpu.matmul %convert_element_type3A_166, %convert_element_type3A_174, %dot_general3A_175 {dimension_numbers = #tpu.dot_dimension_numbers<[1], [0], [0], [1], [0, 0, 1, 1], [], []>, transpose_lhs_hint = false} : vector<128x256xbf16>, vector<256x128xbf16>, vector<128x128xf32> -> vector<128x128xf32>
    %swap3A_177 = arith.constant 0 : index
    %swap3A_178 = arith.constant 256 : index
    %swap3A_179 = vector.load %arg7[%swap3A_177, %swap3A_178] : memref<128x2048xf32, #tpu.memory_space<vmem>>, vector<128x128xf32>
    tpu.vector_store %arg7[%swap3A_177, %swap3A_178], %dot_general3A_176 {strides = array<i32>} : memref<128x2048xf32, #tpu.memory_space<vmem>>, vector<128x128xf32>,
    %get3A_180 = arith.constant 0 : index
    %get3A_181 = arith.constant 384 : index
    %get3A_182 = vector.load %arg2[%get3A_180, %get3A_181] : memref<128x2048xf32, #tpu.memory_space<vmem>>, vector<128x128xf32>
    %convert_element_type3A_183 = arith.truncf %get3A_182 : vector<128x128xf32> to vector<128x128xbf16>
    %get3A_184 = arith.constant 0 : index
    %get3A_185 = arith.constant 384 : index
    %get3A_186 = vector.load %arg3[%get3A_184, %get3A_185] : memref<128x2048xf32, #tpu.memory_space<vmem>>, vector<128x128xf32>
    %get3A_187 = arith.constant 0 : index
    %get3A_188 = arith.constant 384 : index
    %get3A_189 = vector.load %arg4[%get3A_187, %get3A_188] : memref<128x2048xf32, #tpu.memory_space<vmem>>, vector<128x128xf32>
    %concatenate3A_190 = tpu.concatenate %get3A_186, %get3A_189 in 0 : vector<128x128xf32>, vector<128x128xf32> -> vector<256x128xf32>
    %convert_element_type3A_191 = arith.truncf %concatenate3A_190 : vector<256x128xf32> to vector<256x128xbf16>
    %dot_general3A_192 = arith.constant dense<0.000000e+00> : vector<128x256xf32>
    %dot_general3A_193 = tpu.matmul %convert_element_type3A_183, %convert_element_type3A_191, %dot_general3A_192 {dimension_numbers = #tpu.dot_dimension_numbers<[1], [1], [0], [0], [0, 0, 1, 0], [], []>, transpose_lhs_hint = false} : vector<128x128xbf16>, vector<256x128xbf16>, vector<128x256xf32> -> vector<128x256xf32>
    %mul3A_194 = arith.constant 0.0883883461 : f32
    %mul3A_195 = vector.broadcast %mul3A_194 : f32 to vector<128x256xf32>
    %mul3A_196 = arith.mulf %dot_general3A_193, %mul3A_195 : vector<128x256xf32>
    %jit3A_197 = arith.constant -1.000000e+30 : f32
    %broadcast_in_dim3A_198 = vector.broadcast %jit3A_197 : f32 to vector<128x256xf32>
    %select_n3A_199 = arith.select %and3A_53, %mul3A_196, %broadcast_in_dim3A_198 : vector<128x256xi1>, vector<128x256xf32>
    %reduce_max3A_200 = arith.constant dense<0xFF800000> : vector<128xf32>
    %reduce_max3A_201 = vector.multi_reduction <maximumf>, %select_n3A_199, %reduce_max3A_200 [1] : vector<128x256xf32> to vector<128xf32>
    %broadcast_in_dim3A_202 = vector.shape_cast %reduce_max3A_201 : vector<128xf32> to vector<128x1xf32>
    %sub3A_203 = vector.broadcast %broadcast_in_dim3A_202 : vector<128x1xf32> to vector<128x256xf32>
    %sub3A_204 = arith.subf %select_n3A_199, %sub3A_203 : vector<128x256xf32>
    %exp3A_205 = math.exp %sub3A_204 : vector<128x256xf32>
    %reduce_sum3A_206 = arith.constant dense<0.000000e+00> : vector<128xf32>
    %reduce_sum3A_207 = vector.multi_reduction <add>, %exp3A_205, %reduce_sum3A_206 [1] : vector<128x256xf32> to vector<128xf32>
    %broadcast_in_dim3A_208 = vector.shape_cast %reduce_sum3A_207 : vector<128xf32> to vector<128x1xf32>
    %div3A_209 = vector.broadcast %broadcast_in_dim3A_208 : vector<128x1xf32> to vector<128x256xf32>
    %div3A_210 = arith.divf %exp3A_205, %div3A_209 : vector<128x256xf32>
    %convert_element_type3A_211 = arith.truncf %div3A_210 : vector<128x256xf32> to vector<128x256xbf16>
    %get3A_212 = arith.constant 0 : index
    %get3A_213 = arith.constant 384 : index
    %get3A_214 = vector.load %arg5[%get3A_212, %get3A_213] : memref<128x2048xf32, #tpu.memory_space<vmem>>, vector<128x128xf32>
    %get3A_215 = arith.constant 0 : index
    %get3A_216 = arith.constant 384 : index
    %get3A_217 = vector.load %arg6[%get3A_215, %get3A_216] : memref<128x2048xf32, #tpu.memory_space<vmem>>, vector<128x128xf32>
    %concatenate3A_218 = tpu.concatenate %get3A_214, %get3A_217 in 0 : vector<128x128xf32>, vector<128x128xf32> -> vector<256x128xf32>
    %convert_element_type3A_219 = arith.truncf %concatenate3A_218 : vector<256x128xf32> to vector<256x128xbf16>
    %dot_general3A_220 = arith.constant dense<0.000000e+00> : vector<128x128xf32>
    %dot_general3A_221 = tpu.matmul %convert_element_type3A_211, %convert_element_type3A_219, %dot_general3A_220 {dimension_numbers = #tpu.dot_dimension_numbers<[1], [0], [0], [1], [0, 0, 1, 1], [], []>, transpose_lhs_hint = false} : vector<128x256xbf16>, vector<256x128xbf16>, vector<128x128xf32> -> vector<128x128xf32>
    %swap3A_222 = arith.constant 0 : index
    %swap3A_223 = arith.constant 384 : index
    %swap3A_224 = vector.load %arg7[%swap3A_222, %swap3A_223] : memref<128x2048xf32, #tpu.memory_space<vmem>>, vector<128x128xf32>
    tpu.vector_store %arg7[%swap3A_222, %swap3A_223], %dot_general3A_221 {strides = array<i32>} : memref<128x2048xf32, #tpu.memory_space<vmem>>, vector<128x128xf32>,
    %get3A_225 = arith.constant 0 : index
    %get3A_226 = arith.constant 512 : index
    %get3A_227 = vector.load %arg2[%get3A_225, %get3A_226] : memref<128x2048xf32, #tpu.memory_space<vmem>>, vector<128x128xf32>
    %convert_element_type3A_228 = arith.truncf %get3A_227 : vector<128x128xf32> to vector<128x128xbf16>
    %get3A_229 = arith.constant 0 : index
    %get3A_230 = arith.constant 512 : index
    %get3A_231 = vector.load %arg3[%get3A_229, %get3A_230] : memref<128x2048xf32, #tpu.memory_space<vmem>>, vector<128x128xf32>
    %get3A_232 = arith.constant 0 : index
    %get3A_233 = arith.constant 512 : index
    %get3A_234 = vector.load %arg4[%get3A_232, %get3A_233] : memref<128x2048xf32, #tpu.memory_space<vmem>>, vector<128x128xf32>
    %concatenate3A_235 = tpu.concatenate %get3A_231, %get3A_234 in 0 : vector<128x128xf32>, vector<128x128xf32> -> vector<256x128xf32>
    %convert_element_type3A_236 = arith.truncf %concatenate3A_235 : vector<256x128xf32> to vector<256x128xbf16>
    %dot_general3A_237 = arith.constant dense<0.000000e+00> : vector<128x256xf32>
    %dot_general3A_238 = tpu.matmul %convert_element_type3A_228, %convert_element_type3A_236, %dot_general3A_237 {dimension_numbers = #tpu.dot_dimension_numbers<[1], [1], [0], [0], [0, 0, 1, 0], [], []>, transpose_lhs_hint = false} : vector<128x128xbf16>, vector<256x128xbf16>, vector<128x256xf32> -> vector<128x256xf32>
    %mul3A_239 = arith.constant 0.0883883461 : f32
    %mul3A_240 = vector.broadcast %mul3A_239 : f32 to vector<128x256xf32>
    %mul3A_241 = arith.mulf %dot_general3A_238, %mul3A_240 : vector<128x256xf32>
    %jit3A_242 = arith.constant -1.000000e+30 : f32
    %broadcast_in_dim3A_243 = vector.broadcast %jit3A_242 : f32 to vector<128x256xf32>
    %select_n3A_244 = arith.select %and3A_53, %mul3A_241, %broadcast_in_dim3A_243 : vector<128x256xi1>, vector<128x256xf32>
    %reduce_max3A_245 = arith.constant dense<0xFF800000> : vector<128xf32>
    %reduce_max3A_246 = vector.multi_reduction <maximumf>, %select_n3A_244, %reduce_max3A_245 [1] : vector<128x256xf32> to vector<128xf32>
    %broadcast_in_dim3A_247 = vector.shape_cast %reduce_max3A_246 : vector<128xf32> to vector<128x1xf32>
    %sub3A_248 = vector.broadcast %broadcast_in_dim3A_247 : vector<128x1xf32> to vector<128x256xf32>
    %sub3A_249 = arith.subf %select_n3A_244, %sub3A_248 : vector<128x256xf32>
    %exp3A_250 = math.exp %sub3A_249 : vector<128x256xf32>
    %reduce_sum3A_251 = arith.constant dense<0.000000e+00> : vector<128xf32>
    %reduce_sum3A_252 = vector.multi_reduction <add>, %exp3A_250, %reduce_sum3A_251 [1] : vector<128x256xf32> to vector<128xf32>
    %broadcast_in_dim3A_253 = vector.shape_cast %reduce_sum3A_252 : vector<128xf32> to vector<128x1xf32>
    %div3A_254 = vector.broadcast %broadcast_in_dim3A_253 : vector<128x1xf32> to vector<128x256xf32>
    %div3A_255 = arith.divf %exp3A_250, %div3A_254 : vector<128x256xf32>
    %convert_element_type3A_256 = arith.truncf %div3A_255 : vector<128x256xf32> to vector<128x256xbf16>
    %get3A_257 = arith.constant 0 : index
    %get3A_258 = arith.constant 512 : index
    %get3A_259 = vector.load %arg5[%get3A_257, %get3A_258] : memref<128x2048xf32, #tpu.memory_space<vmem>>, vector<128x128xf32>
    %get3A_260 = arith.constant 0 : index
    %get3A_261 = arith.constant 512 : index
    %get3A_262 = vector.load %arg6[%get3A_260, %get3A_261] : memref<128x2048xf32, #tpu.memory_space<vmem>>, vector<128x128xf32>
    %concatenate3A_263 = tpu.concatenate %get3A_259, %get3A_262 in 0 : vector<128x128xf32>, vector<128x128xf32> -> vector<256x128xf32>
    %convert_element_type3A_264 = arith.truncf %concatenate3A_263 : vector<256x128xf32> to vector<256x128xbf16>
    %dot_general3A_265 = arith.constant dense<0.000000e+00> : vector<128x128xf32>
    %dot_general3A_266 = tpu.matmul %convert_element_type3A_256, %convert_element_type3A_264, %dot_general3A_265 {dimension_numbers = #tpu.dot_dimension_numbers<[1], [0], [0], [1], [0, 0, 1, 1], [], []>, transpose_lhs_hint = false} : vector<128x256xbf16>, vector<256x128xbf16>, vector<128x128xf32> -> vector<128x128xf32>
    %swap3A_267 = arith.constant 0 : index
    %swap3A_268 = arith.constant 512 : index
    %swap3A_269 = vector.load %arg7[%swap3A_267, %swap3A_268] : memref<128x2048xf32, #tpu.memory_space<vmem>>, vector<128x128xf32>
    tpu.vector_store %arg7[%swap3A_267, %swap3A_268], %dot_general3A_266 {strides = array<i32>} : memref<128x2048xf32, #tpu.memory_space<vmem>>, vector<128x128xf32>,
    %get3A_270 = arith.constant 0 : index
    %get3A_271 = arith.constant 640 : index
    %get3A_272 = vector.load %arg2[%get3A_270, %get3A_271] : memref<128x2048xf32, #tpu.memory_space<vmem>>, vector<128x128xf32>
    %convert_element_type3A_273 = arith.truncf %get3A_272 : vector<128x128xf32> to vector<128x128xbf16>
    %get3A_274 = arith.constant 0 : index
    %get3A_275 = arith.constant 640 : index
    %get3A_276 = vector.load %arg3[%get3A_274, %get3A_275] : memref<128x2048xf32, #tpu.memory_space<vmem>>, vector<128x128xf32>
    %get3A_277 = arith.constant 0 : index
    %get3A_278 = arith.constant 640 : index
    %get3A_279 = vector.load %arg4[%get3A_277, %get3A_278] : memref<128x2048xf32, #tpu.memory_space<vmem>>, vector<128x128xf32>
    %concatenate3A_280 = tpu.concatenate %get3A_276, %get3A_279 in 0 : vector<128x128xf32>, vector<128x128xf32> -> vector<256x128xf32>
    %convert_element_type3A_281 = arith.truncf %concatenate3A_280 : vector<256x128xf32> to vector<256x128xbf16>
    %dot_general3A_282 = arith.constant dense<0.000000e+00> : vector<128x256xf32>
    %dot_general3A_283 = tpu.matmul %convert_element_type3A_273, %convert_element_type3A_281, %dot_general3A_282 {dimension_numbers = #tpu.dot_dimension_numbers<[1], [1], [0], [0], [0, 0, 1, 0], [], []>, transpose_lhs_hint = false} : vector<128x128xbf16>, vector<256x128xbf16>, vector<128x256xf32> -> vector<128x256xf32>
    %mul3A_284 = arith.constant 0.0883883461 : f32
    %mul3A_285 = vector.broadcast %mul3A_284 : f32 to vector<128x256xf32>
    %mul3A_286 = arith.mulf %dot_general3A_283, %mul3A_285 : vector<128x256xf32>
    %jit3A_287 = arith.constant -1.000000e+30 : f32
    %broadcast_in_dim3A_288 = vector.broadcast %jit3A_287 : f32 to vector<128x256xf32>
    %select_n3A_289 = arith.select %and3A_53, %mul3A_286, %broadcast_in_dim3A_288 : vector<128x256xi1>, vector<128x256xf32>
    %reduce_max3A_290 = arith.constant dense<0xFF800000> : vector<128xf32>
    %reduce_max3A_291 = vector.multi_reduction <maximumf>, %select_n3A_289, %reduce_max3A_290 [1] : vector<128x256xf32> to vector<128xf32>
    %broadcast_in_dim3A_292 = vector.shape_cast %reduce_max3A_291 : vector<128xf32> to vector<128x1xf32>
    %sub3A_293 = vector.broadcast %broadcast_in_dim3A_292 : vector<128x1xf32> to vector<128x256xf32>
    %sub3A_294 = arith.subf %select_n3A_289, %sub3A_293 : vector<128x256xf32>
    %exp3A_295 = math.exp %sub3A_294 : vector<128x256xf32>
    %reduce_sum3A_296 = arith.constant dense<0.000000e+00> : vector<128xf32>
    %reduce_sum3A_297 = vector.multi_reduction <add>, %exp3A_295, %reduce_sum3A_296 [1] : vector<128x256xf32> to vector<128xf32>
    %broadcast_in_dim3A_298 = vector.shape_cast %reduce_sum3A_297 : vector<128xf32> to vector<128x1xf32>
    %div3A_299 = vector.broadcast %broadcast_in_dim3A_298 : vector<128x1xf32> to vector<128x256xf32>
    %div3A_300 = arith.divf %exp3A_295, %div3A_299 : vector<128x256xf32>
    %convert_element_type3A_301 = arith.truncf %div3A_300 : vector<128x256xf32> to vector<128x256xbf16>
    %get3A_302 = arith.constant 0 : index
    %get3A_303 = arith.constant 640 : index
    %get3A_304 = vector.load %arg5[%get3A_302, %get3A_303] : memref<128x2048xf32, #tpu.memory_space<vmem>>, vector<128x128xf32>
    %get3A_305 = arith.constant 0 : index
    %get3A_306 = arith.constant 640 : index
    %get3A_307 = vector.load %arg6[%get3A_305, %get3A_306] : memref<128x2048xf32, #tpu.memory_space<vmem>>, vector<128x128xf32>
    %concatenate3A_308 = tpu.concatenate %get3A_304, %get3A_307 in 0 : vector<128x128xf32>, vector<128x128xf32> -> vector<256x128xf32>
    %convert_element_type3A_309 = arith.truncf %concatenate3A_308 : vector<256x128xf32> to vector<256x128xbf16>
    %dot_general3A_310 = arith.constant dense<0.000000e+00> : vector<128x128xf32>
    %dot_general3A_311 = tpu.matmul %convert_element_type3A_301, %convert_element_type3A_309, %dot_general3A_310 {dimension_numbers = #tpu.dot_dimension_numbers<[1], [0], [0], [1], [0, 0, 1, 1], [], []>, transpose_lhs_hint = false} : vector<128x256xbf16>, vector<256x128xbf16>, vector<128x128xf32> -> vector<128x128xf32>
    %swap3A_312 = arith.constant 0 : index
    %swap3A_313 = arith.constant 640 : index
    %swap3A_314 = vector.load %arg7[%swap3A_312, %swap3A_313] : memref<128x2048xf32, #tpu.memory_space<vmem>>, vector<128x128xf32>
    tpu.vector_store %arg7[%swap3A_312, %swap3A_313], %dot_general3A_311 {strides = array<i32>} : memref<128x2048xf32, #tpu.memory_space<vmem>>, vector<128x128xf32>,
    %get3A_315 = arith.constant 0 : index
    %get3A_316 = arith.constant 768 : index
    %get3A_317 = vector.load %arg2[%get3A_315, %get3A_316] : memref<128x2048xf32, #tpu.memory_space<vmem>>, vector<128x128xf32>
    %convert_element_type3A_318 = arith.truncf %get3A_317 : vector<128x128xf32> to vector<128x128xbf16>
    %get3A_319 = arith.constant 0 : index
    %get3A_320 = arith.constant 768 : index
    %get3A_321 = vector.load %arg3[%get3A_319, %get3A_320] : memref<128x2048xf32, #tpu.memory_space<vmem>>, vector<128x128xf32>
    %get3A_322 = arith.constant 0 : index
    %get3A_323 = arith.constant 768 : index
    %get3A_324 = vector.load %arg4[%get3A_322, %get3A_323] : memref<128x2048xf32, #tpu.memory_space<vmem>>, vector<128x128xf32>
    %concatenate3A_325 = tpu.concatenate %get3A_321, %get3A_324 in 0 : vector<128x128xf32>, vector<128x128xf32> -> vector<256x128xf32>
    %convert_element_type3A_326 = arith.truncf %concatenate3A_325 : vector<256x128xf32> to vector<256x128xbf16>
    %dot_general3A_327 = arith.constant dense<0.000000e+00> : vector<128x256xf32>
    %dot_general3A_328 = tpu.matmul %convert_element_type3A_318, %convert_element_type3A_326, %dot_general3A_327 {dimension_numbers = #tpu.dot_dimension_numbers<[1], [1], [0], [0], [0, 0, 1, 0], [], []>, transpose_lhs_hint = false} : vector<128x128xbf16>, vector<256x128xbf16>, vector<128x256xf32> -> vector<128x256xf32>
    %mul3A_329 = arith.constant 0.0883883461 : f32
    %mul3A_330 = vector.broadcast %mul3A_329 : f32 to vector<128x256xf32>
    %mul3A_331 = arith.mulf %dot_general3A_328, %mul3A_330 : vector<128x256xf32>
    %jit3A_332 = arith.constant -1.000000e+30 : f32
    %broadcast_in_dim3A_333 = vector.broadcast %jit3A_332 : f32 to vector<128x256xf32>
    %select_n3A_334 = arith.select %and3A_53, %mul3A_331, %broadcast_in_dim3A_333 : vector<128x256xi1>, vector<128x256xf32>
    %reduce_max3A_335 = arith.constant dense<0xFF800000> : vector<128xf32>
    %reduce_max3A_336 = vector.multi_reduction <maximumf>, %select_n3A_334, %reduce_max3A_335 [1] : vector<128x256xf32> to vector<128xf32>
    %broadcast_in_dim3A_337 = vector.shape_cast %reduce_max3A_336 : vector<128xf32> to vector<128x1xf32>
    %sub3A_338 = vector.broadcast %broadcast_in_dim3A_337 : vector<128x1xf32> to vector<128x256xf32>
    %sub3A_339 = arith.subf %select_n3A_334, %sub3A_338 : vector<128x256xf32>
    %exp3A_340 = math.exp %sub3A_339 : vector<128x256xf32>
    %reduce_sum3A_341 = arith.constant dense<0.000000e+00> : vector<128xf32>
    %reduce_sum3A_342 = vector.multi_reduction <add>, %exp3A_340, %reduce_sum3A_341 [1] : vector<128x256xf32> to vector<128xf32>
    %broadcast_in_dim3A_343 = vector.shape_cast %reduce_sum3A_342 : vector<128xf32> to vector<128x1xf32>
    %div3A_344 = vector.broadcast %broadcast_in_dim3A_343 : vector<128x1xf32> to vector<128x256xf32>
    %div3A_345 = arith.divf %exp3A_340, %div3A_344 : vector<128x256xf32>
    %convert_element_type3A_346 = arith.truncf %div3A_345 : vector<128x256xf32> to vector<128x256xbf16>
    %get3A_347 = arith.constant 0 : index
    %get3A_348 = arith.constant 768 : index
    %get3A_349 = vector.load %arg5[%get3A_347, %get3A_348] : memref<128x2048xf32, #tpu.memory_space<vmem>>, vector<128x128xf32>
    %get3A_350 = arith.constant 0 : index
    %get3A_351 = arith.constant 768 : index
    %get3A_352 = vector.load %arg6[%get3A_350, %get3A_351] : memref<128x2048xf32, #tpu.memory_space<vmem>>, vector<128x128xf32>
    %concatenate3A_353 = tpu.concatenate %get3A_349, %get3A_352 in 0 : vector<128x128xf32>, vector<128x128xf32> -> vector<256x128xf32>
    %convert_element_type3A_354 = arith.truncf %concatenate3A_353 : vector<256x128xf32> to vector<256x128xbf16>
    %dot_general3A_355 = arith.constant dense<0.000000e+00> : vector<128x128xf32>
    %dot_general3A_356 = tpu.matmul %convert_element_type3A_346, %convert_element_type3A_354, %dot_general3A_355 {dimension_numbers = #tpu.dot_dimension_numbers<[1], [0], [0], [1], [0, 0, 1, 1], [], []>, transpose_lhs_hint = false} : vector<128x256xbf16>, vector<256x128xbf16>, vector<128x128xf32> -> vector<128x128xf32>
    %swap3A_357 = arith.constant 0 : index
    %swap3A_358 = arith.constant 768 : index
    %swap3A_359 = vector.load %arg7[%swap3A_357, %swap3A_358] : memref<128x2048xf32, #tpu.memory_space<vmem>>, vector<128x128xf32>
    tpu.vector_store %arg7[%swap3A_357, %swap3A_358], %dot_general3A_356 {strides = array<i32>} : memref<128x2048xf32, #tpu.memory_space<vmem>>, vector<128x128xf32>,
    %get3A_360 = arith.constant 0 : index
    %get3A_361 = arith.constant 896 : index
    %get3A_362 = vector.load %arg2[%get3A_360, %get3A_361] : memref<128x2048xf32, #tpu.memory_space<vmem>>, vector<128x128xf32>
    %convert_element_type3A_363 = arith.truncf %get3A_362 : vector<128x128xf32> to vector<128x128xbf16>
    %get3A_364 = arith.constant 0 : index
    %get3A_365 = arith.constant 896 : index
    %get3A_366 = vector.load %arg3[%get3A_364, %get3A_365] : memref<128x2048xf32, #tpu.memory_space<vmem>>, vector<128x128xf32>
    %get3A_367 = arith.constant 0 : index
    %get3A_368 = arith.constant 896 : index
    %get3A_369 = vector.load %arg4[%get3A_367, %get3A_368] : memref<128x2048xf32, #tpu.memory_space<vmem>>, vector<128x128xf32>
    %concatenate3A_370 = tpu.concatenate %get3A_366, %get3A_369 in 0 : vector<128x128xf32>, vector<128x128xf32> -> vector<256x128xf32>
    %convert_element_type3A_371 = arith.truncf %concatenate3A_370 : vector<256x128xf32> to vector<256x128xbf16>
    %dot_general3A_372 = arith.constant dense<0.000000e+00> : vector<128x256xf32>
    %dot_general3A_373 = tpu.matmul %convert_element_type3A_363, %convert_element_type3A_371, %dot_general3A_372 {dimension_numbers = #tpu.dot_dimension_numbers<[1], [1], [0], [0], [0, 0, 1, 0], [], []>, transpose_lhs_hint = false} : vector<128x128xbf16>, vector<256x128xbf16>, vector<128x256xf32> -> vector<128x256xf32>
    %mul3A_374 = arith.constant 0.0883883461 : f32
    %mul3A_375 = vector.broadcast %mul3A_374 : f32 to vector<128x256xf32>
    %mul3A_376 = arith.mulf %dot_general3A_373, %mul3A_375 : vector<128x256xf32>
    %jit3A_377 = arith.constant -1.000000e+30 : f32
    %broadcast_in_dim3A_378 = vector.broadcast %jit3A_377 : f32 to vector<128x256xf32>
    %select_n3A_379 = arith.select %and3A_53, %mul3A_376, %broadcast_in_dim3A_378 : vector<128x256xi1>, vector<128x256xf32>
    %reduce_max3A_380 = arith.constant dense<0xFF800000> : vector<128xf32>
    %reduce_max3A_381 = vector.multi_reduction <maximumf>, %select_n3A_379, %reduce_max3A_380 [1] : vector<128x256xf32> to vector<128xf32>
    %broadcast_in_dim3A_382 = vector.shape_cast %reduce_max3A_381 : vector<128xf32> to vector<128x1xf32>
    %sub3A_383 = vector.broadcast %broadcast_in_dim3A_382 : vector<128x1xf32> to vector<128x256xf32>
    %sub3A_384 = arith.subf %select_n3A_379, %sub3A_383 : vector<128x256xf32>
    %exp3A_385 = math.exp %sub3A_384 : vector<128x256xf32>
    %reduce_sum3A_386 = arith.constant dense<0.000000e+00> : vector<128xf32>
    %reduce_sum3A_387 = vector.multi_reduction <add>, %exp3A_385, %reduce_sum3A_386 [1] : vector<128x256xf32> to vector<128xf32>
    %broadcast_in_dim3A_388 = vector.shape_cast %reduce_sum3A_387 : vector<128xf32> to vector<128x1xf32>
    %div3A_389 = vector.broadcast %broadcast_in_dim3A_388 : vector<128x1xf32> to vector<128x256xf32>
    %div3A_390 = arith.divf %exp3A_385, %div3A_389 : vector<128x256xf32>
    %convert_element_type3A_391 = arith.truncf %div3A_390 : vector<128x256xf32> to vector<128x256xbf16>
    %get3A_392 = arith.constant 0 : index
    %get3A_393 = arith.constant 896 : index
    %get3A_394 = vector.load %arg5[%get3A_392, %get3A_393] : memref<128x2048xf32, #tpu.memory_space<vmem>>, vector<128x128xf32>
    %get3A_395 = arith.constant 0 : index
    %get3A_396 = arith.constant 896 : index
    %get3A_397 = vector.load %arg6[%get3A_395, %get3A_396] : memref<128x2048xf32, #tpu.memory_space<vmem>>, vector<128x128xf32>
    %concatenate3A_398 = tpu.concatenate %get3A_394, %get3A_397 in 0 : vector<128x128xf32>, vector<128x128xf32> -> vector<256x128xf32>
    %convert_element_type3A_399 = arith.truncf %concatenate3A_398 : vector<256x128xf32> to vector<256x128xbf16>
    %dot_general3A_400 = arith.constant dense<0.000000e+00> : vector<128x128xf32>
    %dot_general3A_401 = tpu.matmul %convert_element_type3A_391, %convert_element_type3A_399, %dot_general3A_400 {dimension_numbers = #tpu.dot_dimension_numbers<[1], [0], [0], [1], [0, 0, 1, 1], [], []>, transpose_lhs_hint = false} : vector<128x256xbf16>, vector<256x128xbf16>, vector<128x128xf32> -> vector<128x128xf32>
    %swap3A_402 = arith.constant 0 : index
    %swap3A_403 = arith.constant 896 : index
    %swap3A_404 = vector.load %arg7[%swap3A_402, %swap3A_403] : memref<128x2048xf32, #tpu.memory_space<vmem>>, vector<128x128xf32>
    tpu.vector_store %arg7[%swap3A_402, %swap3A_403], %dot_general3A_401 {strides = array<i32>} : memref<128x2048xf32, #tpu.memory_space<vmem>>, vector<128x128xf32>,
    %get3A_405 = arith.constant 0 : index
    %get3A_406 = arith.constant 1024 : index
    %get3A_407 = vector.load %arg2[%get3A_405, %get3A_406] : memref<128x2048xf32, #tpu.memory_space<vmem>>, vector<128x128xf32>
    %convert_element_type3A_408 = arith.truncf %get3A_407 : vector<128x128xf32> to vector<128x128xbf16>
    %get3A_409 = arith.constant 0 : index
    %get3A_410 = arith.constant 1024 : index
    %get3A_411 = vector.load %arg3[%get3A_409, %get3A_410] : memref<128x2048xf32, #tpu.memory_space<vmem>>, vector<128x128xf32>
    %get3A_412 = arith.constant 0 : index
    %get3A_413 = arith.constant 1024 : index
    %get3A_414 = vector.load %arg4[%get3A_412, %get3A_413] : memref<128x2048xf32, #tpu.memory_space<vmem>>, vector<128x128xf32>
    %concatenate3A_415 = tpu.concatenate %get3A_411, %get3A_414 in 0 : vector<128x128xf32>, vector<128x128xf32> -> vector<256x128xf32>
    %convert_element_type3A_416 = arith.truncf %concatenate3A_415 : vector<256x128xf32> to vector<256x128xbf16>
    %dot_general3A_417 = arith.constant dense<0.000000e+00> : vector<128x256xf32>
    %dot_general3A_418 = tpu.matmul %convert_element_type3A_408, %convert_element_type3A_416, %dot_general3A_417 {dimension_numbers = #tpu.dot_dimension_numbers<[1], [1], [0], [0], [0, 0, 1, 0], [], []>, transpose_lhs_hint = false} : vector<128x128xbf16>, vector<256x128xbf16>, vector<128x256xf32> -> vector<128x256xf32>
    %mul3A_419 = arith.constant 0.0883883461 : f32
    %mul3A_420 = vector.broadcast %mul3A_419 : f32 to vector<128x256xf32>
    %mul3A_421 = arith.mulf %dot_general3A_418, %mul3A_420 : vector<128x256xf32>
    %jit3A_422 = arith.constant -1.000000e+30 : f32
    %broadcast_in_dim3A_423 = vector.broadcast %jit3A_422 : f32 to vector<128x256xf32>
    %select_n3A_424 = arith.select %and3A_53, %mul3A_421, %broadcast_in_dim3A_423 : vector<128x256xi1>, vector<128x256xf32>
    %reduce_max3A_425 = arith.constant dense<0xFF800000> : vector<128xf32>
    %reduce_max3A_426 = vector.multi_reduction <maximumf>, %select_n3A_424, %reduce_max3A_425 [1] : vector<128x256xf32> to vector<128xf32>
    %broadcast_in_dim3A_427 = vector.shape_cast %reduce_max3A_426 : vector<128xf32> to vector<128x1xf32>
    %sub3A_428 = vector.broadcast %broadcast_in_dim3A_427 : vector<128x1xf32> to vector<128x256xf32>
    %sub3A_429 = arith.subf %select_n3A_424, %sub3A_428 : vector<128x256xf32>
    %exp3A_430 = math.exp %sub3A_429 : vector<128x256xf32>
    %reduce_sum3A_431 = arith.constant dense<0.000000e+00> : vector<128xf32>
    %reduce_sum3A_432 = vector.multi_reduction <add>, %exp3A_430, %reduce_sum3A_431 [1] : vector<128x256xf32> to vector<128xf32>
    %broadcast_in_dim3A_433 = vector.shape_cast %reduce_sum3A_432 : vector<128xf32> to vector<128x1xf32>
    %div3A_434 = vector.broadcast %broadcast_in_dim3A_433 : vector<128x1xf32> to vector<128x256xf32>
    %div3A_435 = arith.divf %exp3A_430, %div3A_434 : vector<128x256xf32>
    %convert_element_type3A_436 = arith.truncf %div3A_435 : vector<128x256xf32> to vector<128x256xbf16>
    %get3A_437 = arith.constant 0 : index
    %get3A_438 = arith.constant 1024 : index
    %get3A_439 = vector.load %arg5[%get3A_437, %get3A_438] : memref<128x2048xf32, #tpu.memory_space<vmem>>, vector<128x128xf32>
    %get3A_440 = arith.constant 0 : index
    %get3A_441 = arith.constant 1024 : index
    %get3A_442 = vector.load %arg6[%get3A_440, %get3A_441] : memref<128x2048xf32, #tpu.memory_space<vmem>>, vector<128x128xf32>
    %concatenate3A_443 = tpu.concatenate %get3A_439, %get3A_442 in 0 : vector<128x128xf32>, vector<128x128xf32> -> vector<256x128xf32>
    %convert_element_type3A_444 = arith.truncf %concatenate3A_443 : vector<256x128xf32> to vector<256x128xbf16>
    %dot_general3A_445 = arith.constant dense<0.000000e+00> : vector<128x128xf32>
    %dot_general3A_446 = tpu.matmul %convert_element_type3A_436, %convert_element_type3A_444, %dot_general3A_445 {dimension_numbers = #tpu.dot_dimension_numbers<[1], [0], [0], [1], [0, 0, 1, 1], [], []>, transpose_lhs_hint = false} : vector<128x256xbf16>, vector<256x128xbf16>, vector<128x128xf32> -> vector<128x128xf32>
    %swap3A_447 = arith.constant 0 : index
    %swap3A_448 = arith.constant 1024 : index
    %swap3A_449 = vector.load %arg7[%swap3A_447, %swap3A_448] : memref<128x2048xf32, #tpu.memory_space<vmem>>, vector<128x128xf32>
    tpu.vector_store %arg7[%swap3A_447, %swap3A_448], %dot_general3A_446 {strides = array<i32>} : memref<128x2048xf32, #tpu.memory_space<vmem>>, vector<128x128xf32>,
    %get3A_450 = arith.constant 0 : index
    %get3A_451 = arith.constant 1152 : index
    %get3A_452 = vector.load %arg2[%get3A_450, %get3A_451] : memref<128x2048xf32, #tpu.memory_space<vmem>>, vector<128x128xf32>
    %convert_element_type3A_453 = arith.truncf %get3A_452 : vector<128x128xf32> to vector<128x128xbf16>
    %get3A_454 = arith.constant 0 : index
    %get3A_455 = arith.constant 1152 : index
    %get3A_456 = vector.load %arg3[%get3A_454, %get3A_455] : memref<128x2048xf32, #tpu.memory_space<vmem>>, vector<128x128xf32>
    %get3A_457 = arith.constant 0 : index
    %get3A_458 = arith.constant 1152 : index
    %get3A_459 = vector.load %arg4[%get3A_457, %get3A_458] : memref<128x2048xf32, #tpu.memory_space<vmem>>, vector<128x128xf32>
    %concatenate3A_460 = tpu.concatenate %get3A_456, %get3A_459 in 0 : vector<128x128xf32>, vector<128x128xf32> -> vector<256x128xf32>
    %convert_element_type3A_461 = arith.truncf %concatenate3A_460 : vector<256x128xf32> to vector<256x128xbf16>
    %dot_general3A_462 = arith.constant dense<0.000000e+00> : vector<128x256xf32>
    %dot_general3A_463 = tpu.matmul %convert_element_type3A_453, %convert_element_type3A_461, %dot_general3A_462 {dimension_numbers = #tpu.dot_dimension_numbers<[1], [1], [0], [0], [0, 0, 1, 0], [], []>, transpose_lhs_hint = false} : vector<128x128xbf16>, vector<256x128xbf16>, vector<128x256xf32> -> vector<128x256xf32>
    %mul3A_464 = arith.constant 0.0883883461 : f32
    %mul3A_465 = vector.broadcast %mul3A_464 : f32 to vector<128x256xf32>
    %mul3A_466 = arith.mulf %dot_general3A_463, %mul3A_465 : vector<128x256xf32>
    %jit3A_467 = arith.constant -1.000000e+30 : f32
    %broadcast_in_dim3A_468 = vector.broadcast %jit3A_467 : f32 to vector<128x256xf32>
    %select_n3A_469 = arith.select %and3A_53, %mul3A_466, %broadcast_in_dim3A_468 : vector<128x256xi1>, vector<128x256xf32>
    %reduce_max3A_470 = arith.constant dense<0xFF800000> : vector<128xf32>
    %reduce_max3A_471 = vector.multi_reduction <maximumf>, %select_n3A_469, %reduce_max3A_470 [1] : vector<128x256xf32> to vector<128xf32>
    %broadcast_in_dim3A_472 = vector.shape_cast %reduce_max3A_471 : vector<128xf32> to vector<128x1xf32>
    %sub3A_473 = vector.broadcast %broadcast_in_dim3A_472 : vector<128x1xf32> to vector<128x256xf32>
    %sub3A_474 = arith.subf %select_n3A_469, %sub3A_473 : vector<128x256xf32>
    %exp3A_475 = math.exp %sub3A_474 : vector<128x256xf32>
    %reduce_sum3A_476 = arith.constant dense<0.000000e+00> : vector<128xf32>
    %reduce_sum3A_477 = vector.multi_reduction <add>, %exp3A_475, %reduce_sum3A_476 [1] : vector<128x256xf32> to vector<128xf32>
    %broadcast_in_dim3A_478 = vector.shape_cast %reduce_sum3A_477 : vector<128xf32> to vector<128x1xf32>
    %div3A_479 = vector.broadcast %broadcast_in_dim3A_478 : vector<128x1xf32> to vector<128x256xf32>
    %div3A_480 = arith.divf %exp3A_475, %div3A_479 : vector<128x256xf32>
    %convert_element_type3A_481 = arith.truncf %div3A_480 : vector<128x256xf32> to vector<128x256xbf16>
    %get3A_482 = arith.constant 0 : index
    %get3A_483 = arith.constant 1152 : index
    %get3A_484 = vector.load %arg5[%get3A_482, %get3A_483] : memref<128x2048xf32, #tpu.memory_space<vmem>>, vector<128x128xf32>
    %get3A_485 = arith.constant 0 : index
    %get3A_486 = arith.constant 1152 : index
    %get3A_487 = vector.load %arg6[%get3A_485, %get3A_486] : memref<128x2048xf32, #tpu.memory_space<vmem>>, vector<128x128xf32>
    %concatenate3A_488 = tpu.concatenate %get3A_484, %get3A_487 in 0 : vector<128x128xf32>, vector<128x128xf32> -> vector<256x128xf32>
    %convert_element_type3A_489 = arith.truncf %concatenate3A_488 : vector<256x128xf32> to vector<256x128xbf16>
    %dot_general3A_490 = arith.constant dense<0.000000e+00> : vector<128x128xf32>
    %dot_general3A_491 = tpu.matmul %convert_element_type3A_481, %convert_element_type3A_489, %dot_general3A_490 {dimension_numbers = #tpu.dot_dimension_numbers<[1], [0], [0], [1], [0, 0, 1, 1], [], []>, transpose_lhs_hint = false} : vector<128x256xbf16>, vector<256x128xbf16>, vector<128x128xf32> -> vector<128x128xf32>
    %swap3A_492 = arith.constant 0 : index
    %swap3A_493 = arith.constant 1152 : index
    %swap3A_494 = vector.load %arg7[%swap3A_492, %swap3A_493] : memref<128x2048xf32, #tpu.memory_space<vmem>>, vector<128x128xf32>
    tpu.vector_store %arg7[%swap3A_492, %swap3A_493], %dot_general3A_491 {strides = array<i32>} : memref<128x2048xf32, #tpu.memory_space<vmem>>, vector<128x128xf32>,
    %get3A_495 = arith.constant 0 : index
    %get3A_496 = arith.constant 1280 : index
    %get3A_497 = vector.load %arg2[%get3A_495, %get3A_496] : memref<128x2048xf32, #tpu.memory_space<vmem>>, vector<128x128xf32>
    %convert_element_type3A_498 = arith.truncf %get3A_497 : vector<128x128xf32> to vector<128x128xbf16>
    %get3A_499 = arith.constant 0 : index
    %get3A_500 = arith.constant 1280 : index
    %get3A_501 = vector.load %arg3[%get3A_499, %get3A_500] : memref<128x2048xf32, #tpu.memory_space<vmem>>, vector<128x128xf32>
    %get3A_502 = arith.constant 0 : index
    %get3A_503 = arith.constant 1280 : index
    %get3A_504 = vector.load %arg4[%get3A_502, %get3A_503] : memref<128x2048xf32, #tpu.memory_space<vmem>>, vector<128x128xf32>
    %concatenate3A_505 = tpu.concatenate %get3A_501, %get3A_504 in 0 : vector<128x128xf32>, vector<128x128xf32> -> vector<256x128xf32>
    %convert_element_type3A_506 = arith.truncf %concatenate3A_505 : vector<256x128xf32> to vector<256x128xbf16>
    %dot_general3A_507 = arith.constant dense<0.000000e+00> : vector<128x256xf32>
    %dot_general3A_508 = tpu.matmul %convert_element_type3A_498, %convert_element_type3A_506, %dot_general3A_507 {dimension_numbers = #tpu.dot_dimension_numbers<[1], [1], [0], [0], [0, 0, 1, 0], [], []>, transpose_lhs_hint = false} : vector<128x128xbf16>, vector<256x128xbf16>, vector<128x256xf32> -> vector<128x256xf32>
    %mul3A_509 = arith.constant 0.0883883461 : f32
    %mul3A_510 = vector.broadcast %mul3A_509 : f32 to vector<128x256xf32>
    %mul3A_511 = arith.mulf %dot_general3A_508, %mul3A_510 : vector<128x256xf32>
    %jit3A_512 = arith.constant -1.000000e+30 : f32
    %broadcast_in_dim3A_513 = vector.broadcast %jit3A_512 : f32 to vector<128x256xf32>
    %select_n3A_514 = arith.select %and3A_53, %mul3A_511, %broadcast_in_dim3A_513 : vector<128x256xi1>, vector<128x256xf32>
    %reduce_max3A_515 = arith.constant dense<0xFF800000> : vector<128xf32>
    %reduce_max3A_516 = vector.multi_reduction <maximumf>, %select_n3A_514, %reduce_max3A_515 [1] : vector<128x256xf32> to vector<128xf32>
    %broadcast_in_dim3A_517 = vector.shape_cast %reduce_max3A_516 : vector<128xf32> to vector<128x1xf32>
    %sub3A_518 = vector.broadcast %broadcast_in_dim3A_517 : vector<128x1xf32> to vector<128x256xf32>
    %sub3A_519 = arith.subf %select_n3A_514, %sub3A_518 : vector<128x256xf32>
    %exp3A_520 = math.exp %sub3A_519 : vector<128x256xf32>
    %reduce_sum3A_521 = arith.constant dense<0.000000e+00> : vector<128xf32>
    %reduce_sum3A_522 = vector.multi_reduction <add>, %exp3A_520, %reduce_sum3A_521 [1] : vector<128x256xf32> to vector<128xf32>
    %broadcast_in_dim3A_523 = vector.shape_cast %reduce_sum3A_522 : vector<128xf32> to vector<128x1xf32>
    %div3A_524 = vector.broadcast %broadcast_in_dim3A_523 : vector<128x1xf32> to vector<128x256xf32>
    %div3A_525 = arith.divf %exp3A_520, %div3A_524 : vector<128x256xf32>
    %convert_element_type3A_526 = arith.truncf %div3A_525 : vector<128x256xf32> to vector<128x256xbf16>
    %get3A_527 = arith.constant 0 : index
    %get3A_528 = arith.constant 1280 : index
    %get3A_529 = vector.load %arg5[%get3A_527, %get3A_528] : memref<128x2048xf32, #tpu.memory_space<vmem>>, vector<128x128xf32>
    %get3A_530 = arith.constant 0 : index
    %get3A_531 = arith.constant 1280 : index
    %get3A_532 = vector.load %arg6[%get3A_530, %get3A_531] : memref<128x2048xf32, #tpu.memory_space<vmem>>, vector<128x128xf32>
    %concatenate3A_533 = tpu.concatenate %get3A_529, %get3A_532 in 0 : vector<128x128xf32>, vector<128x128xf32> -> vector<256x128xf32>
    %convert_element_type3A_534 = arith.truncf %concatenate3A_533 : vector<256x128xf32> to vector<256x128xbf16>
    %dot_general3A_535 = arith.constant dense<0.000000e+00> : vector<128x128xf32>
    %dot_general3A_536 = tpu.matmul %convert_element_type3A_526, %convert_element_type3A_534, %dot_general3A_535 {dimension_numbers = #tpu.dot_dimension_numbers<[1], [0], [0], [1], [0, 0, 1, 1], [], []>, transpose_lhs_hint = false} : vector<128x256xbf16>, vector<256x128xbf16>, vector<128x128xf32> -> vector<128x128xf32>
    %swap3A_537 = arith.constant 0 : index
    %swap3A_538 = arith.constant 1280 : index
    %swap3A_539 = vector.load %arg7[%swap3A_537, %swap3A_538] : memref<128x2048xf32, #tpu.memory_space<vmem>>, vector<128x128xf32>
    tpu.vector_store %arg7[%swap3A_537, %swap3A_538], %dot_general3A_536 {strides = array<i32>} : memref<128x2048xf32, #tpu.memory_space<vmem>>, vector<128x128xf32>,
    %get3A_540 = arith.constant 0 : index
    %get3A_541 = arith.constant 1408 : index
    %get3A_542 = vector.load %arg2[%get3A_540, %get3A_541] : memref<128x2048xf32, #tpu.memory_space<vmem>>, vector<128x128xf32>
    %convert_element_type3A_543 = arith.truncf %get3A_542 : vector<128x128xf32> to vector<128x128xbf16>
    %get3A_544 = arith.constant 0 : index
    %get3A_545 = arith.constant 1408 : index
    %get3A_546 = vector.load %arg3[%get3A_544, %get3A_545] : memref<128x2048xf32, #tpu.memory_space<vmem>>, vector<128x128xf32>
    %get3A_547 = arith.constant 0 : index
    %get3A_548 = arith.constant 1408 : index
    %get3A_549 = vector.load %arg4[%get3A_547, %get3A_548] : memref<128x2048xf32, #tpu.memory_space<vmem>>, vector<128x128xf32>
    %concatenate3A_550 = tpu.concatenate %get3A_546, %get3A_549 in 0 : vector<128x128xf32>, vector<128x128xf32> -> vector<256x128xf32>
    %convert_element_type3A_551 = arith.truncf %concatenate3A_550 : vector<256x128xf32> to vector<256x128xbf16>
    %dot_general3A_552 = arith.constant dense<0.000000e+00> : vector<128x256xf32>
    %dot_general3A_553 = tpu.matmul %convert_element_type3A_543, %convert_element_type3A_551, %dot_general3A_552 {dimension_numbers = #tpu.dot_dimension_numbers<[1], [1], [0], [0], [0, 0, 1, 0], [], []>, transpose_lhs_hint = false} : vector<128x128xbf16>, vector<256x128xbf16>, vector<128x256xf32> -> vector<128x256xf32>
    %mul3A_554 = arith.constant 0.0883883461 : f32
    %mul3A_555 = vector.broadcast %mul3A_554 : f32 to vector<128x256xf32>
    %mul3A_556 = arith.mulf %dot_general3A_553, %mul3A_555 : vector<128x256xf32>
    %jit3A_557 = arith.constant -1.000000e+30 : f32
    %broadcast_in_dim3A_558 = vector.broadcast %jit3A_557 : f32 to vector<128x256xf32>
    %select_n3A_559 = arith.select %and3A_53, %mul3A_556, %broadcast_in_dim3A_558 : vector<128x256xi1>, vector<128x256xf32>
    %reduce_max3A_560 = arith.constant dense<0xFF800000> : vector<128xf32>
    %reduce_max3A_561 = vector.multi_reduction <maximumf>, %select_n3A_559, %reduce_max3A_560 [1] : vector<128x256xf32> to vector<128xf32>
    %broadcast_in_dim3A_562 = vector.shape_cast %reduce_max3A_561 : vector<128xf32> to vector<128x1xf32>
    %sub3A_563 = vector.broadcast %broadcast_in_dim3A_562 : vector<128x1xf32> to vector<128x256xf32>
    %sub3A_564 = arith.subf %select_n3A_559, %sub3A_563 : vector<128x256xf32>
    %exp3A_565 = math.exp %sub3A_564 : vector<128x256xf32>
    %reduce_sum3A_566 = arith.constant dense<0.000000e+00> : vector<128xf32>
    %reduce_sum3A_567 = vector.multi_reduction <add>, %exp3A_565, %reduce_sum3A_566 [1] : vector<128x256xf32> to vector<128xf32>
    %broadcast_in_dim3A_568 = vector.shape_cast %reduce_sum3A_567 : vector<128xf32> to vector<128x1xf32>
    %div3A_569 = vector.broadcast %broadcast_in_dim3A_568 : vector<128x1xf32> to vector<128x256xf32>
    %div3A_570 = arith.divf %exp3A_565, %div3A_569 : vector<128x256xf32>
    %convert_element_type3A_571 = arith.truncf %div3A_570 : vector<128x256xf32> to vector<128x256xbf16>
    %get3A_572 = arith.constant 0 : index
    %get3A_573 = arith.constant 1408 : index
    %get3A_574 = vector.load %arg5[%get3A_572, %get3A_573] : memref<128x2048xf32, #tpu.memory_space<vmem>>, vector<128x128xf32>
    %get3A_575 = arith.constant 0 : index
    %get3A_576 = arith.constant 1408 : index
    %get3A_577 = vector.load %arg6[%get3A_575, %get3A_576] : memref<128x2048xf32, #tpu.memory_space<vmem>>, vector<128x128xf32>
    %concatenate3A_578 = tpu.concatenate %get3A_574, %get3A_577 in 0 : vector<128x128xf32>, vector<128x128xf32> -> vector<256x128xf32>
    %convert_element_type3A_579 = arith.truncf %concatenate3A_578 : vector<256x128xf32> to vector<256x128xbf16>
    %dot_general3A_580 = arith.constant dense<0.000000e+00> : vector<128x128xf32>
    %dot_general3A_581 = tpu.matmul %convert_element_type3A_571, %convert_element_type3A_579, %dot_general3A_580 {dimension_numbers = #tpu.dot_dimension_numbers<[1], [0], [0], [1], [0, 0, 1, 1], [], []>, transpose_lhs_hint = false} : vector<128x256xbf16>, vector<256x128xbf16>, vector<128x128xf32> -> vector<128x128xf32>
    %swap3A_582 = arith.constant 0 : index
    %swap3A_583 = arith.constant 1408 : index
    %swap3A_584 = vector.load %arg7[%swap3A_582, %swap3A_583] : memref<128x2048xf32, #tpu.memory_space<vmem>>, vector<128x128xf32>
    tpu.vector_store %arg7[%swap3A_582, %swap3A_583], %dot_general3A_581 {strides = array<i32>} : memref<128x2048xf32, #tpu.memory_space<vmem>>, vector<128x128xf32>,
    %get3A_585 = arith.constant 0 : index
    %get3A_586 = arith.constant 1536 : index
    %get3A_587 = vector.load %arg2[%get3A_585, %get3A_586] : memref<128x2048xf32, #tpu.memory_space<vmem>>, vector<128x128xf32>
    %convert_element_type3A_588 = arith.truncf %get3A_587 : vector<128x128xf32> to vector<128x128xbf16>
    %get3A_589 = arith.constant 0 : index
    %get3A_590 = arith.constant 1536 : index
    %get3A_591 = vector.load %arg3[%get3A_589, %get3A_590] : memref<128x2048xf32, #tpu.memory_space<vmem>>, vector<128x128xf32>
    %get3A_592 = arith.constant 0 : index
    %get3A_593 = arith.constant 1536 : index
    %get3A_594 = vector.load %arg4[%get3A_592, %get3A_593] : memref<128x2048xf32, #tpu.memory_space<vmem>>, vector<128x128xf32>
    %concatenate3A_595 = tpu.concatenate %get3A_591, %get3A_594 in 0 : vector<128x128xf32>, vector<128x128xf32> -> vector<256x128xf32>
    %convert_element_type3A_596 = arith.truncf %concatenate3A_595 : vector<256x128xf32> to vector<256x128xbf16>
    %dot_general3A_597 = arith.constant dense<0.000000e+00> : vector<128x256xf32>
    %dot_general3A_598 = tpu.matmul %convert_element_type3A_588, %convert_element_type3A_596, %dot_general3A_597 {dimension_numbers = #tpu.dot_dimension_numbers<[1], [1], [0], [0], [0, 0, 1, 0], [], []>, transpose_lhs_hint = false} : vector<128x128xbf16>, vector<256x128xbf16>, vector<128x256xf32> -> vector<128x256xf32>
    %mul3A_599 = arith.constant 0.0883883461 : f32
    %mul3A_600 = vector.broadcast %mul3A_599 : f32 to vector<128x256xf32>
    %mul3A_601 = arith.mulf %dot_general3A_598, %mul3A_600 : vector<128x256xf32>
    %jit3A_602 = arith.constant -1.000000e+30 : f32
    %broadcast_in_dim3A_603 = vector.broadcast %jit3A_602 : f32 to vector<128x256xf32>
    %select_n3A_604 = arith.select %and3A_53, %mul3A_601, %broadcast_in_dim3A_603 : vector<128x256xi1>, vector<128x256xf32>
    %reduce_max3A_605 = arith.constant dense<0xFF800000> : vector<128xf32>
    %reduce_max3A_606 = vector.multi_reduction <maximumf>, %select_n3A_604, %reduce_max3A_605 [1] : vector<128x256xf32> to vector<128xf32>
    %broadcast_in_dim3A_607 = vector.shape_cast %reduce_max3A_606 : vector<128xf32> to vector<128x1xf32>
    %sub3A_608 = vector.broadcast %broadcast_in_dim3A_607 : vector<128x1xf32> to vector<128x256xf32>
    %sub3A_609 = arith.subf %select_n3A_604, %sub3A_608 : vector<128x256xf32>
    %exp3A_610 = math.exp %sub3A_609 : vector<128x256xf32>
    %reduce_sum3A_611 = arith.constant dense<0.000000e+00> : vector<128xf32>
    %reduce_sum3A_612 = vector.multi_reduction <add>, %exp3A_610, %reduce_sum3A_611 [1] : vector<128x256xf32> to vector<128xf32>
    %broadcast_in_dim3A_613 = vector.shape_cast %reduce_sum3A_612 : vector<128xf32> to vector<128x1xf32>
    %div3A_614 = vector.broadcast %broadcast_in_dim3A_613 : vector<128x1xf32> to vector<128x256xf32>
    %div3A_615 = arith.divf %exp3A_610, %div3A_614 : vector<128x256xf32>
    %convert_element_type3A_616 = arith.truncf %div3A_615 : vector<128x256xf32> to vector<128x256xbf16>
    %get3A_617 = arith.constant 0 : index
    %get3A_618 = arith.constant 1536 : index
    %get3A_619 = vector.load %arg5[%get3A_617, %get3A_618] : memref<128x2048xf32, #tpu.memory_space<vmem>>, vector<128x128xf32>
    %get3A_620 = arith.constant 0 : index
    %get3A_621 = arith.constant 1536 : index
    %get3A_622 = vector.load %arg6[%get3A_620, %get3A_621] : memref<128x2048xf32, #tpu.memory_space<vmem>>, vector<128x128xf32>
    %concatenate3A_623 = tpu.concatenate %get3A_619, %get3A_622 in 0 : vector<128x128xf32>, vector<128x128xf32> -> vector<256x128xf32>
    %convert_element_type3A_624 = arith.truncf %concatenate3A_623 : vector<256x128xf32> to vector<256x128xbf16>
    %dot_general3A_625 = arith.constant dense<0.000000e+00> : vector<128x128xf32>
    %dot_general3A_626 = tpu.matmul %convert_element_type3A_616, %convert_element_type3A_624, %dot_general3A_625 {dimension_numbers = #tpu.dot_dimension_numbers<[1], [0], [0], [1], [0, 0, 1, 1], [], []>, transpose_lhs_hint = false} : vector<128x256xbf16>, vector<256x128xbf16>, vector<128x128xf32> -> vector<128x128xf32>
    %swap3A_627 = arith.constant 0 : index
    %swap3A_628 = arith.constant 1536 : index
    %swap3A_629 = vector.load %arg7[%swap3A_627, %swap3A_628] : memref<128x2048xf32, #tpu.memory_space<vmem>>, vector<128x128xf32>
    tpu.vector_store %arg7[%swap3A_627, %swap3A_628], %dot_general3A_626 {strides = array<i32>} : memref<128x2048xf32, #tpu.memory_space<vmem>>, vector<128x128xf32>,
    %get3A_630 = arith.constant 0 : index
    %get3A_631 = arith.constant 1664 : index
    %get3A_632 = vector.load %arg2[%get3A_630, %get3A_631] : memref<128x2048xf32, #tpu.memory_space<vmem>>, vector<128x128xf32>
    %convert_element_type3A_633 = arith.truncf %get3A_632 : vector<128x128xf32> to vector<128x128xbf16>
    %get3A_634 = arith.constant 0 : index
    %get3A_635 = arith.constant 1664 : index
    %get3A_636 = vector.load %arg3[%get3A_634, %get3A_635] : memref<128x2048xf32, #tpu.memory_space<vmem>>, vector<128x128xf32>
    %get3A_637 = arith.constant 0 : index
    %get3A_638 = arith.constant 1664 : index
    %get3A_639 = vector.load %arg4[%get3A_637, %get3A_638] : memref<128x2048xf32, #tpu.memory_space<vmem>>, vector<128x128xf32>
    %concatenate3A_640 = tpu.concatenate %get3A_636, %get3A_639 in 0 : vector<128x128xf32>, vector<128x128xf32> -> vector<256x128xf32>
    %convert_element_type3A_641 = arith.truncf %concatenate3A_640 : vector<256x128xf32> to vector<256x128xbf16>
    %dot_general3A_642 = arith.constant dense<0.000000e+00> : vector<128x256xf32>
    %dot_general3A_643 = tpu.matmul %convert_element_type3A_633, %convert_element_type3A_641, %dot_general3A_642 {dimension_numbers = #tpu.dot_dimension_numbers<[1], [1], [0], [0], [0, 0, 1, 0], [], []>, transpose_lhs_hint = false} : vector<128x128xbf16>, vector<256x128xbf16>, vector<128x256xf32> -> vector<128x256xf32>
    %mul3A_644 = arith.constant 0.0883883461 : f32
    %mul3A_645 = vector.broadcast %mul3A_644 : f32 to vector<128x256xf32>
    %mul3A_646 = arith.mulf %dot_general3A_643, %mul3A_645 : vector<128x256xf32>
    %jit3A_647 = arith.constant -1.000000e+30 : f32
    %broadcast_in_dim3A_648 = vector.broadcast %jit3A_647 : f32 to vector<128x256xf32>
    %select_n3A_649 = arith.select %and3A_53, %mul3A_646, %broadcast_in_dim3A_648 : vector<128x256xi1>, vector<128x256xf32>
    %reduce_max3A_650 = arith.constant dense<0xFF800000> : vector<128xf32>
    %reduce_max3A_651 = vector.multi_reduction <maximumf>, %select_n3A_649, %reduce_max3A_650 [1] : vector<128x256xf32> to vector<128xf32>
    %broadcast_in_dim3A_652 = vector.shape_cast %reduce_max3A_651 : vector<128xf32> to vector<128x1xf32>
    %sub3A_653 = vector.broadcast %broadcast_in_dim3A_652 : vector<128x1xf32> to vector<128x256xf32>
    %sub3A_654 = arith.subf %select_n3A_649, %sub3A_653 : vector<128x256xf32>
    %exp3A_655 = math.exp %sub3A_654 : vector<128x256xf32>
    %reduce_sum3A_656 = arith.constant dense<0.000000e+00> : vector<128xf32>
    %reduce_sum3A_657 = vector.multi_reduction <add>, %exp3A_655, %reduce_sum3A_656 [1] : vector<128x256xf32> to vector<128xf32>
    %broadcast_in_dim3A_658 = vector.shape_cast %reduce_sum3A_657 : vector<128xf32> to vector<128x1xf32>
    %div3A_659 = vector.broadcast %broadcast_in_dim3A_658 : vector<128x1xf32> to vector<128x256xf32>
    %div3A_660 = arith.divf %exp3A_655, %div3A_659 : vector<128x256xf32>
    %convert_element_type3A_661 = arith.truncf %div3A_660 : vector<128x256xf32> to vector<128x256xbf16>
    %get3A_662 = arith.constant 0 : index
    %get3A_663 = arith.constant 1664 : index
    %get3A_664 = vector.load %arg5[%get3A_662, %get3A_663] : memref<128x2048xf32, #tpu.memory_space<vmem>>, vector<128x128xf32>
    %get3A_665 = arith.constant 0 : index
    %get3A_666 = arith.constant 1664 : index
    %get3A_667 = vector.load %arg6[%get3A_665, %get3A_666] : memref<128x2048xf32, #tpu.memory_space<vmem>>, vector<128x128xf32>
    %concatenate3A_668 = tpu.concatenate %get3A_664, %get3A_667 in 0 : vector<128x128xf32>, vector<128x128xf32> -> vector<256x128xf32>
    %convert_element_type3A_669 = arith.truncf %concatenate3A_668 : vector<256x128xf32> to vector<256x128xbf16>
    %dot_general3A_670 = arith.constant dense<0.000000e+00> : vector<128x128xf32>
    %dot_general3A_671 = tpu.matmul %convert_element_type3A_661, %convert_element_type3A_669, %dot_general3A_670 {dimension_numbers = #tpu.dot_dimension_numbers<[1], [0], [0], [1], [0, 0, 1, 1], [], []>, transpose_lhs_hint = false} : vector<128x256xbf16>, vector<256x128xbf16>, vector<128x128xf32> -> vector<128x128xf32>
    %swap3A_672 = arith.constant 0 : index
    %swap3A_673 = arith.constant 1664 : index
    %swap3A_674 = vector.load %arg7[%swap3A_672, %swap3A_673] : memref<128x2048xf32, #tpu.memory_space<vmem>>, vector<128x128xf32>
    tpu.vector_store %arg7[%swap3A_672, %swap3A_673], %dot_general3A_671 {strides = array<i32>} : memref<128x2048xf32, #tpu.memory_space<vmem>>, vector<128x128xf32>,
    %get3A_675 = arith.constant 0 : index
    %get3A_676 = arith.constant 1792 : index
    %get3A_677 = vector.load %arg2[%get3A_675, %get3A_676] : memref<128x2048xf32, #tpu.memory_space<vmem>>, vector<128x128xf32>
    %convert_element_type3A_678 = arith.truncf %get3A_677 : vector<128x128xf32> to vector<128x128xbf16>
    %get3A_679 = arith.constant 0 : index
    %get3A_680 = arith.constant 1792 : index
    %get3A_681 = vector.load %arg3[%get3A_679, %get3A_680] : memref<128x2048xf32, #tpu.memory_space<vmem>>, vector<128x128xf32>
    %get3A_682 = arith.constant 0 : index
    %get3A_683 = arith.constant 1792 : index
    %get3A_684 = vector.load %arg4[%get3A_682, %get3A_683] : memref<128x2048xf32, #tpu.memory_space<vmem>>, vector<128x128xf32>
    %concatenate3A_685 = tpu.concatenate %get3A_681, %get3A_684 in 0 : vector<128x128xf32>, vector<128x128xf32> -> vector<256x128xf32>
    %convert_element_type3A_686 = arith.truncf %concatenate3A_685 : vector<256x128xf32> to vector<256x128xbf16>
    %dot_general3A_687 = arith.constant dense<0.000000e+00> : vector<128x256xf32>
    %dot_general3A_688 = tpu.matmul %convert_element_type3A_678, %convert_element_type3A_686, %dot_general3A_687 {dimension_numbers = #tpu.dot_dimension_numbers<[1], [1], [0], [0], [0, 0, 1, 0], [], []>, transpose_lhs_hint = false} : vector<128x128xbf16>, vector<256x128xbf16>, vector<128x256xf32> -> vector<128x256xf32>
    %mul3A_689 = arith.constant 0.0883883461 : f32
    %mul3A_690 = vector.broadcast %mul3A_689 : f32 to vector<128x256xf32>
    %mul3A_691 = arith.mulf %dot_general3A_688, %mul3A_690 : vector<128x256xf32>
    %jit3A_692 = arith.constant -1.000000e+30 : f32
    %broadcast_in_dim3A_693 = vector.broadcast %jit3A_692 : f32 to vector<128x256xf32>
    %select_n3A_694 = arith.select %and3A_53, %mul3A_691, %broadcast_in_dim3A_693 : vector<128x256xi1>, vector<128x256xf32>
    %reduce_max3A_695 = arith.constant dense<0xFF800000> : vector<128xf32>
    %reduce_max3A_696 = vector.multi_reduction <maximumf>, %select_n3A_694, %reduce_max3A_695 [1] : vector<128x256xf32> to vector<128xf32>
    %broadcast_in_dim3A_697 = vector.shape_cast %reduce_max3A_696 : vector<128xf32> to vector<128x1xf32>
    %sub3A_698 = vector.broadcast %broadcast_in_dim3A_697 : vector<128x1xf32> to vector<128x256xf32>
    %sub3A_699 = arith.subf %select_n3A_694, %sub3A_698 : vector<128x256xf32>
    %exp3A_700 = math.exp %sub3A_699 : vector<128x256xf32>
    %reduce_sum3A_701 = arith.constant dense<0.000000e+00> : vector<128xf32>
    %reduce_sum3A_702 = vector.multi_reduction <add>, %exp3A_700, %reduce_sum3A_701 [1] : vector<128x256xf32> to vector<128xf32>
    %broadcast_in_dim3A_703 = vector.shape_cast %reduce_sum3A_702 : vector<128xf32> to vector<128x1xf32>
    %div3A_704 = vector.broadcast %broadcast_in_dim3A_703 : vector<128x1xf32> to vector<128x256xf32>
    %div3A_705 = arith.divf %exp3A_700, %div3A_704 : vector<128x256xf32>
    %convert_element_type3A_706 = arith.truncf %div3A_705 : vector<128x256xf32> to vector<128x256xbf16>
    %get3A_707 = arith.constant 0 : index
    %get3A_708 = arith.constant 1792 : index
    %get3A_709 = vector.load %arg5[%get3A_707, %get3A_708] : memref<128x2048xf32, #tpu.memory_space<vmem>>, vector<128x128xf32>
    %get3A_710 = arith.constant 0 : index
    %get3A_711 = arith.constant 1792 : index
    %get3A_712 = vector.load %arg6[%get3A_710, %get3A_711] : memref<128x2048xf32, #tpu.memory_space<vmem>>, vector<128x128xf32>
    %concatenate3A_713 = tpu.concatenate %get3A_709, %get3A_712 in 0 : vector<128x128xf32>, vector<128x128xf32> -> vector<256x128xf32>
    %convert_element_type3A_714 = arith.truncf %concatenate3A_713 : vector<256x128xf32> to vector<256x128xbf16>
    %dot_general3A_715 = arith.constant dense<0.000000e+00> : vector<128x128xf32>
    %dot_general3A_716 = tpu.matmul %convert_element_type3A_706, %convert_element_type3A_714, %dot_general3A_715 {dimension_numbers = #tpu.dot_dimension_numbers<[1], [0], [0], [1], [0, 0, 1, 1], [], []>, transpose_lhs_hint = false} : vector<128x256xbf16>, vector<256x128xbf16>, vector<128x128xf32> -> vector<128x128xf32>
    %swap3A_717 = arith.constant 0 : index
    %swap3A_718 = arith.constant 1792 : index
    %swap3A_719 = vector.load %arg7[%swap3A_717, %swap3A_718] : memref<128x2048xf32, #tpu.memory_space<vmem>>, vector<128x128xf32>
    tpu.vector_store %arg7[%swap3A_717, %swap3A_718], %dot_general3A_716 {strides = array<i32>} : memref<128x2048xf32, #tpu.memory_space<vmem>>, vector<128x128xf32>,
    %get3A_720 = arith.constant 0 : index
    %get3A_721 = arith.constant 1920 : index
    %get3A_722 = vector.load %arg2[%get3A_720, %get3A_721] : memref<128x2048xf32, #tpu.memory_space<vmem>>, vector<128x128xf32>
    %convert_element_type3A_723 = arith.truncf %get3A_722 : vector<128x128xf32> to vector<128x128xbf16>
    %get3A_724 = arith.constant 0 : index
    %get3A_725 = arith.constant 1920 : index
    %get3A_726 = vector.load %arg3[%get3A_724, %get3A_725] : memref<128x2048xf32, #tpu.memory_space<vmem>>, vector<128x128xf32>
    %get3A_727 = arith.constant 0 : index
    %get3A_728 = arith.constant 1920 : index
    %get3A_729 = vector.load %arg4[%get3A_727, %get3A_728] : memref<128x2048xf32, #tpu.memory_space<vmem>>, vector<128x128xf32>
    %concatenate3A_730 = tpu.concatenate %get3A_726, %get3A_729 in 0 : vector<128x128xf32>, vector<128x128xf32> -> vector<256x128xf32>
    %convert_element_type3A_731 = arith.truncf %concatenate3A_730 : vector<256x128xf32> to vector<256x128xbf16>
    %dot_general3A_732 = arith.constant dense<0.000000e+00> : vector<128x256xf32>
    %dot_general3A_733 = tpu.matmul %convert_element_type3A_723, %convert_element_type3A_731, %dot_general3A_732 {dimension_numbers = #tpu.dot_dimension_numbers<[1], [1], [0], [0], [0, 0, 1, 0], [], []>, transpose_lhs_hint = false} : vector<128x128xbf16>, vector<256x128xbf16>, vector<128x256xf32> -> vector<128x256xf32>
    %mul3A_734 = arith.constant 0.0883883461 : f32
    %mul3A_735 = vector.broadcast %mul3A_734 : f32 to vector<128x256xf32>
    %mul3A_736 = arith.mulf %dot_general3A_733, %mul3A_735 : vector<128x256xf32>
    %jit3A_737 = arith.constant -1.000000e+30 : f32
    %broadcast_in_dim3A_738 = vector.broadcast %jit3A_737 : f32 to vector<128x256xf32>
    %select_n3A_739 = arith.select %and3A_53, %mul3A_736, %broadcast_in_dim3A_738 : vector<128x256xi1>, vector<128x256xf32>
    %reduce_max3A_740 = arith.constant dense<0xFF800000> : vector<128xf32>
    %reduce_max3A_741 = vector.multi_reduction <maximumf>, %select_n3A_739, %reduce_max3A_740 [1] : vector<128x256xf32> to vector<128xf32>
    %broadcast_in_dim3A_742 = vector.shape_cast %reduce_max3A_741 : vector<128xf32> to vector<128x1xf32>
    %sub3A_743 = vector.broadcast %broadcast_in_dim3A_742 : vector<128x1xf32> to vector<128x256xf32>
    %sub3A_744 = arith.subf %select_n3A_739, %sub3A_743 : vector<128x256xf32>
    %exp3A_745 = math.exp %sub3A_744 : vector<128x256xf32>
    %reduce_sum3A_746 = arith.constant dense<0.000000e+00> : vector<128xf32>
    %reduce_sum3A_747 = vector.multi_reduction <add>, %exp3A_745, %reduce_sum3A_746 [1] : vector<128x256xf32> to vector<128xf32>
    %broadcast_in_dim3A_748 = vector.shape_cast %reduce_sum3A_747 : vector<128xf32> to vector<128x1xf32>
    %div3A_749 = vector.broadcast %broadcast_in_dim3A_748 : vector<128x1xf32> to vector<128x256xf32>
    %div3A_750 = arith.divf %exp3A_745, %div3A_749 : vector<128x256xf32>
    %convert_element_type3A_751 = arith.truncf %div3A_750 : vector<128x256xf32> to vector<128x256xbf16>
    %get3A_752 = arith.constant 0 : index
    %get3A_753 = arith.constant 1920 : index
    %get3A_754 = vector.load %arg5[%get3A_752, %get3A_753] : memref<128x2048xf32, #tpu.memory_space<vmem>>, vector<128x128xf32>
    %get3A_755 = arith.constant 0 : index
    %get3A_756 = arith.constant 1920 : index
    %get3A_757 = vector.load %arg6[%get3A_755, %get3A_756] : memref<128x2048xf32, #tpu.memory_space<vmem>>, vector<128x128xf32>
    %concatenate3A_758 = tpu.concatenate %get3A_754, %get3A_757 in 0 : vector<128x128xf32>, vector<128x128xf32> -> vector<256x128xf32>
    %convert_element_type3A_759 = arith.truncf %concatenate3A_758 : vector<256x128xf32> to vector<256x128xbf16>
    %dot_general3A_760 = arith.constant dense<0.000000e+00> : vector<128x128xf32>
    %dot_general3A_761 = tpu.matmul %convert_element_type3A_751, %convert_element_type3A_759, %dot_general3A_760 {dimension_numbers = #tpu.dot_dimension_numbers<[1], [0], [0], [1], [0, 0, 1, 1], [], []>, transpose_lhs_hint = false} : vector<128x256xbf16>, vector<256x128xbf16>, vector<128x128xf32> -> vector<128x128xf32>
    %swap3A_762 = arith.constant 0 : index
    %swap3A_763 = arith.constant 1920 : index
    %swap3A_764 = vector.load %arg7[%swap3A_762, %swap3A_763] : memref<128x2048xf32, #tpu.memory_space<vmem>>, vector<128x128xf32>
    tpu.vector_store %arg7[%swap3A_762, %swap3A_763], %dot_general3A_761 {strides = array<i32>} : memref<128x2048xf32, #tpu.memory_space<vmem>>, vector<128x128xf32>,
    return
  }
  func.func @transform_0(%arg0: i32, %arg1: i32) -> (i32, i32) {
    %mul3A = arith.constant 32 : i32
    %mul3A_0 = arith.muli %arg0, %mul3A : i32
    %add3A = arith.addi %mul3A_0, %arg1 : i32
    %c0_i32 = arith.constant 0 : i32
    %c0_i32_1 = arith.constant 0 : i32
    return %add3A, %c0_i32 : i32, i32
  }
  func.func @transform_1(%arg0: i32, %arg1: i32) -> (i32, i32) {
    %mul3A = arith.constant 32 : i32
    %mul3A_0 = arith.muli %arg0, %mul3A : i32
    %add3A = arith.constant 64 : i32
    %add3A_1 = arith.addi %add3A, %mul3A_0 : i32
    %sub3A = arith.constant 1 : i32
    %sub3A_2 = arith.subi %arg1, %sub3A : i32
    %max3A = arith.constant 0 : i32
    %max3A_3 = arith.maxsi %sub3A_2, %max3A : i32
    %add3A_4 = arith.addi %add3A_1, %max3A_3 : i32
    %c0_i32 = arith.constant 0 : i32
    %c0_i32_5 = arith.constant 0 : i32
    return %add3A_4, %c0_i32 : i32, i32
  }
  func.func @transform_2(%arg0: i32, %arg1: i32) -> (i32, i32) {
    %mul3A = arith.constant 32 : i32
    %mul3A_0 = arith.muli %arg0, %mul3A : i32
    %add3A = arith.constant 64 : i32
    %add3A_1 = arith.addi %add3A, %mul3A_0 : i32
    %add3A_2 = arith.addi %add3A_1, %arg1 : i32
    %c0_i32 = arith.constant 0 : i32
    %c0_i32_3 = arith.constant 0 : i32
    return %add3A_2, %c0_i32 : i32, i32
  }
  func.func @transform_3(%arg0: i32, %arg1: i32) -> (i32, i32) {
    %mul3A = arith.constant 32 : i32
    %mul3A_0 = arith.muli %arg0, %mul3A : i32
    %add3A = arith.constant 128 : i32
    %add3A_1 = arith.addi %add3A, %mul3A_0 : i32
    %sub3A = arith.constant 1 : i32
    %sub3A_2 = arith.subi %arg1, %sub3A : i32
    %max3A = arith.constant 0 : i32
    %max3A_3 = arith.maxsi %sub3A_2, %max3A : i32
    %add3A_4 = arith.addi %add3A_1, %max3A_3 : i32
    %c0_i32 = arith.constant 0 : i32
    %c0_i32_5 = arith.constant 0 : i32
    return %add3A_4, %c0_i32 : i32, i32
  }
  func.func @transform_4(%arg0: i32, %arg1: i32) -> (i32, i32) {
    %mul3A = arith.constant 32 : i32
    %mul3A_0 = arith.muli %arg0, %mul3A : i32
    %add3A = arith.constant 128 : i32
    %add3A_1 = arith.addi %add3A, %mul3A_0 : i32
    %add3A_2 = arith.addi %add3A_1, %arg1 : i32
    %c0_i32 = arith.constant 0 : i32
    %c0_i32_3 = arith.constant 0 : i32
    return %add3A_2, %c0_i32 : i32, i32
  }
  func.func @transform_5(%arg0: i32, %arg1: i32) -> (i32, i32) {
    %mul3A = arith.constant 32 : i32
    %mul3A_0 = arith.muli %arg0, %mul3A : i32
    %add3A = arith.addi %mul3A_0, %arg1 : i32
    %c0_i32 = arith.constant 0 : i32
    %c0_i32_1 = arith.constant 0 : i32
    return %add3A, %c0_i32 : i32, i32
  }
}

module attributes {stable_mosaic.version = 14 : i64} {
  func.func @_attn_body(%arg0: i32, %arg1: i32, %arg2: memref<128x2048xf32, #tpu.memory_space<vmem>>, %arg3: memref<128x2048xf32, #tpu.memory_space<vmem>>, %arg4: memref<128x2048xf32, #tpu.memory_space<vmem>>, %arg5: memref<128x2048xf32, #tpu.memory_space<vmem>>, %arg6: memref<128x2048xf32, #tpu.memory_space<vmem>>, %arg7: memref<128x2048xf32, #tpu.memory_space<vmem>>) attributes {dimension_semantics = [#tpu.dimension_semantics<arbitrary>, #tpu.dimension_semantics<arbitrary>], iteration_bounds = array<i64: 2, 32>, scalar_prefetch = 0 : i64, scratch_operands = 0 : i64, tpu.core_type = #tpu.core_type<tc>, window_params = [{transform_indices = @transform_0, window_bounds = array<i64: 128, 2048>}, {transform_indices = @transform_1, window_bounds = array<i64: 128, 2048>}, {transform_indices = @transform_2, window_bounds = array<i64: 128, 2048>}, {transform_indices = @transform_3, window_bounds = array<i64: 128, 2048>}, {transform_indices = @transform_4, window_bounds = array<i64: 128, 2048>}, {transform_indices = @transform_5, window_bounds = array<i64: 128, 2048>}]} {
    %mul3A = arith.constant 128 : i32
    %mul3A_0 = arith.muli %arg1, %mul3A : i32
    %iota3A = tpu.iota {dimensions = array<i32: 0>} : vector<128x1xi32>
    %add3A = vector.broadcast %mul3A_0 : i32 to vector<128x1xi32>
    %add3A_1 = arith.addi %add3A, %iota3A : vector<128x1xi32>
    %jit3A = arith.constant 16 : i32
    %div3A = vector.broadcast %jit3A : i32 to vector<128x1xi32>
    %div3A_2 = arith.divsi %add3A_1, %div3A : vector<128x1xi32>
    %sign3A = arith.constant 0 : i32
    %sign3A_3 = vector.broadcast %sign3A : i32 to vector<128x1xi32>
    %sign3A_4 = arith.cmpi sgt, %add3A_1, %sign3A_3 : vector<128x1xi32>
    %sign3A_5 = arith.extui %sign3A_4 : vector<128x1xi1> to vector<128x1xi32>
    %sign3A_6 = arith.constant 0 : i32
    %sign3A_7 = vector.broadcast %sign3A_6 : i32 to vector<128x1xi32>
    %sign3A_8 = arith.cmpi slt, %add3A_1, %sign3A_7 : vector<128x1xi32>
    %sign3A_9 = arith.extui %sign3A_8 : vector<128x1xi1> to vector<128x1xi32>
    %sign3A_10 = arith.subi %sign3A_5, %sign3A_9 : vector<128x1xi32>
    %sign3A_11 = arith.constant 0 : i32
    %sign3A_12 = arith.cmpi sgt, %jit3A, %sign3A_11 : i32
    %sign3A_13 = arith.extui %sign3A_12 : i1 to i32
    %sign3A_14 = arith.constant 0 : i32
    %sign3A_15 = arith.cmpi slt, %jit3A, %sign3A_14 : i32
    %sign3A_16 = arith.extui %sign3A_15 : i1 to i32
    %sign3A_17 = arith.subi %sign3A_13, %sign3A_16 : i32
    %ne3A = vector.broadcast %sign3A_17 : i32 to vector<128x1xi32>
    %ne3A_18 = arith.cmpi ne, %sign3A_10, %ne3A : vector<128x1xi32>
    %rem3A = vector.broadcast %jit3A : i32 to vector<128x1xi32>
    %rem3A_19 = arith.remsi %add3A_1, %rem3A : vector<128x1xi32>
    %ne3A_20 = arith.constant 0 : i32
    %ne3A_21 = vector.broadcast %ne3A_20 : i32 to vector<128x1xi32>
    %ne3A_22 = arith.cmpi ne, %rem3A_19, %ne3A_21 : vector<128x1xi32>
    %and3A = arith.andi %ne3A_18, %ne3A_22 : vector<128x1xi1>
    %sub3A = arith.constant 1 : i32
    %sub3A_23 = vector.broadcast %sub3A : i32 to vector<128x1xi32>
    %sub3A_24 = arith.subi %div3A_2, %sub3A_23 : vector<128x1xi32>
    %select_n3A = arith.select %and3A, %sub3A_24, %div3A_2 : vector<128x1xi1>, vector<128x1xi32>
    %sub3A_25 = arith.constant 1 : i32
    %sub3A_26 = arith.subi %arg1, %sub3A_25 : i32
    %mul3A_27 = arith.constant 128 : i32
    %mul3A_28 = arith.muli %sub3A_26, %mul3A_27 : i32
    %iota3A_29 = tpu.iota {dimensions = array<i32: 1>} : vector<1x256xi32>
    %add3A_30 = vector.broadcast %mul3A_28 : i32 to vector<1x256xi32>
    %add3A_31 = arith.addi %add3A_30, %iota3A_29 : vector<1x256xi32>
    %sub3A_32 = arith.constant 1 : i32
    %sub3A_33 = vector.broadcast %sub3A_32 : i32 to vector<128x1xi32>
    %sub3A_34 = arith.subi %select_n3A, %sub3A_33 : vector<128x1xi32>
    %mul3A_35 = arith.constant 16 : i32
    %mul3A_36 = vector.broadcast %mul3A_35 : i32 to vector<128x1xi32>
    %mul3A_37 = arith.muli %sub3A_34, %mul3A_36 : vector<128x1xi32>
    %ge3A = vector.broadcast %add3A_31 : vector<1x256xi32> to vector<128x256xi32>
    %ge3A_38 = vector.broadcast %mul3A_37 : vector<128x1xi32> to vector<128x256xi32>
    %ge3A_39 = arith.cmpi sge, %ge3A, %ge3A_38 : vector<128x256xi32>
    %add3A_40 = arith.constant 1 : i32
    %add3A_41 = vector.broadcast %add3A_40 : i32 to vector<128x1xi32>
    %add3A_42 = arith.addi %select_n3A, %add3A_41 : vector<128x1xi32>
    %mul3A_43 = arith.constant 16 : i32
    %mul3A_44 = vector.broadcast %mul3A_43 : i32 to vector<128x1xi32>
    %mul3A_45 = arith.muli %add3A_42, %mul3A_44 : vector<128x1xi32>
    %lt3A = vector.broadcast %add3A_31 : vector<1x256xi32> to vector<128x256xi32>
    %lt3A_46 = vector.broadcast %mul3A_45 : vector<128x1xi32> to vector<128x256xi32>
    %lt3A_47 = arith.cmpi slt, %lt3A, %lt3A_46 : vector<128x256xi32>
    %and3A_48 = arith.andi %ge3A_39, %lt3A_47 : vector<128x256xi1>
    %ge3A_49 = arith.constant 0 : i32
    %ge3A_50 = vector.broadcast %ge3A_49 : i32 to vector<1x256xi32>
    %ge3A_51 = arith.cmpi sge, %add3A_31, %ge3A_50 : vector<1x256xi32>
    %and3A_52 = vector.broadcast %ge3A_51 : vector<1x256xi1> to vector<128x256xi1>
    %and3A_53 = arith.andi %and3A_48, %and3A_52 : vector<128x256xi1>
    %get3A = arith.constant 0 : index
    %get3A_54 = arith.constant 0 : index
    %get3A_55 = vector.load %arg2[%get3A, %get3A_54] : memref<128x2048xf32, #tpu.memory_space<vmem>>, vector<128x128xf32>
    %convert_element_type3A = arith.truncf %get3A_55 : vector<128x128xf32> to vector<128x128xbf16>
    %get3A_56 = arith.constant 0 : index
    %get3A_57 = arith.constant 0 : index
    %get3A_58 = vector.load %arg3[%get3A_56, %get3A_57] : memref<128x2048xf32, #tpu.memory_space<vmem>>, vector<128x128xf32>
    %get3A_59 = arith.constant 0 : index
    %get3A_60 = arith.constant 0 : index
    %get3A_61 = vector.load %arg4[%get3A_59, %get3A_60] : memref<128x2048xf32, #tpu.memory_space<vmem>>, vector<128x128xf32>
    %concatenate3A = tpu.concatenate %get3A_58, %get3A_61 in 0 : vector<128x128xf32>, vector<128x128xf32> -> vector<256x128xf32>
    %convert_element_type3A_62 = arith.truncf %concatenate3A : vector<256x128xf32> to vector<256x128xbf16>
    %dot_general3A = arith.constant dense<0.000000e+00> : vector<128x256xf32>
    %dot_general3A_63 = tpu.matmul %convert_element_type3A, %convert_element_type3A_62, %dot_general3A {dimension_numbers = #tpu.dot_dimension_numbers<[1], [1], [0], [0], [0, 0, 1, 0], [], []>, transpose_lhs_hint = false} : vector<128x128xbf16>, vector<256x128xbf16>, vector<128x256xf32> -> vector<128x256xf32>
    %mul3A_64 = arith.constant 0.0883883461 : f32
    %mul3A_65 = vector.broadcast %mul3A_64 : f32 to vector<128x256xf32>
    %mul3A_66 = arith.mulf %dot_general3A_63, %mul3A_65 : vector<128x256xf32>
    %jit3A_67 = arith.constant -1.000000e+30 : f32
    %broadcast_in_dim3A = vector.broadcast %jit3A_67 : f32 to vector<128x256xf32>
    %select_n3A_68 = arith.select %and3A_53, %mul3A_66, %broadcast_in_dim3A : vector<128x256xi1>, vector<128x256xf32>
    %reduce_max3A = arith.constant dense<0xFF800000> : vector<128xf32>
    %reduce_max3A_69 = vector.multi_reduction <maximumf>, %select_n3A_68, %reduce_max3A [1] : vector<128x256xf32> to vector<128xf32>
    %broadcast_in_dim3A_70 = vector.shape_cast %reduce_max3A_69 : vector<128xf32> to vector<128x1xf32>
    %sub3A_71 = vector.broadcast %broadcast_in_dim3A_70 : vector<128x1xf32> to vector<128x256xf32>
    %sub3A_72 = arith.subf %select_n3A_68, %sub3A_71 : vector<128x256xf32>
    %exp3A = math.exp %sub3A_72 : vector<128x256xf32>
    %reduce_sum3A = arith.constant dense<0.000000e+00> : vector<128xf32>
    %reduce_sum3A_73 = vector.multi_reduction <add>, %exp3A, %reduce_sum3A [1] : vector<128x256xf32> to vector<128xf32>
    %broadcast_in_dim3A_74 = vector.shape_cast %reduce_sum3A_73 : vector<128xf32> to vector<128x1xf32>
    %div3A_75 = vector.broadcast %broadcast_in_dim3A_74 : vector<128x1xf32> to vector<128x256xf32>
    %div3A_76 = arith.divf %exp3A, %div3A_75 : vector<128x256xf32>
    %convert_element_type3A_77 = arith.truncf %div3A_76 : vector<128x256xf32> to vector<128x256xbf16>
    %get3A_78 = arith.constant 0 : index
    %get3A_79 = arith.constant 0 : index
    %get3A_80 = vector.load %arg5[%get3A_78, %get3A_79] : memref<128x2048xf32, #tpu.memory_space<vmem>>, vector<128x128xf32>
    %get3A_81 = arith.constant 0 : index
    %get3A_82 = arith.constant 0 : index
    %get3A_83 = vector.load %arg6[%get3A_81, %get3A_82] : memref<128x2048xf32, #tpu.memory_space<vmem>>, vector<128x128xf32>
    %concatenate3A_84 = tpu.concatenate %get3A_80, %get3A_83 in 0 : vector<128x128xf32>, vector<128x128xf32> -> vector<256x128xf32>
    %convert_element_type3A_85 = arith.truncf %concatenate3A_84 : vector<256x128xf32> to vector<256x128xbf16>
    %dot_general3A_86 = arith.constant dense<0.000000e+00> : vector<128x128xf32>
    %dot_general3A_87 = tpu.matmul %convert_element_type3A_77, %convert_element_type3A_85, %dot_general3A_86 {dimension_numbers = #tpu.dot_dimension_numbers<[1], [0], [0], [1], [0, 0, 1, 1], [], []>, transpose_lhs_hint = false} : vector<128x256xbf16>, vector<256x128xbf16>, vector<128x128xf32> -> vector<128x128xf32>
    %swap3A = arith.constant 0 : index
    %swap3A_88 = arith.constant 0 : index
    %swap3A_89 = vector.load %arg7[%swap3A, %swap3A_88] : memref<128x2048xf32, #tpu.memory_space<vmem>>, vector<128x128xf32>
    tpu.vector_store %arg7[%swap3A, %swap3A_88], %dot_general3A_87 {strides = array<i32>} : memref<128x2048xf32, #tpu.memory_space<vmem>>, vector<128x128xf32>,
    %get3A_90 = arith.constant 0 : index
    %get3A_91 = arith.constant 128 : index
    %get3A_92 = vector.load %arg2[%get3A_90, %get3A_91] : memref<128x2048xf32, #tpu.memory_space<vmem>>, vector<128x128xf32>
    %convert_element_type3A_93 = arith.truncf %get3A_92 : vector<128x128xf32> to vector<128x128xbf16>
    %get3A_94 = arith.constant 0 : index
    %get3A_95 = arith.constant 128 : index
    %get3A_96 = vector.load %arg3[%get3A_94, %get3A_95] : memref<128x2048xf32, #tpu.memory_space<vmem>>, vector<128x128xf32>
    %get3A_97 = arith.constant 0 : index
    %get3A_98 = arith.constant 128 : index
    %get3A_99 = vector.load %arg4[%get3A_97, %get3A_98] : memref<128x2048xf32, #tpu.memory_space<vmem>>, vector<128x128xf32>
    %concatenate3A_100 = tpu.concatenate %get3A_96, %get3A_99 in 0 : vector<128x128xf32>, vector<128x128xf32> -> vector<256x128xf32>
    %convert_element_type3A_101 = arith.truncf %concatenate3A_100 : vector<256x128xf32> to vector<256x128xbf16>
    %dot_general3A_102 = arith.constant dense<0.000000e+00> : vector<128x256xf32>
    %dot_general3A_103 = tpu.matmul %convert_element_type3A_93, %convert_element_type3A_101, %dot_general3A_102 {dimension_numbers = #tpu.dot_dimension_numbers<[1], [1], [0], [0], [0, 0, 1, 0], [], []>, transpose_lhs_hint = false} : vector<128x128xbf16>, vector<256x128xbf16>, vector<128x256xf32> -> vector<128x256xf32>
    %mul3A_104 = arith.constant 0.0883883461 : f32
    %mul3A_105 = vector.broadcast %mul3A_104 : f32 to vector<128x256xf32>
    %mul3A_106 = arith.mulf %dot_general3A_103, %mul3A_105 : vector<128x256xf32>
    %jit3A_107 = arith.constant -1.000000e+30 : f32
    %broadcast_in_dim3A_108 = vector.broadcast %jit3A_107 : f32 to vector<128x256xf32>
    %select_n3A_109 = arith.select %and3A_53, %mul3A_106, %broadcast_in_dim3A_108 : vector<128x256xi1>, vector<128x256xf32>
    %reduce_max3A_110 = arith.constant dense<0xFF800000> : vector<128xf32>
    %reduce_max3A_111 = vector.multi_reduction <maximumf>, %select_n3A_109, %reduce_max3A_110 [1] : vector<128x256xf32> to vector<128xf32>
    %broadcast_in_dim3A_112 = vector.shape_cast %reduce_max3A_111 : vector<128xf32> to vector<128x1xf32>
    %sub3A_113 = vector.broadcast %broadcast_in_dim3A_112 : vector<128x1xf32> to vector<128x256xf32>
    %sub3A_114 = arith.subf %select_n3A_109, %sub3A_113 : vector<128x256xf32>
    %exp3A_115 = math.exp %sub3A_114 : vector<128x256xf32>
    %reduce_sum3A_116 = arith.constant dense<0.000000e+00> : vector<128xf32>
    %reduce_sum3A_117 = vector.multi_reduction <add>, %exp3A_115, %reduce_sum3A_116 [1] : vector<128x256xf32> to vector<128xf32>
    %broadcast_in_dim3A_118 = vector.shape_cast %reduce_sum3A_117 : vector<128xf32> to vector<128x1xf32>
    %div3A_119 = vector.broadcast %broadcast_in_dim3A_118 : vector<128x1xf32> to vector<128x256xf32>
    %div3A_120 = arith.divf %exp3A_115, %div3A_119 : vector<128x256xf32>
    %convert_element_type3A_121 = arith.truncf %div3A_120 : vector<128x256xf32> to vector<128x256xbf16>
    %get3A_122 = arith.constant 0 : index
    %get3A_123 = arith.constant 128 : index
    %get3A_124 = vector.load %arg5[%get3A_122, %get3A_123] : memref<128x2048xf32, #tpu.memory_space<vmem>>, vector<128x128xf32>
    %get3A_125 = arith.constant 0 : index
    %get3A_126 = arith.constant 128 : index
    %get3A_127 = vector.load %arg6[%get3A_125, %get3A_126] : memref<128x2048xf32, #tpu.memory_space<vmem>>, vector<128x128xf32>
    %concatenate3A_128 = tpu.concatenate %get3A_124, %get3A_127 in 0 : vector<128x128xf32>, vector<128x128xf32> -> vector<256x128xf32>
    %convert_element_type3A_129 = arith.truncf %concatenate3A_128 : vector<256x128xf32> to vector<256x128xbf16>
    %dot_general3A_130 = arith.constant dense<0.000000e+00> : vector<128x128xf32>
    %dot_general3A_131 = tpu.matmul %convert_element_type3A_121, %convert_element_type3A_129, %dot_general3A_130 {dimension_numbers = #tpu.dot_dimension_numbers<[1], [0], [0], [1], [0, 0, 1, 1], [], []>, transpose_lhs_hint = false} : vector<128x256xbf16>, vector<256x128xbf16>, vector<128x128xf32> -> vector<128x128xf32>
    %swap3A_132 = arith.constant 0 : index
    %swap3A_133 = arith.constant 128 : index
    %swap3A_134 = vector.load %arg7[%swap3A_132, %swap3A_133] : memref<128x2048xf32, #tpu.memory_space<vmem>>, vector<128x128xf32>
    tpu.vector_store %arg7[%swap3A_132, %swap3A_133], %dot_general3A_131 {strides = array<i32>} : memref<128x2048xf32, #tpu.memory_space<vmem>>, vector<128x128xf32>,
    %get3A_135 = arith.constant 0 : index
    %get3A_136 = arith.constant 256 : index
    %get3A_137 = vector.load %arg2[%get3A_135, %get3A_136] : memref<128x2048xf32, #tpu.memory_space<vmem>>, vector<128x128xf32>
    %convert_element_type3A_138 = arith.truncf %get3A_137 : vector<128x128xf32> to vector<128x128xbf16>
    %get3A_139 = arith.constant 0 : index
    %get3A_140 = arith.constant 256 : index
    %get3A_141 = vector.load %arg3[%get3A_139, %get3A_140] : memref<128x2048xf32, #tpu.memory_space<vmem>>, vector<128x128xf32>
    %get3A_142 = arith.constant 0 : index
    %get3A_143 = arith.constant 256 : index
    %get3A_144 = vector.load %arg4[%get3A_142, %get3A_143] : memref<128x2048xf32, #tpu.memory_space<vmem>>, vector<128x128xf32>
    %concatenate3A_145 = tpu.concatenate %get3A_141, %get3A_144 in 0 : vector<128x128xf32>, vector<128x128xf32> -> vector<256x128xf32>
    %convert_element_type3A_146 = arith.truncf %concatenate3A_145 : vector<256x128xf32> to vector<256x128xbf16>
    %dot_general3A_147 = arith.constant dense<0.000000e+00> : vector<128x256xf32>
    %dot_general3A_148 = tpu.matmul %convert_element_type3A_138, %convert_element_type3A_146, %dot_general3A_147 {dimension_numbers = #tpu.dot_dimension_numbers<[1], [1], [0], [0], [0, 0, 1, 0], [], []>, transpose_lhs_hint = false} : vector<128x128xbf16>, vector<256x128xbf16>, vector<128x256xf32> -> vector<128x256xf32>
    %mul3A_149 = arith.constant 0.0883883461 : f32
    %mul3A_150 = vector.broadcast %mul3A_149 : f32 to vector<128x256xf32>
    %mul3A_151 = arith.mulf %dot_general3A_148, %mul3A_150 : vector<128x256xf32>
    %jit3A_152 = arith.constant -1.000000e+30 : f32
    %broadcast_in_dim3A_153 = vector.broadcast %jit3A_152 : f32 to vector<128x256xf32>
    %select_n3A_154 = arith.select %and3A_53, %mul3A_151, %broadcast_in_dim3A_153 : vector<128x256xi1>, vector<128x256xf32>
    %reduce_max3A_155 = arith.constant dense<0xFF800000> : vector<128xf32>
    %reduce_max3A_156 = vector.multi_reduction <maximumf>, %select_n3A_154, %reduce_max3A_155 [1] : vector<128x256xf32> to vector<128xf32>
    %broadcast_in_dim3A_157 = vector.shape_cast %reduce_max3A_156 : vector<128xf32> to vector<128x1xf32>
    %sub3A_158 = vector.broadcast %broadcast_in_dim3A_157 : vector<128x1xf32> to vector<128x256xf32>
    %sub3A_159 = arith.subf %select_n3A_154, %sub3A_158 : vector<128x256xf32>
    %exp3A_160 = math.exp %sub3A_159 : vector<128x256xf32>
    %reduce_sum3A_161 = arith.constant dense<0.000000e+00> : vector<128xf32>
    %reduce_sum3A_162 = vector.multi_reduction <add>, %exp3A_160, %reduce_sum3A_161 [1] : vector<128x256xf32> to vector<128xf32>
    %broadcast_in_dim3A_163 = vector.shape_cast %reduce_sum3A_162 : vector<128xf32> to vector<128x1xf32>
    %div3A_164 = vector.broadcast %broadcast_in_dim3A_163 : vector<128x1xf32> to vector<128x256xf32>
    %div3A_165 = arith.divf %exp3A_160, %div3A_164 : vector<128x256xf32>
    %convert_element_type3A_166 = arith.truncf %div3A_165 : vector<128x256xf32> to vector<128x256xbf16>
    %get3A_167 = arith.constant 0 : index
    %get3A_168 = arith.constant 256 : index
    %get3A_169 = vector.load %arg5[%get3A_167, %get3A_168] : memref<128x2048xf32, #tpu.memory_space<vmem>>, vector<128x128xf32>
    %get3A_170 = arith.constant 0 : index
    %get3A_171 = arith.constant 256 : index
    %get3A_172 = vector.load %arg6[%get3A_170, %get3A_171] : memref<128x2048xf32, #tpu.memory_space<vmem>>, vector<128x128xf32>
    %concatenate3A_173 = tpu.concatenate %get3A_169, %get3A_172 in 0 : vector<128x128xf32>, vector<128x128xf32> -> vector<256x128xf32>
    %convert_element_type3A_174 = arith.truncf %concatenate3A_173 : vector<256x128xf32> to vector<256x128xbf16>
    %dot_general3A_175 = arith.constant dense<0.000000e+00> : vector<128x128xf32>
    %dot_general3A_176 = tpu.matmul %convert_element_type3A_166, %convert_element_type3A_174, %dot_general3A_175 {dimension_numbers = #tpu.dot_dimension_numbers<[1], [0], [0], [1], [0, 0, 1, 1], [], []>, transpose_lhs_hint = false} : vector<128x256xbf16>, vector<256x128xbf16>, vector<128x128xf32> -> vector<128x128xf32>
    %swap3A_177 = arith.constant 0 : index
    %swap3A_178 = arith.constant 256 : index
    %swap3A_179 = vector.load %arg7[%swap3A_177, %swap3A_178] : memref<128x2048xf32, #tpu.memory_space<vmem>>, vector<128x128xf32>
    tpu.vector_store %arg7[%swap3A_177, %swap3A_178], %dot_general3A_176 {strides = array<i32>} : memref<128x2048xf32, #tpu.memory_space<vmem>>, vector<128x128xf32>,
    %get3A_180 = arith.constant 0 : index
    %get3A_181 = arith.constant 384 : index
    %get3A_182 = vector.load %arg2[%get3A_180, %get3A_181] : memref<128x2048xf32, #tpu.memory_space<vmem>>, vector<128x128xf32>
    %convert_element_type3A_183 = arith.truncf %get3A_182 : vector<128x128xf32> to vector<128x128xbf16>
    %get3A_184 = arith.constant 0 : index
    %get3A_185 = arith.constant 384 : index
    %get3A_186 = vector.load %arg3[%get3A_184, %get3A_185] : memref<128x2048xf32, #tpu.memory_space<vmem>>, vector<128x128xf32>
    %get3A_187 = arith.constant 0 : index
    %get3A_188 = arith.constant 384 : index
    %get3A_189 = vector.load %arg4[%get3A_187, %get3A_188] : memref<128x2048xf32, #tpu.memory_space<vmem>>, vector<128x128xf32>
    %concatenate3A_190 = tpu.concatenate %get3A_186, %get3A_189 in 0 : vector<128x128xf32>, vector<128x128xf32> -> vector<256x128xf32>
    %convert_element_type3A_191 = arith.truncf %concatenate3A_190 : vector<256x128xf32> to vector<256x128xbf16>
    %dot_general3A_192 = arith.constant dense<0.000000e+00> : vector<128x256xf32>
    %dot_general3A_193 = tpu.matmul %convert_element_type3A_183, %convert_element_type3A_191, %dot_general3A_192 {dimension_numbers = #tpu.dot_dimension_numbers<[1], [1], [0], [0], [0, 0, 1, 0], [], []>, transpose_lhs_hint = false} : vector<128x128xbf16>, vector<256x128xbf16>, vector<128x256xf32> -> vector<128x256xf32>
    %mul3A_194 = arith.constant 0.0883883461 : f32
    %mul3A_195 = vector.broadcast %mul3A_194 : f32 to vector<128x256xf32>
    %mul3A_196 = arith.mulf %dot_general3A_193, %mul3A_195 : vector<128x256xf32>
    %jit3A_197 = arith.constant -1.000000e+30 : f32
    %broadcast_in_dim3A_198 = vector.broadcast %jit3A_197 : f32 to vector<128x256xf32>
    %select_n3A_199 = arith.select %and3A_53, %mul3A_196, %broadcast_in_dim3A_198 : vector<128x256xi1>, vector<128x256xf32>
    %reduce_max3A_200 = arith.constant dense<0xFF800000> : vector<128xf32>
    %reduce_max3A_201 = vector.multi_reduction <maximumf>, %select_n3A_199, %reduce_max3A_200 [1] : vector<128x256xf32> to vector<128xf32>
    %broadcast_in_dim3A_202 = vector.shape_cast %reduce_max3A_201 : vector<128xf32> to vector<128x1xf32>
    %sub3A_203 = vector.broadcast %broadcast_in_dim3A_202 : vector<128x1xf32> to vector<128x256xf32>
    %sub3A_204 = arith.subf %select_n3A_199, %sub3A_203 : vector<128x256xf32>
    %exp3A_205 = math.exp %sub3A_204 : vector<128x256xf32>
    %reduce_sum3A_206 = arith.constant dense<0.000000e+00> : vector<128xf32>
    %reduce_sum3A_207 = vector.multi_reduction <add>, %exp3A_205, %reduce_sum3A_206 [1] : vector<128x256xf32> to vector<128xf32>
    %broadcast_in_dim3A_208 = vector.shape_cast %reduce_sum3A_207 : vector<128xf32> to vector<128x1xf32>
    %div3A_209 = vector.broadcast %broadcast_in_dim3A_208 : vector<128x1xf32> to vector<128x256xf32>
    %div3A_210 = arith.divf %exp3A_205, %div3A_209 : vector<128x256xf32>
    %convert_element_type3A_211 = arith.truncf %div3A_210 : vector<128x256xf32> to vector<128x256xbf16>
    %get3A_212 = arith.constant 0 : index
    %get3A_213 = arith.constant 384 : index
    %get3A_214 = vector.load %arg5[%get3A_212, %get3A_213] : memref<128x2048xf32, #tpu.memory_space<vmem>>, vector<128x128xf32>
    %get3A_215 = arith.constant 0 : index
    %get3A_216 = arith.constant 384 : index
    %get3A_217 = vector.load %arg6[%get3A_215, %get3A_216] : memref<128x2048xf32, #tpu.memory_space<vmem>>, vector<128x128xf32>
    %concatenate3A_218 = tpu.concatenate %get3A_214, %get3A_217 in 0 : vector<128x128xf32>, vector<128x128xf32> -> vector<256x128xf32>
    %convert_element_type3A_219 = arith.truncf %concatenate3A_218 : vector<256x128xf32> to vector<256x128xbf16>
    %dot_general3A_220 = arith.constant dense<0.000000e+00> : vector<128x128xf32>
    %dot_general3A_221 = tpu.matmul %convert_element_type3A_211, %convert_element_type3A_219, %dot_general3A_220 {dimension_numbers = #tpu.dot_dimension_numbers<[1], [0], [0], [1], [0, 0, 1, 1], [], []>, transpose_lhs_hint = false} : vector<128x256xbf16>, vector<256x128xbf16>, vector<128x128xf32> -> vector<128x128xf32>
    %swap3A_222 = arith.constant 0 : index
    %swap3A_223 = arith.constant 384 : index
    %swap3A_224 = vector.load %arg7[%swap3A_222, %swap3A_223] : memref<128x2048xf32, #tpu.memory_space<vmem>>, vector<128x128xf32>
    tpu.vector_store %arg7[%swap3A_222, %swap3A_223], %dot_general3A_221 {strides = array<i32>} : memref<128x2048xf32, #tpu.memory_space<vmem>>, vector<128x128xf32>,
    %get3A_225 = arith.constant 0 : index
    %get3A_226 = arith.constant 512 : index
    %get3A_227 = vector.load %arg2[%get3A_225, %get3A_226] : memref<128x2048xf32, #tpu.memory_space<vmem>>, vector<128x128xf32>
    %convert_element_type3A_228 = arith.truncf %get3A_227 : vector<128x128xf32> to vector<128x128xbf16>
    %get3A_229 = arith.constant 0 : index
    %get3A_230 = arith.constant 512 : index
    %get3A_231 = vector.load %arg3[%get3A_229, %get3A_230] : memref<128x2048xf32, #tpu.memory_space<vmem>>, vector<128x128xf32>
    %get3A_232 = arith.constant 0 : index
    %get3A_233 = arith.constant 512 : index
    %get3A_234 = vector.load %arg4[%get3A_232, %get3A_233] : memref<128x2048xf32, #tpu.memory_space<vmem>>, vector<128x128xf32>
    %concatenate3A_235 = tpu.concatenate %get3A_231, %get3A_234 in 0 : vector<128x128xf32>, vector<128x128xf32> -> vector<256x128xf32>
    %convert_element_type3A_236 = arith.truncf %concatenate3A_235 : vector<256x128xf32> to vector<256x128xbf16>
    %dot_general3A_237 = arith.constant dense<0.000000e+00> : vector<128x256xf32>
    %dot_general3A_238 = tpu.matmul %convert_element_type3A_228, %convert_element_type3A_236, %dot_general3A_237 {dimension_numbers = #tpu.dot_dimension_numbers<[1], [1], [0], [0], [0, 0, 1, 0], [], []>, transpose_lhs_hint = false} : vector<128x128xbf16>, vector<256x128xbf16>, vector<128x256xf32> -> vector<128x256xf32>
    %mul3A_239 = arith.constant 0.0883883461 : f32
    %mul3A_240 = vector.broadcast %mul3A_239 : f32 to vector<128x256xf32>
    %mul3A_241 = arith.mulf %dot_general3A_238, %mul3A_240 : vector<128x256xf32>
    %jit3A_242 = arith.constant -1.000000e+30 : f32
    %broadcast_in_dim3A_243 = vector.broadcast %jit3A_242 : f32 to vector<128x256xf32>
    %select_n3A_244 = arith.select %and3A_53, %mul3A_241, %broadcast_in_dim3A_243 : vector<128x256xi1>, vector<128x256xf32>
    %reduce_max3A_245 = arith.constant dense<0xFF800000> : vector<128xf32>
    %reduce_max3A_246 = vector.multi_reduction <maximumf>, %select_n3A_244, %reduce_max3A_245 [1] : vector<128x256xf32> to vector<128xf32>
    %broadcast_in_dim3A_247 = vector.shape_cast %reduce_max3A_246 : vector<128xf32> to vector<128x1xf32>
    %sub3A_248 = vector.broadcast %broadcast_in_dim3A_247 : vector<128x1xf32> to vector<128x256xf32>
    %sub3A_249 = arith.subf %select_n3A_244, %sub3A_248 : vector<128x256xf32>
    %exp3A_250 = math.exp %sub3A_249 : vector<128x256xf32>
    %reduce_sum3A_251 = arith.constant dense<0.000000e+00> : vector<128xf32>
    %reduce_sum3A_252 = vector.multi_reduction <add>, %exp3A_250, %reduce_sum3A_251 [1] : vector<128x256xf32> to vector<128xf32>
    %broadcast_in_dim3A_253 = vector.shape_cast %reduce_sum3A_252 : vector<128xf32> to vector<128x1xf32>
    %div3A_254 = vector.broadcast %broadcast_in_dim3A_253 : vector<128x1xf32> to vector<128x256xf32>
    %div3A_255 = arith.divf %exp3A_250, %div3A_254 : vector<128x256xf32>
    %convert_element_type3A_256 = arith.truncf %div3A_255 : vector<128x256xf32> to vector<128x256xbf16>
    %get3A_257 = arith.constant 0 : index
    %get3A_258 = arith.constant 512 : index
    %get3A_259 = vector.load %arg5[%get3A_257, %get3A_258] : memref<128x2048xf32, #tpu.memory_space<vmem>>, vector<128x128xf32>
    %get3A_260 = arith.constant 0 : index
    %get3A_261 = arith.constant 512 : index
    %get3A_262 = vector.load %arg6[%get3A_260, %get3A_261] : memref<128x2048xf32, #tpu.memory_space<vmem>>, vector<128x128xf32>
    %concatenate3A_263 = tpu.concatenate %get3A_259, %get3A_262 in 0 : vector<128x128xf32>, vector<128x128xf32> -> vector<256x128xf32>
    %convert_element_type3A_264 = arith.truncf %concatenate3A_263 : vector<256x128xf32> to vector<256x128xbf16>
    %dot_general3A_265 = arith.constant dense<0.000000e+00> : vector<128x128xf32>
    %dot_general3A_266 = tpu.matmul %convert_element_type3A_256, %convert_element_type3A_264, %dot_general3A_265 {dimension_numbers = #tpu.dot_dimension_numbers<[1], [0], [0], [1], [0, 0, 1, 1], [], []>, transpose_lhs_hint = false} : vector<128x256xbf16>, vector<256x128xbf16>, vector<128x128xf32> -> vector<128x128xf32>
    %swap3A_267 = arith.constant 0 : index
    %swap3A_268 = arith.constant 512 : index
    %swap3A_269 = vector.load %arg7[%swap3A_267, %swap3A_268] : memref<128x2048xf32, #tpu.memory_space<vmem>>, vector<128x128xf32>
    tpu.vector_store %arg7[%swap3A_267, %swap3A_268], %dot_general3A_266 {strides = array<i32>} : memref<128x2048xf32, #tpu.memory_space<vmem>>, vector<128x128xf32>,
    %get3A_270 = arith.constant 0 : index
    %get3A_271 = arith.constant 640 : index
    %get3A_272 = vector.load %arg2[%get3A_270, %get3A_271] : memref<128x2048xf32, #tpu.memory_space<vmem>>, vector<128x128xf32>
    %convert_element_type3A_273 = arith.truncf %get3A_272 : vector<128x128xf32> to vector<128x128xbf16>
    %get3A_274 = arith.constant 0 : index
    %get3A_275 = arith.constant 640 : index
    %get3A_276 = vector.load %arg3[%get3A_274, %get3A_275] : memref<128x2048xf32, #tpu.memory_space<vmem>>, vector<128x128xf32>
    %get3A_277 = arith.constant 0 : index
    %get3A_278 = arith.constant 640 : index
    %get3A_279 = vector.load %arg4[%get3A_277, %get3A_278] : memref<128x2048xf32, #tpu.memory_space<vmem>>, vector<128x128xf32>
    %concatenate3A_280 = tpu.concatenate %get3A_276, %get3A_279 in 0 : vector<128x128xf32>, vector<128x128xf32> -> vector<256x128xf32>
    %convert_element_type3A_281 = arith.truncf %concatenate3A_280 : vector<256x128xf32> to vector<256x128xbf16>
    %dot_general3A_282 = arith.constant dense<0.000000e+00> : vector<128x256xf32>
    %dot_general3A_283 = tpu.matmul %convert_element_type3A_273, %convert_element_type3A_281, %dot_general3A_282 {dimension_numbers = #tpu.dot_dimension_numbers<[1], [1], [0], [0], [0, 0, 1, 0], [], []>, transpose_lhs_hint = false} : vector<128x128xbf16>, vector<256x128xbf16>, vector<128x256xf32> -> vector<128x256xf32>
    %mul3A_284 = arith.constant 0.0883883461 : f32
    %mul3A_285 = vector.broadcast %mul3A_284 : f32 to vector<128x256xf32>
    %mul3A_286 = arith.mulf %dot_general3A_283, %mul3A_285 : vector<128x256xf32>
    %jit3A_287 = arith.constant -1.000000e+30 : f32
    %broadcast_in_dim3A_288 = vector.broadcast %jit3A_287 : f32 to vector<128x256xf32>
    %select_n3A_289 = arith.select %and3A_53, %mul3A_286, %broadcast_in_dim3A_288 : vector<128x256xi1>, vector<128x256xf32>
    %reduce_max3A_290 = arith.constant dense<0xFF800000> : vector<128xf32>
    %reduce_max3A_291 = vector.multi_reduction <maximumf>, %select_n3A_289, %reduce_max3A_290 [1] : vector<128x256xf32> to vector<128xf32>
    %broadcast_in_dim3A_292 = vector.shape_cast %reduce_max3A_291 : vector<128xf32> to vector<128x1xf32>
    %sub3A_293 = vector.broadcast %broadcast_in_dim3A_292 : vector<128x1xf32> to vector<128x256xf32>
    %sub3A_294 = arith.subf %select_n3A_289, %sub3A_293 : vector<128x256xf32>
    %exp3A_295 = math.exp %sub3A_294 : vector<128x256xf32>
    %reduce_sum3A_296 = arith.constant dense<0.000000e+00> : vector<128xf32>
    %reduce_sum3A_297 = vector.multi_reduction <add>, %exp3A_295, %reduce_sum3A_296 [1] : vector<128x256xf32> to vector<128xf32>
    %broadcast_in_dim3A_298 = vector.shape_cast %reduce_sum3A_297 : vector<128xf32> to vector<128x1xf32>
    %div3A_299 = vector.broadcast %broadcast_in_dim3A_298 : vector<128x1xf32> to vector<128x256xf32>
    %div3A_300 = arith.divf %exp3A_295, %div3A_299 : vector<128x256xf32>
    %convert_element_type3A_301 = arith.truncf %div3A_300 : vector<128x256xf32> to vector<128x256xbf16>
    %get3A_302 = arith.constant 0 : index
    %get3A_303 = arith.constant 640 : index
    %get3A_304 = vector.load %arg5[%get3A_302, %get3A_303] : memref<128x2048xf32, #tpu.memory_space<vmem>>, vector<128x128xf32>
    %get3A_305 = arith.constant 0 : index
    %get3A_306 = arith.constant 640 : index
    %get3A_307 = vector.load %arg6[%get3A_305, %get3A_306] : memref<128x2048xf32, #tpu.memory_space<vmem>>, vector<128x128xf32>
    %concatenate3A_308 = tpu.concatenate %get3A_304, %get3A_307 in 0 : vector<128x128xf32>, vector<128x128xf32> -> vector<256x128xf32>
    %convert_element_type3A_309 = arith.truncf %concatenate3A_308 : vector<256x128xf32> to vector<256x128xbf16>
    %dot_general3A_310 = arith.constant dense<0.000000e+00> : vector<128x128xf32>
    %dot_general3A_311 = tpu.matmul %convert_element_type3A_301, %convert_element_type3A_309, %dot_general3A_310 {dimension_numbers = #tpu.dot_dimension_numbers<[1], [0], [0], [1], [0, 0, 1, 1], [], []>, transpose_lhs_hint = false} : vector<128x256xbf16>, vector<256x128xbf16>, vector<128x128xf32> -> vector<128x128xf32>
    %swap3A_312 = arith.constant 0 : index
    %swap3A_313 = arith.constant 640 : index
    %swap3A_314 = vector.load %arg7[%swap3A_312, %swap3A_313] : memref<128x2048xf32, #tpu.memory_space<vmem>>, vector<128x128xf32>
    tpu.vector_store %arg7[%swap3A_312, %swap3A_313], %dot_general3A_311 {strides = array<i32>} : memref<128x2048xf32, #tpu.memory_space<vmem>>, vector<128x128xf32>,
    %get3A_315 = arith.constant 0 : index
    %get3A_316 = arith.constant 768 : index
    %get3A_317 = vector.load %arg2[%get3A_315, %get3A_316] : memref<128x2048xf32, #tpu.memory_space<vmem>>, vector<128x128xf32>
    %convert_element_type3A_318 = arith.truncf %get3A_317 : vector<128x128xf32> to vector<128x128xbf16>
    %get3A_319 = arith.constant 0 : index
    %get3A_320 = arith.constant 768 : index
    %get3A_321 = vector.load %arg3[%get3A_319, %get3A_320] : memref<128x2048xf32, #tpu.memory_space<vmem>>, vector<128x128xf32>
    %get3A_322 = arith.constant 0 : index
    %get3A_323 = arith.constant 768 : index
    %get3A_324 = vector.load %arg4[%get3A_322, %get3A_323] : memref<128x2048xf32, #tpu.memory_space<vmem>>, vector<128x128xf32>
    %concatenate3A_325 = tpu.concatenate %get3A_321, %get3A_324 in 0 : vector<128x128xf32>, vector<128x128xf32> -> vector<256x128xf32>
    %convert_element_type3A_326 = arith.truncf %concatenate3A_325 : vector<256x128xf32> to vector<256x128xbf16>
    %dot_general3A_327 = arith.constant dense<0.000000e+00> : vector<128x256xf32>
    %dot_general3A_328 = tpu.matmul %convert_element_type3A_318, %convert_element_type3A_326, %dot_general3A_327 {dimension_numbers = #tpu.dot_dimension_numbers<[1], [1], [0], [0], [0, 0, 1, 0], [], []>, transpose_lhs_hint = false} : vector<128x128xbf16>, vector<256x128xbf16>, vector<128x256xf32> -> vector<128x256xf32>
    %mul3A_329 = arith.constant 0.0883883461 : f32
    %mul3A_330 = vector.broadcast %mul3A_329 : f32 to vector<128x256xf32>
    %mul3A_331 = arith.mulf %dot_general3A_328, %mul3A_330 : vector<128x256xf32>
    %jit3A_332 = arith.constant -1.000000e+30 : f32
    %broadcast_in_dim3A_333 = vector.broadcast %jit3A_332 : f32 to vector<128x256xf32>
    %select_n3A_334 = arith.select %and3A_53, %mul3A_331, %broadcast_in_dim3A_333 : vector<128x256xi1>, vector<128x256xf32>
    %reduce_max3A_335 = arith.constant dense<0xFF800000> : vector<128xf32>
    %reduce_max3A_336 = vector.multi_reduction <maximumf>, %select_n3A_334, %reduce_max3A_335 [1] : vector<128x256xf32> to vector<128xf32>
    %broadcast_in_dim3A_337 = vector.shape_cast %reduce_max3A_336 : vector<128xf32> to vector<128x1xf32>
    %sub3A_338 = vector.broadcast %broadcast_in_dim3A_337 : vector<128x1xf32> to vector<128x256xf32>
    %sub3A_339 = arith.subf %select_n3A_334, %sub3A_338 : vector<128x256xf32>
    %exp3A_340 = math.exp %sub3A_339 : vector<128x256xf32>
    %reduce_sum3A_341 = arith.constant dense<0.000000e+00> : vector<128xf32>
    %reduce_sum3A_342 = vector.multi_reduction <add>, %exp3A_340, %reduce_sum3A_341 [1] : vector<128x256xf32> to vector<128xf32>
    %broadcast_in_dim3A_343 = vector.shape_cast %reduce_sum3A_342 : vector<128xf32> to vector<128x1xf32>
    %div3A_344 = vector.broadcast %broadcast_in_dim3A_343 : vector<128x1xf32> to vector<128x256xf32>
    %div3A_345 = arith.divf %exp3A_340, %div3A_344 : vector<128x256xf32>
    %convert_element_type3A_346 = arith.truncf %div3A_345 : vector<128x256xf32> to vector<128x256xbf16>
    %get3A_347 = arith.constant 0 : index
    %get3A_348 = arith.constant 768 : index
    %get3A_349 = vector.load %arg5[%get3A_347, %get3A_348] : memref<128x2048xf32, #tpu.memory_space<vmem>>, vector<128x128xf32>
    %get3A_350 = arith.constant 0 : index
    %get3A_351 = arith.constant 768 : index
    %get3A_352 = vector.load %arg6[%get3A_350, %get3A_351] : memref<128x2048xf32, #tpu.memory_space<vmem>>, vector<128x128xf32>
    %concatenate3A_353 = tpu.concatenate %get3A_349, %get3A_352 in 0 : vector<128x128xf32>, vector<128x128xf32> -> vector<256x128xf32>
    %convert_element_type3A_354 = arith.truncf %concatenate3A_353 : vector<256x128xf32> to vector<256x128xbf16>
    %dot_general3A_355 = arith.constant dense<0.000000e+00> : vector<128x128xf32>
    %dot_general3A_356 = tpu.matmul %convert_element_type3A_346, %convert_element_type3A_354, %dot_general3A_355 {dimension_numbers = #tpu.dot_dimension_numbers<[1], [0], [0], [1], [0, 0, 1, 1], [], []>, transpose_lhs_hint = false} : vector<128x256xbf16>, vector<256x128xbf16>, vector<128x128xf32> -> vector<128x128xf32>
    %swap3A_357 = arith.constant 0 : index
    %swap3A_358 = arith.constant 768 : index
    %swap3A_359 = vector.load %arg7[%swap3A_357, %swap3A_358] : memref<128x2048xf32, #tpu.memory_space<vmem>>, vector<128x128xf32>
    tpu.vector_store %arg7[%swap3A_357, %swap3A_358], %dot_general3A_356 {strides = array<i32>} : memref<128x2048xf32, #tpu.memory_space<vmem>>, vector<128x128xf32>,
    %get3A_360 = arith.constant 0 : index
    %get3A_361 = arith.constant 896 : index
    %get3A_362 = vector.load %arg2[%get3A_360, %get3A_361] : memref<128x2048xf32, #tpu.memory_space<vmem>>, vector<128x128xf32>
    %convert_element_type3A_363 = arith.truncf %get3A_362 : vector<128x128xf32> to vector<128x128xbf16>
    %get3A_364 = arith.constant 0 : index
    %get3A_365 = arith.constant 896 : index
    %get3A_366 = vector.load %arg3[%get3A_364, %get3A_365] : memref<128x2048xf32, #tpu.memory_space<vmem>>, vector<128x128xf32>
    %get3A_367 = arith.constant 0 : index
    %get3A_368 = arith.constant 896 : index
    %get3A_369 = vector.load %arg4[%get3A_367, %get3A_368] : memref<128x2048xf32, #tpu.memory_space<vmem>>, vector<128x128xf32>
    %concatenate3A_370 = tpu.concatenate %get3A_366, %get3A_369 in 0 : vector<128x128xf32>, vector<128x128xf32> -> vector<256x128xf32>
    %convert_element_type3A_371 = arith.truncf %concatenate3A_370 : vector<256x128xf32> to vector<256x128xbf16>
    %dot_general3A_372 = arith.constant dense<0.000000e+00> : vector<128x256xf32>
    %dot_general3A_373 = tpu.matmul %convert_element_type3A_363, %convert_element_type3A_371, %dot_general3A_372 {dimension_numbers = #tpu.dot_dimension_numbers<[1], [1], [0], [0], [0, 0, 1, 0], [], []>, transpose_lhs_hint = false} : vector<128x128xbf16>, vector<256x128xbf16>, vector<128x256xf32> -> vector<128x256xf32>
    %mul3A_374 = arith.constant 0.0883883461 : f32
    %mul3A_375 = vector.broadcast %mul3A_374 : f32 to vector<128x256xf32>
    %mul3A_376 = arith.mulf %dot_general3A_373, %mul3A_375 : vector<128x256xf32>
    %jit3A_377 = arith.constant -1.000000e+30 : f32
    %broadcast_in_dim3A_378 = vector.broadcast %jit3A_377 : f32 to vector<128x256xf32>
    %select_n3A_379 = arith.select %and3A_53, %mul3A_376, %broadcast_in_dim3A_378 : vector<128x256xi1>, vector<128x256xf32>
    %reduce_max3A_380 = arith.constant dense<0xFF800000> : vector<128xf32>
    %reduce_max3A_381 = vector.multi_reduction <maximumf>, %select_n3A_379, %reduce_max3A_380 [1] : vector<128x256xf32> to vector<128xf32>
    %broadcast_in_dim3A_382 = vector.shape_cast %reduce_max3A_381 : vector<128xf32> to vector<128x1xf32>
    %sub3A_383 = vector.broadcast %broadcast_in_dim3A_382 : vector<128x1xf32> to vector<128x256xf32>
    %sub3A_384 = arith.subf %select_n3A_379, %sub3A_383 : vector<128x256xf32>
    %exp3A_385 = math.exp %sub3A_384 : vector<128x256xf32>
    %reduce_sum3A_386 = arith.constant dense<0.000000e+00> : vector<128xf32>
    %reduce_sum3A_387 = vector.multi_reduction <add>, %exp3A_385, %reduce_sum3A_386 [1] : vector<128x256xf32> to vector<128xf32>
    %broadcast_in_dim3A_388 = vector.shape_cast %reduce_sum3A_387 : vector<128xf32> to vector<128x1xf32>
    %div3A_389 = vector.broadcast %broadcast_in_dim3A_388 : vector<128x1xf32> to vector<128x256xf32>
    %div3A_390 = arith.divf %exp3A_385, %div3A_389 : vector<128x256xf32>
    %convert_element_type3A_391 = arith.truncf %div3A_390 : vector<128x256xf32> to vector<128x256xbf16>
    %get3A_392 = arith.constant 0 : index
    %get3A_393 = arith.constant 896 : index
    %get3A_394 = vector.load %arg5[%get3A_392, %get3A_393] : memref<128x2048xf32, #tpu.memory_space<vmem>>, vector<128x128xf32>
    %get3A_395 = arith.constant 0 : index
    %get3A_396 = arith.constant 896 : index
    %get3A_397 = vector.load %arg6[%get3A_395, %get3A_396] : memref<128x2048xf32, #tpu.memory_space<vmem>>, vector<128x128xf32>
    %concatenate3A_398 = tpu.concatenate %get3A_394, %get3A_397 in 0 : vector<128x128xf32>, vector<128x128xf32> -> vector<256x128xf32>
    %convert_element_type3A_399 = arith.truncf %concatenate3A_398 : vector<256x128xf32> to vector<256x128xbf16>
    %dot_general3A_400 = arith.constant dense<0.000000e+00> : vector<128x128xf32>
    %dot_general3A_401 = tpu.matmul %convert_element_type3A_391, %convert_element_type3A_399, %dot_general3A_400 {dimension_numbers = #tpu.dot_dimension_numbers<[1], [0], [0], [1], [0, 0, 1, 1], [], []>, transpose_lhs_hint = false} : vector<128x256xbf16>, vector<256x128xbf16>, vector<128x128xf32> -> vector<128x128xf32>
    %swap3A_402 = arith.constant 0 : index
    %swap3A_403 = arith.constant 896 : index
    %swap3A_404 = vector.load %arg7[%swap3A_402, %swap3A_403] : memref<128x2048xf32, #tpu.memory_space<vmem>>, vector<128x128xf32>
    tpu.vector_store %arg7[%swap3A_402, %swap3A_403], %dot_general3A_401 {strides = array<i32>} : memref<128x2048xf32, #tpu.memory_space<vmem>>, vector<128x128xf32>,
    %get3A_405 = arith.constant 0 : index
    %get3A_406 = arith.constant 1024 : index
    %get3A_407 = vector.load %arg2[%get3A_405, %get3A_406] : memref<128x2048xf32, #tpu.memory_space<vmem>>, vector<128x128xf32>
    %convert_element_type3A_408 = arith.truncf %get3A_407 : vector<128x128xf32> to vector<128x128xbf16>
    %get3A_409 = arith.constant 0 : index
    %get3A_410 = arith.constant 1024 : index
    %get3A_411 = vector.load %arg3[%get3A_409, %get3A_410] : memref<128x2048xf32, #tpu.memory_space<vmem>>, vector<128x128xf32>
    %get3A_412 = arith.constant 0 : index
    %get3A_413 = arith.constant 1024 : index
    %get3A_414 = vector.load %arg4[%get3A_412, %get3A_413] : memref<128x2048xf32, #tpu.memory_space<vmem>>, vector<128x128xf32>
    %concatenate3A_415 = tpu.concatenate %get3A_411, %get3A_414 in 0 : vector<128x128xf32>, vector<128x128xf32> -> vector<256x128xf32>
    %convert_element_type3A_416 = arith.truncf %concatenate3A_415 : vector<256x128xf32> to vector<256x128xbf16>
    %dot_general3A_417 = arith.constant dense<0.000000e+00> : vector<128x256xf32>
    %dot_general3A_418 = tpu.matmul %convert_element_type3A_408, %convert_element_type3A_416, %dot_general3A_417 {dimension_numbers = #tpu.dot_dimension_numbers<[1], [1], [0], [0], [0, 0, 1, 0], [], []>, transpose_lhs_hint = false} : vector<128x128xbf16>, vector<256x128xbf16>, vector<128x256xf32> -> vector<128x256xf32>
    %mul3A_419 = arith.constant 0.0883883461 : f32
    %mul3A_420 = vector.broadcast %mul3A_419 : f32 to vector<128x256xf32>
    %mul3A_421 = arith.mulf %dot_general3A_418, %mul3A_420 : vector<128x256xf32>
    %jit3A_422 = arith.constant -1.000000e+30 : f32
    %broadcast_in_dim3A_423 = vector.broadcast %jit3A_422 : f32 to vector<128x256xf32>
    %select_n3A_424 = arith.select %and3A_53, %mul3A_421, %broadcast_in_dim3A_423 : vector<128x256xi1>, vector<128x256xf32>
    %reduce_max3A_425 = arith.constant dense<0xFF800000> : vector<128xf32>
    %reduce_max3A_426 = vector.multi_reduction <maximumf>, %select_n3A_424, %reduce_max3A_425 [1] : vector<128x256xf32> to vector<128xf32>
    %broadcast_in_dim3A_427 = vector.shape_cast %reduce_max3A_426 : vector<128xf32> to vector<128x1xf32>
    %sub3A_428 = vector.broadcast %broadcast_in_dim3A_427 : vector<128x1xf32> to vector<128x256xf32>
    %sub3A_429 = arith.subf %select_n3A_424, %sub3A_428 : vector<128x256xf32>
    %exp3A_430 = math.exp %sub3A_429 : vector<128x256xf32>
    %reduce_sum3A_431 = arith.constant dense<0.000000e+00> : vector<128xf32>
    %reduce_sum3A_432 = vector.multi_reduction <add>, %exp3A_430, %reduce_sum3A_431 [1] : vector<128x256xf32> to vector<128xf32>
    %broadcast_in_dim3A_433 = vector.shape_cast %reduce_sum3A_432 : vector<128xf32> to vector<128x1xf32>
    %div3A_434 = vector.broadcast %broadcast_in_dim3A_433 : vector<128x1xf32> to vector<128x256xf32>
    %div3A_435 = arith.divf %exp3A_430, %div3A_434 : vector<128x256xf32>
    %convert_element_type3A_436 = arith.truncf %div3A_435 : vector<128x256xf32> to vector<128x256xbf16>
    %get3A_437 = arith.constant 0 : index
    %get3A_438 = arith.constant 1024 : index
    %get3A_439 = vector.load %arg5[%get3A_437, %get3A_438] : memref<128x2048xf32, #tpu.memory_space<vmem>>, vector<128x128xf32>
    %get3A_440 = arith.constant 0 : index
    %get3A_441 = arith.constant 1024 : index
    %get3A_442 = vector.load %arg6[%get3A_440, %get3A_441] : memref<128x2048xf32, #tpu.memory_space<vmem>>, vector<128x128xf32>
    %concatenate3A_443 = tpu.concatenate %get3A_439, %get3A_442 in 0 : vector<128x128xf32>, vector<128x128xf32> -> vector<256x128xf32>
    %convert_element_type3A_444 = arith.truncf %concatenate3A_443 : vector<256x128xf32> to vector<256x128xbf16>
    %dot_general3A_445 = arith.constant dense<0.000000e+00> : vector<128x128xf32>
    %dot_general3A_446 = tpu.matmul %convert_element_type3A_436, %convert_element_type3A_444, %dot_general3A_445 {dimension_numbers = #tpu.dot_dimension_numbers<[1], [0], [0], [1], [0, 0, 1, 1], [], []>, transpose_lhs_hint = false} : vector<128x256xbf16>, vector<256x128xbf16>, vector<128x128xf32> -> vector<128x128xf32>
    %swap3A_447 = arith.constant 0 : index
    %swap3A_448 = arith.constant 1024 : index
    %swap3A_449 = vector.load %arg7[%swap3A_447, %swap3A_448] : memref<128x2048xf32, #tpu.memory_space<vmem>>, vector<128x128xf32>
    tpu.vector_store %arg7[%swap3A_447, %swap3A_448], %dot_general3A_446 {strides = array<i32>} : memref<128x2048xf32, #tpu.memory_space<vmem>>, vector<128x128xf32>,
    %get3A_450 = arith.constant 0 : index
    %get3A_451 = arith.constant 1152 : index
    %get3A_452 = vector.load %arg2[%get3A_450, %get3A_451] : memref<128x2048xf32, #tpu.memory_space<vmem>>, vector<128x128xf32>
    %convert_element_type3A_453 = arith.truncf %get3A_452 : vector<128x128xf32> to vector<128x128xbf16>
    %get3A_454 = arith.constant 0 : index
    %get3A_455 = arith.constant 1152 : index
    %get3A_456 = vector.load %arg3[%get3A_454, %get3A_455] : memref<128x2048xf32, #tpu.memory_space<vmem>>, vector<128x128xf32>
    %get3A_457 = arith.constant 0 : index
    %get3A_458 = arith.constant 1152 : index
    %get3A_459 = vector.load %arg4[%get3A_457, %get3A_458] : memref<128x2048xf32, #tpu.memory_space<vmem>>, vector<128x128xf32>
    %concatenate3A_460 = tpu.concatenate %get3A_456, %get3A_459 in 0 : vector<128x128xf32>, vector<128x128xf32> -> vector<256x128xf32>
    %convert_element_type3A_461 = arith.truncf %concatenate3A_460 : vector<256x128xf32> to vector<256x128xbf16>
    %dot_general3A_462 = arith.constant dense<0.000000e+00> : vector<128x256xf32>
    %dot_general3A_463 = tpu.matmul %convert_element_type3A_453, %convert_element_type3A_461, %dot_general3A_462 {dimension_numbers = #tpu.dot_dimension_numbers<[1], [1], [0], [0], [0, 0, 1, 0], [], []>, transpose_lhs_hint = false} : vector<128x128xbf16>, vector<256x128xbf16>, vector<128x256xf32> -> vector<128x256xf32>
    %mul3A_464 = arith.constant 0.0883883461 : f32
    %mul3A_465 = vector.broadcast %mul3A_464 : f32 to vector<128x256xf32>
    %mul3A_466 = arith.mulf %dot_general3A_463, %mul3A_465 : vector<128x256xf32>
    %jit3A_467 = arith.constant -1.000000e+30 : f32
    %broadcast_in_dim3A_468 = vector.broadcast %jit3A_467 : f32 to vector<128x256xf32>
    %select_n3A_469 = arith.select %and3A_53, %mul3A_466, %broadcast_in_dim3A_468 : vector<128x256xi1>, vector<128x256xf32>
    %reduce_max3A_470 = arith.constant dense<0xFF800000> : vector<128xf32>
    %reduce_max3A_471 = vector.multi_reduction <maximumf>, %select_n3A_469, %reduce_max3A_470 [1] : vector<128x256xf32> to vector<128xf32>
    %broadcast_in_dim3A_472 = vector.shape_cast %reduce_max3A_471 : vector<128xf32> to vector<128x1xf32>
    %sub3A_473 = vector.broadcast %broadcast_in_dim3A_472 : vector<128x1xf32> to vector<128x256xf32>
    %sub3A_474 = arith.subf %select_n3A_469, %sub3A_473 : vector<128x256xf32>
    %exp3A_475 = math.exp %sub3A_474 : vector<128x256xf32>
    %reduce_sum3A_476 = arith.constant dense<0.000000e+00> : vector<128xf32>
    %reduce_sum3A_477 = vector.multi_reduction <add>, %exp3A_475, %reduce_sum3A_476 [1] : vector<128x256xf32> to vector<128xf32>
    %broadcast_in_dim3A_478 = vector.shape_cast %reduce_sum3A_477 : vector<128xf32> to vector<128x1xf32>
    %div3A_479 = vector.broadcast %broadcast_in_dim3A_478 : vector<128x1xf32> to vector<128x256xf32>
    %div3A_480 = arith.divf %exp3A_475, %div3A_479 : vector<128x256xf32>
    %convert_element_type3A_481 = arith.truncf %div3A_480 : vector<128x256xf32> to vector<128x256xbf16>
    %get3A_482 = arith.constant 0 : index
    %get3A_483 = arith.constant 1152 : index
    %get3A_484 = vector.load %arg5[%get3A_482, %get3A_483] : memref<128x2048xf32, #tpu.memory_space<vmem>>, vector<128x128xf32>
    %get3A_485 = arith.constant 0 : index
    %get3A_486 = arith.constant 1152 : index
    %get3A_487 = vector.load %arg6[%get3A_485, %get3A_486] : memref<128x2048xf32, #tpu.memory_space<vmem>>, vector<128x128xf32>
    %concatenate3A_488 = tpu.concatenate %get3A_484, %get3A_487 in 0 : vector<128x128xf32>, vector<128x128xf32> -> vector<256x128xf32>
    %convert_element_type3A_489 = arith.truncf %concatenate3A_488 : vector<256x128xf32> to vector<256x128xbf16>
    %dot_general3A_490 = arith.constant dense<0.000000e+00> : vector<128x128xf32>
    %dot_general3A_491 = tpu.matmul %convert_element_type3A_481, %convert_element_type3A_489, %dot_general3A_490 {dimension_numbers = #tpu.dot_dimension_numbers<[1], [0], [0], [1], [0, 0, 1, 1], [], []>, transpose_lhs_hint = false} : vector<128x256xbf16>, vector<256x128xbf16>, vector<128x128xf32> -> vector<128x128xf32>
    %swap3A_492 = arith.constant 0 : index
    %swap3A_493 = arith.constant 1152 : index
    %swap3A_494 = vector.load %arg7[%swap3A_492, %swap3A_493] : memref<128x2048xf32, #tpu.memory_space<vmem>>, vector<128x128xf32>
    tpu.vector_store %arg7[%swap3A_492, %swap3A_493], %dot_general3A_491 {strides = array<i32>} : memref<128x2048xf32, #tpu.memory_space<vmem>>, vector<128x128xf32>,
    %get3A_495 = arith.constant 0 : index
    %get3A_496 = arith.constant 1280 : index
    %get3A_497 = vector.load %arg2[%get3A_495, %get3A_496] : memref<128x2048xf32, #tpu.memory_space<vmem>>, vector<128x128xf32>
    %convert_element_type3A_498 = arith.truncf %get3A_497 : vector<128x128xf32> to vector<128x128xbf16>
    %get3A_499 = arith.constant 0 : index
    %get3A_500 = arith.constant 1280 : index
    %get3A_501 = vector.load %arg3[%get3A_499, %get3A_500] : memref<128x2048xf32, #tpu.memory_space<vmem>>, vector<128x128xf32>
    %get3A_502 = arith.constant 0 : index
    %get3A_503 = arith.constant 1280 : index
    %get3A_504 = vector.load %arg4[%get3A_502, %get3A_503] : memref<128x2048xf32, #tpu.memory_space<vmem>>, vector<128x128xf32>
    %concatenate3A_505 = tpu.concatenate %get3A_501, %get3A_504 in 0 : vector<128x128xf32>, vector<128x128xf32> -> vector<256x128xf32>
    %convert_element_type3A_506 = arith.truncf %concatenate3A_505 : vector<256x128xf32> to vector<256x128xbf16>
    %dot_general3A_507 = arith.constant dense<0.000000e+00> : vector<128x256xf32>
    %dot_general3A_508 = tpu.matmul %convert_element_type3A_498, %convert_element_type3A_506, %dot_general3A_507 {dimension_numbers = #tpu.dot_dimension_numbers<[1], [1], [0], [0], [0, 0, 1, 0], [], []>, transpose_lhs_hint = false} : vector<128x128xbf16>, vector<256x128xbf16>, vector<128x256xf32> -> vector<128x256xf32>
    %mul3A_509 = arith.constant 0.0883883461 : f32
    %mul3A_510 = vector.broadcast %mul3A_509 : f32 to vector<128x256xf32>
    %mul3A_511 = arith.mulf %dot_general3A_508, %mul3A_510 : vector<128x256xf32>
    %jit3A_512 = arith.constant -1.000000e+30 : f32
    %broadcast_in_dim3A_513 = vector.broadcast %jit3A_512 : f32 to vector<128x256xf32>
    %select_n3A_514 = arith.select %and3A_53, %mul3A_511, %broadcast_in_dim3A_513 : vector<128x256xi1>, vector<128x256xf32>
    %reduce_max3A_515 = arith.constant dense<0xFF800000> : vector<128xf32>
    %reduce_max3A_516 = vector.multi_reduction <maximumf>, %select_n3A_514, %reduce_max3A_515 [1] : vector<128x256xf32> to vector<128xf32>
    %broadcast_in_dim3A_517 = vector.shape_cast %reduce_max3A_516 : vector<128xf32> to vector<128x1xf32>
    %sub3A_518 = vector.broadcast %broadcast_in_dim3A_517 : vector<128x1xf32> to vector<128x256xf32>
    %sub3A_519 = arith.subf %select_n3A_514, %sub3A_518 : vector<128x256xf32>
    %exp3A_520 = math.exp %sub3A_519 : vector<128x256xf32>
    %reduce_sum3A_521 = arith.constant dense<0.000000e+00> : vector<128xf32>
    %reduce_sum3A_522 = vector.multi_reduction <add>, %exp3A_520, %reduce_sum3A_521 [1] : vector<128x256xf32> to vector<128xf32>
    %broadcast_in_dim3A_523 = vector.shape_cast %reduce_sum3A_522 : vector<128xf32> to vector<128x1xf32>
    %div3A_524 = vector.broadcast %broadcast_in_dim3A_523 : vector<128x1xf32> to vector<128x256xf32>
    %div3A_525 = arith.divf %exp3A_520, %div3A_524 : vector<128x256xf32>
    %convert_element_type3A_526 = arith.truncf %div3A_525 : vector<128x256xf32> to vector<128x256xbf16>
    %get3A_527 = arith.constant 0 : index
    %get3A_528 = arith.constant 1280 : index
    %get3A_529 = vector.load %arg5[%get3A_527, %get3A_528] : memref<128x2048xf32, #tpu.memory_space<vmem>>, vector<128x128xf32>
    %get3A_530 = arith.constant 0 : index
    %get3A_531 = arith.constant 1280 : index
    %get3A_532 = vector.load %arg6[%get3A_530, %get3A_531] : memref<128x2048xf32, #tpu.memory_space<vmem>>, vector<128x128xf32>
    %concatenate3A_533 = tpu.concatenate %get3A_529, %get3A_532 in 0 : vector<128x128xf32>, vector<128x128xf32> -> vector<256x128xf32>
    %convert_element_type3A_534 = arith.truncf %concatenate3A_533 : vector<256x128xf32> to vector<256x128xbf16>
    %dot_general3A_535 = arith.constant dense<0.000000e+00> : vector<128x128xf32>
    %dot_general3A_536 = tpu.matmul %convert_element_type3A_526, %convert_element_type3A_534, %dot_general3A_535 {dimension_numbers = #tpu.dot_dimension_numbers<[1], [0], [0], [1], [0, 0, 1, 1], [], []>, transpose_lhs_hint = false} : vector<128x256xbf16>, vector<256x128xbf16>, vector<128x128xf32> -> vector<128x128xf32>
    %swap3A_537 = arith.constant 0 : index
    %swap3A_538 = arith.constant 1280 : index
    %swap3A_539 = vector.load %arg7[%swap3A_537, %swap3A_538] : memref<128x2048xf32, #tpu.memory_space<vmem>>, vector<128x128xf32>
    tpu.vector_store %arg7[%swap3A_537, %swap3A_538], %dot_general3A_536 {strides = array<i32>} : memref<128x2048xf32, #tpu.memory_space<vmem>>, vector<128x128xf32>,
    %get3A_540 = arith.constant 0 : index
    %get3A_541 = arith.constant 1408 : index
    %get3A_542 = vector.load %arg2[%get3A_540, %get3A_541] : memref<128x2048xf32, #tpu.memory_space<vmem>>, vector<128x128xf32>
    %convert_element_type3A_543 = arith.truncf %get3A_542 : vector<128x128xf32> to vector<128x128xbf16>
    %get3A_544 = arith.constant 0 : index
    %get3A_545 = arith.constant 1408 : index
    %get3A_546 = vector.load %arg3[%get3A_544, %get3A_545] : memref<128x2048xf32, #tpu.memory_space<vmem>>, vector<128x128xf32>
    %get3A_547 = arith.constant 0 : index
    %get3A_548 = arith.constant 1408 : index
    %get3A_549 = vector.load %arg4[%get3A_547, %get3A_548] : memref<128x2048xf32, #tpu.memory_space<vmem>>, vector<128x128xf32>
    %concatenate3A_550 = tpu.concatenate %get3A_546, %get3A_549 in 0 : vector<128x128xf32>, vector<128x128xf32> -> vector<256x128xf32>
    %convert_element_type3A_551 = arith.truncf %concatenate3A_550 : vector<256x128xf32> to vector<256x128xbf16>
    %dot_general3A_552 = arith.constant dense<0.000000e+00> : vector<128x256xf32>
    %dot_general3A_553 = tpu.matmul %convert_element_type3A_543, %convert_element_type3A_551, %dot_general3A_552 {dimension_numbers = #tpu.dot_dimension_numbers<[1], [1], [0], [0], [0, 0, 1, 0], [], []>, transpose_lhs_hint = false} : vector<128x128xbf16>, vector<256x128xbf16>, vector<128x256xf32> -> vector<128x256xf32>
    %mul3A_554 = arith.constant 0.0883883461 : f32
    %mul3A_555 = vector.broadcast %mul3A_554 : f32 to vector<128x256xf32>
    %mul3A_556 = arith.mulf %dot_general3A_553, %mul3A_555 : vector<128x256xf32>
    %jit3A_557 = arith.constant -1.000000e+30 : f32
    %broadcast_in_dim3A_558 = vector.broadcast %jit3A_557 : f32 to vector<128x256xf32>
    %select_n3A_559 = arith.select %and3A_53, %mul3A_556, %broadcast_in_dim3A_558 : vector<128x256xi1>, vector<128x256xf32>
    %reduce_max3A_560 = arith.constant dense<0xFF800000> : vector<128xf32>
    %reduce_max3A_561 = vector.multi_reduction <maximumf>, %select_n3A_559, %reduce_max3A_560 [1] : vector<128x256xf32> to vector<128xf32>
    %broadcast_in_dim3A_562 = vector.shape_cast %reduce_max3A_561 : vector<128xf32> to vector<128x1xf32>
    %sub3A_563 = vector.broadcast %broadcast_in_dim3A_562 : vector<128x1xf32> to vector<128x256xf32>
    %sub3A_564 = arith.subf %select_n3A_559, %sub3A_563 : vector<128x256xf32>
    %exp3A_565 = math.exp %sub3A_564 : vector<128x256xf32>
    %reduce_sum3A_566 = arith.constant dense<0.000000e+00> : vector<128xf32>
    %reduce_sum3A_567 = vector.multi_reduction <add>, %exp3A_565, %reduce_sum3A_566 [1] : vector<128x256xf32> to vector<128xf32>
    %broadcast_in_dim3A_568 = vector.shape_cast %reduce_sum3A_567 : vector<128xf32> to vector<128x1xf32>
    %div3A_569 = vector.broadcast %broadcast_in_dim3A_568 : vector<128x1xf32> to vector<128x256xf32>
    %div3A_570 = arith.divf %exp3A_565, %div3A_569 : vector<128x256xf32>
    %convert_element_type3A_571 = arith.truncf %div3A_570 : vector<128x256xf32> to vector<128x256xbf16>
    %get3A_572 = arith.constant 0 : index
    %get3A_573 = arith.constant 1408 : index
    %get3A_574 = vector.load %arg5[%get3A_572, %get3A_573] : memref<128x2048xf32, #tpu.memory_space<vmem>>, vector<128x128xf32>
    %get3A_575 = arith.constant 0 : index
    %get3A_576 = arith.constant 1408 : index
    %get3A_577 = vector.load %arg6[%get3A_575, %get3A_576] : memref<128x2048xf32, #tpu.memory_space<vmem>>, vector<128x128xf32>
    %concatenate3A_578 = tpu.concatenate %get3A_574, %get3A_577 in 0 : vector<128x128xf32>, vector<128x128xf32> -> vector<256x128xf32>
    %convert_element_type3A_579 = arith.truncf %concatenate3A_578 : vector<256x128xf32> to vector<256x128xbf16>
    %dot_general3A_580 = arith.constant dense<0.000000e+00> : vector<128x128xf32>
    %dot_general3A_581 = tpu.matmul %convert_element_type3A_571, %convert_element_type3A_579, %dot_general3A_580 {dimension_numbers = #tpu.dot_dimension_numbers<[1], [0], [0], [1], [0, 0, 1, 1], [], []>, transpose_lhs_hint = false} : vector<128x256xbf16>, vector<256x128xbf16>, vector<128x128xf32> -> vector<128x128xf32>
    %swap3A_582 = arith.constant 0 : index
    %swap3A_583 = arith.constant 1408 : index
    %swap3A_584 = vector.load %arg7[%swap3A_582, %swap3A_583] : memref<128x2048xf32, #tpu.memory_space<vmem>>, vector<128x128xf32>
    tpu.vector_store %arg7[%swap3A_582, %swap3A_583], %dot_general3A_581 {strides = array<i32>} : memref<128x2048xf32, #tpu.memory_space<vmem>>, vector<128x128xf32>,
    %get3A_585 = arith.constant 0 : index
    %get3A_586 = arith.constant 1536 : index
    %get3A_587 = vector.load %arg2[%get3A_585, %get3A_586] : memref<128x2048xf32, #tpu.memory_space<vmem>>, vector<128x128xf32>
    %convert_element_type3A_588 = arith.truncf %get3A_587 : vector<128x128xf32> to vector<128x128xbf16>
    %get3A_589 = arith.constant 0 : index
    %get3A_590 = arith.constant 1536 : index
    %get3A_591 = vector.load %arg3[%get3A_589, %get3A_590] : memref<128x2048xf32, #tpu.memory_space<vmem>>, vector<128x128xf32>
    %get3A_592 = arith.constant 0 : index
    %get3A_593 = arith.constant 1536 : index
    %get3A_594 = vector.load %arg4[%get3A_592, %get3A_593] : memref<128x2048xf32, #tpu.memory_space<vmem>>, vector<128x128xf32>
    %concatenate3A_595 = tpu.concatenate %get3A_591, %get3A_594 in 0 : vector<128x128xf32>, vector<128x128xf32> -> vector<256x128xf32>
    %convert_element_type3A_596 = arith.truncf %concatenate3A_595 : vector<256x128xf32> to vector<256x128xbf16>
    %dot_general3A_597 = arith.constant dense<0.000000e+00> : vector<128x256xf32>
    %dot_general3A_598 = tpu.matmul %convert_element_type3A_588, %convert_element_type3A_596, %dot_general3A_597 {dimension_numbers = #tpu.dot_dimension_numbers<[1], [1], [0], [0], [0, 0, 1, 0], [], []>, transpose_lhs_hint = false} : vector<128x128xbf16>, vector<256x128xbf16>, vector<128x256xf32> -> vector<128x256xf32>
    %mul3A_599 = arith.constant 0.0883883461 : f32
    %mul3A_600 = vector.broadcast %mul3A_599 : f32 to vector<128x256xf32>
    %mul3A_601 = arith.mulf %dot_general3A_598, %mul3A_600 : vector<128x256xf32>
    %jit3A_602 = arith.constant -1.000000e+30 : f32
    %broadcast_in_dim3A_603 = vector.broadcast %jit3A_602 : f32 to vector<128x256xf32>
    %select_n3A_604 = arith.select %and3A_53, %mul3A_601, %broadcast_in_dim3A_603 : vector<128x256xi1>, vector<128x256xf32>
    %reduce_max3A_605 = arith.constant dense<0xFF800000> : vector<128xf32>
    %reduce_max3A_606 = vector.multi_reduction <maximumf>, %select_n3A_604, %reduce_max3A_605 [1] : vector<128x256xf32> to vector<128xf32>
    %broadcast_in_dim3A_607 = vector.shape_cast %reduce_max3A_606 : vector<128xf32> to vector<128x1xf32>
    %sub3A_608 = vector.broadcast %broadcast_in_dim3A_607 : vector<128x1xf32> to vector<128x256xf32>
    %sub3A_609 = arith.subf %select_n3A_604, %sub3A_608 : vector<128x256xf32>
    %exp3A_610 = math.exp %sub3A_609 : vector<128x256xf32>
    %reduce_sum3A_611 = arith.constant dense<0.000000e+00> : vector<128xf32>
    %reduce_sum3A_612 = vector.multi_reduction <add>, %exp3A_610, %reduce_sum3A_611 [1] : vector<128x256xf32> to vector<128xf32>
    %broadcast_in_dim3A_613 = vector.shape_cast %reduce_sum3A_612 : vector<128xf32> to vector<128x1xf32>
    %div3A_614 = vector.broadcast %broadcast_in_dim3A_613 : vector<128x1xf32> to vector<128x256xf32>
    %div3A_615 = arith.divf %exp3A_610, %div3A_614 : vector<128x256xf32>
    %convert_element_type3A_616 = arith.truncf %div3A_615 : vector<128x256xf32> to vector<128x256xbf16>
    %get3A_617 = arith.constant 0 : index
    %get3A_618 = arith.constant 1536 : index
    %get3A_619 = vector.load %arg5[%get3A_617, %get3A_618] : memref<128x2048xf32, #tpu.memory_space<vmem>>, vector<128x128xf32>
    %get3A_620 = arith.constant 0 : index
    %get3A_621 = arith.constant 1536 : index
    %get3A_622 = vector.load %arg6[%get3A_620, %get3A_621] : memref<128x2048xf32, #tpu.memory_space<vmem>>, vector<128x128xf32>
    %concatenate3A_623 = tpu.concatenate %get3A_619, %get3A_622 in 0 : vector<128x128xf32>, vector<128x128xf32> -> vector<256x128xf32>
    %convert_element_type3A_624 = arith.truncf %concatenate3A_623 : vector<256x128xf32> to vector<256x128xbf16>
    %dot_general3A_625 = arith.constant dense<0.000000e+00> : vector<128x128xf32>
    %dot_general3A_626 = tpu.matmul %convert_element_type3A_616, %convert_element_type3A_624, %dot_general3A_625 {dimension_numbers = #tpu.dot_dimension_numbers<[1], [0], [0], [1], [0, 0, 1, 1], [], []>, transpose_lhs_hint = false} : vector<128x256xbf16>, vector<256x128xbf16>, vector<128x128xf32> -> vector<128x128xf32>
    %swap3A_627 = arith.constant 0 : index
    %swap3A_628 = arith.constant 1536 : index
    %swap3A_629 = vector.load %arg7[%swap3A_627, %swap3A_628] : memref<128x2048xf32, #tpu.memory_space<vmem>>, vector<128x128xf32>
    tpu.vector_store %arg7[%swap3A_627, %swap3A_628], %dot_general3A_626 {strides = array<i32>} : memref<128x2048xf32, #tpu.memory_space<vmem>>, vector<128x128xf32>,
    %get3A_630 = arith.constant 0 : index
    %get3A_631 = arith.constant 1664 : index
    %get3A_632 = vector.load %arg2[%get3A_630, %get3A_631] : memref<128x2048xf32, #tpu.memory_space<vmem>>, vector<128x128xf32>
    %convert_element_type3A_633 = arith.truncf %get3A_632 : vector<128x128xf32> to vector<128x128xbf16>
    %get3A_634 = arith.constant 0 : index
    %get3A_635 = arith.constant 1664 : index
    %get3A_636 = vector.load %arg3[%get3A_634, %get3A_635] : memref<128x2048xf32, #tpu.memory_space<vmem>>, vector<128x128xf32>
    %get3A_637 = arith.constant 0 : index
    %get3A_638 = arith.constant 1664 : index
    %get3A_639 = vector.load %arg4[%get3A_637, %get3A_638] : memref<128x2048xf32, #tpu.memory_space<vmem>>, vector<128x128xf32>
    %concatenate3A_640 = tpu.concatenate %get3A_636, %get3A_639 in 0 : vector<128x128xf32>, vector<128x128xf32> -> vector<256x128xf32>
    %convert_element_type3A_641 = arith.truncf %concatenate3A_640 : vector<256x128xf32> to vector<256x128xbf16>
    %dot_general3A_642 = arith.constant dense<0.000000e+00> : vector<128x256xf32>
    %dot_general3A_643 = tpu.matmul %convert_element_type3A_633, %convert_element_type3A_641, %dot_general3A_642 {dimension_numbers = #tpu.dot_dimension_numbers<[1], [1], [0], [0], [0, 0, 1, 0], [], []>, transpose_lhs_hint = false} : vector<128x128xbf16>, vector<256x128xbf16>, vector<128x256xf32> -> vector<128x256xf32>
    %mul3A_644 = arith.constant 0.0883883461 : f32
    %mul3A_645 = vector.broadcast %mul3A_644 : f32 to vector<128x256xf32>
    %mul3A_646 = arith.mulf %dot_general3A_643, %mul3A_645 : vector<128x256xf32>
    %jit3A_647 = arith.constant -1.000000e+30 : f32
    %broadcast_in_dim3A_648 = vector.broadcast %jit3A_647 : f32 to vector<128x256xf32>
    %select_n3A_649 = arith.select %and3A_53, %mul3A_646, %broadcast_in_dim3A_648 : vector<128x256xi1>, vector<128x256xf32>
    %reduce_max3A_650 = arith.constant dense<0xFF800000> : vector<128xf32>
    %reduce_max3A_651 = vector.multi_reduction <maximumf>, %select_n3A_649, %reduce_max3A_650 [1] : vector<128x256xf32> to vector<128xf32>
    %broadcast_in_dim3A_652 = vector.shape_cast %reduce_max3A_651 : vector<128xf32> to vector<128x1xf32>
    %sub3A_653 = vector.broadcast %broadcast_in_dim3A_652 : vector<128x1xf32> to vector<128x256xf32>
    %sub3A_654 = arith.subf %select_n3A_649, %sub3A_653 : vector<128x256xf32>
    %exp3A_655 = math.exp %sub3A_654 : vector<128x256xf32>
    %reduce_sum3A_656 = arith.constant dense<0.000000e+00> : vector<128xf32>
    %reduce_sum3A_657 = vector.multi_reduction <add>, %exp3A_655, %reduce_sum3A_656 [1] : vector<128x256xf32> to vector<128xf32>
    %broadcast_in_dim3A_658 = vector.shape_cast %reduce_sum3A_657 : vector<128xf32> to vector<128x1xf32>
    %div3A_659 = vector.broadcast %broadcast_in_dim3A_658 : vector<128x1xf32> to vector<128x256xf32>
    %div3A_660 = arith.divf %exp3A_655, %div3A_659 : vector<128x256xf32>
    %convert_element_type3A_661 = arith.truncf %div3A_660 : vector<128x256xf32> to vector<128x256xbf16>
    %get3A_662 = arith.constant 0 : index
    %get3A_663 = arith.constant 1664 : index
    %get3A_664 = vector.load %arg5[%get3A_662, %get3A_663] : memref<128x2048xf32, #tpu.memory_space<vmem>>, vector<128x128xf32>
    %get3A_665 = arith.constant 0 : index
    %get3A_666 = arith.constant 1664 : index
    %get3A_667 = vector.load %arg6[%get3A_665, %get3A_666] : memref<128x2048xf32, #tpu.memory_space<vmem>>, vector<128x128xf32>
    %concatenate3A_668 = tpu.concatenate %get3A_664, %get3A_667 in 0 : vector<128x128xf32>, vector<128x128xf32> -> vector<256x128xf32>
    %convert_element_type3A_669 = arith.truncf %concatenate3A_668 : vector<256x128xf32> to vector<256x128xbf16>
    %dot_general3A_670 = arith.constant dense<0.000000e+00> : vector<128x128xf32>
    %dot_general3A_671 = tpu.matmul %convert_element_type3A_661, %convert_element_type3A_669, %dot_general3A_670 {dimension_numbers = #tpu.dot_dimension_numbers<[1], [0], [0], [1], [0, 0, 1, 1], [], []>, transpose_lhs_hint = false} : vector<128x256xbf16>, vector<256x128xbf16>, vector<128x128xf32> -> vector<128x128xf32>
    %swap3A_672 = arith.constant 0 : index
    %swap3A_673 = arith.constant 1664 : index
    %swap3A_674 = vector.load %arg7[%swap3A_672, %swap3A_673] : memref<128x2048xf32, #tpu.memory_space<vmem>>, vector<128x128xf32>
    tpu.vector_store %arg7[%swap3A_672, %swap3A_673], %dot_general3A_671 {strides = array<i32>} : memref<128x2048xf32, #tpu.memory_space<vmem>>, vector<128x128xf32>,
    %get3A_675 = arith.constant 0 : index
    %get3A_676 = arith.constant 1792 : index
    %get3A_677 = vector.load %arg2[%get3A_675, %get3A_676] : memref<128x2048xf32, #tpu.memory_space<vmem>>, vector<128x128xf32>
    %convert_element_type3A_678 = arith.truncf %get3A_677 : vector<128x128xf32> to vector<128x128xbf16>
    %get3A_679 = arith.constant 0 : index
    %get3A_680 = arith.constant 1792 : index
    %get3A_681 = vector.load %arg3[%get3A_679, %get3A_680] : memref<128x2048xf32, #tpu.memory_space<vmem>>, vector<128x128xf32>
    %get3A_682 = arith.constant 0 : index
    %get3A_683 = arith.constant 1792 : index
    %get3A_684 = vector.load %arg4[%get3A_682, %get3A_683] : memref<128x2048xf32, #tpu.memory_space<vmem>>, vector<128x128xf32>
    %concatenate3A_685 = tpu.concatenate %get3A_681, %get3A_684 in 0 : vector<128x128xf32>, vector<128x128xf32> -> vector<256x128xf32>
    %convert_element_type3A_686 = arith.truncf %concatenate3A_685 : vector<256x128xf32> to vector<256x128xbf16>
    %dot_general3A_687 = arith.constant dense<0.000000e+00> : vector<128x256xf32>
    %dot_general3A_688 = tpu.matmul %convert_element_type3A_678, %convert_element_type3A_686, %dot_general3A_687 {dimension_numbers = #tpu.dot_dimension_numbers<[1], [1], [0], [0], [0, 0, 1, 0], [], []>, transpose_lhs_hint = false} : vector<128x128xbf16>, vector<256x128xbf16>, vector<128x256xf32> -> vector<128x256xf32>
    %mul3A_689 = arith.constant 0.0883883461 : f32
    %mul3A_690 = vector.broadcast %mul3A_689 : f32 to vector<128x256xf32>
    %mul3A_691 = arith.mulf %dot_general3A_688, %mul3A_690 : vector<128x256xf32>
    %jit3A_692 = arith.constant -1.000000e+30 : f32
    %broadcast_in_dim3A_693 = vector.broadcast %jit3A_692 : f32 to vector<128x256xf32>
    %select_n3A_694 = arith.select %and3A_53, %mul3A_691, %broadcast_in_dim3A_693 : vector<128x256xi1>, vector<128x256xf32>
    %reduce_max3A_695 = arith.constant dense<0xFF800000> : vector<128xf32>
    %reduce_max3A_696 = vector.multi_reduction <maximumf>, %select_n3A_694, %reduce_max3A_695 [1] : vector<128x256xf32> to vector<128xf32>
    %broadcast_in_dim3A_697 = vector.shape_cast %reduce_max3A_696 : vector<128xf32> to vector<128x1xf32>
    %sub3A_698 = vector.broadcast %broadcast_in_dim3A_697 : vector<128x1xf32> to vector<128x256xf32>
    %sub3A_699 = arith.subf %select_n3A_694, %sub3A_698 : vector<128x256xf32>
    %exp3A_700 = math.exp %sub3A_699 : vector<128x256xf32>
    %reduce_sum3A_701 = arith.constant dense<0.000000e+00> : vector<128xf32>
    %reduce_sum3A_702 = vector.multi_reduction <add>, %exp3A_700, %reduce_sum3A_701 [1] : vector<128x256xf32> to vector<128xf32>
    %broadcast_in_dim3A_703 = vector.shape_cast %reduce_sum3A_702 : vector<128xf32> to vector<128x1xf32>
    %div3A_704 = vector.broadcast %broadcast_in_dim3A_703 : vector<128x1xf32> to vector<128x256xf32>
    %div3A_705 = arith.divf %exp3A_700, %div3A_704 : vector<128x256xf32>
    %convert_element_type3A_706 = arith.truncf %div3A_705 : vector<128x256xf32> to vector<128x256xbf16>
    %get3A_707 = arith.constant 0 : index
    %get3A_708 = arith.constant 1792 : index
    %get3A_709 = vector.load %arg5[%get3A_707, %get3A_708] : memref<128x2048xf32, #tpu.memory_space<vmem>>, vector<128x128xf32>
    %get3A_710 = arith.constant 0 : index
    %get3A_711 = arith.constant 1792 : index
    %get3A_712 = vector.load %arg6[%get3A_710, %get3A_711] : memref<128x2048xf32, #tpu.memory_space<vmem>>, vector<128x128xf32>
    %concatenate3A_713 = tpu.concatenate %get3A_709, %get3A_712 in 0 : vector<128x128xf32>, vector<128x128xf32> -> vector<256x128xf32>
    %convert_element_type3A_714 = arith.truncf %concatenate3A_713 : vector<256x128xf32> to vector<256x128xbf16>
    %dot_general3A_715 = arith.constant dense<0.000000e+00> : vector<128x128xf32>
    %dot_general3A_716 = tpu.matmul %convert_element_type3A_706, %convert_element_type3A_714, %dot_general3A_715 {dimension_numbers = #tpu.dot_dimension_numbers<[1], [0], [0], [1], [0, 0, 1, 1], [], []>, transpose_lhs_hint = false} : vector<128x256xbf16>, vector<256x128xbf16>, vector<128x128xf32> -> vector<128x128xf32>
    %swap3A_717 = arith.constant 0 : index
    %swap3A_718 = arith.constant 1792 : index
    %swap3A_719 = vector.load %arg7[%swap3A_717, %swap3A_718] : memref<128x2048xf32, #tpu.memory_space<vmem>>, vector<128x128xf32>
    tpu.vector_store %arg7[%swap3A_717, %swap3A_718], %dot_general3A_716 {strides = array<i32>} : memref<128x2048xf32, #tpu.memory_space<vmem>>, vector<128x128xf32>,
    %get3A_720 = arith.constant 0 : index
    %get3A_721 = arith.constant 1920 : index
    %get3A_722 = vector.load %arg2[%get3A_720, %get3A_721] : memref<128x2048xf32, #tpu.memory_space<vmem>>, vector<128x128xf32>
    %convert_element_type3A_723 = arith.truncf %get3A_722 : vector<128x128xf32> to vector<128x128xbf16>
    %get3A_724 = arith.constant 0 : index
    %get3A_725 = arith.constant 1920 : index
    %get3A_726 = vector.load %arg3[%get3A_724, %get3A_725] : memref<128x2048xf32, #tpu.memory_space<vmem>>, vector<128x128xf32>
    %get3A_727 = arith.constant 0 : index
    %get3A_728 = arith.constant 1920 : index
    %get3A_729 = vector.load %arg4[%get3A_727, %get3A_728] : memref<128x2048xf32, #tpu.memory_space<vmem>>, vector<128x128xf32>
    %concatenate3A_730 = tpu.concatenate %get3A_726, %get3A_729 in 0 : vector<128x128xf32>, vector<128x128xf32> -> vector<256x128xf32>
    %convert_element_type3A_731 = arith.truncf %concatenate3A_730 : vector<256x128xf32> to vector<256x128xbf16>
    %dot_general3A_732 = arith.constant dense<0.000000e+00> : vector<128x256xf32>
    %dot_general3A_733 = tpu.matmul %convert_element_type3A_723, %convert_element_type3A_731, %dot_general3A_732 {dimension_numbers = #tpu.dot_dimension_numbers<[1], [1], [0], [0], [0, 0, 1, 0], [], []>, transpose_lhs_hint = false} : vector<128x128xbf16>, vector<256x128xbf16>, vector<128x256xf32> -> vector<128x256xf32>
    %mul3A_734 = arith.constant 0.0883883461 : f32
    %mul3A_735 = vector.broadcast %mul3A_734 : f32 to vector<128x256xf32>
    %mul3A_736 = arith.mulf %dot_general3A_733, %mul3A_735 : vector<128x256xf32>
    %jit3A_737 = arith.constant -1.000000e+30 : f32
    %broadcast_in_dim3A_738 = vector.broadcast %jit3A_737 : f32 to vector<128x256xf32>
    %select_n3A_739 = arith.select %and3A_53, %mul3A_736, %broadcast_in_dim3A_738 : vector<128x256xi1>, vector<128x256xf32>
    %reduce_max3A_740 = arith.constant dense<0xFF800000> : vector<128xf32>
    %reduce_max3A_741 = vector.multi_reduction <maximumf>, %select_n3A_739, %reduce_max3A_740 [1] : vector<128x256xf32> to vector<128xf32>
    %broadcast_in_dim3A_742 = vector.shape_cast %reduce_max3A_741 : vector<128xf32> to vector<128x1xf32>
    %sub3A_743 = vector.broadcast %broadcast_in_dim3A_742 : vector<128x1xf32> to vector<128x256xf32>
    %sub3A_744 = arith.subf %select_n3A_739, %sub3A_743 : vector<128x256xf32>
    %exp3A_745 = math.exp %sub3A_744 : vector<128x256xf32>
    %reduce_sum3A_746 = arith.constant dense<0.000000e+00> : vector<128xf32>
    %reduce_sum3A_747 = vector.multi_reduction <add>, %exp3A_745, %reduce_sum3A_746 [1] : vector<128x256xf32> to vector<128xf32>
    %broadcast_in_dim3A_748 = vector.shape_cast %reduce_sum3A_747 : vector<128xf32> to vector<128x1xf32>
    %div3A_749 = vector.broadcast %broadcast_in_dim3A_748 : vector<128x1xf32> to vector<128x256xf32>
    %div3A_750 = arith.divf %exp3A_745, %div3A_749 : vector<128x256xf32>
    %convert_element_type3A_751 = arith.truncf %div3A_750 : vector<128x256xf32> to vector<128x256xbf16>
    %get3A_752 = arith.constant 0 : index
    %get3A_753 = arith.constant 1920 : index
    %get3A_754 = vector.load %arg5[%get3A_752, %get3A_753] : memref<128x2048xf32, #tpu.memory_space<vmem>>, vector<128x128xf32>
    %get3A_755 = arith.constant 0 : index
    %get3A_756 = arith.constant 1920 : index
    %get3A_757 = vector.load %arg6[%get3A_755, %get3A_756] : memref<128x2048xf32, #tpu.memory_space<vmem>>, vector<128x128xf32>
    %concatenate3A_758 = tpu.concatenate %get3A_754, %get3A_757 in 0 : vector<128x128xf32>, vector<128x128xf32> -> vector<256x128xf32>
    %convert_element_type3A_759 = arith.truncf %concatenate3A_758 : vector<256x128xf32> to vector<256x128xbf16>
    %dot_general3A_760 = arith.constant dense<0.000000e+00> : vector<128x128xf32>
    %dot_general3A_761 = tpu.matmul %convert_element_type3A_751, %convert_element_type3A_759, %dot_general3A_760 {dimension_numbers = #tpu.dot_dimension_numbers<[1], [0], [0], [1], [0, 0, 1, 1], [], []>, transpose_lhs_hint = false} : vector<128x256xbf16>, vector<256x128xbf16>, vector<128x128xf32> -> vector<128x128xf32>
    %swap3A_762 = arith.constant 0 : index
    %swap3A_763 = arith.constant 1920 : index
    %swap3A_764 = vector.load %arg7[%swap3A_762, %swap3A_763] : memref<128x2048xf32, #tpu.memory_space<vmem>>, vector<128x128xf32>
    tpu.vector_store %arg7[%swap3A_762, %swap3A_763], %dot_general3A_761 {strides = array<i32>} : memref<128x2048xf32, #tpu.memory_space<vmem>>, vector<128x128xf32>,
    return
  }
  func.func @transform_0(%arg0: i32, %arg1: i32) -> (i32, i32) {
    %mul3A = arith.constant 32 : i32
    %mul3A_0 = arith.muli %arg0, %mul3A : i32
    %add3A = arith.addi %mul3A_0, %arg1 : i32
    %c0_i32 = arith.constant 0 : i32
    %c0_i32_1 = arith.constant 0 : i32
    return %add3A, %c0_i32 : i32, i32
  }
  func.func @transform_1(%arg0: i32, %arg1: i32) -> (i32, i32) {
    %mul3A = arith.constant 32 : i32
    %mul3A_0 = arith.muli %arg0, %mul3A : i32
    %add3A = arith.constant 64 : i32
    %add3A_1 = arith.addi %add3A, %mul3A_0 : i32
    %sub3A = arith.constant 1 : i32
    %sub3A_2 = arith.subi %arg1, %sub3A : i32
    %max3A = arith.constant 0 : i32
    %max3A_3 = arith.maxsi %sub3A_2, %max3A : i32
    %add3A_4 = arith.addi %add3A_1, %max3A_3 : i32
    %c0_i32 = arith.constant 0 : i32
    %c0_i32_5 = arith.constant 0 : i32
    return %add3A_4, %c0_i32 : i32, i32
  }
  func.func @transform_2(%arg0: i32, %arg1: i32) -> (i32, i32) {
    %mul3A = arith.constant 32 : i32
    %mul3A_0 = arith.muli %arg0, %mul3A : i32
    %add3A = arith.constant 64 : i32
    %add3A_1 = arith.addi %add3A, %mul3A_0 : i32
    %add3A_2 = arith.addi %add3A_1, %arg1 : i32
    %c0_i32 = arith.constant 0 : i32
    %c0_i32_3 = arith.constant 0 : i32
    return %add3A_2, %c0_i32 : i32, i32
  }
  func.func @transform_3(%arg0: i32, %arg1: i32) -> (i32, i32) {
    %mul3A = arith.constant 32 : i32
    %mul3A_0 = arith.muli %arg0, %mul3A : i32
    %add3A = arith.constant 128 : i32
    %add3A_1 = arith.addi %add3A, %mul3A_0 : i32
    %sub3A = arith.constant 1 : i32
    %sub3A_2 = arith.subi %arg1, %sub3A : i32
    %max3A = arith.constant 0 : i32
    %max3A_3 = arith.maxsi %sub3A_2, %max3A : i32
    %add3A_4 = arith.addi %add3A_1, %max3A_3 : i32
    %c0_i32 = arith.constant 0 : i32
    %c0_i32_5 = arith.constant 0 : i32
    return %add3A_4, %c0_i32 : i32, i32
  }
  func.func @transform_4(%arg0: i32, %arg1: i32) -> (i32, i32) {
    %mul3A = arith.constant 32 : i32
    %mul3A_0 = arith.muli %arg0, %mul3A : i32
    %add3A = arith.constant 128 : i32
    %add3A_1 = arith.addi %add3A, %mul3A_0 : i32
    %add3A_2 = arith.addi %add3A_1, %arg1 : i32
    %c0_i32 = arith.constant 0 : i32
    %c0_i32_3 = arith.constant 0 : i32
    return %add3A_2, %c0_i32 : i32, i32
  }
  func.func @transform_5(%arg0: i32, %arg1: i32) -> (i32, i32) {
    %mul3A = arith.constant 32 : i32
    %mul3A_0 = arith.muli %arg0, %mul3A : i32
    %add3A = arith.addi %mul3A_0, %arg1 : i32
    %c0_i32 = arith.constant 0 : i32
    %c0_i32_1 = arith.constant 0 : i32
    return %add3A, %c0_i32 : i32, i32
  }
}

module attributes {stable_mosaic.version = 14 : i64} {
  func.func @_oproj_body(%arg0: i32, %arg1: i32, %arg2: memref<256x2048xf32, #tpu.memory_space<vmem>>, %arg3: memref<256x2048xf32, #tpu.memory_space<vmem>>, %arg4: memref<256x2048xf32, #tpu.memory_space<vmem>>, %arg5: memref<2048x1024xbf16, #tpu.memory_space<vmem>>, %arg6: memref<8x1024xf32, #tpu.memory_space<vmem>>, %arg7: memref<256x1024xf32, #tpu.memory_space<vmem>>) attributes {dimension_semantics = [#tpu.dimension_semantics<arbitrary>, #tpu.dimension_semantics<arbitrary>], iteration_bounds = array<i64: 2, 32>, scalar_prefetch = 0 : i64, scratch_operands = 0 : i64, tpu.core_type = #tpu.core_type<tc>, window_params = [{transform_indices = @transform_0, window_bounds = array<i64: 256, 2048>}, {transform_indices = @transform_1, window_bounds = array<i64: 256, 2048>}, {transform_indices = @transform_2, window_bounds = array<i64: 256, 2048>}, {transform_indices = @transform_3, window_bounds = array<i64: 2048, 1024>}, {transform_indices = @transform_4, window_bounds = array<i64: 8, 1024>}, {transform_indices = @transform_5, window_bounds = array<i64: 256, 1024>}]} {
    %get3A = arith.constant 0 : index
    %get3A_0 = arith.constant 0 : index
    %get3A_1 = vector.load %arg2[%get3A, %get3A_0] : memref<256x2048xf32, #tpu.memory_space<vmem>>, vector<256x2048xf32>
    %get3A_2 = arith.constant 0 : index
    %get3A_3 = arith.constant 0 : index
    %get3A_4 = vector.load %arg3[%get3A_2, %get3A_3] : memref<256x2048xf32, #tpu.memory_space<vmem>>, vector<256x2048xf32>
    %add3A = arith.addf %get3A_1, %get3A_4 : vector<256x2048xf32>
    %get3A_5 = arith.constant 0 : index
    %get3A_6 = arith.constant 0 : index
    %get3A_7 = vector.load %arg4[%get3A_5, %get3A_6] : memref<256x2048xf32, #tpu.memory_space<vmem>>, vector<256x2048xf32>
    %add3A_8 = arith.addf %add3A, %get3A_7 : vector<256x2048xf32>
    %mul3A = arith.constant 0.333333343 : f32
    %mul3A_9 = vector.broadcast %mul3A : f32 to vector<256x2048xf32>
    %mul3A_10 = arith.mulf %add3A_8, %mul3A_9 : vector<256x2048xf32>
    %convert_element_type3A = arith.truncf %mul3A_10 : vector<256x2048xf32> to vector<256x2048xbf16>
    %get3A_11 = arith.constant 0 : index
    %get3A_12 = arith.constant 0 : index
    %get3A_13 = vector.load %arg5[%get3A_11, %get3A_12] : memref<2048x1024xbf16, #tpu.memory_space<vmem>>, vector<2048x1024xbf16>
    %dot_general3A = arith.constant dense<0.000000e+00> : vector<256x1024xf32>
    %dot_general3A_14 = tpu.matmul %convert_element_type3A, %get3A_13, %dot_general3A {dimension_numbers = #tpu.dot_dimension_numbers<[1], [0], [0], [1], [0, 0, 1, 1], [], []>, transpose_lhs_hint = false} : vector<256x2048xbf16>, vector<2048x1024xbf16>, vector<256x1024xf32> -> vector<256x1024xf32>
    %get3A_15 = arith.constant 0 : index
    %get3A_16 = arith.constant 0 : index
    %get3A_17 = vector.load %arg6[%get3A_15, %get3A_16] : memref<8x1024xf32, #tpu.memory_space<vmem>>, vector<1x1024xf32>
    %add3A_18 = vector.broadcast %get3A_17 : vector<1x1024xf32> to vector<256x1024xf32>
    %add3A_19 = arith.addf %dot_general3A_14, %add3A_18 : vector<256x1024xf32>
    %swap3A = arith.constant 0 : index
    %swap3A_20 = arith.constant 0 : index
    %swap3A_21 = vector.load %arg7[%swap3A, %swap3A_20] : memref<256x1024xf32, #tpu.memory_space<vmem>>, vector<256x1024xf32>
    tpu.vector_store %arg7[%swap3A, %swap3A_20], %add3A_19 {strides = array<i32>} : memref<256x1024xf32, #tpu.memory_space<vmem>>, vector<256x1024xf32>,
    return
  }
  func.func @transform_0(%arg0: i32, %arg1: i32) -> (i32, i32) {
    %c0_i32 = arith.constant 0 : i32
    %c0_i32_0 = arith.constant 0 : i32
    return %arg1, %c0_i32 : i32, i32
  }
  func.func @transform_1(%arg0: i32, %arg1: i32) -> (i32, i32) {
    %c0_i32 = arith.constant 0 : i32
    %c0_i32_0 = arith.constant 0 : i32
    return %arg1, %c0_i32 : i32, i32
  }
  func.func @transform_2(%arg0: i32, %arg1: i32) -> (i32, i32) {
    %c0_i32 = arith.constant 0 : i32
    %c0_i32_0 = arith.constant 0 : i32
    return %arg1, %c0_i32 : i32, i32
  }
  func.func @transform_3(%arg0: i32, %arg1: i32) -> (i32, i32) {
    %c0_i32 = arith.constant 0 : i32
    %c0_i32_0 = arith.constant 0 : i32
    return %c0_i32, %arg0 : i32, i32
  }
  func.func @transform_4(%arg0: i32, %arg1: i32) -> (i32, i32) {
    %c0_i32 = arith.constant 0 : i32
    %c0_i32_0 = arith.constant 0 : i32
    return %c0_i32, %arg0 : i32, i32
  }
  func.func @transform_5(%arg0: i32, %arg1: i32) -> (i32, i32) {
    %c0_i32 = arith.constant 0 : i32
    return %arg1, %arg0 : i32, i32
  }
}

</mosaic_0001>

<sc_bundles>
// kernel: kernel.14.cloned.1.call-start
scs
__scs_entry_jumppad:
0x0: {  	(pc) =	sbr.rel $0x88, $3  }
0x1: {  	(tag) =	ssettag $0x0;
	lr =	simm.s32 $0x1  }
0x2: {  	[smem:$0x3F8D] =	sst lr;
	_ =	strace $0xD0000000  }
0x3: {  	_ = 	snop  }
0x4: {  	_ = 	snop  }
0x5: {  	_ = 	snop  }
0x6: {  	_ = 	snop  }
0x7: {  	_ = 	snop  }
__scs_overlays_trampoline_lowered:
0x8: {  	[smem:$0x3F9C] =	sst s0  }
0x9: {  	[smem:$0x3F9D] =	sst s1  }
0xa: {  	[smem:$0x3F9E] =	sst s2  }
0xb: {  	[smem:$0x3F9F] =	sst s3  }
0xc: {  	[smem:$0x3FA0] =	sst s4  }
0xd: {  	[smem:$0x3FA1] =	sst s5  }
0xe: {  	[smem:$0x3FA2] =	sst s6  }
0xf: {  	[smem:$0x3FA3] =	sst s7  }
0x10: {  	[smem:$0x3FA4] =	sst s8  }
0x11: {  	[smem:$0x3FA5] =	sst s9;
	s0 =	simm.s32 @!p0 $0x0  }
0x12: {  	s1 =	sld [smem:$0x3F8B];
	s0 =	simm.s32 @p0 $0x1  }
0x13: {  	[smem:$0x3FA6] =	sst s0;
	s0 =	simm.s32 @!p1 $0x0  }
0x14: {  	s2 =	sld [smem:$0x3F8A];
	s0 =	simm.s32 @p1 $0x1  }
0x15: {  	[smem:$0x3FA7] =	sst s0;
	s0 =	simm.s32 @!p2 $0x0  }
0x16: {  	s3 =	sld [smem:$0x3FDB];
	s0 =	simm.s32 @p2 $0x1  }
0x17: {  	s4 =	simm.s32 $0x1BF5;
	[smem:$0x3FA9] =	sst s0  }
0x18: {  	s0 =	sld [smem:$0x3F8C];
	_ =	swait.ge [sflag:s4], $0x0  }
0x19: {  	s7 =	sld [smem:$0x3F8D]  }
0x1a: {  	s8 =	sadd.s32 $0xFFFFE003, lr  }
0x1b: {  	s9 =	sadd.s32 $0xFFFFFEF7, lr;
	s5 =	simm.s32 $0xFFFFFFFF;
	p2 =	slt.u32 s8, $0xFFFFF086  }
0x1c: {  	p1 =	slt.u32 s9, $0xF7A;
	s5 =	simm.s32 @!p2 $0x0  }
0x1d: {  	s5 =	simm.s32 @p1 $0x1;
	p0 =	seq.s32 s7, s2  }
0x1e: {  	s7 =	smul.u32 @!p0 $0xF7A, s2;
	p2 =	seq.s32 @!p0 s5, $0x0  }
0x1f: {  	s9 =	smul.u32 $0xF7A, s1;
	s8 =	simm.s32 @!p0 $0x1BF5;
	p2 =	por !p2, p0  }
0x20: {  	[sflag:s8] =	ssyncset.s32 @!p0 $0xFFFFF086;
	s6 =	sadd.s32 @!p0 s3, s7;
	s7 =	simm.s32 @!p0 $0x108  }
0x21: {  	s3 =	sadd.s32 s3, s9;
	s6 =	sadd.s32 @!p0 $0x88, s6;
	s7 =	simm.s32 @p2 $0x1082  }
0x22: {  	[simem:s7], [sflag:s8] =	dma.local @!p0 [hbm:s6], $0xF7A  }
0x23: {  	s9 =	sor.u32 $0xD0000000, s2;
	s6 =	simm.s32 $0x108;
	_ =	swait.ge @!p0 [sflag:s8], $0x0  }
0x24: {  	s3 =	sadd.s32 $0x88, s3;
	s6 =	simm.s32 @!p1 $0x1082;
	[sflag:s4] =	ssyncset.s32 $0xFFFFF086  }
0x25: {  	[simem:s6], [sflag:s4] =	dma.local [hbm:s3], $0xF7A  }
0x26: {  	[smem:$0x3F8D] =	sst s1;
	(tag) =	ssettag s2;
	_ =	strace s9  }
0x27: {  	s1 =	sld [smem:$0x3F9D]  }
0x28: {  	s2 =	sld [smem:$0x3F9E]  }
0x29: {  	s4 =	sld [smem:$0x3FA0]  }
0x2a: {  	p0 =	seq.s32 s5, $0x0;
	s5 =	sld [smem:$0x3FA1]  }
0x2b: {  	s6 =	sld [smem:$0x3FA2]  }
0x2c: {  	s7 =	sld [smem:$0x3FA3]  }
0x2d: {  	s3 =	simm.s32 $0x108;
	s8 =	sld [smem:$0x3FA4]  }
0x2e: {  	s3 =	simm.s32 @!p0 $0x1082;
	s9 =	sld [smem:$0x3FA5]  }
0x2f: {  	lr =	sadd.s32 s0, s3;
	s0 =	sld [smem:$0x3F9C]  }
0x30: {  	s3 =	sld [smem:$0x3F9F]  }
0x31: {  	[smem:$0x3FA8] =	sst s10  }
0x32: {  	s10 =	sld [smem:$0x3FA6];
	_ =	sdelay $0x3  }
0x33: {  	p0 =	seq.s32 s10, $0x1;
	s10 =	sld [smem:$0x3FA8];
	_ =	sdelay $0x3  }
0x34: {  	[smem:$0x3FA8] =	sst s10  }
0x35: {  	s10 =	sld [smem:$0x3FA7];
	_ =	sdelay $0x3  }
0x36: {  	p1 =	seq.s32 s10, $0x1;
	s10 =	sld [smem:$0x3FA8];
	_ =	sdelay $0x3  }
0x37: {  	[smem:$0x3FA8] =	sst s10  }
0x38: {  	s10 =	sld [smem:$0x3FA9]  }
0x39: {  	_ = 	snop;
	(pc) =	sbr.ind lr, $3  }
0x3a: {  	_ = 	snop  }
0x3b: {  	_ = 	snop  }
0x3c: {  	p2 =	seq.s32 s10, $0x1;
	s10 =	sld [smem:$0x3FA8]  }
0x3d: {  	_ =	shalt  }
0x3e: {  	_ =	shalt  }
0x3f: {  	_ =	shalt  }
0x40: {  	_ =	shalt  }
0x41: {  	_ =	shalt  }
0x42: {  	_ =	shalt  }
0x43: {  	_ =	shalt  }
0x44: {  	_ =	shalt  }
0x45: {  	_ =	shalt  }
0x46: {  	_ =	shalt  }
0x47: {  	_ =	shalt  }
0x48: {  	_ =	shalt  }
0x49: {  	_ =	shalt  }
0x4a: {  	_ =	shalt  }
0x4b: {  	_ =	shalt  }
0x4c: {  	_ =	shalt  }
0x4d: {  	_ =	shalt  }
0x4e: {  	_ =	shalt  }
0x4f: {  	_ =	shalt  }
0x50: {  	_ =	shalt  }
0x51: {  	_ =	shalt  }
0x52: {  	_ =	shalt  }
0x53: {  	_ =	shalt  }
0x54: {  	_ =	shalt  }
0x55: {  	_ =	shalt  }
0x56: {  	_ =	shalt  }
0x57: {  	_ =	shalt  }
0x58: {  	_ =	shalt  }
0x59: {  	_ =	shalt  }
0x5a: {  	_ =	shalt  }
0x5b: {  	_ =	shalt  }
0x5c: {  	_ =	shalt  }
0x5d: {  	_ =	shalt  }
0x5e: {  	_ =	shalt  }
0x5f: {  	_ =	shalt  }
0x60: {  	_ =	shalt  }
0x61: {  	_ =	shalt  }
0x62: {  	_ =	shalt  }
0x63: {  	_ =	shalt  }
0x64: {  	_ =	shalt  }
0x65: {  	_ =	shalt  }
0x66: {  	_ =	shalt  }
0x67: {  	_ =	shalt  }
0x68: {  	_ =	shalt  }
0x69: {  	_ =	shalt  }
0x6a: {  	_ =	shalt  }
0x6b: {  	_ =	shalt  }
0x6c: {  	_ =	shalt  }
0x6d: {  	_ =	shalt  }
0x6e: {  	_ =	shalt  }
0x6f: {  	_ =	shalt  }
0x70: {  	_ =	shalt  }
0x71: {  	_ =	shalt  }
0x72: {  	_ =	shalt  }
0x73: {  	_ =	shalt  }
0x74: {  	_ =	shalt  }
0x75: {  	_ =	shalt  }
0x76: {  	_ =	shalt  }
0x77: {  	_ =	shalt  }
0x78: {  	_ =	shalt  }
0x79: {  	_ =	shalt  }
0x7a: {  	_ =	shalt  }
0x7b: {  	_ =	shalt  }
0x7c: {  	_ =	shalt  }
0x7d: {  	_ =	shalt  }
0x7e: {  	_ =	shalt  }
0x7f: {  	_ =	shalt  }
0x80: {  	_ =	shalt  }
0x81: {  	_ =	shalt  }
0x82: {  	_ =	shalt  }
0x83: {  	_ =	shalt  }
0x84: {  	_ =	shalt  }
0x85: {  	_ =	shalt  }
0x86: {  	_ =	shalt  }
0x87: {  	_ =	shalt  }
.Lfunc_end0:
.L_simem_size_0:
called_computation_lowered:
.L_overlay_start_0:
0x88: {  	s2 =	sld [smem:$0x3FD9]  }
0x89: {  	s3 =	sld [smem:$0x3FFE];
	_ =	sdelay $0x1  }
0x8a: {  	s1 =	srdreg.scid  }
0x8b: {  	s0 =	sand.u32 $0x1, s1  }
0x8c: {  	s16 =	sshll.u32 s0, $0xA;
	s2 =	sadd.s32 s3, s2  }
0x8d: {  	s2 =	sadd.s32 s2, s16  }
0x8e: {  	[smem:$0x3FB4] =	sst s2  }
0x8f: {  	_ = 	snop  }
0x90: {  	(tm) =	ssettm $0x1  }
0x91: {  	s17 =	sld [smem:$0x3FFB];
	_ =	sdelay $0x3  }
0x92: {  	_ =	strace s17  }
0x93: {  	s2 =	sld [smem:$0x3FFC];
	_ =	sdelay $0x3  }
0x94: {  	_ =	strace s2  }
0x95: {  	s2 =	sld [smem:$0x3FFD];
	_ =	sdelay $0x3  }
0x96: {  	_ =	strace s2  }
0x97: {  	_ =	strace $0x8FFFFFFF  }
0x98: {  	s18 =	sld [smem:$0x3FDB];
	_ =	sdelay $0x1  }
0x99: {  	s19 =	simm.s32 $_scs_section_size  }
0x9a: {  	s4 =	simm.s32 $_size__tile_overlayer_lowered;
	s5 =	simm.s32 $_tile_overlayer_lowered  }
0x9b: {  	s22 =	simm.s32 $0x1BFF;
	s21 =	sshll.u32 s5, $0x1;
	s2 =	sadd.s32 s19, s18  }
0x9c: {  	s6 =	simm.s32 $0x0;
	s20 =	sshll.u32 s4, $0x1;
	s4 =	sadd.s32 s21, s2  }
0x9d: {  	[timem:s6], [sflag:s22] =	dma.local [hbm:s4], s20  }
0x9e: {  	_ =	swait.ge [sflag:s22], s20  }
0x9f: {  	s3 =	ssub.s32 $0x0, s20;
	[sflag:s22] =	ssyncset.done $0x0  }
0xa0: {  	[sflag:s22] =	ssyncadd.s32 s3;
	_ =	sdelay $0x1  }
0xa1: {  	s23 =	simm.s32 $0x1B8B  }
0xa2: {  	_ =	swait.ge [sflag:s23], $0x1  }
0xa3: {  	[sflag:s23] =	ssyncset.done $0x0  }
0xa4: {  	s25 =	simm.s32 $0x1B8E;
	s24 =	sld [smem:$0x3FFE];
	[sflag:s23] =	ssyncadd.s32 $0xFFFFFFFF  }
0xa5: {  	s26 =	simm.s32 $execute0_lowered;
	[smem:$0x3FD2] =	sst s25  }
0xa6: {  	s4 =	sshll.u32 s26, $0x1;
	_ =	strace $0x80000046;
	[dreg:$0x1] =	wrdreg $0xFFFFFFFF  }
0xa7: {  	s28 =	simm.s32 $_size_execute0_lowered;
	s2 =	sadd.s32 s2, s4;
	[dreg:$0x0] =	wrdreg $0x0  }
0xa8: {  	s4 =	sshll.u32 s28, $0x1;
	[dreg:$0x2] =	wrdreg s2  }
0xa9: {  	[dreg:$0x3] =	wrdreg s4  }
0xaa: {  	[dreg:$0x4] =	wrdreg $0xC0  }
0xab: {  	_ =	task [dreg:s6], $0x5FFFF  }
0xac: {  	[dreg:$0x1] =	wrdreg $0xFFFFFFFF  }
0xad: {  	[dreg:$0x0] =	wrdreg $0x60  }
0xae: {  	[dreg:$0x2] =	wrdreg s24  }
0xaf: {  	[dreg:$0x3] =	wrdreg $0x9  }
0xb0: {  	_ =	task.clear_ibuf [dreg:s6], $0x4FFFF;
	_ =	strace $0x90000046  }
0xb1: {  	s29 =	simm.s32 $0x9;
	_ =	strace $0x80000048  }
0xb2: {  	_ =	swait.ge [sflag:s29], $0x1  }
0xb3: {  	[sflag:s29] =	ssyncadd.s32 $0xFFFFFFFF  }
0xb4: {  	_ =	strace $0x90000048  }
0xb5: {  	_ =	sfence  }
0xb6: {  	s30 =	sld [smem:$0x0];
	_ =	sdelay $0x2  }
0xb7: {  	s31 =	sshll.u32 s1, $0xD;
	s1 =	sshrl.u32 s1, $0x2  }
0xb8: {  	s3 =	sand.u32 $0x4000, s31;
	s1 =	sadd.s32 s1, s30  }
0xb9: {  	s0 =	sor.u32 s3, s0;
	s1 =	sshll.u32 s1, $0x11  }
0xba: {  	s0 =	sor.u32 s1, s0  }
0xbb: {  	s0 =	sadd.s32 $0x8F2B, s0  }
0xbc: {  	[sflag:s0] =	ssyncadd.remote.s32 $0x1  }
0xbd: {  	_ =	sfence.sel $0xFFFF  }
0xbe: {  	[dreg:$0x0] =	wrdreg $0xFFFFFFFF;
	(pc) =	sbr.abs _section_cstart, $3  }
0xbf: {  	[dreg:$0x1] =	wrdreg $0xFFFFFFFF  }
0xc0: {  	_ =	task.clear_ibuf [dreg:s6], $0x2FFFF;
	_ =	strace $0x9FFFFFFF  }
0xc1: {  	(tm) =	ssettm $0x7FFFFFFF  }
tec
execute0_lowered:
.L_overlay_start_1:
0x0: {  	(tag) =	ssettag $0x1  }
0x1: {  	s0 =	srdreg.scid  }
0x2: {  	s5 =	stileid.u32;
	s11 =	rddreg [dreg:$0x0];
	s2 =	simm.s32 $0x0  }
0x3: {  	s6 =	simm.s32 $0x2000;
	s7 =	simm.s32 $0x2800;
	[smem:$0x7FF] =	sst s2  }
0x4: {  	s8 =	simm.s32 $0x3000;
	_ =	strace $0x80000047;
	[dreg:$0x4] =	wrdreg s6  }
0x5: {  	s10 =	simm.s32 $0x3800;
	s12 =	simm.s32 $0x4000;
	[dreg:$0x5] =	wrdreg s7  }
0x6: {  	s13 =	simm.s32 $0x4800;
	s15 =	simm.s32 $0x5000;
	[dreg:$0x6] =	wrdreg s8  }
0x7: {  	s16 =	simm.s32 $0x5800;
	s17 =	simm.s32 $0x6000;
	[dreg:$0x7] =	wrdreg s10  }
0x8: {  	s18 =	simm.s32 $0x6800;
	s19 =	simm.s32 $0x7000;
	[dreg:$0x8] =	wrdreg s12  }
0x9: {  	s20 =	simm.s32 $0x7800;
	s21 =	simm.s32 $0x8000;
	[dreg:$0x9] =	wrdreg s13  }
0xa: {  	s22 =	simm.s32 $0x8800;
	s23 =	simm.s32 $0x9000;
	[dreg:$0xa] =	wrdreg s15  }
0xb: {  	s24 =	simm.s32 $0xA000;
	s25 =	simm.s32 $0xA800;
	[dreg:$0xb] =	wrdreg s16  }
0xc: {  	s28 =	simm.s32 $0x11000;
	s29 =	simm.s32 $0x1;
	[dreg:$0xc] =	wrdreg s17  }
0xd: {  	s30 =	simm.s32 $0x2;
	s31 =	simm.s32 $0x0;
	[dreg:$0xd] =	wrdreg s18  }
0xe: {  	s0 =	sand.u32 $0x1, s0;
	s1 =	smul.u32 $0x300000, s5;
	[dreg:$0xe] =	wrdreg s19  }
0xf: {  	s26 =	sadd.s32 $0x22C600, s11;
	s5 =	sshll.u32 s5, $0x1;
	[dreg:$0xf] =	wrdreg s20  }
0x10: {  	s3 =	smul.u32 $0x180000, s0;
	s5 =	sor.u32 s0, s5;
	[dreg:$0x10] =	wrdreg s21  }
0x11: {  	s0 =	ssub.s32 $0x2, s0;
	s6 =	sadd.s32 $0x82C800, s11;
	[dreg:$0x11] =	wrdreg s22  }
0x12: {  	s7 =	sadd.s32 $0x82C900, s11;
	s8 =	sadd.s32 $0x82CA00, s11;
	[dreg:$0x12] =	wrdreg s23  }
0x13: {  	s10 =	sadd.s32 $0x82CC00, s11;
	[dreg:$0x13] =	wrdreg s24;
	s13 =	simm.s32 $0x3  }
0x14: {  	[dreg:$0x14] =	wrdreg s25;
	s15 =	simm.s32 $0x9800;
	s16 =	simm.s32 $0xB800  }
0x15: {  	s17 =	simm.s32 $0xC000;
	s18 =	simm.s32 $0xC800;
	s19 =	simm.s32 $0xD000  }
0x16: {  	s20 =	simm.s32 $0xD800;
	s21 =	simm.s32 $0xE000;
	s22 =	simm.s32 $0xE800  }
0x17: {  	s23 =	simm.s32 $0xF000;
	s24 =	simm.s32 $0xF800;
	s25 =	simm.s32 $0x10000  }
0x18: {  	s14 =	sshrl.u32 s0, $0x1;
	s1 =	sadd.s32 s3, s1;
	s3 =	smul.u32 $0x300, s5  }
0x19: {  	s0 =	ssub.s32 s0, s14;
	s5 =	sadd.s32 $0x82C700, s11;
	s14 =	simm.s32 $0x1800  }
0x1a: {  	s4 =	sshrl.u32 s1, $0x3;
	s1 =	sor.u32 $0x8000, s1;
	s0 =	smax.u32 s0, $0x1  }
0x1b: {  	s4 =	sadd.s32 s4, s26;
	s1 =	sshrl.u32 s1, $0x3;
	[dreg:$0x17] =	wrdreg s0  }
0x1c: {  	s9 =	sadd.s32 s3, s11;
	[dreg:$0x2] =	wrdreg s4;
	s1 =	sadd.s32 s1, s26  }
0x1d: {  	v2 =	vlaneseq.u32;
	s3 =	sadd.s32 $0x82C600, s11;
	s4 =	sadd.s32 $0x166600, s9;
	[dreg:$0x3] =	wrdreg s1  }
0x1e: {  	vm0 =	vmmov $0xffff;
	v1 =	vshrl.u32 v2, $0x3;
	s9 =	sadd.s32 $0x82CB00, s11;
	s26 =	simm.s32 $0xB000;
	[dreg:$0x16] =	wrdreg s4  }
0x1f: {  	v0 =	vand.u32 $0x7, v2;
	v2 =	vor.u32 $0x8, v2;
	v1 =	vmul.u32 $0x8, v1;
	s11 =	sadd.s32 $0x82CD00, s11;
	[dreg:$0x15] =	wrdreg s26;
	s26 =	simm.s32 $0x10800  }
.LBB2_1:
0x20: {  	s0 =	rddreg [dreg:$0x16]  }
0x21: {  	[tilespmem:s2], [sflag:$0x3] =	stream.linear.gather [hbm4b:s0+s2], $0x1800, $0x38;
	[tilespmem:$0x11800] =	vst v63  }
0x22: {  	_ =	swait.ge [sflag:s13], $0x1800  }
0x23: {  	[sflag:s13] =	ssyncset.done $0x0  }
0x24: {  	s1 =	simm.s32 $0x80;
	s0 =	simm.s32 $0x0;
	[sflag:s13] =	ssyncadd.s32 $0xFFFFE800  }
.LBB2_2:
0x25: {  	p0 =	seq.s32 s0, $0x0  }
0x26: {  	s4 =	simm.s32 @!p0 $0x1  }
0x27: {  	_ =	swait.ge @!p0 [sflag:s4], $0x8000  }
0x28: {  	s12 =	rddreg [dreg:$0x2];
	[sflag:s4] =	ssyncset.done @!p0 $0x0  }
0x29: {  	[sflag:s4] =	ssyncadd.s32 @!p0 $0xFFFF8000;
	s12 =	sadd.s32 s0, s12  }
0x2a: {  	[tilespmem:s14], [sflag:$0x3] =	stream.linear.gather [hbm4b:s12+s2], $0x8000, $0x38;
	[tilespmem:$0x11800] =	vst v63  }
0x2b: {  	_ =	swait.ge [sflag:s13], $0x8000  }
0x2c: {  	[sflag:s13] =	ssyncset.done $0x0  }
0x2d: {  	[sflag:s13] =	ssyncadd.s32 $0xFFFF8000  }
0x2e: {  	v3 =	vld [tilespmem:s1+$0xFFFFFF80];
	_ =	sdelay $0x4  }
0x2f: {  	v4 =	vshll.u32 v3, $0x4  }
0x30: {  	v3 =	vand.u32 $0x7, v3;
	v4 =	vand.u32 $0xFFFFFF80, v4  }
0x31: {  	v3 =	vor.u32 v3, v4  }
0x32: {  	v4 =	vperm.xlane v3, v0;
	_ =	sdelay $0x1  }
0x33: {  	v4 =	vadd.s32 v1, v4;
	_ =	sdelay $0x4  }
0x34: {  	[hbm4b:s3+s2] =	stream.indirect_vreg.scatter [tilespmem:s14], [sflag:$0x1], $0x80, v4, vm0, $0xb8;
	[tilespmem:$0x11800] =	vst v63  }
0x35: {  	s4 =	rddreg [dreg:$0x4]  }
0x36: {  	[hbm4b:s5+s2] =	stream.indirect_vreg.scatter [tilespmem:s4], [sflag:$0x1], $0x80, v4, vm0, $0xb8;
	[tilespmem:$0x11800] =	vst v63  }
0x37: {  	s12 =	rddreg [dreg:$0x5]  }
0x38: {  	[hbm4b:s6+s2] =	stream.indirect_vreg.scatter [tilespmem:s12], [sflag:$0x1], $0x80, v4, vm0, $0xb8;
	[tilespmem:$0x11800] =	vst v63  }
0x39: {  	s4 =	rddreg [dreg:$0x6]  }
0x3a: {  	[hbm4b:s7+s2] =	stream.indirect_vreg.scatter [tilespmem:s4], [sflag:$0x1], $0x80, v4, vm0, $0xb8;
	[tilespmem:$0x11800] =	vst v63  }
0x3b: {  	s12 =	rddreg [dreg:$0x7]  }
0x3c: {  	[hbm4b:s8+s2] =	stream.indirect_vreg.scatter [tilespmem:s12], [sflag:$0x1], $0x80, v4, vm0, $0xb8;
	[tilespmem:$0x11800] =	vst v63  }
0x3d: {  	v3 =	vperm.xlane v3, v2;
	s4 =	rddreg [dreg:$0x8]  }
0x3e: {  	[hbm4b:s9+s2] =	stream.indirect_vreg.scatter [tilespmem:s4], [sflag:$0x1], $0x80, v4, vm0, $0xb8;
	[tilespmem:$0x11800] =	vst v63  }
0x3f: {  	v3 =	vadd.s32 v1, v3;
	s12 =	rddreg [dreg:$0x9]  }
0x40: {  	[hbm4b:s10+s2] =	stream.indirect_vreg.scatter [tilespmem:s12], [sflag:$0x1], $0x80, v4, vm0, $0xb8;
	[tilespmem:$0x11800] =	vst v63  }
0x41: {  	s4 =	rddreg [dreg:$0xa]  }
0x42: {  	[hbm4b:s11+s2] =	stream.indirect_vreg.scatter [tilespmem:s4], [sflag:$0x1], $0x80, v4, vm0, $0xb8;
	[tilespmem:$0x11800] =	vst v63  }
0x43: {  	s12 =	rddreg [dreg:$0xb]  }
0x44: {  	[hbm4b:s3+s2] =	stream.indirect_vreg.scatter [tilespmem:s12], [sflag:$0x1], $0x80, v3, vm0, $0xb8;
	[tilespmem:$0x11800] =	vst v63  }
0x45: {  	s4 =	rddreg [dreg:$0xc]  }
0x46: {  	[hbm4b:s5+s2] =	stream.indirect_vreg.scatter [tilespmem:s4], [sflag:$0x1], $0x80, v3, vm0, $0xb8;
	[tilespmem:$0x11800] =	vst v63  }
0x47: {  	s12 =	rddreg [dreg:$0xd]  }
0x48: {  	[hbm4b:s6+s2] =	stream.indirect_vreg.scatter [tilespmem:s12], [sflag:$0x1], $0x80, v3, vm0, $0xb8;
	[tilespmem:$0x11800] =	vst v63  }
0x49: {  	s4 =	rddreg [dreg:$0xe]  }
0x4a: {  	[hbm4b:s7+s2] =	stream.indirect_vreg.scatter [tilespmem:s4], [sflag:$0x1], $0x80, v3, vm0, $0xb8;
	[tilespmem:$0x11800] =	vst v63  }
0x4b: {  	s12 =	rddreg [dreg:$0xf]  }
0x4c: {  	[hbm4b:s8+s2] =	stream.indirect_vreg.scatter [tilespmem:s12], [sflag:$0x1], $0x80, v3, vm0, $0xb8;
	[tilespmem:$0x11800] =	vst v63  }
0x4d: {  	s4 =	rddreg [dreg:$0x10]  }
0x4e: {  	[hbm4b:s9+s2] =	stream.indirect_vreg.scatter [tilespmem:s4], [sflag:$0x1], $0x80, v3, vm0, $0xb8;
	[tilespmem:$0x11800] =	vst v63  }
0x4f: {  	s12 =	rddreg [dreg:$0x11]  }
0x50: {  	[hbm4b:s10+s2] =	stream.indirect_vreg.scatter [tilespmem:s12], [sflag:$0x1], $0x80, v3, vm0, $0xb8;
	[tilespmem:$0x11800] =	vst v63  }
0x51: {  	s4 =	rddreg [dreg:$0x12]  }
0x52: {  	[hbm4b:s11+s2] =	stream.indirect_vreg.scatter [tilespmem:s4], [sflag:$0x1], $0x80, v3, vm0, $0xb8;
	[tilespmem:$0x11800] =	vst v63  }
0x53: {  	s4 =	simm.s32 @!p0 $0x2  }
0x54: {  	_ =	swait.ge @!p0 [sflag:s4], $0x8000  }
0x55: {  	s12 =	rddreg [dreg:$0x3];
	[sflag:s4] =	ssyncset.done @!p0 $0x0  }
0x56: {  	[sflag:s4] =	ssyncadd.s32 @!p0 $0xFFFF8000;
	s12 =	sadd.s32 s0, s12  }
0x57: {  	[tilespmem:s15], [sflag:$0x3] =	stream.linear.gather [hbm4b:s12+s2], $0x8000, $0x38;
	[tilespmem:$0x11800] =	vst v63  }
0x58: {  	_ =	swait.ge [sflag:s13], $0x8000  }
0x59: {  	[sflag:s13] =	ssyncset.done $0x0  }
0x5a: {  	[sflag:s13] =	ssyncadd.s32 $0xFFFF8000  }
0x5b: {  	v3 =	vld [tilespmem:s1+$0x0];
	_ =	sdelay $0x4  }
0x5c: {  	v63 =	vshll.u32 v3, $0x4  }
0x5d: {  	v3 =	vand.u32 $0x7, v3;
	v4 =	vand.u32 $0xFFFFFF80, v63  }
0x5e: {  	v3 =	vor.u32 v3, v4  }
0x5f: {  	v4 =	vperm.xlane v3, v0;
	_ =	sdelay $0x1  }
0x60: {  	v4 =	vadd.s32 v1, v4;
	_ =	sdelay $0x4  }
0x61: {  	[hbm4b:s3+s2] =	stream.indirect_vreg.scatter [tilespmem:s15], [sflag:$0x2], $0x80, v4, vm0, $0xb8;
	[tilespmem:$0x11800] =	vst v63  }
0x62: {  	s4 =	rddreg [dreg:$0x13]  }
0x63: {  	[hbm4b:s5+s2] =	stream.indirect_vreg.scatter [tilespmem:s4], [sflag:$0x2], $0x80, v4, vm0, $0xb8;
	[tilespmem:$0x11800] =	vst v63  }
0x64: {  	s12 =	rddreg [dreg:$0x14]  }
0x65: {  	[hbm4b:s6+s2] =	stream.indirect_vreg.scatter [tilespmem:s12], [sflag:$0x2], $0x80, v4, vm0, $0xb8;
	[tilespmem:$0x11800] =	vst v63  }
0x66: {  	s4 =	rddreg [dreg:$0x15]  }
0x67: {  	[hbm4b:s7+s2] =	stream.indirect_vreg.scatter [tilespmem:s4], [sflag:$0x2], $0x80, v4, vm0, $0xb8;
	[tilespmem:$0x11800] =	vst v63  }
0x68: {  	_ = 	snop  }
0x69: {  	[hbm4b:s8+s2] =	stream.indirect_vreg.scatter [tilespmem:s16], [sflag:$0x2], $0x80, v4, vm0, $0xb8;
	[tilespmem:$0x11800] =	vst v63  }
0x6a: {  	v3 =	vperm.xlane v3, v2  }
0x6b: {  	[hbm4b:s9+s2] =	stream.indirect_vreg.scatter [tilespmem:s17], [sflag:$0x2], $0x80, v4, vm0, $0xb8;
	[tilespmem:$0x11800] =	vst v63  }
0x6c: {  	v3 =	vadd.s32 v1, v3  }
0x6d: {  	[hbm4b:s10+s2] =	stream.indirect_vreg.scatter [tilespmem:s18], [sflag:$0x2], $0x80, v4, vm0, $0xb8;
	[tilespmem:$0x11800] =	vst v63  }
0x6e: {  	_ = 	snop  }
0x6f: {  	[hbm4b:s11+s2] =	stream.indirect_vreg.scatter [tilespmem:s19], [sflag:$0x2], $0x80, v4, vm0, $0xb8;
	[tilespmem:$0x11800] =	vst v63  }
0x70: {  	_ = 	snop  }
0x71: {  	[hbm4b:s3+s2] =	stream.indirect_vreg.scatter [tilespmem:s20], [sflag:$0x2], $0x80, v3, vm0, $0xb8;
	[tilespmem:$0x11800] =	vst v63  }
0x72: {  	_ = 	snop  }
0x73: {  	[hbm4b:s5+s2] =	stream.indirect_vreg.scatter [tilespmem:s21], [sflag:$0x2], $0x80, v3, vm0, $0xb8;
	[tilespmem:$0x11800] =	vst v63  }
0x74: {  	_ = 	snop  }
0x75: {  	[hbm4b:s6+s2] =	stream.indirect_vreg.scatter [tilespmem:s22], [sflag:$0x2], $0x80, v3, vm0, $0xb8;
	[tilespmem:$0x11800] =	vst v63  }
0x76: {  	_ = 	snop  }
0x77: {  	[hbm4b:s7+s2] =	stream.indirect_vreg.scatter [tilespmem:s23], [sflag:$0x2], $0x80, v3, vm0, $0xb8;
	[tilespmem:$0x11800] =	vst v63  }
0x78: {  	s0 =	sadd.s32 $0x2000, s0  }
0x79: {  	[hbm4b:s8+s2] =	stream.indirect_vreg.scatter [tilespmem:s24], [sflag:$0x2], $0x80, v3, vm0, $0xb8;
	[tilespmem:$0x11800] =	vst v63  }
0x7a: {  	p0 =	sne.s32 s0, $0x30000  }
0x7b: {  	[hbm4b:s9+s2] =	stream.indirect_vreg.scatter [tilespmem:s25], [sflag:$0x2], $0x80, v3, vm0, $0xb8;
	[tilespmem:$0x11800] =	vst v63  }
.Ltmp0:
0x7c: {  	_ = 	snop;
	(pc) =	sbr.rel @p0 .LBB2_2-.Ltmp0, $4  }
0x7d: {  	_ = 	snop  }
0x7e: {  	[hbm4b:s10+s2] =	stream.indirect_vreg.scatter [tilespmem:s26], [sflag:$0x2], $0x80, v3, vm0, $0xb8;
	[tilespmem:$0x11800] =	vst v63  }
0x7f: {  	s1 =	sadd.s32 $0x100, s1  }
0x80: {  	[hbm4b:s11+s2] =	stream.indirect_vreg.scatter [tilespmem:s28], [sflag:$0x2], $0x80, v3, vm0, $0xb8;
	[tilespmem:$0x11800] =	vst v63  }
0x81: {  	_ =	swait.ge [sflag:s29], $0x8000  }
0x82: {  	[sflag:s29] =	ssyncset.done $0x0  }
0x83: {  	[sflag:s29] =	ssyncadd.s32 $0xFFFF8000  }
0x84: {  	_ =	swait.ge [sflag:s30], $0x8000  }
0x85: {  	s31 =	sadd.s32 $0x1, s31;
	s0 =	rddreg [dreg:$0x17]  }
0x86: {  	p0 =	sne.s32 s31, s0  }
.Ltmp1:
0x87: {  	_ = 	snop;
	(pc) =	sbr.rel @p0 .LBB2_1-.Ltmp1, $3  }
0x88: {  	_ =	sdelay $0x1  }
0x89: {  	[sflag:s30] =	ssyncset.done $0x0  }
0x8a: {  	[sflag:s30] =	ssyncadd.s32 $0xFFFF8000  }
0x8b: {  	_ =	sfence.sel $0x180000  }
0x8c: {  	[bflag:$0x0] =	sbarrier.arrive $0xFFFF  }
0x8d: {  	_ =	strace $0x90000047  }
0x8e: {  	s0 =	stileid.u32;
	[bflag:$0x2] =	sbarrier.arrive $0xFFFF  }
0x8f: {  	p0 =	sne.s32 s0, $0x0;
	s0 =	rddreg [dreg:$0x1]  }
0x90: {  	s0 =	sadd.s32 @!p0 $0x100000, s0  }
0x91: {  	[sflag:s0] =	ssyncadd.tile.s32 @!p0 $0x1;
	_ =	shalt  }
.Lfunc_end2:
_tile_overlayer_lowered:
.L_overlay_start_2:
0x92: {  	(tag) =	ssettag $0x2  }
0x93: {  	s0 =	rddreg [dreg:$0x0];
	s2 =	stileid.u32  }
0x94: {  	s1 =	rddreg [dreg:$0x1];
	p0 =	sne.s32 s2, $0x0  }
0x95: {  	s3 =	rddreg [dreg:$0x2];
	[bflag:$0x3] =	sbarrier.arrive $0xFFFF;
	s2 =	simm.s32 @!p0 $0x1C03  }
0x96: {  	[timem:s3], [sflag:s2] =	dma.local @!p0 [hbm:s0], s1  }
0x97: {  	s0 =	simm.s32 @!p0 $0x3  }
0x98: {  	_ =	swait.ge @!p0 [sflag:s0], s1  }
0x99: {  	s1 =	ssub.s32 @!p0 $0x0, s1;
	[sflag:s0] =	ssyncset.done @!p0 $0x0  }
0x9a: {  	[sflag:s0] =	ssyncadd.s32 @!p0 s1  }
0x9b: {  	[bflag:$0x3] =	sbarrier.arrive $0xFFFF  }
0x9c: {  	_ =	shalt  }

// kernel: kernel.17.cloned.1.call-start
scs
__scs_entry_jumppad:
0x0: {  	(pc) =	sbr.rel $0x88, $3  }
0x1: {  	(tag) =	ssettag $0x0;
	lr =	simm.s32 $0x1  }
0x2: {  	[smem:$0x3F8D] =	sst lr;
	_ =	strace $0xD0000000  }
0x3: {  	_ = 	snop  }
0x4: {  	_ = 	snop  }
0x5: {  	_ = 	snop  }
0x6: {  	_ = 	snop  }
0x7: {  	_ = 	snop  }
__scs_overlays_trampoline_lowered:
0x8: {  	[smem:$0x3F9C] =	sst s0  }
0x9: {  	[smem:$0x3F9D] =	sst s1  }
0xa: {  	[smem:$0x3F9E] =	sst s2  }
0xb: {  	[smem:$0x3F9F] =	sst s3  }
0xc: {  	[smem:$0x3FA0] =	sst s4  }
0xd: {  	[smem:$0x3FA1] =	sst s5  }
0xe: {  	[smem:$0x3FA2] =	sst s6  }
0xf: {  	[smem:$0x3FA3] =	sst s7  }
0x10: {  	[smem:$0x3FA4] =	sst s8  }
0x11: {  	[smem:$0x3FA5] =	sst s9;
	s0 =	simm.s32 @!p0 $0x0  }
0x12: {  	s1 =	sld [smem:$0x3F8B];
	s0 =	simm.s32 @p0 $0x1  }
0x13: {  	[smem:$0x3FA6] =	sst s0;
	s0 =	simm.s32 @!p1 $0x0  }
0x14: {  	s2 =	sld [smem:$0x3F8A];
	s0 =	simm.s32 @p1 $0x1  }
0x15: {  	[smem:$0x3FA7] =	sst s0;
	s0 =	simm.s32 @!p2 $0x0  }
0x16: {  	s3 =	sld [smem:$0x3FDB];
	s0 =	simm.s32 @p2 $0x1  }
0x17: {  	s4 =	simm.s32 $0x1BF5;
	[smem:$0x3FA9] =	sst s0  }
0x18: {  	s0 =	sld [smem:$0x3F8C];
	_ =	swait.ge [sflag:s4], $0x0  }
0x19: {  	s7 =	sld [smem:$0x3F8D]  }
0x1a: {  	s8 =	sadd.s32 $0xFFFFE003, lr  }
0x1b: {  	s9 =	sadd.s32 $0xFFFFFEF7, lr;
	s5 =	simm.s32 $0xFFFFFFFF;
	p2 =	slt.u32 s8, $0xFFFFF086  }
0x1c: {  	p1 =	slt.u32 s9, $0xF7A;
	s5 =	simm.s32 @!p2 $0x0  }
0x1d: {  	s5 =	simm.s32 @p1 $0x1;
	p0 =	seq.s32 s7, s2  }
0x1e: {  	s7 =	smul.u32 @!p0 $0xF7A, s2;
	p2 =	seq.s32 @!p0 s5, $0x0  }
0x1f: {  	s9 =	smul.u32 $0xF7A, s1;
	s8 =	simm.s32 @!p0 $0x1BF5;
	p2 =	por !p2, p0  }
0x20: {  	[sflag:s8] =	ssyncset.s32 @!p0 $0xFFFFF086;
	s6 =	sadd.s32 @!p0 s3, s7;
	s7 =	simm.s32 @!p0 $0x108  }
0x21: {  	s3 =	sadd.s32 s3, s9;
	s6 =	sadd.s32 @!p0 $0x88, s6;
	s7 =	simm.s32 @p2 $0x1082  }
0x22: {  	[simem:s7], [sflag:s8] =	dma.local @!p0 [hbm:s6], $0xF7A  }
0x23: {  	s9 =	sor.u32 $0xD0000000, s2;
	s6 =	simm.s32 $0x108;
	_ =	swait.ge @!p0 [sflag:s8], $0x0  }
0x24: {  	s3 =	sadd.s32 $0x88, s3;
	s6 =	simm.s32 @!p1 $0x1082;
	[sflag:s4] =	ssyncset.s32 $0xFFFFF086  }
0x25: {  	[simem:s6], [sflag:s4] =	dma.local [hbm:s3], $0xF7A  }
0x26: {  	[smem:$0x3F8D] =	sst s1;
	(tag) =	ssettag s2;
	_ =	strace s9  }
0x27: {  	s1 =	sld [smem:$0x3F9D]  }
0x28: {  	s2 =	sld [smem:$0x3F9E]  }
0x29: {  	s4 =	sld [smem:$0x3FA0]  }
0x2a: {  	p0 =	seq.s32 s5, $0x0;
	s5 =	sld [smem:$0x3FA1]  }
0x2b: {  	s6 =	sld [smem:$0x3FA2]  }
0x2c: {  	s7 =	sld [smem:$0x3FA3]  }
0x2d: {  	s3 =	simm.s32 $0x108;
	s8 =	sld [smem:$0x3FA4]  }
0x2e: {  	s3 =	simm.s32 @!p0 $0x1082;
	s9 =	sld [smem:$0x3FA5]  }
0x2f: {  	lr =	sadd.s32 s0, s3;
	s0 =	sld [smem:$0x3F9C]  }
0x30: {  	s3 =	sld [smem:$0x3F9F]  }
0x31: {  	[smem:$0x3FA8] =	sst s10  }
0x32: {  	s10 =	sld [smem:$0x3FA6];
	_ =	sdelay $0x3  }
0x33: {  	p0 =	seq.s32 s10, $0x1;
	s10 =	sld [smem:$0x3FA8];
	_ =	sdelay $0x3  }
0x34: {  	[smem:$0x3FA8] =	sst s10  }
0x35: {  	s10 =	sld [smem:$0x3FA7];
	_ =	sdelay $0x3  }
0x36: {  	p1 =	seq.s32 s10, $0x1;
	s10 =	sld [smem:$0x3FA8];
	_ =	sdelay $0x3  }
0x37: {  	[smem:$0x3FA8] =	sst s10  }
0x38: {  	s10 =	sld [smem:$0x3FA9]  }
0x39: {  	_ = 	snop;
	(pc) =	sbr.ind lr, $3  }
0x3a: {  	_ = 	snop  }
0x3b: {  	_ = 	snop  }
0x3c: {  	p2 =	seq.s32 s10, $0x1;
	s10 =	sld [smem:$0x3FA8]  }
0x3d: {  	_ =	shalt  }
0x3e: {  	_ =	shalt  }
0x3f: {  	_ =	shalt  }
0x40: {  	_ =	shalt  }
0x41: {  	_ =	shalt  }
0x42: {  	_ =	shalt  }
0x43: {  	_ =	shalt  }
0x44: {  	_ =	shalt  }
0x45: {  	_ =	shalt  }
0x46: {  	_ =	shalt  }
0x47: {  	_ =	shalt  }
0x48: {  	_ =	shalt  }
0x49: {  	_ =	shalt  }
0x4a: {  	_ =	shalt  }
0x4b: {  	_ =	shalt  }
0x4c: {  	_ =	shalt  }
0x4d: {  	_ =	shalt  }
0x4e: {  	_ =	shalt  }
0x4f: {  	_ =	shalt  }
0x50: {  	_ =	shalt  }
0x51: {  	_ =	shalt  }
0x52: {  	_ =	shalt  }
0x53: {  	_ =	shalt  }
0x54: {  	_ =	shalt  }
0x55: {  	_ =	shalt  }
0x56: {  	_ =	shalt  }
0x57: {  	_ =	shalt  }
0x58: {  	_ =	shalt  }
0x59: {  	_ =	shalt  }
0x5a: {  	_ =	shalt  }
0x5b: {  	_ =	shalt  }
0x5c: {  	_ =	shalt  }
0x5d: {  	_ =	shalt  }
0x5e: {  	_ =	shalt  }
0x5f: {  	_ =	shalt  }
0x60: {  	_ =	shalt  }
0x61: {  	_ =	shalt  }
0x62: {  	_ =	shalt  }
0x63: {  	_ =	shalt  }
0x64: {  	_ =	shalt  }
0x65: {  	_ =	shalt  }
0x66: {  	_ =	shalt  }
0x67: {  	_ =	shalt  }
0x68: {  	_ =	shalt  }
0x69: {  	_ =	shalt  }
0x6a: {  	_ =	shalt  }
0x6b: {  	_ =	shalt  }
0x6c: {  	_ =	shalt  }
0x6d: {  	_ =	shalt  }
0x6e: {  	_ =	shalt  }
0x6f: {  	_ =	shalt  }
0x70: {  	_ =	shalt  }
0x71: {  	_ =	shalt  }
0x72: {  	_ =	shalt  }
0x73: {  	_ =	shalt  }
0x74: {  	_ =	shalt  }
0x75: {  	_ =	shalt  }
0x76: {  	_ =	shalt  }
0x77: {  	_ =	shalt  }
0x78: {  	_ =	shalt  }
0x79: {  	_ =	shalt  }
0x7a: {  	_ =	shalt  }
0x7b: {  	_ =	shalt  }
0x7c: {  	_ =	shalt  }
0x7d: {  	_ =	shalt  }
0x7e: {  	_ =	shalt  }
0x7f: {  	_ =	shalt  }
0x80: {  	_ =	shalt  }
0x81: {  	_ =	shalt  }
0x82: {  	_ =	shalt  }
0x83: {  	_ =	shalt  }
0x84: {  	_ =	shalt  }
0x85: {  	_ =	shalt  }
0x86: {  	_ =	shalt  }
0x87: {  	_ =	shalt  }
.Lfunc_end0:
.L_simem_size_0:
called_computation.1_lowered:
.L_overlay_start_0:
0x88: {  	s2 =	sld [smem:$0x3FD9]  }
0x89: {  	s3 =	sld [smem:$0x3FFE];
	_ =	sdelay $0x1  }
0x8a: {  	s1 =	srdreg.scid  }
0x8b: {  	s0 =	sand.u32 $0x1, s1  }
0x8c: {  	s17 =	sshll.u32 s0, $0xA;
	s2 =	sadd.s32 s3, s2  }
0x8d: {  	s2 =	sadd.s32 s2, s17  }
0x8e: {  	[smem:$0x3FB4] =	sst s2  }
0x8f: {  	_ = 	snop  }
0x90: {  	s18 =	sld [smem:$0x3FD0];
	(tm) =	ssettm $0x1  }
0x91: {  	s19 =	sld [smem:$0x3FFB];
	_ =	sdelay $0x3  }
0x92: {  	_ =	strace s19  }
0x93: {  	s2 =	sld [smem:$0x3FFC];
	_ =	sdelay $0x3  }
0x94: {  	_ =	strace s2  }
0x95: {  	s2 =	sld [smem:$0x3FFD];
	_ =	sdelay $0x3  }
0x96: {  	_ =	strace s2  }
0x97: {  	_ =	strace $0x8FFFFFFF  }
0x98: {  	s20 =	sld [smem:$0x3FDB];
	_ =	sdelay $0x1  }
0x99: {  	s4 =	simm.s32 $_scs_section_size  }
0x9a: {  	s5 =	simm.s32 $_size__tile_overlayer_lowered;
	s6 =	simm.s32 $_tile_overlayer_lowered  }
0x9b: {  	s7 =	simm.s32 $0x1BFF;
	s21 =	sshll.u32 s6, $0x1;
	s4 =	sadd.s32 s4, s20  }
0x9c: {  	s22 =	simm.s32 $0x0;
	s5 =	sshll.u32 s5, $0x1;
	s6 =	sadd.s32 s21, s4  }
0x9d: {  	[timem:s22], [sflag:s7] =	dma.local [hbm:s6], s5  }
0x9e: {  	_ =	swait.ge [sflag:s7], s5  }
0x9f: {  	s5 =	ssub.s32 $0x0, s5;
	[sflag:s7] =	ssyncset.done $0x0  }
0xa0: {  	[sflag:s7] =	ssyncadd.s32 s5;
	_ =	sdelay $0x1  }
0xa1: {  	s23 =	simm.s32 $0x1B8B  }
0xa2: {  	_ =	swait.ge [sflag:s23], $0x1  }
0xa3: {  	[sflag:s23] =	ssyncset.done $0x0  }
0xa4: {  	[sflag:s23] =	ssyncadd.s32 $0xFFFFFFFF  }
0xa5: {  	s5 =	sld [smem:$0x0]  }
0xa6: {  	s6 =	sand.u32 $0xFFFFFFFE, s1  }
0xa7: {  	p0 =	sne.s32 s1, s6  }
0xa8: {  	s6 =	sshll.u32 @p0 s6, $0xE  }
0xa9: {  	s6 =	sadd.s32 @p0 $0x11B8D, s6;
	s7 =	sshll.u32 @p0 s5, $0x11  }
0xaa: {  	s6 =	sor.u32 @p0 s7, s6  }
0xab: {  	[sflag:s6] =	ssyncadd.remote.s32 @p0 $0x1;
	_ =	sdelay $0x1  }
0xac: {  	s6 =	simm.s32 @p0 $0x1B8D  }
0xad: {  	_ =	swait.eq @p0 [sflag:s6], $0x1  }
0xae: {  	[sflag:s6] =	ssyncadd.s32 @p0 $0xFFFFFFFF  }
0xaf: {  	s7 =	sshll.u32 @!p0 s1, $0xE  }
0xb0: {  	s7 =	sor.u32 @!p0 $0x4000, s7;
	s6 =	simm.s32 @!p0 $0x1B8D  }
0xb1: {  	s5 =	sshll.u32 @!p0 s5, $0x11;
	s7 =	sadd.s32 @!p0 $0x11B8D, s7;
	_ =	swait.eq @!p0 [sflag:s6], $0x1  }
0xb2: {  	s5 =	sor.u32 @!p0 s5, s7;
	[sflag:s6] =	ssyncadd.s32 @!p0 $0xFFFFFFFF  }
0xb3: {  	s25 =	simm.s32 $0x1B8E;
	s24 =	sld [smem:$0x3FFE];
	[sflag:s5] =	ssyncadd.remote.s32 @!p0 $0x1  }
0xb4: {  	s26 =	simm.s32 $execute0_lowered;
	[smem:$0x3FD2] =	sst s25  }
0xb5: {  	s6 =	sshll.u32 s26, $0x1;
	_ =	strace $0x8000004F;
	[dreg:$0x1] =	wrdreg $0xFFFFFFFF  }
0xb6: {  	s28 =	simm.s32 $_size_execute0_lowered;
	s4 =	sadd.s32 s4, s6;
	[dreg:$0x0] =	wrdreg $0x0  }
0xb7: {  	s6 =	sshll.u32 s28, $0x1;
	[dreg:$0x2] =	wrdreg s4  }
0xb8: {  	[dreg:$0x3] =	wrdreg s6  }
0xb9: {  	[dreg:$0x4] =	wrdreg $0xC0  }
0xba: {  	_ =	task [dreg:s22], $0x5FFFF  }
0xbb: {  	[dreg:$0x1] =	wrdreg $0xFFFFFFFF  }
0xbc: {  	[dreg:$0x0] =	wrdreg $0x60  }
0xbd: {  	[dreg:$0x2] =	wrdreg s18  }
0xbe: {  	[dreg:$0x3] =	wrdreg s24  }
0xbf: {  	[dreg:$0x4] =	wrdreg $0x9  }
0xc0: {  	_ =	task.clear_ibuf [dreg:s22], $0x5FFFF;
	_ =	strace $0x9000004F  }
0xc1: {  	s29 =	simm.s32 $0x9;
	_ =	strace $0x80000051  }
0xc2: {  	_ =	swait.ge [sflag:s29], $0x1  }
0xc3: {  	[sflag:s29] =	ssyncadd.s32 $0xFFFFFFFF  }
0xc4: {  	_ =	strace $0x90000051  }
0xc5: {  	_ =	sfence  }
0xc6: {  	s30 =	sld [smem:$0x0];
	_ =	sdelay $0x2  }
0xc7: {  	s31 =	sshll.u32 s1, $0xD;
	s1 =	sshrl.u32 s1, $0x2  }
0xc8: {  	s4 =	sand.u32 $0x4000, s31;
	s1 =	sadd.s32 s1, s30  }
0xc9: {  	s0 =	sor.u32 s4, s0;
	s1 =	sshll.u32 s1, $0x11  }
0xca: {  	s0 =	sor.u32 s1, s0  }
0xcb: {  	s0 =	sadd.s32 $0x8F2B, s0  }
0xcc: {  	[sflag:s0] =	ssyncadd.remote.s32 $0x1  }
0xcd: {  	_ =	sfence.sel $0xFFFF  }
0xce: {  	[dreg:$0x0] =	wrdreg $0xFFFFFFFF;
	(pc) =	sbr.abs _section_cstart, $3  }
0xcf: {  	[dreg:$0x1] =	wrdreg $0xFFFFFFFF  }
0xd0: {  	_ =	task.clear_ibuf [dreg:s22], $0x2FFFF;
	_ =	strace $0x9FFFFFFF  }
0xd1: {  	(tm) =	ssettm $0x7FFFFFFF  }
tec
execute0_lowered:
.L_overlay_start_1:
0x0: {  	(tag) =	ssettag $0x1  }
0x1: {  	s1 =	rddreg [dreg:$0x0]  }
0x2: {  	s0 =	rddreg [dreg:$0x1];
	s2 =	srdreg.scid  }
0x3: {  	s3 =	simm.s32 $0x0;
	s6 =	stileid.u32;
	s11 =	simm.s32 $0x9000  }
0x4: {  	s13 =	simm.s32 $0x9800;
	s14 =	simm.s32 $0xA000;
	s15 =	simm.s32 $0xA800  }
0x5: {  	s16 =	simm.s32 $0xB000;
	s17 =	simm.s32 $0xB800;
	[smem:$0x7FF] =	sst s3  }
0x6: {  	s18 =	simm.s32 $0xC000;
	_ =	strace $0x80000050;
	[dreg:$0x4] =	wrdreg s11  }
0x7: {  	s19 =	simm.s32 $0xC800;
	s20 =	simm.s32 $0xD000;
	[dreg:$0x5] =	wrdreg s13  }
0x8: {  	s21 =	simm.s32 $0xD800;
	s22 =	simm.s32 $0xE000;
	[dreg:$0x6] =	wrdreg s14  }
0x9: {  	s23 =	simm.s32 $0xE800;
	s24 =	simm.s32 $0xF000;
	[dreg:$0x7] =	wrdreg s15  }
0xa: {  	s25 =	simm.s32 $0xF800;
	s26 =	simm.s32 $0x10000;
	[dreg:$0x8] =	wrdreg s16  }
0xb: {  	s28 =	simm.s32 $0x7000;
	s29 =	simm.s32 $0x7800;
	[dreg:$0x9] =	wrdreg s17  }
0xc: {  	s30 =	simm.s32 $0x8000;
	s31 =	simm.s32 $0x8800;
	[dreg:$0xa] =	wrdreg s18  }
0xd: {  	s2 =	sand.u32 $0x1, s2;
	s4 =	sshll.u32 s6, $0x9;
	[dreg:$0xb] =	wrdreg s19  }
0xe: {  	s6 =	sshll.u32 s6, $0x11;
	s8 =	sadd.s32 $0x400, s1;
	[dreg:$0xc] =	wrdreg s20  }
0xf: {  	s9 =	sadd.s32 $0x500, s1;
	s5 =	sshll.u32 s2, $0x8;
	[dreg:$0xd] =	wrdreg s21  }
0x10: {  	s10 =	ssub.s32 $0x2, s2;
	s2 =	sshll.u32 s2, $0x10;
	[dreg:$0xe] =	wrdreg s22  }
0x11: {  	s11 =	sadd.s32 $0x700, s1;
	s13 =	simm.s32 $0x3;
	[dreg:$0xf] =	wrdreg s23  }
0x12: {  	s14 =	simm.s32 $0x800;
	s21 =	simm.s32 $0x4000;
	[dreg:$0x10] =	wrdreg s24  }
0x13: {  	s22 =	simm.s32 $0x4800;
	[dreg:$0x11] =	wrdreg s25;
	s23 =	simm.s32 $0x5000  }
0x14: {  	s24 =	simm.s32 $0x5800;
	[dreg:$0x12] =	wrdreg s26;
	s25 =	simm.s32 $0x6000  }
0x15: {  	s26 =	simm.s32 $0x6800;
	s15 =	simm.s32 $0x0;
	s4 =	sor.u32 s5, s4  }
0x16: {  	s7 =	sshrl.u32 s10, $0x1;
	s5 =	sadd.s32 $0x100, s1;
	s4 =	sadd.s32 s4, s0  }
0x17: {  	s0 =	sadd.s32 s6, s0;
	s12 =	ssub.s32 s10, s7;
	s6 =	sadd.s32 $0x200, s1  }
0x18: {  	v2 =	vlaneseq.u32;
	s7 =	sadd.s32 $0x300, s1;
	s10 =	sadd.s32 $0x600, s1;
	s0 =	sadd.s32 s2, s0  }
0x19: {  	vm0 =	vmmov $0xffff;
	v1 =	vshrl.u32 v2, $0x3;
	s4 =	sadd.s32 $0x178600, s4;
	s12 =	smax.u32 s12, $0x1;
	s0 =	sadd.s32 $0x82C600, s0  }
0x1a: {  	v0 =	vand.u32 $0x7, v2;
	v2 =	vor.u32 $0x8, v2;
	v1 =	vmul.u32 $0x8, v1;
	s2 =	simm.s32 $0x2;
	[dreg:$0x3] =	wrdreg s0;
	s0 =	simm.s32 $0x1  }
.LBB2_1:
0x1b: {  	[tilespmem:s3], [sflag:$0x3] =	stream.linear.gather [hbm4b:s4+s3], $0x800, $0x38;
	[tilespmem:$0x10800] =	vst v63  }
0x1c: {  	_ =	swait.ge [sflag:s13], $0x800  }
0x1d: {  	[sflag:s13] =	ssyncset.done $0x0  }
0x1e: {  	[sflag:s13] =	ssyncadd.s32 $0xFFFFF800  }
0x1f: {  	v3 =	vld [tilespmem:$0x0];
	_ =	sdelay $0x4  }
0x20: {  	v4 =	vshll.u32 v3, $0x4  }
0x21: {  	v3 =	vand.u32 $0x7, v3;
	v4 =	vand.u32 $0xFFFFFF80, v4  }
0x22: {  	v3 =	vor.u32 v3, v4  }
0x23: {  	v4 =	vperm.xlane v3, v0;
	_ =	sdelay $0x1  }
0x24: {  	v4 =	vadd.s32 v1, v4;
	_ =	sdelay $0x4  }
0x25: {  	[tilespmem:s14], [sflag:$0x1] =	stream.indirect_vreg.gather [hbm4b:s1+s3], $0x80, v4, vm0, $0xb8;
	[tilespmem:$0x10800] =	vst v63  }
0x26: {  	s16 =	simm.s32 $0x1000  }
0x27: {  	[tilespmem:s16], [sflag:$0x1] =	stream.indirect_vreg.gather [hbm4b:s5+s3], $0x80, v4, vm0, $0xb8;
	[tilespmem:$0x10800] =	vst v63  }
0x28: {  	s20 =	simm.s32 $0x1800  }
0x29: {  	[tilespmem:s20], [sflag:$0x1] =	stream.indirect_vreg.gather [hbm4b:s6+s3], $0x80, v4, vm0, $0xb8;
	[tilespmem:$0x10800] =	vst v63  }
0x2a: {  	s17 =	simm.s32 $0x2000  }
0x2b: {  	[tilespmem:s17], [sflag:$0x1] =	stream.indirect_vreg.gather [hbm4b:s7+s3], $0x80, v4, vm0, $0xb8;
	[tilespmem:$0x10800] =	vst v63  }
0x2c: {  	s18 =	simm.s32 $0x2800  }
0x2d: {  	[tilespmem:s18], [sflag:$0x1] =	stream.indirect_vreg.gather [hbm4b:s8+s3], $0x80, v4, vm0, $0xb8;
	[tilespmem:$0x10800] =	vst v63  }
0x2e: {  	s19 =	simm.s32 $0x3000;
	v3 =	vperm.xlane v3, v2  }
0x2f: {  	[tilespmem:s19], [sflag:$0x1] =	stream.indirect_vreg.gather [hbm4b:s9+s3], $0x80, v4, vm0, $0xb8;
	[tilespmem:$0x10800] =	vst v63  }
0x30: {  	v3 =	vadd.s32 v1, v3;
	s20 =	simm.s32 $0x3800  }
0x31: {  	[tilespmem:s20], [sflag:$0x1] =	stream.indirect_vreg.gather [hbm4b:s10+s3], $0x80, v4, vm0, $0xb8;
	[tilespmem:$0x10800] =	vst v63  }
0x32: {  	_ = 	snop  }
0x33: {  	[tilespmem:s21], [sflag:$0x1] =	stream.indirect_vreg.gather [hbm4b:s11+s3], $0x80, v4, vm0, $0xb8;
	[tilespmem:$0x10800] =	vst v63  }
0x34: {  	_ = 	snop  }
0x35: {  	[tilespmem:s22], [sflag:$0x1] =	stream.indirect_vreg.gather [hbm4b:s1+s3], $0x80, v3, vm0, $0xb8;
	[tilespmem:$0x10800] =	vst v63  }
0x36: {  	_ = 	snop  }
0x37: {  	[tilespmem:s23], [sflag:$0x1] =	stream.indirect_vreg.gather [hbm4b:s5+s3], $0x80, v3, vm0, $0xb8;
	[tilespmem:$0x10800] =	vst v63  }
0x38: {  	_ = 	snop  }
0x39: {  	[tilespmem:s24], [sflag:$0x1] =	stream.indirect_vreg.gather [hbm4b:s6+s3], $0x80, v3, vm0, $0xb8;
	[tilespmem:$0x10800] =	vst v63  }
0x3a: {  	_ = 	snop  }
0x3b: {  	[tilespmem:s25], [sflag:$0x1] =	stream.indirect_vreg.gather [hbm4b:s7+s3], $0x80, v3, vm0, $0xb8;
	[tilespmem:$0x10800] =	vst v63  }
0x3c: {  	_ = 	snop  }
0x3d: {  	[tilespmem:s26], [sflag:$0x1] =	stream.indirect_vreg.gather [hbm4b:s8+s3], $0x80, v3, vm0, $0xb8;
	[tilespmem:$0x10800] =	vst v63  }
0x3e: {  	_ = 	snop  }
0x3f: {  	[tilespmem:s28], [sflag:$0x1] =	stream.indirect_vreg.gather [hbm4b:s9+s3], $0x80, v3, vm0, $0xb8;
	[tilespmem:$0x10800] =	vst v63  }
0x40: {  	_ = 	snop  }
0x41: {  	[tilespmem:s29], [sflag:$0x1] =	stream.indirect_vreg.gather [hbm4b:s10+s3], $0x80, v3, vm0, $0xb8;
	[tilespmem:$0x10800] =	vst v63  }
0x42: {  	s16 =	simm.s32 $0x100;
	s17 =	simm.s32 $0x0  }
0x43: {  	[tilespmem:s30], [sflag:$0x1] =	stream.indirect_vreg.gather [hbm4b:s11+s3], $0x80, v3, vm0, $0xb8;
	[tilespmem:$0x10800] =	vst v63  }
.LBB2_2:
0x44: {  	v3 =	vld [tilespmem:s16+$0xFFFFFF80];
	_ =	sdelay $0x4  }
0x45: {  	v4 =	vshll.u32 v3, $0x4  }
0x46: {  	v3 =	vand.u32 $0x7, v3;
	v4 =	vand.u32 $0xFFFFFF80, v4  }
0x47: {  	v3 =	vor.u32 v3, v4  }
0x48: {  	v4 =	vperm.xlane v3, v0;
	_ =	sdelay $0x1  }
0x49: {  	v4 =	vadd.s32 v1, v4;
	_ =	sdelay $0x4  }
0x4a: {  	[tilespmem:s31], [sflag:$0x2] =	stream.indirect_vreg.gather [hbm4b:s1+s3], $0x80, v4, vm0, $0xb8;
	[tilespmem:$0x10800] =	vst v63  }
0x4b: {  	s18 =	rddreg [dreg:$0x4]  }
0x4c: {  	[tilespmem:s18], [sflag:$0x2] =	stream.indirect_vreg.gather [hbm4b:s5+s3], $0x80, v4, vm0, $0xb8;
	[tilespmem:$0x10800] =	vst v63  }
0x4d: {  	s19 =	rddreg [dreg:$0x5]  }
0x4e: {  	[tilespmem:s19], [sflag:$0x2] =	stream.indirect_vreg.gather [hbm4b:s6+s3], $0x80, v4, vm0, $0xb8;
	[tilespmem:$0x10800] =	vst v63  }
0x4f: {  	s20 =	rddreg [dreg:$0x6]  }
0x50: {  	[tilespmem:s20], [sflag:$0x2] =	stream.indirect_vreg.gather [hbm4b:s7+s3], $0x80, v4, vm0, $0xb8;
	[tilespmem:$0x10800] =	vst v63  }
0x51: {  	s19 =	rddreg [dreg:$0x7]  }
0x52: {  	[tilespmem:s19], [sflag:$0x2] =	stream.indirect_vreg.gather [hbm4b:s8+s3], $0x80, v4, vm0, $0xb8;
	[tilespmem:$0x10800] =	vst v63  }
0x53: {  	v3 =	vperm.xlane v3, v2;
	s20 =	rddreg [dreg:$0x8]  }
0x54: {  	[tilespmem:s20], [sflag:$0x2] =	stream.indirect_vreg.gather [hbm4b:s9+s3], $0x80, v4, vm0, $0xb8;
	[tilespmem:$0x10800] =	vst v63  }
0x55: {  	v3 =	vadd.s32 v1, v3;
	s19 =	rddreg [dreg:$0x9]  }
0x56: {  	[tilespmem:s19], [sflag:$0x2] =	stream.indirect_vreg.gather [hbm4b:s10+s3], $0x80, v4, vm0, $0xb8;
	[tilespmem:$0x10800] =	vst v63  }
0x57: {  	s20 =	rddreg [dreg:$0xa]  }
0x58: {  	[tilespmem:s20], [sflag:$0x2] =	stream.indirect_vreg.gather [hbm4b:s11+s3], $0x80, v4, vm0, $0xb8;
	[tilespmem:$0x10800] =	vst v63  }
0x59: {  	s19 =	rddreg [dreg:$0xb]  }
0x5a: {  	[tilespmem:s19], [sflag:$0x2] =	stream.indirect_vreg.gather [hbm4b:s1+s3], $0x80, v3, vm0, $0xb8;
	[tilespmem:$0x10800] =	vst v63  }
0x5b: {  	s20 =	rddreg [dreg:$0xc]  }
0x5c: {  	[tilespmem:s20], [sflag:$0x2] =	stream.indirect_vreg.gather [hbm4b:s5+s3], $0x80, v3, vm0, $0xb8;
	[tilespmem:$0x10800] =	vst v63  }
0x5d: {  	s19 =	rddreg [dreg:$0xd]  }
0x5e: {  	[tilespmem:s19], [sflag:$0x2] =	stream.indirect_vreg.gather [hbm4b:s6+s3], $0x80, v3, vm0, $0xb8;
	[tilespmem:$0x10800] =	vst v63  }
0x5f: {  	s20 =	rddreg [dreg:$0xe]  }
0x60: {  	[tilespmem:s20], [sflag:$0x2] =	stream.indirect_vreg.gather [hbm4b:s7+s3], $0x80, v3, vm0, $0xb8;
	[tilespmem:$0x10800] =	vst v63  }
0x61: {  	s19 =	rddreg [dreg:$0xf]  }
0x62: {  	[tilespmem:s19], [sflag:$0x2] =	stream.indirect_vreg.gather [hbm4b:s8+s3], $0x80, v3, vm0, $0xb8;
	[tilespmem:$0x10800] =	vst v63  }
0x63: {  	s20 =	rddreg [dreg:$0x10]  }
0x64: {  	[tilespmem:s20], [sflag:$0x2] =	stream.indirect_vreg.gather [hbm4b:s9+s3], $0x80, v3, vm0, $0xb8;
	[tilespmem:$0x10800] =	vst v63  }
0x65: {  	s19 =	rddreg [dreg:$0x11]  }
0x66: {  	[tilespmem:s19], [sflag:$0x2] =	stream.indirect_vreg.gather [hbm4b:s10+s3], $0x80, v3, vm0, $0xb8;
	[tilespmem:$0x10800] =	vst v63  }
0x67: {  	s20 =	rddreg [dreg:$0x12]  }
0x68: {  	[tilespmem:s20], [sflag:$0x2] =	stream.indirect_vreg.gather [hbm4b:s11+s3], $0x80, v3, vm0, $0xb8;
	[tilespmem:$0x10800] =	vst v63  }
0x69: {  	_ =	swait.ge [sflag:s0], $0x8000  }
0x6a: {  	s20 =	rddreg [dreg:$0x3];
	[sflag:s0] =	ssyncset.done $0x0  }
0x6b: {  	[sflag:s0] =	ssyncadd.s32 $0xFFFF8000;
	s18 =	sadd.s32 s17, s20  }
0x6c: {  	[hbm4b:s18+s3] =	stream.linear.scatter [tilespmem:s14], [sflag:$0x3], $0x8000, $0x38;
	[tilespmem:$0x10800] =	vst v63  }
0x6d: {  	_ =	swait.ge [sflag:s13], $0x8000  }
0x6e: {  	[sflag:s13] =	ssyncset.done $0x0  }
0x6f: {  	p0 =	seq.s32 s17, $0xE000;
	[sflag:s13] =	ssyncadd.s32 $0xFFFF8000  }
0x70: {  	v3 =	vld @!p0 [tilespmem:s16+$0x0];
	_ =	sdelay $0x4  }
0x71: {  	v4 =	vshll.u32 @!p0 v3, $0x4  }
0x72: {  	v5 =	vlaneseq.u32 @!p0;
	v3 =	vand.u32 @!p0 $0x7, v3;
	v4 =	vand.u32 @!p0 $0xFFFFFF80, v4  }
0x73: {  	v6 =	vshrl.u32 @!p0 v5, $0x3;
	v3 =	vor.u32 @!p0 v3, v4;
	v4 =	vand.u32 @!p0 $0x7, v5  }
0x74: {  	v6 =	vmul.u32 @!p0 $0x8, v6;
	v4 =	vperm.xlane @!p0 v3, v4;
	_ =	sdelay $0x1  }
0x75: {  	v4 =	vadd.s32 @!p0 v6, v4;
	_ =	sdelay $0x3  }
0x76: {  	vm1 =	vmmov @!p0 $0xffff;
	s19 =	simm.s32 @!p0 $0x0;
	s20 =	simm.s32 @!p0 $0x800  }
0x77: {  	[tilespmem:s20], [sflag:$0x1] =	stream.indirect_vreg.gather @!p0 [hbm4b:s1+s19], $0x80, v4, vm1, $0xb8;
	[tilespmem:$0x10800] =	vst v63  }
0x78: {  	s20 =	simm.s32 @!p0 $0x1000  }
0x79: {  	[tilespmem:s20], [sflag:$0x1] =	stream.indirect_vreg.gather @!p0 [hbm4b:s5+s19], $0x80, v4, vm1, $0xb8;
	[tilespmem:$0x10800] =	vst v63  }
0x7a: {  	s20 =	simm.s32 @!p0 $0x1800  }
0x7b: {  	[tilespmem:s20], [sflag:$0x1] =	stream.indirect_vreg.gather @!p0 [hbm4b:s6+s19], $0x80, v4, vm1, $0xb8;
	[tilespmem:$0x10800] =	vst v63  }
0x7c: {  	s20 =	simm.s32 @!p0 $0x2000  }
0x7d: {  	[tilespmem:s20], [sflag:$0x1] =	stream.indirect_vreg.gather @!p0 [hbm4b:s7+s19], $0x80, v4, vm1, $0xb8;
	[tilespmem:$0x10800] =	vst v63  }
0x7e: {  	s20 =	simm.s32 @!p0 $0x2800  }
0x7f: {  	v5 =	vor.u32 @!p0 $0x8, v5;
	[tilespmem:s20], [sflag:$0x1] =	stream.indirect_vreg.gather @!p0 [hbm4b:s8+s19], $0x80, v4, vm1, $0xb8;
	[tilespmem:$0x10800] =	vst v63  }
0x80: {  	v3 =	vperm.xlane @!p0 v3, v5;
	s20 =	simm.s32 @!p0 $0x3000  }
0x81: {  	[tilespmem:s20], [sflag:$0x1] =	stream.indirect_vreg.gather @!p0 [hbm4b:s9+s19], $0x80, v4, vm1, $0xb8;
	[tilespmem:$0x10800] =	vst v63  }
0x82: {  	v3 =	vadd.s32 @!p0 v6, v3;
	s20 =	simm.s32 @!p0 $0x3800  }
0x83: {  	[tilespmem:s20], [sflag:$0x1] =	stream.indirect_vreg.gather @!p0 [hbm4b:s10+s19], $0x80, v4, vm1, $0xb8;
	[tilespmem:$0x10800] =	vst v63  }
0x84: {  	s20 =	simm.s32 @!p0 $0x4000  }
0x85: {  	[tilespmem:s20], [sflag:$0x1] =	stream.indirect_vreg.gather @!p0 [hbm4b:s11+s19], $0x80, v4, vm1, $0xb8;
	[tilespmem:$0x10800] =	vst v63  }
0x86: {  	s20 =	simm.s32 @!p0 $0x4800  }
0x87: {  	[tilespmem:s20], [sflag:$0x1] =	stream.indirect_vreg.gather @!p0 [hbm4b:s1+s19], $0x80, v3, vm1, $0xb8;
	[tilespmem:$0x10800] =	vst v63  }
0x88: {  	s20 =	simm.s32 @!p0 $0x5000  }
0x89: {  	[tilespmem:s20], [sflag:$0x1] =	stream.indirect_vreg.gather @!p0 [hbm4b:s5+s19], $0x80, v3, vm1, $0xb8;
	[tilespmem:$0x10800] =	vst v63  }
0x8a: {  	s20 =	simm.s32 @!p0 $0x5800  }
0x8b: {  	[tilespmem:s20], [sflag:$0x1] =	stream.indirect_vreg.gather @!p0 [hbm4b:s6+s19], $0x80, v3, vm1, $0xb8;
	[tilespmem:$0x10800] =	vst v63  }
0x8c: {  	s20 =	simm.s32 @!p0 $0x6000  }
0x8d: {  	[tilespmem:s20], [sflag:$0x1] =	stream.indirect_vreg.gather @!p0 [hbm4b:s7+s19], $0x80, v3, vm1, $0xb8;
	[tilespmem:$0x10800] =	vst v63  }
0x8e: {  	s20 =	simm.s32 @!p0 $0x6800  }
0x8f: {  	[tilespmem:s20], [sflag:$0x1] =	stream.indirect_vreg.gather @!p0 [hbm4b:s8+s19], $0x80, v3, vm1, $0xb8;
	[tilespmem:$0x10800] =	vst v63  }
0x90: {  	s20 =	simm.s32 @!p0 $0x7000  }
0x91: {  	[tilespmem:s20], [sflag:$0x1] =	stream.indirect_vreg.gather @!p0 [hbm4b:s9+s19], $0x80, v3, vm1, $0xb8;
	[tilespmem:$0x10800] =	vst v63  }
0x92: {  	s20 =	simm.s32 @!p0 $0x7800  }
0x93: {  	[tilespmem:s20], [sflag:$0x1] =	stream.indirect_vreg.gather @!p0 [hbm4b:s10+s19], $0x80, v3, vm1, $0xb8;
	[tilespmem:$0x10800] =	vst v63  }
0x94: {  	s20 =	simm.s32 @!p0 $0x8000  }
0x95: {  	[tilespmem:s20], [sflag:$0x1] =	stream.indirect_vreg.gather @!p0 [hbm4b:s11+s19], $0x80, v3, vm1, $0xb8;
	[tilespmem:$0x10800] =	vst v63  }
0x96: {  	s17 =	sadd.s32 $0x2000, s17;
	_ =	swait.ge [sflag:s2], $0x8000  }
0x97: {  	p0 =	sne.s32 s17, $0x10000;
	[sflag:s2] =	ssyncset.done $0x0  }
.Ltmp0:
0x98: {  	s18 =	sadd.s32 $0x1000, s18;
	[sflag:s2] =	ssyncadd.s32 $0xFFFF8000;
	(pc) =	sbr.rel @p0 .LBB2_2-.Ltmp0, $4  }
0x99: {  	[hbm4b:s18+s3] =	stream.linear.scatter [tilespmem:s31], [sflag:$0x3], $0x8000, $0x38;
	[tilespmem:$0x10800] =	vst v63  }
0x9a: {  	_ =	swait.ge [sflag:s13], $0x8000  }
0x9b: {  	[sflag:s13] =	ssyncset.done $0x0  }
0x9c: {  	s16 =	sadd.s32 $0x100, s16;
	[sflag:s13] =	ssyncadd.s32 $0xFFFF8000  }
0x9d: {  	s15 =	sadd.s32 $0x1, s15  }
0x9e: {  	p0 =	sne.s32 s15, s12  }
.Ltmp1:
0x9f: {  	_ = 	snop;
	(pc) =	sbr.rel @p0 .LBB2_1-.Ltmp1, $1  }
0xa0: {  	_ =	sdelay $0x3  }
0xa1: {  	_ =	sfence.sel $0x180000  }
0xa2: {  	[bflag:$0x0] =	sbarrier.arrive $0xFFFF  }
0xa3: {  	_ =	strace $0x90000050  }
0xa4: {  	s0 =	stileid.u32;
	[bflag:$0x2] =	sbarrier.arrive $0xFFFF  }
0xa5: {  	p0 =	sne.s32 s0, $0x0;
	s0 =	rddreg [dreg:$0x2]  }
0xa6: {  	s0 =	sadd.s32 @!p0 $0x100000, s0  }
0xa7: {  	[sflag:s0] =	ssyncadd.tile.s32 @!p0 $0x1;
	_ =	shalt  }
.Lfunc_end2:
_tile_overlayer_lowered:
.L_overlay_start_2:
0xa8: {  	(tag) =	ssettag $0x2  }
0xa9: {  	s0 =	rddreg [dreg:$0x0];
	s2 =	stileid.u32  }
0xaa: {  	s1 =	rddreg [dreg:$0x1];
	p0 =	sne.s32 s2, $0x0  }
0xab: {  	s3 =	rddreg [dreg:$0x2];
	[bflag:$0x3] =	sbarrier.arrive $0xFFFF;
	s2 =	simm.s32 @!p0 $0x1C03  }
0xac: {  	[timem:s3], [sflag:s2] =	dma.local @!p0 [hbm:s0], s1  }
0xad: {  	s0 =	simm.s32 @!p0 $0x3  }
0xae: {  	_ =	swait.ge @!p0 [sflag:s0], s1  }
0xaf: {  	s1 =	ssub.s32 @!p0 $0x0, s1;
	[sflag:s0] =	ssyncset.done @!p0 $0x0  }
0xb0: {  	[sflag:s0] =	ssyncadd.s32 @!p0 s1  }
0xb1: {  	[bflag:$0x3] =	sbarrier.arrive $0xFFFF  }
0xb2: {  	_ =	shalt  }

// kernel: kernel.20.cloned.1.call-start
scs
__scs_entry_jumppad:
0x0: {  	(pc) =	sbr.rel $0x88, $3  }
0x1: {  	(tag) =	ssettag $0x0;
	lr =	simm.s32 $0x1  }
0x2: {  	[smem:$0x3F8D] =	sst lr;
	_ =	strace $0xD0000000  }
0x3: {  	_ = 	snop  }
0x4: {  	_ = 	snop  }
0x5: {  	_ = 	snop  }
0x6: {  	_ = 	snop  }
0x7: {  	_ = 	snop  }
__scs_overlays_trampoline_lowered:
0x8: {  	[smem:$0x3F9C] =	sst s0  }
0x9: {  	[smem:$0x3F9D] =	sst s1  }
0xa: {  	[smem:$0x3F9E] =	sst s2  }
0xb: {  	[smem:$0x3F9F] =	sst s3  }
0xc: {  	[smem:$0x3FA0] =	sst s4  }
0xd: {  	[smem:$0x3FA1] =	sst s5  }
0xe: {  	[smem:$0x3FA2] =	sst s6  }
0xf: {  	[smem:$0x3FA3] =	sst s7  }
0x10: {  	[smem:$0x3FA4] =	sst s8  }
0x11: {  	[smem:$0x3FA5] =	sst s9;
	s0 =	simm.s32 @!p0 $0x0  }
0x12: {  	s1 =	sld [smem:$0x3F8B];
	s0 =	simm.s32 @p0 $0x1  }
0x13: {  	[smem:$0x3FA6] =	sst s0;
	s0 =	simm.s32 @!p1 $0x0  }
0x14: {  	s2 =	sld [smem:$0x3F8A];
	s0 =	simm.s32 @p1 $0x1  }
0x15: {  	[smem:$0x3FA7] =	sst s0;
	s0 =	simm.s32 @!p2 $0x0  }
0x16: {  	s3 =	sld [smem:$0x3FDB];
	s0 =	simm.s32 @p2 $0x1  }
0x17: {  	s4 =	simm.s32 $0x1BF5;
	[smem:$0x3FA9] =	sst s0  }
0x18: {  	s0 =	sld [smem:$0x3F8C];
	_ =	swait.ge [sflag:s4], $0x0  }
0x19: {  	s7 =	sld [smem:$0x3F8D]  }
0x1a: {  	s8 =	sadd.s32 $0xFFFFE003, lr  }
0x1b: {  	s9 =	sadd.s32 $0xFFFFFEF7, lr;
	s5 =	simm.s32 $0xFFFFFFFF;
	p2 =	slt.u32 s8, $0xFFFFF086  }
0x1c: {  	p1 =	slt.u32 s9, $0xF7A;
	s5 =	simm.s32 @!p2 $0x0  }
0x1d: {  	s5 =	simm.s32 @p1 $0x1;
	p0 =	seq.s32 s7, s2  }
0x1e: {  	s7 =	smul.u32 @!p0 $0xF7A, s2;
	p2 =	seq.s32 @!p0 s5, $0x0  }
0x1f: {  	s9 =	smul.u32 $0xF7A, s1;
	s8 =	simm.s32 @!p0 $0x1BF5;
	p2 =	por !p2, p0  }
0x20: {  	[sflag:s8] =	ssyncset.s32 @!p0 $0xFFFFF086;
	s6 =	sadd.s32 @!p0 s3, s7;
	s7 =	simm.s32 @!p0 $0x108  }
0x21: {  	s3 =	sadd.s32 s3, s9;
	s6 =	sadd.s32 @!p0 $0x88, s6;
	s7 =	simm.s32 @p2 $0x1082  }
0x22: {  	[simem:s7], [sflag:s8] =	dma.local @!p0 [hbm:s6], $0xF7A  }
0x23: {  	s9 =	sor.u32 $0xD0000000, s2;
	s6 =	simm.s32 $0x108;
	_ =	swait.ge @!p0 [sflag:s8], $0x0  }
0x24: {  	s3 =	sadd.s32 $0x88, s3;
	s6 =	simm.s32 @!p1 $0x1082;
	[sflag:s4] =	ssyncset.s32 $0xFFFFF086  }
0x25: {  	[simem:s6], [sflag:s4] =	dma.local [hbm:s3], $0xF7A  }
0x26: {  	[smem:$0x3F8D] =	sst s1;
	(tag) =	ssettag s2;
	_ =	strace s9  }
0x27: {  	s1 =	sld [smem:$0x3F9D]  }
0x28: {  	s2 =	sld [smem:$0x3F9E]  }
0x29: {  	s4 =	sld [smem:$0x3FA0]  }
0x2a: {  	p0 =	seq.s32 s5, $0x0;
	s5 =	sld [smem:$0x3FA1]  }
0x2b: {  	s6 =	sld [smem:$0x3FA2]  }
0x2c: {  	s7 =	sld [smem:$0x3FA3]  }
0x2d: {  	s3 =	simm.s32 $0x108;
	s8 =	sld [smem:$0x3FA4]  }
0x2e: {  	s3 =	simm.s32 @!p0 $0x1082;
	s9 =	sld [smem:$0x3FA5]  }
0x2f: {  	lr =	sadd.s32 s0, s3;
	s0 =	sld [smem:$0x3F9C]  }
0x30: {  	s3 =	sld [smem:$0x3F9F]  }
0x31: {  	[smem:$0x3FA8] =	sst s10  }
0x32: {  	s10 =	sld [smem:$0x3FA6];
	_ =	sdelay $0x3  }
0x33: {  	p0 =	seq.s32 s10, $0x1;
	s10 =	sld [smem:$0x3FA8];
	_ =	sdelay $0x3  }
0x34: {  	[smem:$0x3FA8] =	sst s10  }
0x35: {  	s10 =	sld [smem:$0x3FA7];
	_ =	sdelay $0x3  }
0x36: {  	p1 =	seq.s32 s10, $0x1;
	s10 =	sld [smem:$0x3FA8];
	_ =	sdelay $0x3  }
0x37: {  	[smem:$0x3FA8] =	sst s10  }
0x38: {  	s10 =	sld [smem:$0x3FA9]  }
0x39: {  	_ = 	snop;
	(pc) =	sbr.ind lr, $3  }
0x3a: {  	_ = 	snop  }
0x3b: {  	_ = 	snop  }
0x3c: {  	p2 =	seq.s32 s10, $0x1;
	s10 =	sld [smem:$0x3FA8]  }
0x3d: {  	_ =	shalt  }
0x3e: {  	_ =	shalt  }
0x3f: {  	_ =	shalt  }
0x40: {  	_ =	shalt  }
0x41: {  	_ =	shalt  }
0x42: {  	_ =	shalt  }
0x43: {  	_ =	shalt  }
0x44: {  	_ =	shalt  }
0x45: {  	_ =	shalt  }
0x46: {  	_ =	shalt  }
0x47: {  	_ =	shalt  }
0x48: {  	_ =	shalt  }
0x49: {  	_ =	shalt  }
0x4a: {  	_ =	shalt  }
0x4b: {  	_ =	shalt  }
0x4c: {  	_ =	shalt  }
0x4d: {  	_ =	shalt  }
0x4e: {  	_ =	shalt  }
0x4f: {  	_ =	shalt  }
0x50: {  	_ =	shalt  }
0x51: {  	_ =	shalt  }
0x52: {  	_ =	shalt  }
0x53: {  	_ =	shalt  }
0x54: {  	_ =	shalt  }
0x55: {  	_ =	shalt  }
0x56: {  	_ =	shalt  }
0x57: {  	_ =	shalt  }
0x58: {  	_ =	shalt  }
0x59: {  	_ =	shalt  }
0x5a: {  	_ =	shalt  }
0x5b: {  	_ =	shalt  }
0x5c: {  	_ =	shalt  }
0x5d: {  	_ =	shalt  }
0x5e: {  	_ =	shalt  }
0x5f: {  	_ =	shalt  }
0x60: {  	_ =	shalt  }
0x61: {  	_ =	shalt  }
0x62: {  	_ =	shalt  }
0x63: {  	_ =	shalt  }
0x64: {  	_ =	shalt  }
0x65: {  	_ =	shalt  }
0x66: {  	_ =	shalt  }
0x67: {  	_ =	shalt  }
0x68: {  	_ =	shalt  }
0x69: {  	_ =	shalt  }
0x6a: {  	_ =	shalt  }
0x6b: {  	_ =	shalt  }
0x6c: {  	_ =	shalt  }
0x6d: {  	_ =	shalt  }
0x6e: {  	_ =	shalt  }
0x6f: {  	_ =	shalt  }
0x70: {  	_ =	shalt  }
0x71: {  	_ =	shalt  }
0x72: {  	_ =	shalt  }
0x73: {  	_ =	shalt  }
0x74: {  	_ =	shalt  }
0x75: {  	_ =	shalt  }
0x76: {  	_ =	shalt  }
0x77: {  	_ =	shalt  }
0x78: {  	_ =	shalt  }
0x79: {  	_ =	shalt  }
0x7a: {  	_ =	shalt  }
0x7b: {  	_ =	shalt  }
0x7c: {  	_ =	shalt  }
0x7d: {  	_ =	shalt  }
0x7e: {  	_ =	shalt  }
0x7f: {  	_ =	shalt  }
0x80: {  	_ =	shalt  }
0x81: {  	_ =	shalt  }
0x82: {  	_ =	shalt  }
0x83: {  	_ =	shalt  }
0x84: {  	_ =	shalt  }
0x85: {  	_ =	shalt  }
0x86: {  	_ =	shalt  }
0x87: {  	_ =	shalt  }
.Lfunc_end0:
.L_simem_size_0:
called_computation.2_lowered:
.L_overlay_start_0:
0x88: {  	s2 =	sld [smem:$0x3FD9]  }
0x89: {  	s3 =	sld [smem:$0x3FFE];
	_ =	sdelay $0x1  }
0x8a: {  	s1 =	srdreg.scid  }
0x8b: {  	s0 =	sand.u32 $0x1, s1  }
0x8c: {  	s17 =	sshll.u32 s0, $0xA;
	s2 =	sadd.s32 s3, s2  }
0x8d: {  	s2 =	sadd.s32 s2, s17  }
0x8e: {  	[smem:$0x3FB4] =	sst s2  }
0x8f: {  	_ = 	snop  }
0x90: {  	(tm) =	ssettm $0x1  }
0x91: {  	s18 =	sld [smem:$0x3FFB];
	_ =	sdelay $0x3  }
0x92: {  	_ =	strace s18  }
0x93: {  	s2 =	sld [smem:$0x3FFC];
	_ =	sdelay $0x3  }
0x94: {  	_ =	strace s2  }
0x95: {  	s2 =	sld [smem:$0x3FFD];
	_ =	sdelay $0x3  }
0x96: {  	_ =	strace s2  }
0x97: {  	_ =	strace $0x8FFFFFFF  }
0x98: {  	s19 =	sld [smem:$0x3FDB];
	_ =	sdelay $0x1  }
0x99: {  	s20 =	simm.s32 $_scs_section_size  }
0x9a: {  	s4 =	simm.s32 $_size__tile_overlayer_lowered;
	s5 =	simm.s32 $_tile_overlayer_lowered  }
0x9b: {  	s6 =	simm.s32 $0x1BFF;
	s21 =	sshll.u32 s5, $0x1;
	s3 =	sadd.s32 s20, s19  }
0x9c: {  	s22 =	simm.s32 $0x0;
	s4 =	sshll.u32 s4, $0x1;
	s5 =	sadd.s32 s21, s3  }
0x9d: {  	[timem:s22], [sflag:s6] =	dma.local [hbm:s5], s4  }
0x9e: {  	_ =	swait.ge [sflag:s6], s4  }
0x9f: {  	s4 =	ssub.s32 $0x0, s4;
	[sflag:s6] =	ssyncset.done $0x0  }
0xa0: {  	[sflag:s6] =	ssyncadd.s32 s4;
	_ =	sdelay $0x1  }
0xa1: {  	s23 =	simm.s32 $0x1B8B  }
0xa2: {  	_ =	swait.ge [sflag:s23], $0x1  }
0xa3: {  	[sflag:s23] =	ssyncset.done $0x0  }
0xa4: {  	[sflag:s23] =	ssyncadd.s32 $0xFFFFFFFF  }
0xa5: {  	s4 =	sld [smem:$0x0]  }
0xa6: {  	s5 =	sand.u32 $0xFFFFFFFE, s1  }
0xa7: {  	p0 =	sne.s32 s1, s5  }
0xa8: {  	s5 =	sshll.u32 @p0 s5, $0xE  }
0xa9: {  	s5 =	sadd.s32 @p0 $0x11B8D, s5;
	s6 =	sshll.u32 @p0 s4, $0x11  }
0xaa: {  	s5 =	sor.u32 @p0 s6, s5  }
0xab: {  	[sflag:s5] =	ssyncadd.remote.s32 @p0 $0x1;
	_ =	sdelay $0x1  }
0xac: {  	s5 =	simm.s32 @p0 $0x1B8D  }
0xad: {  	_ =	swait.eq @p0 [sflag:s5], $0x1  }
0xae: {  	[sflag:s5] =	ssyncadd.s32 @p0 $0xFFFFFFFF  }
0xaf: {  	s6 =	sshll.u32 @!p0 s1, $0xE  }
0xb0: {  	s6 =	sor.u32 @!p0 $0x4000, s6;
	s5 =	simm.s32 @!p0 $0x1B8D  }
0xb1: {  	s4 =	sshll.u32 @!p0 s4, $0x11;
	s6 =	sadd.s32 @!p0 $0x11B8D, s6;
	_ =	swait.eq @!p0 [sflag:s5], $0x1  }
0xb2: {  	s4 =	sor.u32 @!p0 s4, s6;
	[sflag:s5] =	ssyncadd.s32 @!p0 $0xFFFFFFFF  }
0xb3: {  	s25 =	simm.s32 $0x1B8E;
	s24 =	sld [smem:$0x3FFE];
	[sflag:s4] =	ssyncadd.remote.s32 @!p0 $0x1  }
0xb4: {  	s26 =	simm.s32 $execute0_lowered;
	[smem:$0x3FD2] =	sst s25  }
0xb5: {  	s5 =	sshll.u32 s26, $0x1;
	_ =	strace $0x80000049;
	[dreg:$0x1] =	wrdreg $0xFFFFFFFF  }
0xb6: {  	s28 =	simm.s32 $_size_execute0_lowered;
	s3 =	sadd.s32 s3, s5;
	[dreg:$0x0] =	wrdreg $0x0  }
0xb7: {  	s5 =	sshll.u32 s28, $0x1;
	[dreg:$0x2] =	wrdreg s3  }
0xb8: {  	[dreg:$0x3] =	wrdreg s5  }
0xb9: {  	[dreg:$0x4] =	wrdreg $0xC0  }
0xba: {  	_ =	task [dreg:s22], $0x5FFFF  }
0xbb: {  	[dreg:$0x1] =	wrdreg $0xFFFFFFFF  }
0xbc: {  	[dreg:$0x0] =	wrdreg $0x60  }
0xbd: {  	[dreg:$0x2] =	wrdreg s24  }
0xbe: {  	[dreg:$0x3] =	wrdreg $0xB  }
0xbf: {  	_ =	task.clear_ibuf [dreg:s22], $0x4FFFF;
	_ =	strace $0x90000049  }
0xc0: {  	s29 =	simm.s32 $0xB;
	_ =	strace $0x8000004B  }
0xc1: {  	_ =	swait.ge [sflag:s29], $0x1  }
0xc2: {  	[sflag:s29] =	ssyncadd.s32 $0xFFFFFFFF  }
0xc3: {  	_ =	strace $0x9000004B  }
0xc4: {  	_ =	sfence  }
0xc5: {  	s30 =	sld [smem:$0x0];
	_ =	sdelay $0x2  }
0xc6: {  	s31 =	sshll.u32 s1, $0xD;
	s1 =	sshrl.u32 s1, $0x2  }
0xc7: {  	s4 =	sand.u32 $0x4000, s31;
	s1 =	sadd.s32 s1, s30  }
0xc8: {  	s0 =	sor.u32 s4, s0;
	s1 =	sshll.u32 s1, $0x11  }
0xc9: {  	s0 =	sor.u32 s1, s0  }
0xca: {  	s0 =	sadd.s32 $0x8F2B, s0  }
0xcb: {  	[sflag:s0] =	ssyncadd.remote.s32 $0x1  }
0xcc: {  	_ =	sfence.sel $0xFFFF  }
0xcd: {  	[dreg:$0x0] =	wrdreg $0xFFFFFFFF;
	(pc) =	sbr.abs _section_cstart, $3  }
0xce: {  	[dreg:$0x1] =	wrdreg $0xFFFFFFFF  }
0xcf: {  	_ =	task.clear_ibuf [dreg:s22], $0x2FFFF;
	_ =	strace $0x9FFFFFFF  }
0xd0: {  	(tm) =	ssettm $0x7FFFFFFF  }
0xd1: {  	_ =	shalt  }
tec
execute0_lowered:
.L_overlay_start_1:
0x0: {  	(tag) =	ssettag $0x1  }
0x1: {  	s0 =	srdreg.scid  }
0x2: {  	s5 =	stileid.u32;
	s11 =	rddreg [dreg:$0x0];
	s2 =	simm.s32 $0x0  }
0x3: {  	s6 =	simm.s32 $0x2000;
	s7 =	simm.s32 $0x2800;
	[smem:$0x7FF] =	sst s2  }
0x4: {  	s8 =	simm.s32 $0x3000;
	_ =	strace $0x8000004A;
	[dreg:$0x4] =	wrdreg s6  }
0x5: {  	s10 =	simm.s32 $0x3800;
	s12 =	simm.s32 $0x4000;
	[dreg:$0x5] =	wrdreg s7  }
0x6: {  	s13 =	simm.s32 $0x4800;
	s15 =	simm.s32 $0x5000;
	[dreg:$0x6] =	wrdreg s8  }
0x7: {  	s16 =	simm.s32 $0x5800;
	s17 =	simm.s32 $0x6000;
	[dreg:$0x7] =	wrdreg s10  }
0x8: {  	s18 =	simm.s32 $0x6800;
	s19 =	simm.s32 $0x7000;
	[dreg:$0x8] =	wrdreg s12  }
0x9: {  	s20 =	simm.s32 $0x7800;
	s21 =	simm.s32 $0x8000;
	[dreg:$0x9] =	wrdreg s13  }
0xa: {  	s22 =	simm.s32 $0x8800;
	s23 =	simm.s32 $0x9000;
	[dreg:$0xa] =	wrdreg s15  }
0xb: {  	s24 =	simm.s32 $0xA000;
	s25 =	simm.s32 $0xA800;
	[dreg:$0xb] =	wrdreg s16  }
0xc: {  	s28 =	simm.s32 $0x11000;
	s29 =	simm.s32 $0x1;
	[dreg:$0xc] =	wrdreg s17  }
0xd: {  	s30 =	simm.s32 $0x2;
	s31 =	simm.s32 $0x0;
	[dreg:$0xd] =	wrdreg s18  }
0xe: {  	s0 =	sand.u32 $0x1, s0;
	s1 =	smul.u32 $0x300000, s5;
	[dreg:$0xe] =	wrdreg s19  }
0xf: {  	s26 =	sadd.s32 $0x22C600, s11;
	s5 =	sshll.u32 s5, $0x1;
	[dreg:$0xf] =	wrdreg s20  }
0x10: {  	s3 =	smul.u32 $0x180000, s0;
	s5 =	sor.u32 s0, s5;
	[dreg:$0x10] =	wrdreg s21  }
0x11: {  	s0 =	ssub.s32 $0x2, s0;
	s6 =	sadd.s32 $0xE2C800, s11;
	[dreg:$0x11] =	wrdreg s22  }
0x12: {  	s7 =	sadd.s32 $0xE2C900, s11;
	s8 =	sadd.s32 $0xE2CA00, s11;
	[dreg:$0x12] =	wrdreg s23  }
0x13: {  	s10 =	sadd.s32 $0xE2CC00, s11;
	[dreg:$0x13] =	wrdreg s24;
	s13 =	simm.s32 $0x3  }
0x14: {  	[dreg:$0x14] =	wrdreg s25;
	s15 =	simm.s32 $0x9800;
	s16 =	simm.s32 $0xB800  }
0x15: {  	s17 =	simm.s32 $0xC000;
	s18 =	simm.s32 $0xC800;
	s19 =	simm.s32 $0xD000  }
0x16: {  	s20 =	simm.s32 $0xD800;
	s21 =	simm.s32 $0xE000;
	s22 =	simm.s32 $0xE800  }
0x17: {  	s23 =	simm.s32 $0xF000;
	s24 =	simm.s32 $0xF800;
	s25 =	simm.s32 $0x10000  }
0x18: {  	s14 =	sshrl.u32 s0, $0x1;
	s1 =	sadd.s32 s3, s1;
	s3 =	smul.u32 $0x300, s5  }
0x19: {  	s0 =	ssub.s32 s0, s14;
	s5 =	sadd.s32 $0xE2C700, s11;
	s14 =	simm.s32 $0x1800  }
0x1a: {  	s4 =	sshrl.u32 s1, $0x3;
	s1 =	sor.u32 $0x8000, s1;
	s0 =	smax.u32 s0, $0x1  }
0x1b: {  	s4 =	sadd.s32 s4, s26;
	s1 =	sshrl.u32 s1, $0x3;
	[dreg:$0x17] =	wrdreg s0  }
0x1c: {  	s9 =	sadd.s32 s3, s11;
	[dreg:$0x2] =	wrdreg s4;
	s1 =	sadd.s32 s1, s26  }
0x1d: {  	v2 =	vlaneseq.u32;
	s3 =	sadd.s32 $0xE2C600, s11;
	s4 =	sadd.s32 $0x16C600, s9;
	[dreg:$0x3] =	wrdreg s1  }
0x1e: {  	vm0 =	vmmov $0xffff;
	v1 =	vshrl.u32 v2, $0x3;
	s9 =	sadd.s32 $0xE2CB00, s11;
	s26 =	simm.s32 $0xB000;
	[dreg:$0x16] =	wrdreg s4  }
0x1f: {  	v0 =	vand.u32 $0x7, v2;
	v2 =	vor.u32 $0x8, v2;
	v1 =	vmul.u32 $0x8, v1;
	s11 =	sadd.s32 $0xE2CD00, s11;
	[dreg:$0x15] =	wrdreg s26;
	s26 =	simm.s32 $0x10800  }
.LBB2_1:
0x20: {  	s0 =	rddreg [dreg:$0x16]  }
0x21: {  	[tilespmem:s2], [sflag:$0x3] =	stream.linear.gather [hbm4b:s0+s2], $0x1800, $0x38;
	[tilespmem:$0x11800] =	vst v63  }
0x22: {  	_ =	swait.ge [sflag:s13], $0x1800  }
0x23: {  	[sflag:s13] =	ssyncset.done $0x0  }
0x24: {  	s1 =	simm.s32 $0x80;
	s0 =	simm.s32 $0x0;
	[sflag:s13] =	ssyncadd.s32 $0xFFFFE800  }
.LBB2_2:
0x25: {  	p0 =	seq.s32 s0, $0x0  }
0x26: {  	s4 =	simm.s32 @!p0 $0x1  }
0x27: {  	_ =	swait.ge @!p0 [sflag:s4], $0x8000  }
0x28: {  	s12 =	rddreg [dreg:$0x2];
	[sflag:s4] =	ssyncset.done @!p0 $0x0  }
0x29: {  	[sflag:s4] =	ssyncadd.s32 @!p0 $0xFFFF8000;
	s12 =	sadd.s32 s0, s12  }
0x2a: {  	[tilespmem:s14], [sflag:$0x3] =	stream.linear.gather [hbm4b:s12+s2], $0x8000, $0x38;
	[tilespmem:$0x11800] =	vst v63  }
0x2b: {  	_ =	swait.ge [sflag:s13], $0x8000  }
0x2c: {  	[sflag:s13] =	ssyncset.done $0x0  }
0x2d: {  	[sflag:s13] =	ssyncadd.s32 $0xFFFF8000  }
0x2e: {  	v3 =	vld [tilespmem:s1+$0xFFFFFF80];
	_ =	sdelay $0x4  }
0x2f: {  	v4 =	vshll.u32 v3, $0x4  }
0x30: {  	v3 =	vand.u32 $0x7, v3;
	v4 =	vand.u32 $0xFFFFFF80, v4  }
0x31: {  	v3 =	vor.u32 v3, v4  }
0x32: {  	v4 =	vperm.xlane v3, v0;
	_ =	sdelay $0x1  }
0x33: {  	v4 =	vadd.s32 v1, v4;
	_ =	sdelay $0x4  }
0x34: {  	[hbm4b:s3+s2] =	stream.indirect_vreg.scatter [tilespmem:s14], [sflag:$0x1], $0x80, v4, vm0, $0xb8;
	[tilespmem:$0x11800] =	vst v63  }
0x35: {  	s4 =	rddreg [dreg:$0x4]  }
0x36: {  	[hbm4b:s5+s2] =	stream.indirect_vreg.scatter [tilespmem:s4], [sflag:$0x1], $0x80, v4, vm0, $0xb8;
	[tilespmem:$0x11800] =	vst v63  }
0x37: {  	s12 =	rddreg [dreg:$0x5]  }
0x38: {  	[hbm4b:s6+s2] =	stream.indirect_vreg.scatter [tilespmem:s12], [sflag:$0x1], $0x80, v4, vm0, $0xb8;
	[tilespmem:$0x11800] =	vst v63  }
0x39: {  	s4 =	rddreg [dreg:$0x6]  }
0x3a: {  	[hbm4b:s7+s2] =	stream.indirect_vreg.scatter [tilespmem:s4], [sflag:$0x1], $0x80, v4, vm0, $0xb8;
	[tilespmem:$0x11800] =	vst v63  }
0x3b: {  	s12 =	rddreg [dreg:$0x7]  }
0x3c: {  	[hbm4b:s8+s2] =	stream.indirect_vreg.scatter [tilespmem:s12], [sflag:$0x1], $0x80, v4, vm0, $0xb8;
	[tilespmem:$0x11800] =	vst v63  }
0x3d: {  	v3 =	vperm.xlane v3, v2;
	s4 =	rddreg [dreg:$0x8]  }
0x3e: {  	[hbm4b:s9+s2] =	stream.indirect_vreg.scatter [tilespmem:s4], [sflag:$0x1], $0x80, v4, vm0, $0xb8;
	[tilespmem:$0x11800] =	vst v63  }
0x3f: {  	v3 =	vadd.s32 v1, v3;
	s12 =	rddreg [dreg:$0x9]  }
0x40: {  	[hbm4b:s10+s2] =	stream.indirect_vreg.scatter [tilespmem:s12], [sflag:$0x1], $0x80, v4, vm0, $0xb8;
	[tilespmem:$0x11800] =	vst v63  }
0x41: {  	s4 =	rddreg [dreg:$0xa]  }
0x42: {  	[hbm4b:s11+s2] =	stream.indirect_vreg.scatter [tilespmem:s4], [sflag:$0x1], $0x80, v4, vm0, $0xb8;
	[tilespmem:$0x11800] =	vst v63  }
0x43: {  	s12 =	rddreg [dreg:$0xb]  }
0x44: {  	[hbm4b:s3+s2] =	stream.indirect_vreg.scatter [tilespmem:s12], [sflag:$0x1], $0x80, v3, vm0, $0xb8;
	[tilespmem:$0x11800] =	vst v63  }
0x45: {  	s4 =	rddreg [dreg:$0xc]  }
0x46: {  	[hbm4b:s5+s2] =	stream.indirect_vreg.scatter [tilespmem:s4], [sflag:$0x1], $0x80, v3, vm0, $0xb8;
	[tilespmem:$0x11800] =	vst v63  }
0x47: {  	s12 =	rddreg [dreg:$0xd]  }
0x48: {  	[hbm4b:s6+s2] =	stream.indirect_vreg.scatter [tilespmem:s12], [sflag:$0x1], $0x80, v3, vm0, $0xb8;
	[tilespmem:$0x11800] =	vst v63  }
0x49: {  	s4 =	rddreg [dreg:$0xe]  }
0x4a: {  	[hbm4b:s7+s2] =	stream.indirect_vreg.scatter [tilespmem:s4], [sflag:$0x1], $0x80, v3, vm0, $0xb8;
	[tilespmem:$0x11800] =	vst v63  }
0x4b: {  	s12 =	rddreg [dreg:$0xf]  }
0x4c: {  	[hbm4b:s8+s2] =	stream.indirect_vreg.scatter [tilespmem:s12], [sflag:$0x1], $0x80, v3, vm0, $0xb8;
	[tilespmem:$0x11800] =	vst v63  }
0x4d: {  	s4 =	rddreg [dreg:$0x10]  }
0x4e: {  	[hbm4b:s9+s2] =	stream.indirect_vreg.scatter [tilespmem:s4], [sflag:$0x1], $0x80, v3, vm0, $0xb8;
	[tilespmem:$0x11800] =	vst v63  }
0x4f: {  	s12 =	rddreg [dreg:$0x11]  }
0x50: {  	[hbm4b:s10+s2] =	stream.indirect_vreg.scatter [tilespmem:s12], [sflag:$0x1], $0x80, v3, vm0, $0xb8;
	[tilespmem:$0x11800] =	vst v63  }
0x51: {  	s4 =	rddreg [dreg:$0x12]  }
0x52: {  	[hbm4b:s11+s2] =	stream.indirect_vreg.scatter [tilespmem:s4], [sflag:$0x1], $0x80, v3, vm0, $0xb8;
	[tilespmem:$0x11800] =	vst v63  }
0x53: {  	s4 =	simm.s32 @!p0 $0x2  }
0x54: {  	_ =	swait.ge @!p0 [sflag:s4], $0x8000  }
0x55: {  	s12 =	rddreg [dreg:$0x3];
	[sflag:s4] =	ssyncset.done @!p0 $0x0  }
0x56: {  	[sflag:s4] =	ssyncadd.s32 @!p0 $0xFFFF8000;
	s12 =	sadd.s32 s0, s12  }
0x57: {  	[tilespmem:s15], [sflag:$0x3] =	stream.linear.gather [hbm4b:s12+s2], $0x8000, $0x38;
	[tilespmem:$0x11800] =	vst v63  }
0x58: {  	_ =	swait.ge [sflag:s13], $0x8000  }
0x59: {  	[sflag:s13] =	ssyncset.done $0x0  }
0x5a: {  	[sflag:s13] =	ssyncadd.s32 $0xFFFF8000  }
0x5b: {  	v3 =	vld [tilespmem:s1+$0x0];
	_ =	sdelay $0x4  }
0x5c: {  	v63 =	vshll.u32 v3, $0x4  }
0x5d: {  	v3 =	vand.u32 $0x7, v3;
	v4 =	vand.u32 $0xFFFFFF80, v63  }
0x5e: {  	v3 =	vor.u32 v3, v4  }
0x5f: {  	v4 =	vperm.xlane v3, v0;
	_ =	sdelay $0x1  }
0x60: {  	v4 =	vadd.s32 v1, v4;
	_ =	sdelay $0x4  }
0x61: {  	[hbm4b:s3+s2] =	stream.indirect_vreg.scatter [tilespmem:s15], [sflag:$0x2], $0x80, v4, vm0, $0xb8;
	[tilespmem:$0x11800] =	vst v63  }
0x62: {  	s4 =	rddreg [dreg:$0x13]  }
0x63: {  	[hbm4b:s5+s2] =	stream.indirect_vreg.scatter [tilespmem:s4], [sflag:$0x2], $0x80, v4, vm0, $0xb8;
	[tilespmem:$0x11800] =	vst v63  }
0x64: {  	s12 =	rddreg [dreg:$0x14]  }
0x65: {  	[hbm4b:s6+s2] =	stream.indirect_vreg.scatter [tilespmem:s12], [sflag:$0x2], $0x80, v4, vm0, $0xb8;
	[tilespmem:$0x11800] =	vst v63  }
0x66: {  	s4 =	rddreg [dreg:$0x15]  }
0x67: {  	[hbm4b:s7+s2] =	stream.indirect_vreg.scatter [tilespmem:s4], [sflag:$0x2], $0x80, v4, vm0, $0xb8;
	[tilespmem:$0x11800] =	vst v63  }
0x68: {  	_ = 	snop  }
0x69: {  	[hbm4b:s8+s2] =	stream.indirect_vreg.scatter [tilespmem:s16], [sflag:$0x2], $0x80, v4, vm0, $0xb8;
	[tilespmem:$0x11800] =	vst v63  }
0x6a: {  	v3 =	vperm.xlane v3, v2  }
0x6b: {  	[hbm4b:s9+s2] =	stream.indirect_vreg.scatter [tilespmem:s17], [sflag:$0x2], $0x80, v4, vm0, $0xb8;
	[tilespmem:$0x11800] =	vst v63  }
0x6c: {  	v3 =	vadd.s32 v1, v3  }
0x6d: {  	[hbm4b:s10+s2] =	stream.indirect_vreg.scatter [tilespmem:s18], [sflag:$0x2], $0x80, v4, vm0, $0xb8;
	[tilespmem:$0x11800] =	vst v63  }
0x6e: {  	_ = 	snop  }
0x6f: {  	[hbm4b:s11+s2] =	stream.indirect_vreg.scatter [tilespmem:s19], [sflag:$0x2], $0x80, v4, vm0, $0xb8;
	[tilespmem:$0x11800] =	vst v63  }
0x70: {  	_ = 	snop  }
0x71: {  	[hbm4b:s3+s2] =	stream.indirect_vreg.scatter [tilespmem:s20], [sflag:$0x2], $0x80, v3, vm0, $0xb8;
	[tilespmem:$0x11800] =	vst v63  }
0x72: {  	_ = 	snop  }
0x73: {  	[hbm4b:s5+s2] =	stream.indirect_vreg.scatter [tilespmem:s21], [sflag:$0x2], $0x80, v3, vm0, $0xb8;
	[tilespmem:$0x11800] =	vst v63  }
0x74: {  	_ = 	snop  }
0x75: {  	[hbm4b:s6+s2] =	stream.indirect_vreg.scatter [tilespmem:s22], [sflag:$0x2], $0x80, v3, vm0, $0xb8;
	[tilespmem:$0x11800] =	vst v63  }
0x76: {  	_ = 	snop  }
0x77: {  	[hbm4b:s7+s2] =	stream.indirect_vreg.scatter [tilespmem:s23], [sflag:$0x2], $0x80, v3, vm0, $0xb8;
	[tilespmem:$0x11800] =	vst v63  }
0x78: {  	s0 =	sadd.s32 $0x2000, s0  }
0x79: {  	[hbm4b:s8+s2] =	stream.indirect_vreg.scatter [tilespmem:s24], [sflag:$0x2], $0x80, v3, vm0, $0xb8;
	[tilespmem:$0x11800] =	vst v63  }
0x7a: {  	p0 =	sne.s32 s0, $0x30000  }
0x7b: {  	[hbm4b:s9+s2] =	stream.indirect_vreg.scatter [tilespmem:s25], [sflag:$0x2], $0x80, v3, vm0, $0xb8;
	[tilespmem:$0x11800] =	vst v63  }
.Ltmp0:
0x7c: {  	_ = 	snop;
	(pc) =	sbr.rel @p0 .LBB2_2-.Ltmp0, $4  }
0x7d: {  	_ = 	snop  }
0x7e: {  	[hbm4b:s10+s2] =	stream.indirect_vreg.scatter [tilespmem:s26], [sflag:$0x2], $0x80, v3, vm0, $0xb8;
	[tilespmem:$0x11800] =	vst v63  }
0x7f: {  	s1 =	sadd.s32 $0x100, s1  }
0x80: {  	[hbm4b:s11+s2] =	stream.indirect_vreg.scatter [tilespmem:s28], [sflag:$0x2], $0x80, v3, vm0, $0xb8;
	[tilespmem:$0x11800] =	vst v63  }
0x81: {  	_ =	swait.ge [sflag:s29], $0x8000  }
0x82: {  	[sflag:s29] =	ssyncset.done $0x0  }
0x83: {  	[sflag:s29] =	ssyncadd.s32 $0xFFFF8000  }
0x84: {  	_ =	swait.ge [sflag:s30], $0x8000  }
0x85: {  	s31 =	sadd.s32 $0x1, s31;
	s0 =	rddreg [dreg:$0x17]  }
0x86: {  	p0 =	sne.s32 s31, s0  }
.Ltmp1:
0x87: {  	_ = 	snop;
	(pc) =	sbr.rel @p0 .LBB2_1-.Ltmp1, $3  }
0x88: {  	_ =	sdelay $0x1  }
0x89: {  	[sflag:s30] =	ssyncset.done $0x0  }
0x8a: {  	[sflag:s30] =	ssyncadd.s32 $0xFFFF8000  }
0x8b: {  	_ =	sfence.sel $0x180000  }
0x8c: {  	[bflag:$0x0] =	sbarrier.arrive $0xFFFF  }
0x8d: {  	_ =	strace $0x9000004A  }
0x8e: {  	s0 =	stileid.u32;
	[bflag:$0x2] =	sbarrier.arrive $0xFFFF  }
0x8f: {  	p0 =	sne.s32 s0, $0x0;
	s0 =	rddreg [dreg:$0x1]  }
0x90: {  	s0 =	sadd.s32 @!p0 $0x100000, s0  }
0x91: {  	[sflag:s0] =	ssyncadd.tile.s32 @!p0 $0x1;
	_ =	shalt  }
.Lfunc_end2:
_tile_overlayer_lowered:
.L_overlay_start_2:
0x92: {  	(tag) =	ssettag $0x2  }
0x93: {  	s0 =	rddreg [dreg:$0x0];
	s2 =	stileid.u32  }
0x94: {  	s1 =	rddreg [dreg:$0x1];
	p0 =	sne.s32 s2, $0x0  }
0x95: {  	s3 =	rddreg [dreg:$0x2];
	[bflag:$0x3] =	sbarrier.arrive $0xFFFF;
	s2 =	simm.s32 @!p0 $0x1C03  }
0x96: {  	[timem:s3], [sflag:s2] =	dma.local @!p0 [hbm:s0], s1  }
0x97: {  	s0 =	simm.s32 @!p0 $0x3  }
0x98: {  	_ =	swait.ge @!p0 [sflag:s0], s1  }
0x99: {  	s1 =	ssub.s32 @!p0 $0x0, s1;
	[sflag:s0] =	ssyncset.done @!p0 $0x0  }
0x9a: {  	[sflag:s0] =	ssyncadd.s32 @!p0 s1  }
0x9b: {  	[bflag:$0x3] =	sbarrier.arrive $0xFFFF  }
0x9c: {  	_ =	shalt  }

// kernel: kernel.23.cloned.1.call-start
scs
__scs_entry_jumppad:
0x0: {  	(pc) =	sbr.rel $0x88, $3  }
0x1: {  	(tag) =	ssettag $0x0;
	lr =	simm.s32 $0x1  }
0x2: {  	[smem:$0x3F8D] =	sst lr;
	_ =	strace $0xD0000000  }
0x3: {  	_ = 	snop  }
0x4: {  	_ = 	snop  }
0x5: {  	_ = 	snop  }
0x6: {  	_ = 	snop  }
0x7: {  	_ = 	snop  }
__scs_overlays_trampoline_lowered:
0x8: {  	[smem:$0x3F9C] =	sst s0  }
0x9: {  	[smem:$0x3F9D] =	sst s1  }
0xa: {  	[smem:$0x3F9E] =	sst s2  }
0xb: {  	[smem:$0x3F9F] =	sst s3  }
0xc: {  	[smem:$0x3FA0] =	sst s4  }
0xd: {  	[smem:$0x3FA1] =	sst s5  }
0xe: {  	[smem:$0x3FA2] =	sst s6  }
0xf: {  	[smem:$0x3FA3] =	sst s7  }
0x10: {  	[smem:$0x3FA4] =	sst s8  }
0x11: {  	[smem:$0x3FA5] =	sst s9;
	s0 =	simm.s32 @!p0 $0x0  }
0x12: {  	s1 =	sld [smem:$0x3F8B];
	s0 =	simm.s32 @p0 $0x1  }
0x13: {  	[smem:$0x3FA6] =	sst s0;
	s0 =	simm.s32 @!p1 $0x0  }
0x14: {  	s2 =	sld [smem:$0x3F8A];
	s0 =	simm.s32 @p1 $0x1  }
0x15: {  	[smem:$0x3FA7] =	sst s0;
	s0 =	simm.s32 @!p2 $0x0  }
0x16: {  	s3 =	sld [smem:$0x3FDB];
	s0 =	simm.s32 @p2 $0x1  }
0x17: {  	s4 =	simm.s32 $0x1BF5;
	[smem:$0x3FA9] =	sst s0  }
0x18: {  	s0 =	sld [smem:$0x3F8C];
	_ =	swait.ge [sflag:s4], $0x0  }
0x19: {  	s7 =	sld [smem:$0x3F8D]  }
0x1a: {  	s8 =	sadd.s32 $0xFFFFE003, lr  }
0x1b: {  	s9 =	sadd.s32 $0xFFFFFEF7, lr;
	s5 =	simm.s32 $0xFFFFFFFF;
	p2 =	slt.u32 s8, $0xFFFFF086  }
0x1c: {  	p1 =	slt.u32 s9, $0xF7A;
	s5 =	simm.s32 @!p2 $0x0  }
0x1d: {  	s5 =	simm.s32 @p1 $0x1;
	p0 =	seq.s32 s7, s2  }
0x1e: {  	s7 =	smul.u32 @!p0 $0xF7A, s2;
	p2 =	seq.s32 @!p0 s5, $0x0  }
0x1f: {  	s9 =	smul.u32 $0xF7A, s1;
	s8 =	simm.s32 @!p0 $0x1BF5;
	p2 =	por !p2, p0  }
0x20: {  	[sflag:s8] =	ssyncset.s32 @!p0 $0xFFFFF086;
	s6 =	sadd.s32 @!p0 s3, s7;
	s7 =	simm.s32 @!p0 $0x108  }
0x21: {  	s3 =	sadd.s32 s3, s9;
	s6 =	sadd.s32 @!p0 $0x88, s6;
	s7 =	simm.s32 @p2 $0x1082  }
0x22: {  	[simem:s7], [sflag:s8] =	dma.local @!p0 [hbm:s6], $0xF7A  }
0x23: {  	s9 =	sor.u32 $0xD0000000, s2;
	s6 =	simm.s32 $0x108;
	_ =	swait.ge @!p0 [sflag:s8], $0x0  }
0x24: {  	s3 =	sadd.s32 $0x88, s3;
	s6 =	simm.s32 @!p1 $0x1082;
	[sflag:s4] =	ssyncset.s32 $0xFFFFF086  }
0x25: {  	[simem:s6], [sflag:s4] =	dma.local [hbm:s3], $0xF7A  }
0x26: {  	[smem:$0x3F8D] =	sst s1;
	(tag) =	ssettag s2;
	_ =	strace s9  }
0x27: {  	s1 =	sld [smem:$0x3F9D]  }
0x28: {  	s2 =	sld [smem:$0x3F9E]  }
0x29: {  	s4 =	sld [smem:$0x3FA0]  }
0x2a: {  	p0 =	seq.s32 s5, $0x0;
	s5 =	sld [smem:$0x3FA1]  }
0x2b: {  	s6 =	sld [smem:$0x3FA2]  }
0x2c: {  	s7 =	sld [smem:$0x3FA3]  }
0x2d: {  	s3 =	simm.s32 $0x108;
	s8 =	sld [smem:$0x3FA4]  }
0x2e: {  	s3 =	simm.s32 @!p0 $0x1082;
	s9 =	sld [smem:$0x3FA5]  }
0x2f: {  	lr =	sadd.s32 s0, s3;
	s0 =	sld [smem:$0x3F9C]  }
0x30: {  	s3 =	sld [smem:$0x3F9F]  }
0x31: {  	[smem:$0x3FA8] =	sst s10  }
0x32: {  	s10 =	sld [smem:$0x3FA6];
	_ =	sdelay $0x3  }
0x33: {  	p0 =	seq.s32 s10, $0x1;
	s10 =	sld [smem:$0x3FA8];
	_ =	sdelay $0x3  }
0x34: {  	[smem:$0x3FA8] =	sst s10  }
0x35: {  	s10 =	sld [smem:$0x3FA7];
	_ =	sdelay $0x3  }
0x36: {  	p1 =	seq.s32 s10, $0x1;
	s10 =	sld [smem:$0x3FA8];
	_ =	sdelay $0x3  }
0x37: {  	[smem:$0x3FA8] =	sst s10  }
0x38: {  	s10 =	sld [smem:$0x3FA9]  }
0x39: {  	_ = 	snop;
	(pc) =	sbr.ind lr, $3  }
0x3a: {  	_ = 	snop  }
0x3b: {  	_ = 	snop  }
0x3c: {  	p2 =	seq.s32 s10, $0x1;
	s10 =	sld [smem:$0x3FA8]  }
0x3d: {  	_ =	shalt  }
0x3e: {  	_ =	shalt  }
0x3f: {  	_ =	shalt  }
0x40: {  	_ =	shalt  }
0x41: {  	_ =	shalt  }
0x42: {  	_ =	shalt  }
0x43: {  	_ =	shalt  }
0x44: {  	_ =	shalt  }
0x45: {  	_ =	shalt  }
0x46: {  	_ =	shalt  }
0x47: {  	_ =	shalt  }
0x48: {  	_ =	shalt  }
0x49: {  	_ =	shalt  }
0x4a: {  	_ =	shalt  }
0x4b: {  	_ =	shalt  }
0x4c: {  	_ =	shalt  }
0x4d: {  	_ =	shalt  }
0x4e: {  	_ =	shalt  }
0x4f: {  	_ =	shalt  }
0x50: {  	_ =	shalt  }
0x51: {  	_ =	shalt  }
0x52: {  	_ =	shalt  }
0x53: {  	_ =	shalt  }
0x54: {  	_ =	shalt  }
0x55: {  	_ =	shalt  }
0x56: {  	_ =	shalt  }
0x57: {  	_ =	shalt  }
0x58: {  	_ =	shalt  }
0x59: {  	_ =	shalt  }
0x5a: {  	_ =	shalt  }
0x5b: {  	_ =	shalt  }
0x5c: {  	_ =	shalt  }
0x5d: {  	_ =	shalt  }
0x5e: {  	_ =	shalt  }
0x5f: {  	_ =	shalt  }
0x60: {  	_ =	shalt  }
0x61: {  	_ =	shalt  }
0x62: {  	_ =	shalt  }
0x63: {  	_ =	shalt  }
0x64: {  	_ =	shalt  }
0x65: {  	_ =	shalt  }
0x66: {  	_ =	shalt  }
0x67: {  	_ =	shalt  }
0x68: {  	_ =	shalt  }
0x69: {  	_ =	shalt  }
0x6a: {  	_ =	shalt  }
0x6b: {  	_ =	shalt  }
0x6c: {  	_ =	shalt  }
0x6d: {  	_ =	shalt  }
0x6e: {  	_ =	shalt  }
0x6f: {  	_ =	shalt  }
0x70: {  	_ =	shalt  }
0x71: {  	_ =	shalt  }
0x72: {  	_ =	shalt  }
0x73: {  	_ =	shalt  }
0x74: {  	_ =	shalt  }
0x75: {  	_ =	shalt  }
0x76: {  	_ =	shalt  }
0x77: {  	_ =	shalt  }
0x78: {  	_ =	shalt  }
0x79: {  	_ =	shalt  }
0x7a: {  	_ =	shalt  }
0x7b: {  	_ =	shalt  }
0x7c: {  	_ =	shalt  }
0x7d: {  	_ =	shalt  }
0x7e: {  	_ =	shalt  }
0x7f: {  	_ =	shalt  }
0x80: {  	_ =	shalt  }
0x81: {  	_ =	shalt  }
0x82: {  	_ =	shalt  }
0x83: {  	_ =	shalt  }
0x84: {  	_ =	shalt  }
0x85: {  	_ =	shalt  }
0x86: {  	_ =	shalt  }
0x87: {  	_ =	shalt  }
.Lfunc_end0:
.L_simem_size_0:
called_computation.3_lowered:
.L_overlay_start_0:
0x88: {  	s2 =	sld [smem:$0x3FD9]  }
0x89: {  	s3 =	sld [smem:$0x3FFE];
	_ =	sdelay $0x1  }
0x8a: {  	s1 =	srdreg.scid  }
0x8b: {  	s0 =	sand.u32 $0x1, s1  }
0x8c: {  	s17 =	sshll.u32 s0, $0xA;
	s2 =	sadd.s32 s3, s2  }
0x8d: {  	s2 =	sadd.s32 s2, s17  }
0x8e: {  	[smem:$0x3FB4] =	sst s2  }
0x8f: {  	_ = 	snop  }
0x90: {  	(tm) =	ssettm $0x1  }
0x91: {  	s18 =	sld [smem:$0x3FFB];
	_ =	sdelay $0x3  }
0x92: {  	_ =	strace s18  }
0x93: {  	s2 =	sld [smem:$0x3FFC];
	_ =	sdelay $0x3  }
0x94: {  	_ =	strace s2  }
0x95: {  	s2 =	sld [smem:$0x3FFD];
	_ =	sdelay $0x3  }
0x96: {  	_ =	strace s2  }
0x97: {  	_ =	strace $0x8FFFFFFF  }
0x98: {  	s19 =	sld [smem:$0x3FDB];
	_ =	sdelay $0x1  }
0x99: {  	s20 =	simm.s32 $_scs_section_size  }
0x9a: {  	s4 =	simm.s32 $_size__tile_overlayer_lowered;
	s5 =	simm.s32 $_tile_overlayer_lowered  }
0x9b: {  	s6 =	simm.s32 $0x1BFF;
	s21 =	sshll.u32 s5, $0x1;
	s3 =	sadd.s32 s20, s19  }
0x9c: {  	s22 =	simm.s32 $0x0;
	s4 =	sshll.u32 s4, $0x1;
	s5 =	sadd.s32 s21, s3  }
0x9d: {  	[timem:s22], [sflag:s6] =	dma.local [hbm:s5], s4  }
0x9e: {  	_ =	swait.ge [sflag:s6], s4  }
0x9f: {  	s4 =	ssub.s32 $0x0, s4;
	[sflag:s6] =	ssyncset.done $0x0  }
0xa0: {  	[sflag:s6] =	ssyncadd.s32 s4;
	_ =	sdelay $0x1  }
0xa1: {  	s23 =	simm.s32 $0x1B8B  }
0xa2: {  	_ =	swait.ge [sflag:s23], $0x1  }
0xa3: {  	[sflag:s23] =	ssyncset.done $0x0  }
0xa4: {  	[sflag:s23] =	ssyncadd.s32 $0xFFFFFFFF  }
0xa5: {  	s4 =	sld [smem:$0x0]  }
0xa6: {  	s5 =	sand.u32 $0xFFFFFFFE, s1  }
0xa7: {  	p0 =	sne.s32 s1, s5  }
0xa8: {  	s5 =	sshll.u32 @p0 s5, $0xE  }
0xa9: {  	s5 =	sadd.s32 @p0 $0x11B8D, s5;
	s6 =	sshll.u32 @p0 s4, $0x11  }
0xaa: {  	s5 =	sor.u32 @p0 s6, s5  }
0xab: {  	[sflag:s5] =	ssyncadd.remote.s32 @p0 $0x1;
	_ =	sdelay $0x1  }
0xac: {  	s5 =	simm.s32 @p0 $0x1B8D  }
0xad: {  	_ =	swait.eq @p0 [sflag:s5], $0x1  }
0xae: {  	[sflag:s5] =	ssyncadd.s32 @p0 $0xFFFFFFFF  }
0xaf: {  	s6 =	sshll.u32 @!p0 s1, $0xE  }
0xb0: {  	s6 =	sor.u32 @!p0 $0x4000, s6;
	s5 =	simm.s32 @!p0 $0x1B8D  }
0xb1: {  	s4 =	sshll.u32 @!p0 s4, $0x11;
	s6 =	sadd.s32 @!p0 $0x11B8D, s6;
	_ =	swait.eq @!p0 [sflag:s5], $0x1  }
0xb2: {  	s4 =	sor.u32 @!p0 s4, s6;
	[sflag:s5] =	ssyncadd.s32 @!p0 $0xFFFFFFFF  }
0xb3: {  	s25 =	simm.s32 $0x1B8E;
	s24 =	sld [smem:$0x3FFE];
	[sflag:s4] =	ssyncadd.remote.s32 @!p0 $0x1  }
0xb4: {  	s26 =	simm.s32 $execute0_lowered;
	[smem:$0x3FD2] =	sst s25  }
0xb5: {  	s5 =	sshll.u32 s26, $0x1;
	_ =	strace $0x80000052;
	[dreg:$0x1] =	wrdreg $0xFFFFFFFF  }
0xb6: {  	s28 =	simm.s32 $_size_execute0_lowered;
	s3 =	sadd.s32 s3, s5;
	[dreg:$0x0] =	wrdreg $0x0  }
0xb7: {  	s5 =	sshll.u32 s28, $0x1;
	[dreg:$0x2] =	wrdreg s3  }
0xb8: {  	[dreg:$0x3] =	wrdreg s5  }
0xb9: {  	[dreg:$0x4] =	wrdreg $0xC0  }
0xba: {  	_ =	task [dreg:s22], $0x5FFFF  }
0xbb: {  	[dreg:$0x1] =	wrdreg $0xFFFFFFFF  }
0xbc: {  	[dreg:$0x0] =	wrdreg $0x60  }
0xbd: {  	[dreg:$0x2] =	wrdreg s24  }
0xbe: {  	[dreg:$0x3] =	wrdreg $0xB  }
0xbf: {  	_ =	task.clear_ibuf [dreg:s22], $0x4FFFF;
	_ =	strace $0x90000052  }
0xc0: {  	s29 =	simm.s32 $0xB;
	_ =	strace $0x80000054  }
0xc1: {  	_ =	swait.ge [sflag:s29], $0x1  }
0xc2: {  	[sflag:s29] =	ssyncadd.s32 $0xFFFFFFFF  }
0xc3: {  	_ =	strace $0x90000054  }
0xc4: {  	_ =	sfence  }
0xc5: {  	s30 =	sld [smem:$0x0];
	_ =	sdelay $0x2  }
0xc6: {  	s31 =	sshll.u32 s1, $0xD;
	s1 =	sshrl.u32 s1, $0x2  }
0xc7: {  	s4 =	sand.u32 $0x4000, s31;
	s1 =	sadd.s32 s1, s30  }
0xc8: {  	s0 =	sor.u32 s4, s0;
	s1 =	sshll.u32 s1, $0x11  }
0xc9: {  	s0 =	sor.u32 s1, s0  }
0xca: {  	s0 =	sadd.s32 $0x8F2B, s0  }
0xcb: {  	[sflag:s0] =	ssyncadd.remote.s32 $0x1  }
0xcc: {  	_ =	sfence.sel $0xFFFF  }
0xcd: {  	[dreg:$0x0] =	wrdreg $0xFFFFFFFF;
	(pc) =	sbr.abs _section_cstart, $3  }
0xce: {  	[dreg:$0x1] =	wrdreg $0xFFFFFFFF  }
0xcf: {  	_ =	task.clear_ibuf [dreg:s22], $0x2FFFF;
	_ =	strace $0x9FFFFFFF  }
0xd0: {  	(tm) =	ssettm $0x7FFFFFFF  }
0xd1: {  	_ =	shalt  }
tec
execute0_lowered:
.L_overlay_start_1:
0x0: {  	(tag) =	ssettag $0x1  }
0x1: {  	s0 =	rddreg [dreg:$0x0];
	s2 =	simm.s32 $0x0;
	s1 =	srdreg.scid  }
0x2: {  	s6 =	stileid.u32;
	s11 =	simm.s32 $0x9000;
	s13 =	simm.s32 $0x9800  }
0x3: {  	s14 =	simm.s32 $0xA000;
	s15 =	simm.s32 $0xA800;
	s16 =	simm.s32 $0xB000  }
0x4: {  	s17 =	simm.s32 $0xB800;
	s18 =	simm.s32 $0xC000;
	[smem:$0x7FF] =	sst s2  }
0x5: {  	s19 =	simm.s32 $0xC800;
	_ =	strace $0x80000053;
	[dreg:$0x3] =	wrdreg s11  }
0x6: {  	s20 =	simm.s32 $0xD000;
	s21 =	simm.s32 $0xD800;
	[dreg:$0x4] =	wrdreg s13  }
0x7: {  	s22 =	simm.s32 $0xE000;
	s23 =	simm.s32 $0xE800;
	[dreg:$0x5] =	wrdreg s14  }
0x8: {  	s24 =	simm.s32 $0xF000;
	s25 =	simm.s32 $0xF800;
	[dreg:$0x6] =	wrdreg s15  }
0x9: {  	s26 =	simm.s32 $0x10000;
	s28 =	simm.s32 $0x7000;
	[dreg:$0x7] =	wrdreg s16  }
0xa: {  	s29 =	simm.s32 $0x7800;
	s30 =	simm.s32 $0x8000;
	[dreg:$0x8] =	wrdreg s17  }
0xb: {  	s31 =	simm.s32 $0x8800;
	s1 =	sand.u32 $0x1, s1;
	[dreg:$0x9] =	wrdreg s18  }
0xc: {  	s4 =	sshll.u32 s6, $0x9;
	s3 =	sadd.s32 $0xA2C600, s0;
	[dreg:$0xa] =	wrdreg s19  }
0xd: {  	s10 =	sshll.u32 s6, $0x11;
	s6 =	sadd.s32 $0xA2C800, s0;
	[dreg:$0xb] =	wrdreg s20  }
0xe: {  	s5 =	sshll.u32 s1, $0x8;
	s7 =	sadd.s32 s10, s0;
	[dreg:$0xc] =	wrdreg s21  }
0xf: {  	s8 =	ssub.s32 $0x2, s1;
	s1 =	sshll.u32 s1, $0x10;
	[dreg:$0xd] =	wrdreg s22  }
0x10: {  	s10 =	sadd.s32 $0xA2CC00, s0;
	s11 =	sadd.s32 $0xA2CD00, s0;
	[dreg:$0xe] =	wrdreg s23  }
0x11: {  	s13 =	simm.s32 $0x3;
	s14 =	simm.s32 $0x800;
	[dreg:$0xf] =	wrdreg s24  }
0x12: {  	s21 =	simm.s32 $0x4000;
	s22 =	simm.s32 $0x4800;
	[dreg:$0x10] =	wrdreg s25  }
0x13: {  	s23 =	simm.s32 $0x5000;
	s24 =	simm.s32 $0x5800;
	[dreg:$0x11] =	wrdreg s26  }
0x14: {  	s25 =	simm.s32 $0x6000;
	s26 =	simm.s32 $0x6800;
	s15 =	simm.s32 $0x0  }
0x15: {  	s4 =	sor.u32 s5, s4;
	s9 =	sshrl.u32 s8, $0x1;
	s5 =	sadd.s32 $0xA2C700, s0  }
0x16: {  	s1 =	sadd.s32 s1, s7;
	s7 =	sadd.s32 $0xA2C900, s0;
	s4 =	sadd.s32 s4, s0  }
0x17: {  	v2 =	vlaneseq.u32;
	s12 =	ssub.s32 s8, s9;
	s1 =	sadd.s32 $0xC2C600, s1;
	s8 =	sadd.s32 $0xA2CA00, s0  }
0x18: {  	vm0 =	vmmov $0xffff;
	v1 =	vshrl.u32 v2, $0x3;
	s9 =	sadd.s32 $0xA2CB00, s0;
	s0 =	simm.s32 $0x1;
	s4 =	sadd.s32 $0x17A600, s4  }
0x19: {  	v0 =	vand.u32 $0x7, v2;
	v2 =	vor.u32 $0x8, v2;
	v1 =	vmul.u32 $0x8, v1;
	[dreg:$0x2] =	wrdreg s1;
	s12 =	smax.u32 s12, $0x1;
	s1 =	simm.s32 $0x2  }
.LBB2_1:
0x1a: {  	[tilespmem:s2], [sflag:$0x3] =	stream.linear.gather [hbm4b:s4+s2], $0x800, $0x38;
	[tilespmem:$0x10800] =	vst v63  }
0x1b: {  	_ =	swait.ge [sflag:s13], $0x800  }
0x1c: {  	[sflag:s13] =	ssyncset.done $0x0  }
0x1d: {  	[sflag:s13] =	ssyncadd.s32 $0xFFFFF800  }
0x1e: {  	v3 =	vld [tilespmem:$0x0];
	_ =	sdelay $0x4  }
0x1f: {  	v4 =	vshll.u32 v3, $0x4  }
0x20: {  	v3 =	vand.u32 $0x7, v3;
	v4 =	vand.u32 $0xFFFFFF80, v4  }
0x21: {  	v3 =	vor.u32 v3, v4  }
0x22: {  	v4 =	vperm.xlane v3, v0;
	_ =	sdelay $0x1  }
0x23: {  	v4 =	vadd.s32 v1, v4;
	_ =	sdelay $0x4  }
0x24: {  	[tilespmem:s14], [sflag:$0x1] =	stream.indirect_vreg.gather [hbm4b:s3+s2], $0x80, v4, vm0, $0xb8;
	[tilespmem:$0x10800] =	vst v63  }
0x25: {  	s16 =	simm.s32 $0x1000  }
0x26: {  	[tilespmem:s16], [sflag:$0x1] =	stream.indirect_vreg.gather [hbm4b:s5+s2], $0x80, v4, vm0, $0xb8;
	[tilespmem:$0x10800] =	vst v63  }
0x27: {  	s20 =	simm.s32 $0x1800  }
0x28: {  	[tilespmem:s20], [sflag:$0x1] =	stream.indirect_vreg.gather [hbm4b:s6+s2], $0x80, v4, vm0, $0xb8;
	[tilespmem:$0x10800] =	vst v63  }
0x29: {  	s17 =	simm.s32 $0x2000  }
0x2a: {  	[tilespmem:s17], [sflag:$0x1] =	stream.indirect_vreg.gather [hbm4b:s7+s2], $0x80, v4, vm0, $0xb8;
	[tilespmem:$0x10800] =	vst v63  }
0x2b: {  	s18 =	simm.s32 $0x2800  }
0x2c: {  	[tilespmem:s18], [sflag:$0x1] =	stream.indirect_vreg.gather [hbm4b:s8+s2], $0x80, v4, vm0, $0xb8;
	[tilespmem:$0x10800] =	vst v63  }
0x2d: {  	s19 =	simm.s32 $0x3000;
	v3 =	vperm.xlane v3, v2  }
0x2e: {  	[tilespmem:s19], [sflag:$0x1] =	stream.indirect_vreg.gather [hbm4b:s9+s2], $0x80, v4, vm0, $0xb8;
	[tilespmem:$0x10800] =	vst v63  }
0x2f: {  	v3 =	vadd.s32 v1, v3;
	s20 =	simm.s32 $0x3800  }
0x30: {  	[tilespmem:s20], [sflag:$0x1] =	stream.indirect_vreg.gather [hbm4b:s10+s2], $0x80, v4, vm0, $0xb8;
	[tilespmem:$0x10800] =	vst v63  }
0x31: {  	_ = 	snop  }
0x32: {  	[tilespmem:s21], [sflag:$0x1] =	stream.indirect_vreg.gather [hbm4b:s11+s2], $0x80, v4, vm0, $0xb8;
	[tilespmem:$0x10800] =	vst v63  }
0x33: {  	_ = 	snop  }
0x34: {  	[tilespmem:s22], [sflag:$0x1] =	stream.indirect_vreg.gather [hbm4b:s3+s2], $0x80, v3, vm0, $0xb8;
	[tilespmem:$0x10800] =	vst v63  }
0x35: {  	_ = 	snop  }
0x36: {  	[tilespmem:s23], [sflag:$0x1] =	stream.indirect_vreg.gather [hbm4b:s5+s2], $0x80, v3, vm0, $0xb8;
	[tilespmem:$0x10800] =	vst v63  }
0x37: {  	_ = 	snop  }
0x38: {  	[tilespmem:s24], [sflag:$0x1] =	stream.indirect_vreg.gather [hbm4b:s6+s2], $0x80, v3, vm0, $0xb8;
	[tilespmem:$0x10800] =	vst v63  }
0x39: {  	_ = 	snop  }
0x3a: {  	[tilespmem:s25], [sflag:$0x1] =	stream.indirect_vreg.gather [hbm4b:s7+s2], $0x80, v3, vm0, $0xb8;
	[tilespmem:$0x10800] =	vst v63  }
0x3b: {  	_ = 	snop  }
0x3c: {  	[tilespmem:s26], [sflag:$0x1] =	stream.indirect_vreg.gather [hbm4b:s8+s2], $0x80, v3, vm0, $0xb8;
	[tilespmem:$0x10800] =	vst v63  }
0x3d: {  	_ = 	snop  }
0x3e: {  	[tilespmem:s28], [sflag:$0x1] =	stream.indirect_vreg.gather [hbm4b:s9+s2], $0x80, v3, vm0, $0xb8;
	[tilespmem:$0x10800] =	vst v63  }
0x3f: {  	_ = 	snop  }
0x40: {  	[tilespmem:s29], [sflag:$0x1] =	stream.indirect_vreg.gather [hbm4b:s10+s2], $0x80, v3, vm0, $0xb8;
	[tilespmem:$0x10800] =	vst v63  }
0x41: {  	s16 =	simm.s32 $0x100;
	s17 =	simm.s32 $0x0  }
0x42: {  	[tilespmem:s30], [sflag:$0x1] =	stream.indirect_vreg.gather [hbm4b:s11+s2], $0x80, v3, vm0, $0xb8;
	[tilespmem:$0x10800] =	vst v63  }
.LBB2_2:
0x43: {  	v3 =	vld [tilespmem:s16+$0xFFFFFF80];
	_ =	sdelay $0x4  }
0x44: {  	v4 =	vshll.u32 v3, $0x4  }
0x45: {  	v3 =	vand.u32 $0x7, v3;
	v4 =	vand.u32 $0xFFFFFF80, v4  }
0x46: {  	v3 =	vor.u32 v3, v4  }
0x47: {  	v4 =	vperm.xlane v3, v0;
	_ =	sdelay $0x1  }
0x48: {  	v4 =	vadd.s32 v1, v4;
	_ =	sdelay $0x4  }
0x49: {  	[tilespmem:s31], [sflag:$0x2] =	stream.indirect_vreg.gather [hbm4b:s3+s2], $0x80, v4, vm0, $0xb8;
	[tilespmem:$0x10800] =	vst v63  }
0x4a: {  	s18 =	rddreg [dreg:$0x3]  }
0x4b: {  	[tilespmem:s18], [sflag:$0x2] =	stream.indirect_vreg.gather [hbm4b:s5+s2], $0x80, v4, vm0, $0xb8;
	[tilespmem:$0x10800] =	vst v63  }
0x4c: {  	s19 =	rddreg [dreg:$0x4]  }
0x4d: {  	[tilespmem:s19], [sflag:$0x2] =	stream.indirect_vreg.gather [hbm4b:s6+s2], $0x80, v4, vm0, $0xb8;
	[tilespmem:$0x10800] =	vst v63  }
0x4e: {  	s20 =	rddreg [dreg:$0x5]  }
0x4f: {  	[tilespmem:s20], [sflag:$0x2] =	stream.indirect_vreg.gather [hbm4b:s7+s2], $0x80, v4, vm0, $0xb8;
	[tilespmem:$0x10800] =	vst v63  }
0x50: {  	s19 =	rddreg [dreg:$0x6]  }
0x51: {  	[tilespmem:s19], [sflag:$0x2] =	stream.indirect_vreg.gather [hbm4b:s8+s2], $0x80, v4, vm0, $0xb8;
	[tilespmem:$0x10800] =	vst v63  }
0x52: {  	v3 =	vperm.xlane v3, v2;
	s20 =	rddreg [dreg:$0x7]  }
0x53: {  	[tilespmem:s20], [sflag:$0x2] =	stream.indirect_vreg.gather [hbm4b:s9+s2], $0x80, v4, vm0, $0xb8;
	[tilespmem:$0x10800] =	vst v63  }
0x54: {  	v3 =	vadd.s32 v1, v3;
	s19 =	rddreg [dreg:$0x8]  }
0x55: {  	[tilespmem:s19], [sflag:$0x2] =	stream.indirect_vreg.gather [hbm4b:s10+s2], $0x80, v4, vm0, $0xb8;
	[tilespmem:$0x10800] =	vst v63  }
0x56: {  	s20 =	rddreg [dreg:$0x9]  }
0x57: {  	[tilespmem:s20], [sflag:$0x2] =	stream.indirect_vreg.gather [hbm4b:s11+s2], $0x80, v4, vm0, $0xb8;
	[tilespmem:$0x10800] =	vst v63  }
0x58: {  	s19 =	rddreg [dreg:$0xa]  }
0x59: {  	[tilespmem:s19], [sflag:$0x2] =	stream.indirect_vreg.gather [hbm4b:s3+s2], $0x80, v3, vm0, $0xb8;
	[tilespmem:$0x10800] =	vst v63  }
0x5a: {  	s20 =	rddreg [dreg:$0xb]  }
0x5b: {  	[tilespmem:s20], [sflag:$0x2] =	stream.indirect_vreg.gather [hbm4b:s5+s2], $0x80, v3, vm0, $0xb8;
	[tilespmem:$0x10800] =	vst v63  }
0x5c: {  	s19 =	rddreg [dreg:$0xc]  }
0x5d: {  	[tilespmem:s19], [sflag:$0x2] =	stream.indirect_vreg.gather [hbm4b:s6+s2], $0x80, v3, vm0, $0xb8;
	[tilespmem:$0x10800] =	vst v63  }
0x5e: {  	s20 =	rddreg [dreg:$0xd]  }
0x5f: {  	[tilespmem:s20], [sflag:$0x2] =	stream.indirect_vreg.gather [hbm4b:s7+s2], $0x80, v3, vm0, $0xb8;
	[tilespmem:$0x10800] =	vst v63  }
0x60: {  	s19 =	rddreg [dreg:$0xe]  }
0x61: {  	[tilespmem:s19], [sflag:$0x2] =	stream.indirect_vreg.gather [hbm4b:s8+s2], $0x80, v3, vm0, $0xb8;
	[tilespmem:$0x10800] =	vst v63  }
0x62: {  	s20 =	rddreg [dreg:$0xf]  }
0x63: {  	[tilespmem:s20], [sflag:$0x2] =	stream.indirect_vreg.gather [hbm4b:s9+s2], $0x80, v3, vm0, $0xb8;
	[tilespmem:$0x10800] =	vst v63  }
0x64: {  	s19 =	rddreg [dreg:$0x10]  }
0x65: {  	[tilespmem:s19], [sflag:$0x2] =	stream.indirect_vreg.gather [hbm4b:s10+s2], $0x80, v3, vm0, $0xb8;
	[tilespmem:$0x10800] =	vst v63  }
0x66: {  	s20 =	rddreg [dreg:$0x11]  }
0x67: {  	[tilespmem:s20], [sflag:$0x2] =	stream.indirect_vreg.gather [hbm4b:s11+s2], $0x80, v3, vm0, $0xb8;
	[tilespmem:$0x10800] =	vst v63  }
0x68: {  	_ =	swait.ge [sflag:s0], $0x8000  }
0x69: {  	s20 =	rddreg [dreg:$0x2];
	[sflag:s0] =	ssyncset.done $0x0  }
0x6a: {  	[sflag:s0] =	ssyncadd.s32 $0xFFFF8000;
	s18 =	sadd.s32 s17, s20  }
0x6b: {  	[hbm4b:s18+s2] =	stream.linear.scatter [tilespmem:s14], [sflag:$0x3], $0x8000, $0x38;
	[tilespmem:$0x10800] =	vst v63  }
0x6c: {  	_ =	swait.ge [sflag:s13], $0x8000  }
0x6d: {  	[sflag:s13] =	ssyncset.done $0x0  }
0x6e: {  	p0 =	seq.s32 s17, $0xE000;
	[sflag:s13] =	ssyncadd.s32 $0xFFFF8000  }
0x6f: {  	v3 =	vld @!p0 [tilespmem:s16+$0x0];
	_ =	sdelay $0x4  }
0x70: {  	v4 =	vshll.u32 @!p0 v3, $0x4  }
0x71: {  	v5 =	vlaneseq.u32 @!p0;
	v3 =	vand.u32 @!p0 $0x7, v3;
	v4 =	vand.u32 @!p0 $0xFFFFFF80, v4  }
0x72: {  	v6 =	vshrl.u32 @!p0 v5, $0x3;
	v3 =	vor.u32 @!p0 v3, v4;
	v4 =	vand.u32 @!p0 $0x7, v5  }
0x73: {  	v6 =	vmul.u32 @!p0 $0x8, v6;
	v4 =	vperm.xlane @!p0 v3, v4;
	_ =	sdelay $0x1  }
0x74: {  	v4 =	vadd.s32 @!p0 v6, v4;
	_ =	sdelay $0x3  }
0x75: {  	vm1 =	vmmov @!p0 $0xffff;
	s19 =	simm.s32 @!p0 $0x0;
	s20 =	simm.s32 @!p0 $0x800  }
0x76: {  	[tilespmem:s20], [sflag:$0x1] =	stream.indirect_vreg.gather @!p0 [hbm4b:s3+s19], $0x80, v4, vm1, $0xb8;
	[tilespmem:$0x10800] =	vst v63  }
0x77: {  	s20 =	simm.s32 @!p0 $0x1000  }
0x78: {  	[tilespmem:s20], [sflag:$0x1] =	stream.indirect_vreg.gather @!p0 [hbm4b:s5+s19], $0x80, v4, vm1, $0xb8;
	[tilespmem:$0x10800] =	vst v63  }
0x79: {  	s20 =	simm.s32 @!p0 $0x1800  }
0x7a: {  	[tilespmem:s20], [sflag:$0x1] =	stream.indirect_vreg.gather @!p0 [hbm4b:s6+s19], $0x80, v4, vm1, $0xb8;
	[tilespmem:$0x10800] =	vst v63  }
0x7b: {  	s20 =	simm.s32 @!p0 $0x2000  }
0x7c: {  	[tilespmem:s20], [sflag:$0x1] =	stream.indirect_vreg.gather @!p0 [hbm4b:s7+s19], $0x80, v4, vm1, $0xb8;
	[tilespmem:$0x10800] =	vst v63  }
0x7d: {  	s20 =	simm.s32 @!p0 $0x2800  }
0x7e: {  	v5 =	vor.u32 @!p0 $0x8, v5;
	[tilespmem:s20], [sflag:$0x1] =	stream.indirect_vreg.gather @!p0 [hbm4b:s8+s19], $0x80, v4, vm1, $0xb8;
	[tilespmem:$0x10800] =	vst v63  }
0x7f: {  	v3 =	vperm.xlane @!p0 v3, v5;
	s20 =	simm.s32 @!p0 $0x3000  }
0x80: {  	[tilespmem:s20], [sflag:$0x1] =	stream.indirect_vreg.gather @!p0 [hbm4b:s9+s19], $0x80, v4, vm1, $0xb8;
	[tilespmem:$0x10800] =	vst v63  }
0x81: {  	v3 =	vadd.s32 @!p0 v6, v3;
	s20 =	simm.s32 @!p0 $0x3800  }
0x82: {  	[tilespmem:s20], [sflag:$0x1] =	stream.indirect_vreg.gather @!p0 [hbm4b:s10+s19], $0x80, v4, vm1, $0xb8;
	[tilespmem:$0x10800] =	vst v63  }
0x83: {  	s20 =	simm.s32 @!p0 $0x4000  }
0x84: {  	[tilespmem:s20], [sflag:$0x1] =	stream.indirect_vreg.gather @!p0 [hbm4b:s11+s19], $0x80, v4, vm1, $0xb8;
	[tilespmem:$0x10800] =	vst v63  }
0x85: {  	s20 =	simm.s32 @!p0 $0x4800  }
0x86: {  	[tilespmem:s20], [sflag:$0x1] =	stream.indirect_vreg.gather @!p0 [hbm4b:s3+s19], $0x80, v3, vm1, $0xb8;
	[tilespmem:$0x10800] =	vst v63  }
0x87: {  	s20 =	simm.s32 @!p0 $0x5000  }
0x88: {  	[tilespmem:s20], [sflag:$0x1] =	stream.indirect_vreg.gather @!p0 [hbm4b:s5+s19], $0x80, v3, vm1, $0xb8;
	[tilespmem:$0x10800] =	vst v63  }
0x89: {  	s20 =	simm.s32 @!p0 $0x5800  }
0x8a: {  	[tilespmem:s20], [sflag:$0x1] =	stream.indirect_vreg.gather @!p0 [hbm4b:s6+s19], $0x80, v3, vm1, $0xb8;
	[tilespmem:$0x10800] =	vst v63  }
0x8b: {  	s20 =	simm.s32 @!p0 $0x6000  }
0x8c: {  	[tilespmem:s20], [sflag:$0x1] =	stream.indirect_vreg.gather @!p0 [hbm4b:s7+s19], $0x80, v3, vm1, $0xb8;
	[tilespmem:$0x10800] =	vst v63  }
0x8d: {  	s20 =	simm.s32 @!p0 $0x6800  }
0x8e: {  	[tilespmem:s20], [sflag:$0x1] =	stream.indirect_vreg.gather @!p0 [hbm4b:s8+s19], $0x80, v3, vm1, $0xb8;
	[tilespmem:$0x10800] =	vst v63  }
0x8f: {  	s20 =	simm.s32 @!p0 $0x7000  }
0x90: {  	[tilespmem:s20], [sflag:$0x1] =	stream.indirect_vreg.gather @!p0 [hbm4b:s9+s19], $0x80, v3, vm1, $0xb8;
	[tilespmem:$0x10800] =	vst v63  }
0x91: {  	s20 =	simm.s32 @!p0 $0x7800  }
0x92: {  	[tilespmem:s20], [sflag:$0x1] =	stream.indirect_vreg.gather @!p0 [hbm4b:s10+s19], $0x80, v3, vm1, $0xb8;
	[tilespmem:$0x10800] =	vst v63  }
0x93: {  	s20 =	simm.s32 @!p0 $0x8000  }
0x94: {  	[tilespmem:s20], [sflag:$0x1] =	stream.indirect_vreg.gather @!p0 [hbm4b:s11+s19], $0x80, v3, vm1, $0xb8;
	[tilespmem:$0x10800] =	vst v63  }
0x95: {  	s17 =	sadd.s32 $0x2000, s17;
	_ =	swait.ge [sflag:s1], $0x8000  }
0x96: {  	p0 =	sne.s32 s17, $0x10000;
	[sflag:s1] =	ssyncset.done $0x0  }
.Ltmp0:
0x97: {  	s18 =	sadd.s32 $0x1000, s18;
	[sflag:s1] =	ssyncadd.s32 $0xFFFF8000;
	(pc) =	sbr.rel @p0 .LBB2_2-.Ltmp0, $4  }
0x98: {  	[hbm4b:s18+s2] =	stream.linear.scatter [tilespmem:s31], [sflag:$0x3], $0x8000, $0x38;
	[tilespmem:$0x10800] =	vst v63  }
0x99: {  	_ =	swait.ge [sflag:s13], $0x8000  }
0x9a: {  	[sflag:s13] =	ssyncset.done $0x0  }
0x9b: {  	s16 =	sadd.s32 $0x100, s16;
	[sflag:s13] =	ssyncadd.s32 $0xFFFF8000  }
0x9c: {  	s15 =	sadd.s32 $0x1, s15  }
0x9d: {  	p0 =	sne.s32 s15, s12  }
.Ltmp1:
0x9e: {  	_ = 	snop;
	(pc) =	sbr.rel @p0 .LBB2_1-.Ltmp1, $1  }
0x9f: {  	_ =	sdelay $0x3  }
0xa0: {  	_ =	sfence.sel $0x180000  }
0xa1: {  	[bflag:$0x0] =	sbarrier.arrive $0xFFFF  }
0xa2: {  	_ =	strace $0x90000053  }
0xa3: {  	s0 =	stileid.u32;
	[bflag:$0x2] =	sbarrier.arrive $0xFFFF  }
0xa4: {  	p0 =	sne.s32 s0, $0x0;
	s0 =	rddreg [dreg:$0x1]  }
0xa5: {  	s0 =	sadd.s32 @!p0 $0x100000, s0  }
0xa6: {  	[sflag:s0] =	ssyncadd.tile.s32 @!p0 $0x1;
	_ =	shalt  }
.Lfunc_end2:
_tile_overlayer_lowered:
.L_overlay_start_2:
0xa7: {  	(tag) =	ssettag $0x2  }
0xa8: {  	s0 =	rddreg [dreg:$0x0];
	s2 =	stileid.u32  }
0xa9: {  	s1 =	rddreg [dreg:$0x1];
	p0 =	sne.s32 s2, $0x0  }
0xaa: {  	s3 =	rddreg [dreg:$0x2];
	[bflag:$0x3] =	sbarrier.arrive $0xFFFF;
	s2 =	simm.s32 @!p0 $0x1C03  }
0xab: {  	[timem:s3], [sflag:s2] =	dma.local @!p0 [hbm:s0], s1  }
0xac: {  	s0 =	simm.s32 @!p0 $0x3  }
0xad: {  	_ =	swait.ge @!p0 [sflag:s0], s1  }
0xae: {  	s1 =	ssub.s32 @!p0 $0x0, s1;
	[sflag:s0] =	ssyncset.done @!p0 $0x0  }
0xaf: {  	[sflag:s0] =	ssyncadd.s32 @!p0 s1  }
0xb0: {  	[bflag:$0x3] =	sbarrier.arrive $0xFFFF  }
0xb1: {  	_ =	shalt  }

// kernel: kernel.26.cloned.1.call-start
scs
__scs_entry_jumppad:
0x0: {  	(pc) =	sbr.rel $0x88, $3  }
0x1: {  	(tag) =	ssettag $0x0;
	lr =	simm.s32 $0x1  }
0x2: {  	[smem:$0x3F8D] =	sst lr;
	_ =	strace $0xD0000000  }
0x3: {  	_ = 	snop  }
0x4: {  	_ = 	snop  }
0x5: {  	_ = 	snop  }
0x6: {  	_ = 	snop  }
0x7: {  	_ = 	snop  }
__scs_overlays_trampoline_lowered:
0x8: {  	[smem:$0x3F9C] =	sst s0  }
0x9: {  	[smem:$0x3F9D] =	sst s1  }
0xa: {  	[smem:$0x3F9E] =	sst s2  }
0xb: {  	[smem:$0x3F9F] =	sst s3  }
0xc: {  	[smem:$0x3FA0] =	sst s4  }
0xd: {  	[smem:$0x3FA1] =	sst s5  }
0xe: {  	[smem:$0x3FA2] =	sst s6  }
0xf: {  	[smem:$0x3FA3] =	sst s7  }
0x10: {  	[smem:$0x3FA4] =	sst s8  }
0x11: {  	[smem:$0x3FA5] =	sst s9;
	s0 =	simm.s32 @!p0 $0x0  }
0x12: {  	s1 =	sld [smem:$0x3F8B];
	s0 =	simm.s32 @p0 $0x1  }
0x13: {  	[smem:$0x3FA6] =	sst s0;
	s0 =	simm.s32 @!p1 $0x0  }
0x14: {  	s2 =	sld [smem:$0x3F8A];
	s0 =	simm.s32 @p1 $0x1  }
0x15: {  	[smem:$0x3FA7] =	sst s0;
	s0 =	simm.s32 @!p2 $0x0  }
0x16: {  	s3 =	sld [smem:$0x3FDB];
	s0 =	simm.s32 @p2 $0x1  }
0x17: {  	s4 =	simm.s32 $0x1BF5;
	[smem:$0x3FA9] =	sst s0  }
0x18: {  	s0 =	sld [smem:$0x3F8C];
	_ =	swait.ge [sflag:s4], $0x0  }
0x19: {  	s7 =	sld [smem:$0x3F8D]  }
0x1a: {  	s8 =	sadd.s32 $0xFFFFE003, lr  }
0x1b: {  	s9 =	sadd.s32 $0xFFFFFEF7, lr;
	s5 =	simm.s32 $0xFFFFFFFF;
	p2 =	slt.u32 s8, $0xFFFFF086  }
0x1c: {  	p1 =	slt.u32 s9, $0xF7A;
	s5 =	simm.s32 @!p2 $0x0  }
0x1d: {  	s5 =	simm.s32 @p1 $0x1;
	p0 =	seq.s32 s7, s2  }
0x1e: {  	s7 =	smul.u32 @!p0 $0xF7A, s2;
	p2 =	seq.s32 @!p0 s5, $0x0  }
0x1f: {  	s9 =	smul.u32 $0xF7A, s1;
	s8 =	simm.s32 @!p0 $0x1BF5;
	p2 =	por !p2, p0  }
0x20: {  	[sflag:s8] =	ssyncset.s32 @!p0 $0xFFFFF086;
	s6 =	sadd.s32 @!p0 s3, s7;
	s7 =	simm.s32 @!p0 $0x108  }
0x21: {  	s3 =	sadd.s32 s3, s9;
	s6 =	sadd.s32 @!p0 $0x88, s6;
	s7 =	simm.s32 @p2 $0x1082  }
0x22: {  	[simem:s7], [sflag:s8] =	dma.local @!p0 [hbm:s6], $0xF7A  }
0x23: {  	s9 =	sor.u32 $0xD0000000, s2;
	s6 =	simm.s32 $0x108;
	_ =	swait.ge @!p0 [sflag:s8], $0x0  }
0x24: {  	s3 =	sadd.s32 $0x88, s3;
	s6 =	simm.s32 @!p1 $0x1082;
	[sflag:s4] =	ssyncset.s32 $0xFFFFF086  }
0x25: {  	[simem:s6], [sflag:s4] =	dma.local [hbm:s3], $0xF7A  }
0x26: {  	[smem:$0x3F8D] =	sst s1;
	(tag) =	ssettag s2;
	_ =	strace s9  }
0x27: {  	s1 =	sld [smem:$0x3F9D]  }
0x28: {  	s2 =	sld [smem:$0x3F9E]  }
0x29: {  	s4 =	sld [smem:$0x3FA0]  }
0x2a: {  	p0 =	seq.s32 s5, $0x0;
	s5 =	sld [smem:$0x3FA1]  }
0x2b: {  	s6 =	sld [smem:$0x3FA2]  }
0x2c: {  	s7 =	sld [smem:$0x3FA3]  }
0x2d: {  	s3 =	simm.s32 $0x108;
	s8 =	sld [smem:$0x3FA4]  }
0x2e: {  	s3 =	simm.s32 @!p0 $0x1082;
	s9 =	sld [smem:$0x3FA5]  }
0x2f: {  	lr =	sadd.s32 s0, s3;
	s0 =	sld [smem:$0x3F9C]  }
0x30: {  	s3 =	sld [smem:$0x3F9F]  }
0x31: {  	[smem:$0x3FA8] =	sst s10  }
0x32: {  	s10 =	sld [smem:$0x3FA6];
	_ =	sdelay $0x3  }
0x33: {  	p0 =	seq.s32 s10, $0x1;
	s10 =	sld [smem:$0x3FA8];
	_ =	sdelay $0x3  }
0x34: {  	[smem:$0x3FA8] =	sst s10  }
0x35: {  	s10 =	sld [smem:$0x3FA7];
	_ =	sdelay $0x3  }
0x36: {  	p1 =	seq.s32 s10, $0x1;
	s10 =	sld [smem:$0x3FA8];
	_ =	sdelay $0x3  }
0x37: {  	[smem:$0x3FA8] =	sst s10  }
0x38: {  	s10 =	sld [smem:$0x3FA9]  }
0x39: {  	_ = 	snop;
	(pc) =	sbr.ind lr, $3  }
0x3a: {  	_ = 	snop  }
0x3b: {  	_ = 	snop  }
0x3c: {  	p2 =	seq.s32 s10, $0x1;
	s10 =	sld [smem:$0x3FA8]  }
0x3d: {  	_ =	shalt  }
0x3e: {  	_ =	shalt  }
0x3f: {  	_ =	shalt  }
0x40: {  	_ =	shalt  }
0x41: {  	_ =	shalt  }
0x42: {  	_ =	shalt  }
0x43: {  	_ =	shalt  }
0x44: {  	_ =	shalt  }
0x45: {  	_ =	shalt  }
0x46: {  	_ =	shalt  }
0x47: {  	_ =	shalt  }
0x48: {  	_ =	shalt  }
0x49: {  	_ =	shalt  }
0x4a: {  	_ =	shalt  }
0x4b: {  	_ =	shalt  }
0x4c: {  	_ =	shalt  }
0x4d: {  	_ =	shalt  }
0x4e: {  	_ =	shalt  }
0x4f: {  	_ =	shalt  }
0x50: {  	_ =	shalt  }
0x51: {  	_ =	shalt  }
0x52: {  	_ =	shalt  }
0x53: {  	_ =	shalt  }
0x54: {  	_ =	shalt  }
0x55: {  	_ =	shalt  }
0x56: {  	_ =	shalt  }
0x57: {  	_ =	shalt  }
0x58: {  	_ =	shalt  }
0x59: {  	_ =	shalt  }
0x5a: {  	_ =	shalt  }
0x5b: {  	_ =	shalt  }
0x5c: {  	_ =	shalt  }
0x5d: {  	_ =	shalt  }
0x5e: {  	_ =	shalt  }
0x5f: {  	_ =	shalt  }
0x60: {  	_ =	shalt  }
0x61: {  	_ =	shalt  }
0x62: {  	_ =	shalt  }
0x63: {  	_ =	shalt  }
0x64: {  	_ =	shalt  }
0x65: {  	_ =	shalt  }
0x66: {  	_ =	shalt  }
0x67: {  	_ =	shalt  }
0x68: {  	_ =	shalt  }
0x69: {  	_ =	shalt  }
0x6a: {  	_ =	shalt  }
0x6b: {  	_ =	shalt  }
0x6c: {  	_ =	shalt  }
0x6d: {  	_ =	shalt  }
0x6e: {  	_ =	shalt  }
0x6f: {  	_ =	shalt  }
0x70: {  	_ =	shalt  }
0x71: {  	_ =	shalt  }
0x72: {  	_ =	shalt  }
0x73: {  	_ =	shalt  }
0x74: {  	_ =	shalt  }
0x75: {  	_ =	shalt  }
0x76: {  	_ =	shalt  }
0x77: {  	_ =	shalt  }
0x78: {  	_ =	shalt  }
0x79: {  	_ =	shalt  }
0x7a: {  	_ =	shalt  }
0x7b: {  	_ =	shalt  }
0x7c: {  	_ =	shalt  }
0x7d: {  	_ =	shalt  }
0x7e: {  	_ =	shalt  }
0x7f: {  	_ =	shalt  }
0x80: {  	_ =	shalt  }
0x81: {  	_ =	shalt  }
0x82: {  	_ =	shalt  }
0x83: {  	_ =	shalt  }
0x84: {  	_ =	shalt  }
0x85: {  	_ =	shalt  }
0x86: {  	_ =	shalt  }
0x87: {  	_ =	shalt  }
.Lfunc_end0:
.L_simem_size_0:
called_computation.4_lowered:
.L_overlay_start_0:
0x88: {  	s2 =	sld [smem:$0x3FD9]  }
0x89: {  	s3 =	sld [smem:$0x3FFE];
	_ =	sdelay $0x1  }
0x8a: {  	s1 =	srdreg.scid  }
0x8b: {  	s0 =	sand.u32 $0x1, s1  }
0x8c: {  	s17 =	sshll.u32 s0, $0xA;
	s2 =	sadd.s32 s3, s2  }
0x8d: {  	s2 =	sadd.s32 s2, s17  }
0x8e: {  	[smem:$0x3FB4] =	sst s2  }
0x8f: {  	_ = 	snop  }
0x90: {  	(tm) =	ssettm $0x1  }
0x91: {  	s18 =	sld [smem:$0x3FFB];
	_ =	sdelay $0x3  }
0x92: {  	_ =	strace s18  }
0x93: {  	s2 =	sld [smem:$0x3FFC];
	_ =	sdelay $0x3  }
0x94: {  	_ =	strace s2  }
0x95: {  	s2 =	sld [smem:$0x3FFD];
	_ =	sdelay $0x3  }
0x96: {  	_ =	strace s2  }
0x97: {  	_ =	strace $0x8FFFFFFF  }
0x98: {  	s19 =	sld [smem:$0x3FDB];
	_ =	sdelay $0x1  }
0x99: {  	s20 =	simm.s32 $_scs_section_size  }
0x9a: {  	s4 =	simm.s32 $_size__tile_overlayer_lowered;
	s5 =	simm.s32 $_tile_overlayer_lowered  }
0x9b: {  	s6 =	simm.s32 $0x1BFF;
	s21 =	sshll.u32 s5, $0x1;
	s3 =	sadd.s32 s20, s19  }
0x9c: {  	s22 =	simm.s32 $0x0;
	s4 =	sshll.u32 s4, $0x1;
	s5 =	sadd.s32 s21, s3  }
0x9d: {  	[timem:s22], [sflag:s6] =	dma.local [hbm:s5], s4  }
0x9e: {  	_ =	swait.ge [sflag:s6], s4  }
0x9f: {  	s4 =	ssub.s32 $0x0, s4;
	[sflag:s6] =	ssyncset.done $0x0  }
0xa0: {  	[sflag:s6] =	ssyncadd.s32 s4;
	_ =	sdelay $0x1  }
0xa1: {  	s23 =	simm.s32 $0x1B8B  }
0xa2: {  	_ =	swait.ge [sflag:s23], $0x1  }
0xa3: {  	[sflag:s23] =	ssyncset.done $0x0  }
0xa4: {  	[sflag:s23] =	ssyncadd.s32 $0xFFFFFFFF  }
0xa5: {  	s4 =	sld [smem:$0x0]  }
0xa6: {  	s5 =	sand.u32 $0xFFFFFFFE, s1  }
0xa7: {  	p0 =	sne.s32 s1, s5  }
0xa8: {  	s5 =	sshll.u32 @p0 s5, $0xE  }
0xa9: {  	s5 =	sadd.s32 @p0 $0x11B8D, s5;
	s6 =	sshll.u32 @p0 s4, $0x11  }
0xaa: {  	s5 =	sor.u32 @p0 s6, s5  }
0xab: {  	[sflag:s5] =	ssyncadd.remote.s32 @p0 $0x1;
	_ =	sdelay $0x1  }
0xac: {  	s5 =	simm.s32 @p0 $0x1B8D  }
0xad: {  	_ =	swait.eq @p0 [sflag:s5], $0x1  }
0xae: {  	[sflag:s5] =	ssyncadd.s32 @p0 $0xFFFFFFFF  }
0xaf: {  	s6 =	sshll.u32 @!p0 s1, $0xE  }
0xb0: {  	s6 =	sor.u32 @!p0 $0x4000, s6;
	s5 =	simm.s32 @!p0 $0x1B8D  }
0xb1: {  	s4 =	sshll.u32 @!p0 s4, $0x11;
	s6 =	sadd.s32 @!p0 $0x11B8D, s6;
	_ =	swait.eq @!p0 [sflag:s5], $0x1  }
0xb2: {  	s4 =	sor.u32 @!p0 s4, s6;
	[sflag:s5] =	ssyncadd.s32 @!p0 $0xFFFFFFFF  }
0xb3: {  	s25 =	simm.s32 $0x1B8E;
	s24 =	sld [smem:$0x3FFE];
	[sflag:s4] =	ssyncadd.remote.s32 @!p0 $0x1  }
0xb4: {  	s26 =	simm.s32 $execute0_lowered;
	[smem:$0x3FD2] =	sst s25  }
0xb5: {  	s5 =	sshll.u32 s26, $0x1;
	_ =	strace $0x8000004C;
	[dreg:$0x1] =	wrdreg $0xFFFFFFFF  }
0xb6: {  	s28 =	simm.s32 $_size_execute0_lowered;
	s3 =	sadd.s32 s3, s5;
	[dreg:$0x0] =	wrdreg $0x0  }
0xb7: {  	s5 =	sshll.u32 s28, $0x1;
	[dreg:$0x2] =	wrdreg s3  }
0xb8: {  	[dreg:$0x3] =	wrdreg s5  }
0xb9: {  	[dreg:$0x4] =	wrdreg $0xC0  }
0xba: {  	_ =	task [dreg:s22], $0x5FFFF  }
0xbb: {  	[dreg:$0x1] =	wrdreg $0xFFFFFFFF  }
0xbc: {  	[dreg:$0x0] =	wrdreg $0x60  }
0xbd: {  	[dreg:$0x2] =	wrdreg s24  }
0xbe: {  	[dreg:$0x3] =	wrdreg $0xA  }
0xbf: {  	_ =	task.clear_ibuf [dreg:s22], $0x4FFFF;
	_ =	strace $0x9000004C  }
0xc0: {  	s29 =	simm.s32 $0xA;
	_ =	strace $0x8000004E  }
0xc1: {  	_ =	swait.ge [sflag:s29], $0x1  }
0xc2: {  	[sflag:s29] =	ssyncadd.s32 $0xFFFFFFFF  }
0xc3: {  	_ =	strace $0x9000004E  }
0xc4: {  	_ =	sfence  }
0xc5: {  	s30 =	sld [smem:$0x0];
	_ =	sdelay $0x2  }
0xc6: {  	s31 =	sshll.u32 s1, $0xD;
	s1 =	sshrl.u32 s1, $0x2  }
0xc7: {  	s4 =	sand.u32 $0x4000, s31;
	s1 =	sadd.s32 s1, s30  }
0xc8: {  	s0 =	sor.u32 s4, s0;
	s1 =	sshll.u32 s1, $0x11  }
0xc9: {  	s0 =	sor.u32 s1, s0  }
0xca: {  	s0 =	sadd.s32 $0x8F2B, s0  }
0xcb: {  	[sflag:s0] =	ssyncadd.remote.s32 $0x1  }
0xcc: {  	_ =	sfence.sel $0xFFFF  }
0xcd: {  	[dreg:$0x0] =	wrdreg $0xFFFFFFFF;
	(pc) =	sbr.abs _section_cstart, $3  }
0xce: {  	[dreg:$0x1] =	wrdreg $0xFFFFFFFF  }
0xcf: {  	_ =	task.clear_ibuf [dreg:s22], $0x2FFFF;
	_ =	strace $0x9FFFFFFF  }
0xd0: {  	(tm) =	ssettm $0x7FFFFFFF  }
0xd1: {  	_ =	shalt  }
tec
execute0_lowered:
.L_overlay_start_1:
0x0: {  	(tag) =	ssettag $0x1  }
0x1: {  	s0 =	srdreg.scid  }
0x2: {  	s5 =	stileid.u32;
	s11 =	rddreg [dreg:$0x0];
	s2 =	simm.s32 $0x0  }
0x3: {  	s6 =	simm.s32 $0x2000;
	s7 =	simm.s32 $0x2800;
	[smem:$0x7FF] =	sst s2  }
0x4: {  	s8 =	simm.s32 $0x3000;
	_ =	strace $0x8000004D;
	[dreg:$0x4] =	wrdreg s6  }
0x5: {  	s10 =	simm.s32 $0x3800;
	s12 =	simm.s32 $0x4000;
	[dreg:$0x5] =	wrdreg s7  }
0x6: {  	s13 =	simm.s32 $0x4800;
	s15 =	simm.s32 $0x5000;
	[dreg:$0x6] =	wrdreg s8  }
0x7: {  	s16 =	simm.s32 $0x5800;
	s17 =	simm.s32 $0x6000;
	[dreg:$0x7] =	wrdreg s10  }
0x8: {  	s18 =	simm.s32 $0x6800;
	s19 =	simm.s32 $0x7000;
	[dreg:$0x8] =	wrdreg s12  }
0x9: {  	s20 =	simm.s32 $0x7800;
	s21 =	simm.s32 $0x8000;
	[dreg:$0x9] =	wrdreg s13  }
0xa: {  	s22 =	simm.s32 $0x8800;
	s23 =	simm.s32 $0x9000;
	[dreg:$0xa] =	wrdreg s15  }
0xb: {  	s24 =	simm.s32 $0xA000;
	s25 =	simm.s32 $0xA800;
	[dreg:$0xb] =	wrdreg s16  }
0xc: {  	s28 =	simm.s32 $0x11000;
	s29 =	simm.s32 $0x1;
	[dreg:$0xc] =	wrdreg s17  }
0xd: {  	s30 =	simm.s32 $0x2;
	s31 =	simm.s32 $0x0;
	[dreg:$0xd] =	wrdreg s18  }
0xe: {  	s0 =	sand.u32 $0x1, s0;
	s1 =	smul.u32 $0x300000, s5;
	[dreg:$0xe] =	wrdreg s19  }
0xf: {  	s26 =	sadd.s32 $0x22C600, s11;
	s5 =	sshll.u32 s5, $0x1;
	[dreg:$0xf] =	wrdreg s20  }
0x10: {  	s3 =	smul.u32 $0x180000, s0;
	s5 =	sor.u32 s0, s5;
	[dreg:$0x10] =	wrdreg s21  }
0x11: {  	s0 =	ssub.s32 $0x2, s0;
	s6 =	sadd.s32 $0x142C800, s11;
	[dreg:$0x11] =	wrdreg s22  }
0x12: {  	s7 =	sadd.s32 $0x142C900, s11;
	s8 =	sadd.s32 $0x142CA00, s11;
	[dreg:$0x12] =	wrdreg s23  }
0x13: {  	s10 =	sadd.s32 $0x142CC00, s11;
	[dreg:$0x13] =	wrdreg s24;
	s13 =	simm.s32 $0x3  }
0x14: {  	[dreg:$0x14] =	wrdreg s25;
	s15 =	simm.s32 $0x9800;
	s16 =	simm.s32 $0xB800  }
0x15: {  	s17 =	simm.s32 $0xC000;
	s18 =	simm.s32 $0xC800;
	s19 =	simm.s32 $0xD000  }
0x16: {  	s20 =	simm.s32 $0xD800;
	s21 =	simm.s32 $0xE000;
	s22 =	simm.s32 $0xE800  }
0x17: {  	s23 =	simm.s32 $0xF000;
	s24 =	simm.s32 $0xF800;
	s25 =	simm.s32 $0x10000  }
0x18: {  	s14 =	sshrl.u32 s0, $0x1;
	s1 =	sadd.s32 s3, s1;
	s3 =	smul.u32 $0x300, s5  }
0x19: {  	s0 =	ssub.s32 s0, s14;
	s5 =	sadd.s32 $0x142C700, s11;
	s14 =	simm.s32 $0x1800  }
0x1a: {  	s4 =	sshrl.u32 s1, $0x3;
	s1 =	sor.u32 $0x8000, s1;
	s0 =	smax.u32 s0, $0x1  }
0x1b: {  	s4 =	sadd.s32 s4, s26;
	s1 =	sshrl.u32 s1, $0x3;
	[dreg:$0x17] =	wrdreg s0  }
0x1c: {  	s9 =	sadd.s32 s3, s11;
	[dreg:$0x2] =	wrdreg s4;
	s1 =	sadd.s32 s1, s26  }
0x1d: {  	v2 =	vlaneseq.u32;
	s3 =	sadd.s32 $0x142C600, s11;
	s4 =	sadd.s32 $0x172600, s9;
	[dreg:$0x3] =	wrdreg s1  }
0x1e: {  	vm0 =	vmmov $0xffff;
	v1 =	vshrl.u32 v2, $0x3;
	s9 =	sadd.s32 $0x142CB00, s11;
	s26 =	simm.s32 $0xB000;
	[dreg:$0x16] =	wrdreg s4  }
0x1f: {  	v0 =	vand.u32 $0x7, v2;
	v2 =	vor.u32 $0x8, v2;
	v1 =	vmul.u32 $0x8, v1;
	s11 =	sadd.s32 $0x142CD00, s11;
	[dreg:$0x15] =	wrdreg s26;
	s26 =	simm.s32 $0x10800  }
.LBB2_1:
0x20: {  	s0 =	rddreg [dreg:$0x16]  }
0x21: {  	[tilespmem:s2], [sflag:$0x3] =	stream.linear.gather [hbm4b:s0+s2], $0x1800, $0x38;
	[tilespmem:$0x11800] =	vst v63  }
0x22: {  	_ =	swait.ge [sflag:s13], $0x1800  }
0x23: {  	[sflag:s13] =	ssyncset.done $0x0  }
0x24: {  	s1 =	simm.s32 $0x80;
	s0 =	simm.s32 $0x0;
	[sflag:s13] =	ssyncadd.s32 $0xFFFFE800  }
.LBB2_2:
0x25: {  	p0 =	seq.s32 s0, $0x0  }
0x26: {  	s4 =	simm.s32 @!p0 $0x1  }
0x27: {  	_ =	swait.ge @!p0 [sflag:s4], $0x8000  }
0x28: {  	s12 =	rddreg [dreg:$0x2];
	[sflag:s4] =	ssyncset.done @!p0 $0x0  }
0x29: {  	[sflag:s4] =	ssyncadd.s32 @!p0 $0xFFFF8000;
	s12 =	sadd.s32 s0, s12  }
0x2a: {  	[tilespmem:s14], [sflag:$0x3] =	stream.linear.gather [hbm4b:s12+s2], $0x8000, $0x38;
	[tilespmem:$0x11800] =	vst v63  }
0x2b: {  	_ =	swait.ge [sflag:s13], $0x8000  }
0x2c: {  	[sflag:s13] =	ssyncset.done $0x0  }
0x2d: {  	[sflag:s13] =	ssyncadd.s32 $0xFFFF8000  }
0x2e: {  	v3 =	vld [tilespmem:s1+$0xFFFFFF80];
	_ =	sdelay $0x4  }
0x2f: {  	v4 =	vshll.u32 v3, $0x4  }
0x30: {  	v3 =	vand.u32 $0x7, v3;
	v4 =	vand.u32 $0xFFFFFF80, v4  }
0x31: {  	v3 =	vor.u32 v3, v4  }
0x32: {  	v4 =	vperm.xlane v3, v0;
	_ =	sdelay $0x1  }
0x33: {  	v4 =	vadd.s32 v1, v4;
	_ =	sdelay $0x4  }
0x34: {  	[hbm4b:s3+s2] =	stream.indirect_vreg.scatter [tilespmem:s14], [sflag:$0x1], $0x80, v4, vm0, $0xb8;
	[tilespmem:$0x11800] =	vst v63  }
0x35: {  	s4 =	rddreg [dreg:$0x4]  }
0x36: {  	[hbm4b:s5+s2] =	stream.indirect_vreg.scatter [tilespmem:s4], [sflag:$0x1], $0x80, v4, vm0, $0xb8;
	[tilespmem:$0x11800] =	vst v63  }
0x37: {  	s12 =	rddreg [dreg:$0x5]  }
0x38: {  	[hbm4b:s6+s2] =	stream.indirect_vreg.scatter [tilespmem:s12], [sflag:$0x1], $0x80, v4, vm0, $0xb8;
	[tilespmem:$0x11800] =	vst v63  }
0x39: {  	s4 =	rddreg [dreg:$0x6]  }
0x3a: {  	[hbm4b:s7+s2] =	stream.indirect_vreg.scatter [tilespmem:s4], [sflag:$0x1], $0x80, v4, vm0, $0xb8;
	[tilespmem:$0x11800] =	vst v63  }
0x3b: {  	s12 =	rddreg [dreg:$0x7]  }
0x3c: {  	[hbm4b:s8+s2] =	stream.indirect_vreg.scatter [tilespmem:s12], [sflag:$0x1], $0x80, v4, vm0, $0xb8;
	[tilespmem:$0x11800] =	vst v63  }
0x3d: {  	v3 =	vperm.xlane v3, v2;
	s4 =	rddreg [dreg:$0x8]  }
0x3e: {  	[hbm4b:s9+s2] =	stream.indirect_vreg.scatter [tilespmem:s4], [sflag:$0x1], $0x80, v4, vm0, $0xb8;
	[tilespmem:$0x11800] =	vst v63  }
0x3f: {  	v3 =	vadd.s32 v1, v3;
	s12 =	rddreg [dreg:$0x9]  }
0x40: {  	[hbm4b:s10+s2] =	stream.indirect_vreg.scatter [tilespmem:s12], [sflag:$0x1], $0x80, v4, vm0, $0xb8;
	[tilespmem:$0x11800] =	vst v63  }
0x41: {  	s4 =	rddreg [dreg:$0xa]  }
0x42: {  	[hbm4b:s11+s2] =	stream.indirect_vreg.scatter [tilespmem:s4], [sflag:$0x1], $0x80, v4, vm0, $0xb8;
	[tilespmem:$0x11800] =	vst v63  }
0x43: {  	s12 =	rddreg [dreg:$0xb]  }
0x44: {  	[hbm4b:s3+s2] =	stream.indirect_vreg.scatter [tilespmem:s12], [sflag:$0x1], $0x80, v3, vm0, $0xb8;
	[tilespmem:$0x11800] =	vst v63  }
0x45: {  	s4 =	rddreg [dreg:$0xc]  }
0x46: {  	[hbm4b:s5+s2] =	stream.indirect_vreg.scatter [tilespmem:s4], [sflag:$0x1], $0x80, v3, vm0, $0xb8;
	[tilespmem:$0x11800] =	vst v63  }
0x47: {  	s12 =	rddreg [dreg:$0xd]  }
0x48: {  	[hbm4b:s6+s2] =	stream.indirect_vreg.scatter [tilespmem:s12], [sflag:$0x1], $0x80, v3, vm0, $0xb8;
	[tilespmem:$0x11800] =	vst v63  }
0x49: {  	s4 =	rddreg [dreg:$0xe]  }
0x4a: {  	[hbm4b:s7+s2] =	stream.indirect_vreg.scatter [tilespmem:s4], [sflag:$0x1], $0x80, v3, vm0, $0xb8;
	[tilespmem:$0x11800] =	vst v63  }
0x4b: {  	s12 =	rddreg [dreg:$0xf]  }
0x4c: {  	[hbm4b:s8+s2] =	stream.indirect_vreg.scatter [tilespmem:s12], [sflag:$0x1], $0x80, v3, vm0, $0xb8;
	[tilespmem:$0x11800] =	vst v63  }
0x4d: {  	s4 =	rddreg [dreg:$0x10]  }
0x4e: {  	[hbm4b:s9+s2] =	stream.indirect_vreg.scatter [tilespmem:s4], [sflag:$0x1], $0x80, v3, vm0, $0xb8;
	[tilespmem:$0x11800] =	vst v63  }
0x4f: {  	s12 =	rddreg [dreg:$0x11]  }
0x50: {  	[hbm4b:s10+s2] =	stream.indirect_vreg.scatter [tilespmem:s12], [sflag:$0x1], $0x80, v3, vm0, $0xb8;
	[tilespmem:$0x11800] =	vst v63  }
0x51: {  	s4 =	rddreg [dreg:$0x12]  }
0x52: {  	[hbm4b:s11+s2] =	stream.indirect_vreg.scatter [tilespmem:s4], [sflag:$0x1], $0x80, v3, vm0, $0xb8;
	[tilespmem:$0x11800] =	vst v63  }
0x53: {  	s4 =	simm.s32 @!p0 $0x2  }
0x54: {  	_ =	swait.ge @!p0 [sflag:s4], $0x8000  }
0x55: {  	s12 =	rddreg [dreg:$0x3];
	[sflag:s4] =	ssyncset.done @!p0 $0x0  }
0x56: {  	[sflag:s4] =	ssyncadd.s32 @!p0 $0xFFFF8000;
	s12 =	sadd.s32 s0, s12  }
0x57: {  	[tilespmem:s15], [sflag:$0x3] =	stream.linear.gather [hbm4b:s12+s2], $0x8000, $0x38;
	[tilespmem:$0x11800] =	vst v63  }
0x58: {  	_ =	swait.ge [sflag:s13], $0x8000  }
0x59: {  	[sflag:s13] =	ssyncset.done $0x0  }
0x5a: {  	[sflag:s13] =	ssyncadd.s32 $0xFFFF8000  }
0x5b: {  	v3 =	vld [tilespmem:s1+$0x0];
	_ =	sdelay $0x4  }
0x5c: {  	v63 =	vshll.u32 v3, $0x4  }
0x5d: {  	v3 =	vand.u32 $0x7, v3;
	v4 =	vand.u32 $0xFFFFFF80, v63  }
0x5e: {  	v3 =	vor.u32 v3, v4  }
0x5f: {  	v4 =	vperm.xlane v3, v0;
	_ =	sdelay $0x1  }
0x60: {  	v4 =	vadd.s32 v1, v4;
	_ =	sdelay $0x4  }
0x61: {  	[hbm4b:s3+s2] =	stream.indirect_vreg.scatter [tilespmem:s15], [sflag:$0x2], $0x80, v4, vm0, $0xb8;
	[tilespmem:$0x11800] =	vst v63  }
0x62: {  	s4 =	rddreg [dreg:$0x13]  }
0x63: {  	[hbm4b:s5+s2] =	stream.indirect_vreg.scatter [tilespmem:s4], [sflag:$0x2], $0x80, v4, vm0, $0xb8;
	[tilespmem:$0x11800] =	vst v63  }
0x64: {  	s12 =	rddreg [dreg:$0x14]  }
0x65: {  	[hbm4b:s6+s2] =	stream.indirect_vreg.scatter [tilespmem:s12], [sflag:$0x2], $0x80, v4, vm0, $0xb8;
	[tilespmem:$0x11800] =	vst v63  }
0x66: {  	s4 =	rddreg [dreg:$0x15]  }
0x67: {  	[hbm4b:s7+s2] =	stream.indirect_vreg.scatter [tilespmem:s4], [sflag:$0x2], $0x80, v4, vm0, $0xb8;
	[tilespmem:$0x11800] =	vst v63  }
0x68: {  	_ = 	snop  }
0x69: {  	[hbm4b:s8+s2] =	stream.indirect_vreg.scatter [tilespmem:s16], [sflag:$0x2], $0x80, v4, vm0, $0xb8;
	[tilespmem:$0x11800] =	vst v63  }
0x6a: {  	v3 =	vperm.xlane v3, v2  }
0x6b: {  	[hbm4b:s9+s2] =	stream.indirect_vreg.scatter [tilespmem:s17], [sflag:$0x2], $0x80, v4, vm0, $0xb8;
	[tilespmem:$0x11800] =	vst v63  }
0x6c: {  	v3 =	vadd.s32 v1, v3  }
0x6d: {  	[hbm4b:s10+s2] =	stream.indirect_vreg.scatter [tilespmem:s18], [sflag:$0x2], $0x80, v4, vm0, $0xb8;
	[tilespmem:$0x11800] =	vst v63  }
0x6e: {  	_ = 	snop  }
0x6f: {  	[hbm4b:s11+s2] =	stream.indirect_vreg.scatter [tilespmem:s19], [sflag:$0x2], $0x80, v4, vm0, $0xb8;
	[tilespmem:$0x11800] =	vst v63  }
0x70: {  	_ = 	snop  }
0x71: {  	[hbm4b:s3+s2] =	stream.indirect_vreg.scatter [tilespmem:s20], [sflag:$0x2], $0x80, v3, vm0, $0xb8;
	[tilespmem:$0x11800] =	vst v63  }
0x72: {  	_ = 	snop  }
0x73: {  	[hbm4b:s5+s2] =	stream.indirect_vreg.scatter [tilespmem:s21], [sflag:$0x2], $0x80, v3, vm0, $0xb8;
	[tilespmem:$0x11800] =	vst v63  }
0x74: {  	_ = 	snop  }
0x75: {  	[hbm4b:s6+s2] =	stream.indirect_vreg.scatter [tilespmem:s22], [sflag:$0x2], $0x80, v3, vm0, $0xb8;
	[tilespmem:$0x11800] =	vst v63  }
0x76: {  	_ = 	snop  }
0x77: {  	[hbm4b:s7+s2] =	stream.indirect_vreg.scatter [tilespmem:s23], [sflag:$0x2], $0x80, v3, vm0, $0xb8;
	[tilespmem:$0x11800] =	vst v63  }
0x78: {  	s0 =	sadd.s32 $0x2000, s0  }
0x79: {  	[hbm4b:s8+s2] =	stream.indirect_vreg.scatter [tilespmem:s24], [sflag:$0x2], $0x80, v3, vm0, $0xb8;
	[tilespmem:$0x11800] =	vst v63  }
0x7a: {  	p0 =	sne.s32 s0, $0x30000  }
0x7b: {  	[hbm4b:s9+s2] =	stream.indirect_vreg.scatter [tilespmem:s25], [sflag:$0x2], $0x80, v3, vm0, $0xb8;
	[tilespmem:$0x11800] =	vst v63  }
.Ltmp0:
0x7c: {  	_ = 	snop;
	(pc) =	sbr.rel @p0 .LBB2_2-.Ltmp0, $4  }
0x7d: {  	_ = 	snop  }
0x7e: {  	[hbm4b:s10+s2] =	stream.indirect_vreg.scatter [tilespmem:s26], [sflag:$0x2], $0x80, v3, vm0, $0xb8;
	[tilespmem:$0x11800] =	vst v63  }
0x7f: {  	s1 =	sadd.s32 $0x100, s1  }
0x80: {  	[hbm4b:s11+s2] =	stream.indirect_vreg.scatter [tilespmem:s28], [sflag:$0x2], $0x80, v3, vm0, $0xb8;
	[tilespmem:$0x11800] =	vst v63  }
0x81: {  	_ =	swait.ge [sflag:s29], $0x8000  }
0x82: {  	[sflag:s29] =	ssyncset.done $0x0  }
0x83: {  	[sflag:s29] =	ssyncadd.s32 $0xFFFF8000  }
0x84: {  	_ =	swait.ge [sflag:s30], $0x8000  }
0x85: {  	s31 =	sadd.s32 $0x1, s31;
	s0 =	rddreg [dreg:$0x17]  }
0x86: {  	p0 =	sne.s32 s31, s0  }
.Ltmp1:
0x87: {  	_ = 	snop;
	(pc) =	sbr.rel @p0 .LBB2_1-.Ltmp1, $3  }
0x88: {  	_ =	sdelay $0x1  }
0x89: {  	[sflag:s30] =	ssyncset.done $0x0  }
0x8a: {  	[sflag:s30] =	ssyncadd.s32 $0xFFFF8000  }
0x8b: {  	_ =	sfence.sel $0x180000  }
0x8c: {  	[bflag:$0x0] =	sbarrier.arrive $0xFFFF  }
0x8d: {  	_ =	strace $0x9000004D  }
0x8e: {  	s0 =	stileid.u32;
	[bflag:$0x2] =	sbarrier.arrive $0xFFFF  }
0x8f: {  	p0 =	sne.s32 s0, $0x0;
	s0 =	rddreg [dreg:$0x1]  }
0x90: {  	s0 =	sadd.s32 @!p0 $0x100000, s0  }
0x91: {  	[sflag:s0] =	ssyncadd.tile.s32 @!p0 $0x1;
	_ =	shalt  }
.Lfunc_end2:
_tile_overlayer_lowered:
.L_overlay_start_2:
0x92: {  	(tag) =	ssettag $0x2  }
0x93: {  	s0 =	rddreg [dreg:$0x0];
	s2 =	stileid.u32  }
0x94: {  	s1 =	rddreg [dreg:$0x1];
	p0 =	sne.s32 s2, $0x0  }
0x95: {  	s3 =	rddreg [dreg:$0x2];
	[bflag:$0x3] =	sbarrier.arrive $0xFFFF;
	s2 =	simm.s32 @!p0 $0x1C03  }
0x96: {  	[timem:s3], [sflag:s2] =	dma.local @!p0 [hbm:s0], s1  }
0x97: {  	s0 =	simm.s32 @!p0 $0x3  }
0x98: {  	_ =	swait.ge @!p0 [sflag:s0], s1  }
0x99: {  	s1 =	ssub.s32 @!p0 $0x0, s1;
	[sflag:s0] =	ssyncset.done @!p0 $0x0  }
0x9a: {  	[sflag:s0] =	ssyncadd.s32 @!p0 s1  }
0x9b: {  	[bflag:$0x3] =	sbarrier.arrive $0xFFFF  }
0x9c: {  	_ =	shalt  }

// kernel: kernel.29.cloned.1.call-start
scs
__scs_entry_jumppad:
0x0: {  	(pc) =	sbr.rel $0x88, $3  }
0x1: {  	(tag) =	ssettag $0x0;
	lr =	simm.s32 $0x1  }
0x2: {  	[smem:$0x3F8D] =	sst lr;
	_ =	strace $0xD0000000  }
0x3: {  	_ = 	snop  }
0x4: {  	_ = 	snop  }
0x5: {  	_ = 	snop  }
0x6: {  	_ = 	snop  }
0x7: {  	_ = 	snop  }
__scs_overlays_trampoline_lowered:
0x8: {  	[smem:$0x3F9C] =	sst s0  }
0x9: {  	[smem:$0x3F9D] =	sst s1  }
0xa: {  	[smem:$0x3F9E] =	sst s2  }
0xb: {  	[smem:$0x3F9F] =	sst s3  }
0xc: {  	[smem:$0x3FA0] =	sst s4  }
0xd: {  	[smem:$0x3FA1] =	sst s5  }
0xe: {  	[smem:$0x3FA2] =	sst s6  }
0xf: {  	[smem:$0x3FA3] =	sst s7  }
0x10: {  	[smem:$0x3FA4] =	sst s8  }
0x11: {  	[smem:$0x3FA5] =	sst s9;
	s0 =	simm.s32 @!p0 $0x0  }
0x12: {  	s1 =	sld [smem:$0x3F8B];
	s0 =	simm.s32 @p0 $0x1  }
0x13: {  	[smem:$0x3FA6] =	sst s0;
	s0 =	simm.s32 @!p1 $0x0  }
0x14: {  	s2 =	sld [smem:$0x3F8A];
	s0 =	simm.s32 @p1 $0x1  }
0x15: {  	[smem:$0x3FA7] =	sst s0;
	s0 =	simm.s32 @!p2 $0x0  }
0x16: {  	s3 =	sld [smem:$0x3FDB];
	s0 =	simm.s32 @p2 $0x1  }
0x17: {  	s4 =	simm.s32 $0x1BF5;
	[smem:$0x3FA9] =	sst s0  }
0x18: {  	s0 =	sld [smem:$0x3F8C];
	_ =	swait.ge [sflag:s4], $0x0  }
0x19: {  	s7 =	sld [smem:$0x3F8D]  }
0x1a: {  	s8 =	sadd.s32 $0xFFFFE003, lr  }
0x1b: {  	s9 =	sadd.s32 $0xFFFFFEF7, lr;
	s5 =	simm.s32 $0xFFFFFFFF;
	p2 =	slt.u32 s8, $0xFFFFF086  }
0x1c: {  	p1 =	slt.u32 s9, $0xF7A;
	s5 =	simm.s32 @!p2 $0x0  }
0x1d: {  	s5 =	simm.s32 @p1 $0x1;
	p0 =	seq.s32 s7, s2  }
0x1e: {  	s7 =	smul.u32 @!p0 $0xF7A, s2;
	p2 =	seq.s32 @!p0 s5, $0x0  }
0x1f: {  	s9 =	smul.u32 $0xF7A, s1;
	s8 =	simm.s32 @!p0 $0x1BF5;
	p2 =	por !p2, p0  }
0x20: {  	[sflag:s8] =	ssyncset.s32 @!p0 $0xFFFFF086;
	s6 =	sadd.s32 @!p0 s3, s7;
	s7 =	simm.s32 @!p0 $0x108  }
0x21: {  	s3 =	sadd.s32 s3, s9;
	s6 =	sadd.s32 @!p0 $0x88, s6;
	s7 =	simm.s32 @p2 $0x1082  }
0x22: {  	[simem:s7], [sflag:s8] =	dma.local @!p0 [hbm:s6], $0xF7A  }
0x23: {  	s9 =	sor.u32 $0xD0000000, s2;
	s6 =	simm.s32 $0x108;
	_ =	swait.ge @!p0 [sflag:s8], $0x0  }
0x24: {  	s3 =	sadd.s32 $0x88, s3;
	s6 =	simm.s32 @!p1 $0x1082;
	[sflag:s4] =	ssyncset.s32 $0xFFFFF086  }
0x25: {  	[simem:s6], [sflag:s4] =	dma.local [hbm:s3], $0xF7A  }
0x26: {  	[smem:$0x3F8D] =	sst s1;
	(tag) =	ssettag s2;
	_ =	strace s9  }
0x27: {  	s1 =	sld [smem:$0x3F9D]  }
0x28: {  	s2 =	sld [smem:$0x3F9E]  }
0x29: {  	s4 =	sld [smem:$0x3FA0]  }
0x2a: {  	p0 =	seq.s32 s5, $0x0;
	s5 =	sld [smem:$0x3FA1]  }
0x2b: {  	s6 =	sld [smem:$0x3FA2]  }
0x2c: {  	s7 =	sld [smem:$0x3FA3]  }
0x2d: {  	s3 =	simm.s32 $0x108;
	s8 =	sld [smem:$0x3FA4]  }
0x2e: {  	s3 =	simm.s32 @!p0 $0x1082;
	s9 =	sld [smem:$0x3FA5]  }
0x2f: {  	lr =	sadd.s32 s0, s3;
	s0 =	sld [smem:$0x3F9C]  }
0x30: {  	s3 =	sld [smem:$0x3F9F]  }
0x31: {  	[smem:$0x3FA8] =	sst s10  }
0x32: {  	s10 =	sld [smem:$0x3FA6];
	_ =	sdelay $0x3  }
0x33: {  	p0 =	seq.s32 s10, $0x1;
	s10 =	sld [smem:$0x3FA8];
	_ =	sdelay $0x3  }
0x34: {  	[smem:$0x3FA8] =	sst s10  }
0x35: {  	s10 =	sld [smem:$0x3FA7];
	_ =	sdelay $0x3  }
0x36: {  	p1 =	seq.s32 s10, $0x1;
	s10 =	sld [smem:$0x3FA8];
	_ =	sdelay $0x3  }
0x37: {  	[smem:$0x3FA8] =	sst s10  }
0x38: {  	s10 =	sld [smem:$0x3FA9]  }
0x39: {  	_ = 	snop;
	(pc) =	sbr.ind lr, $3  }
0x3a: {  	_ = 	snop  }
0x3b: {  	_ = 	snop  }
0x3c: {  	p2 =	seq.s32 s10, $0x1;
	s10 =	sld [smem:$0x3FA8]  }
0x3d: {  	_ =	shalt  }
0x3e: {  	_ =	shalt  }
0x3f: {  	_ =	shalt  }
0x40: {  	_ =	shalt  }
0x41: {  	_ =	shalt  }
0x42: {  	_ =	shalt  }
0x43: {  	_ =	shalt  }
0x44: {  	_ =	shalt  }
0x45: {  	_ =	shalt  }
0x46: {  	_ =	shalt  }
0x47: {  	_ =	shalt  }
0x48: {  	_ =	shalt  }
0x49: {  	_ =	shalt  }
0x4a: {  	_ =	shalt  }
0x4b: {  	_ =	shalt  }
0x4c: {  	_ =	shalt  }
0x4d: {  	_ =	shalt  }
0x4e: {  	_ =	shalt  }
0x4f: {  	_ =	shalt  }
0x50: {  	_ =	shalt  }
0x51: {  	_ =	shalt  }
0x52: {  	_ =	shalt  }
0x53: {  	_ =	shalt  }
0x54: {  	_ =	shalt  }
0x55: {  	_ =	shalt  }
0x56: {  	_ =	shalt  }
0x57: {  	_ =	shalt  }
0x58: {  	_ =	shalt  }
0x59: {  	_ =	shalt  }
0x5a: {  	_ =	shalt  }
0x5b: {  	_ =	shalt  }
0x5c: {  	_ =	shalt  }
0x5d: {  	_ =	shalt  }
0x5e: {  	_ =	shalt  }
0x5f: {  	_ =	shalt  }
0x60: {  	_ =	shalt  }
0x61: {  	_ =	shalt  }
0x62: {  	_ =	shalt  }
0x63: {  	_ =	shalt  }
0x64: {  	_ =	shalt  }
0x65: {  	_ =	shalt  }
0x66: {  	_ =	shalt  }
0x67: {  	_ =	shalt  }
0x68: {  	_ =	shalt  }
0x69: {  	_ =	shalt  }
0x6a: {  	_ =	shalt  }
0x6b: {  	_ =	shalt  }
0x6c: {  	_ =	shalt  }
0x6d: {  	_ =	shalt  }
0x6e: {  	_ =	shalt  }
0x6f: {  	_ =	shalt  }
0x70: {  	_ =	shalt  }
0x71: {  	_ =	shalt  }
0x72: {  	_ =	shalt  }
0x73: {  	_ =	shalt  }
0x74: {  	_ =	shalt  }
0x75: {  	_ =	shalt  }
0x76: {  	_ =	shalt  }
0x77: {  	_ =	shalt  }
0x78: {  	_ =	shalt  }
0x79: {  	_ =	shalt  }
0x7a: {  	_ =	shalt  }
0x7b: {  	_ =	shalt  }
0x7c: {  	_ =	shalt  }
0x7d: {  	_ =	shalt  }
0x7e: {  	_ =	shalt  }
0x7f: {  	_ =	shalt  }
0x80: {  	_ =	shalt  }
0x81: {  	_ =	shalt  }
0x82: {  	_ =	shalt  }
0x83: {  	_ =	shalt  }
0x84: {  	_ =	shalt  }
0x85: {  	_ =	shalt  }
0x86: {  	_ =	shalt  }
0x87: {  	_ =	shalt  }
.Lfunc_end0:
.L_simem_size_0:
called_computation.5_lowered:
.L_overlay_start_0:
0x88: {  	s2 =	sld [smem:$0x3FD9]  }
0x89: {  	s3 =	sld [smem:$0x3FFE];
	_ =	sdelay $0x1  }
0x8a: {  	s1 =	srdreg.scid  }
0x8b: {  	s0 =	sand.u32 $0x1, s1  }
0x8c: {  	s17 =	sshll.u32 s0, $0xA;
	s2 =	sadd.s32 s3, s2  }
0x8d: {  	s2 =	sadd.s32 s2, s17  }
0x8e: {  	[smem:$0x3FB4] =	sst s2  }
0x8f: {  	_ = 	snop  }
0x90: {  	(tm) =	ssettm $0x1  }
0x91: {  	s18 =	sld [smem:$0x3FFB];
	_ =	sdelay $0x3  }
0x92: {  	_ =	strace s18  }
0x93: {  	s2 =	sld [smem:$0x3FFC];
	_ =	sdelay $0x3  }
0x94: {  	_ =	strace s2  }
0x95: {  	s2 =	sld [smem:$0x3FFD];
	_ =	sdelay $0x3  }
0x96: {  	_ =	strace s2  }
0x97: {  	_ =	strace $0x8FFFFFFF  }
0x98: {  	s19 =	sld [smem:$0x3FDB];
	_ =	sdelay $0x1  }
0x99: {  	s20 =	simm.s32 $_scs_section_size  }
0x9a: {  	s4 =	simm.s32 $_size__tile_overlayer_lowered;
	s5 =	simm.s32 $_tile_overlayer_lowered  }
0x9b: {  	s6 =	simm.s32 $0x1BFF;
	s21 =	sshll.u32 s5, $0x1;
	s3 =	sadd.s32 s20, s19  }
0x9c: {  	s22 =	simm.s32 $0x0;
	s4 =	sshll.u32 s4, $0x1;
	s5 =	sadd.s32 s21, s3  }
0x9d: {  	[timem:s22], [sflag:s6] =	dma.local [hbm:s5], s4  }
0x9e: {  	_ =	swait.ge [sflag:s6], s4  }
0x9f: {  	s4 =	ssub.s32 $0x0, s4;
	[sflag:s6] =	ssyncset.done $0x0  }
0xa0: {  	[sflag:s6] =	ssyncadd.s32 s4;
	_ =	sdelay $0x1  }
0xa1: {  	s23 =	simm.s32 $0x1B8B  }
0xa2: {  	_ =	swait.ge [sflag:s23], $0x1  }
0xa3: {  	[sflag:s23] =	ssyncset.done $0x0  }
0xa4: {  	[sflag:s23] =	ssyncadd.s32 $0xFFFFFFFF  }
0xa5: {  	s4 =	sld [smem:$0x0]  }
0xa6: {  	s5 =	sand.u32 $0xFFFFFFFE, s1  }
0xa7: {  	p0 =	sne.s32 s1, s5  }
0xa8: {  	s5 =	sshll.u32 @p0 s5, $0xE  }
0xa9: {  	s5 =	sadd.s32 @p0 $0x11B8D, s5;
	s6 =	sshll.u32 @p0 s4, $0x11  }
0xaa: {  	s5 =	sor.u32 @p0 s6, s5  }
0xab: {  	[sflag:s5] =	ssyncadd.remote.s32 @p0 $0x1;
	_ =	sdelay $0x1  }
0xac: {  	s5 =	simm.s32 @p0 $0x1B8D  }
0xad: {  	_ =	swait.eq @p0 [sflag:s5], $0x1  }
0xae: {  	[sflag:s5] =	ssyncadd.s32 @p0 $0xFFFFFFFF  }
0xaf: {  	s6 =	sshll.u32 @!p0 s1, $0xE  }
0xb0: {  	s6 =	sor.u32 @!p0 $0x4000, s6;
	s5 =	simm.s32 @!p0 $0x1B8D  }
0xb1: {  	s4 =	sshll.u32 @!p0 s4, $0x11;
	s6 =	sadd.s32 @!p0 $0x11B8D, s6;
	_ =	swait.eq @!p0 [sflag:s5], $0x1  }
0xb2: {  	s4 =	sor.u32 @!p0 s4, s6;
	[sflag:s5] =	ssyncadd.s32 @!p0 $0xFFFFFFFF  }
0xb3: {  	s25 =	simm.s32 $0x1B8E;
	s24 =	sld [smem:$0x3FFE];
	[sflag:s4] =	ssyncadd.remote.s32 @!p0 $0x1  }
0xb4: {  	s26 =	simm.s32 $execute0_lowered;
	[smem:$0x3FD2] =	sst s25  }
0xb5: {  	s5 =	sshll.u32 s26, $0x1;
	_ =	strace $0x80000055;
	[dreg:$0x1] =	wrdreg $0xFFFFFFFF  }
0xb6: {  	s28 =	simm.s32 $_size_execute0_lowered;
	s3 =	sadd.s32 s3, s5;
	[dreg:$0x0] =	wrdreg $0x0  }
0xb7: {  	s5 =	sshll.u32 s28, $0x1;
	[dreg:$0x2] =	wrdreg s3  }
0xb8: {  	[dreg:$0x3] =	wrdreg s5  }
0xb9: {  	[dreg:$0x4] =	wrdreg $0xC0  }
0xba: {  	_ =	task [dreg:s22], $0x5FFFF  }
0xbb: {  	[dreg:$0x1] =	wrdreg $0xFFFFFFFF  }
0xbc: {  	[dreg:$0x0] =	wrdreg $0x60  }
0xbd: {  	[dreg:$0x2] =	wrdreg s24  }
0xbe: {  	[dreg:$0x3] =	wrdreg $0xA  }
0xbf: {  	_ =	task.clear_ibuf [dreg:s22], $0x4FFFF;
	_ =	strace $0x90000055  }
0xc0: {  	s29 =	simm.s32 $0xA;
	_ =	strace $0x80000057  }
0xc1: {  	_ =	swait.ge [sflag:s29], $0x1  }
0xc2: {  	[sflag:s29] =	ssyncadd.s32 $0xFFFFFFFF  }
0xc3: {  	_ =	strace $0x90000057  }
0xc4: {  	_ =	sfence  }
0xc5: {  	s30 =	sld [smem:$0x0];
	_ =	sdelay $0x2  }
0xc6: {  	s31 =	sshll.u32 s1, $0xD;
	s1 =	sshrl.u32 s1, $0x2  }
0xc7: {  	s4 =	sand.u32 $0x4000, s31;
	s1 =	sadd.s32 s1, s30  }
0xc8: {  	s0 =	sor.u32 s4, s0;
	s1 =	sshll.u32 s1, $0x11  }
0xc9: {  	s0 =	sor.u32 s1, s0  }
0xca: {  	s0 =	sadd.s32 $0x8F2B, s0  }
0xcb: {  	[sflag:s0] =	ssyncadd.remote.s32 $0x1  }
0xcc: {  	_ =	sfence.sel $0xFFFF  }
0xcd: {  	[dreg:$0x0] =	wrdreg $0xFFFFFFFF;
	(pc) =	sbr.abs _section_cstart, $3  }
0xce: {  	[dreg:$0x1] =	wrdreg $0xFFFFFFFF  }
0xcf: {  	_ =	task.clear_ibuf [dreg:s22], $0x2FFFF;
	_ =	strace $0x9FFFFFFF  }
0xd0: {  	(tm) =	ssettm $0x7FFFFFFF  }
0xd1: {  	_ =	shalt  }
tec
execute0_lowered:
.L_overlay_start_1:
0x0: {  	(tag) =	ssettag $0x1  }
0x1: {  	s0 =	rddreg [dreg:$0x0];
	s2 =	simm.s32 $0x0;
	s1 =	srdreg.scid  }
0x2: {  	s6 =	stileid.u32;
	s11 =	simm.s32 $0x9000;
	s13 =	simm.s32 $0x9800  }
0x3: {  	s14 =	simm.s32 $0xA000;
	s15 =	simm.s32 $0xA800;
	s16 =	simm.s32 $0xB000  }
0x4: {  	s17 =	simm.s32 $0xB800;
	s18 =	simm.s32 $0xC000;
	[smem:$0x7FF] =	sst s2  }
0x5: {  	s19 =	simm.s32 $0xC800;
	_ =	strace $0x80000056;
	[dreg:$0x3] =	wrdreg s11  }
0x6: {  	s20 =	simm.s32 $0xD000;
	s21 =	simm.s32 $0xD800;
	[dreg:$0x4] =	wrdreg s13  }
0x7: {  	s22 =	simm.s32 $0xE000;
	s23 =	simm.s32 $0xE800;
	[dreg:$0x5] =	wrdreg s14  }
0x8: {  	s24 =	simm.s32 $0xF000;
	s25 =	simm.s32 $0xF800;
	[dreg:$0x6] =	wrdreg s15  }
0x9: {  	s26 =	simm.s32 $0x10000;
	s28 =	simm.s32 $0x7000;
	[dreg:$0x7] =	wrdreg s16  }
0xa: {  	s29 =	simm.s32 $0x7800;
	s30 =	simm.s32 $0x8000;
	[dreg:$0x8] =	wrdreg s17  }
0xb: {  	s31 =	simm.s32 $0x8800;
	s1 =	sand.u32 $0x1, s1;
	[dreg:$0x9] =	wrdreg s18  }
0xc: {  	s4 =	sshll.u32 s6, $0x9;
	s3 =	sadd.s32 $0xE2C600, s0;
	[dreg:$0xa] =	wrdreg s19  }
0xd: {  	s10 =	sshll.u32 s6, $0x11;
	s6 =	sadd.s32 $0xE2C800, s0;
	[dreg:$0xb] =	wrdreg s20  }
0xe: {  	s5 =	sshll.u32 s1, $0x8;
	s7 =	sadd.s32 s10, s0;
	[dreg:$0xc] =	wrdreg s21  }
0xf: {  	s8 =	ssub.s32 $0x2, s1;
	s1 =	sshll.u32 s1, $0x10;
	[dreg:$0xd] =	wrdreg s22  }
0x10: {  	s10 =	sadd.s32 $0xE2CC00, s0;
	s11 =	sadd.s32 $0xE2CD00, s0;
	[dreg:$0xe] =	wrdreg s23  }
0x11: {  	s13 =	simm.s32 $0x3;
	s14 =	simm.s32 $0x800;
	[dreg:$0xf] =	wrdreg s24  }
0x12: {  	s21 =	simm.s32 $0x4000;
	s22 =	simm.s32 $0x4800;
	[dreg:$0x10] =	wrdreg s25  }
0x13: {  	s23 =	simm.s32 $0x5000;
	s24 =	simm.s32 $0x5800;
	[dreg:$0x11] =	wrdreg s26  }
0x14: {  	s25 =	simm.s32 $0x6000;
	s26 =	simm.s32 $0x6800;
	s15 =	simm.s32 $0x0  }
0x15: {  	s4 =	sor.u32 s5, s4;
	s9 =	sshrl.u32 s8, $0x1;
	s5 =	sadd.s32 $0xE2C700, s0  }
0x16: {  	s1 =	sadd.s32 s1, s7;
	s7 =	sadd.s32 $0xE2C900, s0;
	s4 =	sadd.s32 s4, s0  }
0x17: {  	v2 =	vlaneseq.u32;
	s12 =	ssub.s32 s8, s9;
	s1 =	sadd.s32 $0x17E600, s1;
	s8 =	sadd.s32 $0xE2CA00, s0  }
0x18: {  	vm0 =	vmmov $0xffff;
	v1 =	vshrl.u32 v2, $0x3;
	s9 =	sadd.s32 $0xE2CB00, s0;
	s0 =	simm.s32 $0x1;
	s4 =	sadd.s32 $0x17C600, s4  }
0x19: {  	v0 =	vand.u32 $0x7, v2;
	v2 =	vor.u32 $0x8, v2;
	v1 =	vmul.u32 $0x8, v1;
	[dreg:$0x2] =	wrdreg s1;
	s12 =	smax.u32 s12, $0x1;
	s1 =	simm.s32 $0x2  }
.LBB2_1:
0x1a: {  	[tilespmem:s2], [sflag:$0x3] =	stream.linear.gather [hbm4b:s4+s2], $0x800, $0x38;
	[tilespmem:$0x10800] =	vst v63  }
0x1b: {  	_ =	swait.ge [sflag:s13], $0x800  }
0x1c: {  	[sflag:s13] =	ssyncset.done $0x0  }
0x1d: {  	[sflag:s13] =	ssyncadd.s32 $0xFFFFF800  }
0x1e: {  	v3 =	vld [tilespmem:$0x0];
	_ =	sdelay $0x4  }
0x1f: {  	v4 =	vshll.u32 v3, $0x4  }
0x20: {  	v3 =	vand.u32 $0x7, v3;
	v4 =	vand.u32 $0xFFFFFF80, v4  }
0x21: {  	v3 =	vor.u32 v3, v4  }
0x22: {  	v4 =	vperm.xlane v3, v0;
	_ =	sdelay $0x1  }
0x23: {  	v4 =	vadd.s32 v1, v4;
	_ =	sdelay $0x4  }
0x24: {  	[tilespmem:s14], [sflag:$0x1] =	stream.indirect_vreg.gather [hbm4b:s3+s2], $0x80, v4, vm0, $0xb8;
	[tilespmem:$0x10800] =	vst v63  }
0x25: {  	s16 =	simm.s32 $0x1000  }
0x26: {  	[tilespmem:s16], [sflag:$0x1] =	stream.indirect_vreg.gather [hbm4b:s5+s2], $0x80, v4, vm0, $0xb8;
	[tilespmem:$0x10800] =	vst v63  }
0x27: {  	s20 =	simm.s32 $0x1800  }
0x28: {  	[tilespmem:s20], [sflag:$0x1] =	stream.indirect_vreg.gather [hbm4b:s6+s2], $0x80, v4, vm0, $0xb8;
	[tilespmem:$0x10800] =	vst v63  }
0x29: {  	s17 =	simm.s32 $0x2000  }
0x2a: {  	[tilespmem:s17], [sflag:$0x1] =	stream.indirect_vreg.gather [hbm4b:s7+s2], $0x80, v4, vm0, $0xb8;
	[tilespmem:$0x10800] =	vst v63  }
0x2b: {  	s18 =	simm.s32 $0x2800  }
0x2c: {  	[tilespmem:s18], [sflag:$0x1] =	stream.indirect_vreg.gather [hbm4b:s8+s2], $0x80, v4, vm0, $0xb8;
	[tilespmem:$0x10800] =	vst v63  }
0x2d: {  	s19 =	simm.s32 $0x3000;
	v3 =	vperm.xlane v3, v2  }
0x2e: {  	[tilespmem:s19], [sflag:$0x1] =	stream.indirect_vreg.gather [hbm4b:s9+s2], $0x80, v4, vm0, $0xb8;
	[tilespmem:$0x10800] =	vst v63  }
0x2f: {  	v3 =	vadd.s32 v1, v3;
	s20 =	simm.s32 $0x3800  }
0x30: {  	[tilespmem:s20], [sflag:$0x1] =	stream.indirect_vreg.gather [hbm4b:s10+s2], $0x80, v4, vm0, $0xb8;
	[tilespmem:$0x10800] =	vst v63  }
0x31: {  	_ = 	snop  }
0x32: {  	[tilespmem:s21], [sflag:$0x1] =	stream.indirect_vreg.gather [hbm4b:s11+s2], $0x80, v4, vm0, $0xb8;
	[tilespmem:$0x10800] =	vst v63  }
0x33: {  	_ = 	snop  }
0x34: {  	[tilespmem:s22], [sflag:$0x1] =	stream.indirect_vreg.gather [hbm4b:s3+s2], $0x80, v3, vm0, $0xb8;
	[tilespmem:$0x10800] =	vst v63  }
0x35: {  	_ = 	snop  }
0x36: {  	[tilespmem:s23], [sflag:$0x1] =	stream.indirect_vreg.gather [hbm4b:s5+s2], $0x80, v3, vm0, $0xb8;
	[tilespmem:$0x10800] =	vst v63  }
0x37: {  	_ = 	snop  }
0x38: {  	[tilespmem:s24], [sflag:$0x1] =	stream.indirect_vreg.gather [hbm4b:s6+s2], $0x80, v3, vm0, $0xb8;
	[tilespmem:$0x10800] =	vst v63  }
0x39: {  	_ = 	snop  }
0x3a: {  	[tilespmem:s25], [sflag:$0x1] =	stream.indirect_vreg.gather [hbm4b:s7+s2], $0x80, v3, vm0, $0xb8;
	[tilespmem:$0x10800] =	vst v63  }
0x3b: {  	_ = 	snop  }
0x3c: {  	[tilespmem:s26], [sflag:$0x1] =	stream.indirect_vreg.gather [hbm4b:s8+s2], $0x80, v3, vm0, $0xb8;
	[tilespmem:$0x10800] =	vst v63  }
0x3d: {  	_ = 	snop  }
0x3e: {  	[tilespmem:s28], [sflag:$0x1] =	stream.indirect_vreg.gather [hbm4b:s9+s2], $0x80, v3, vm0, $0xb8;
	[tilespmem:$0x10800] =	vst v63  }
0x3f: {  	_ = 	snop  }
0x40: {  	[tilespmem:s29], [sflag:$0x1] =	stream.indirect_vreg.gather [hbm4b:s10+s2], $0x80, v3, vm0, $0xb8;
	[tilespmem:$0x10800] =	vst v63  }
0x41: {  	s16 =	simm.s32 $0x100;
	s17 =	simm.s32 $0x0  }
0x42: {  	[tilespmem:s30], [sflag:$0x1] =	stream.indirect_vreg.gather [hbm4b:s11+s2], $0x80, v3, vm0, $0xb8;
	[tilespmem:$0x10800] =	vst v63  }
.LBB2_2:
0x43: {  	v3 =	vld [tilespmem:s16+$0xFFFFFF80];
	_ =	sdelay $0x4  }
0x44: {  	v4 =	vshll.u32 v3, $0x4  }
0x45: {  	v3 =	vand.u32 $0x7, v3;
	v4 =	vand.u32 $0xFFFFFF80, v4  }
0x46: {  	v3 =	vor.u32 v3, v4  }
0x47: {  	v4 =	vperm.xlane v3, v0;
	_ =	sdelay $0x1  }
0x48: {  	v4 =	vadd.s32 v1, v4;
	_ =	sdelay $0x4  }
0x49: {  	[tilespmem:s31], [sflag:$0x2] =	stream.indirect_vreg.gather [hbm4b:s3+s2], $0x80, v4, vm0, $0xb8;
	[tilespmem:$0x10800] =	vst v63  }
0x4a: {  	s18 =	rddreg [dreg:$0x3]  }
0x4b: {  	[tilespmem:s18], [sflag:$0x2] =	stream.indirect_vreg.gather [hbm4b:s5+s2], $0x80, v4, vm0, $0xb8;
	[tilespmem:$0x10800] =	vst v63  }
0x4c: {  	s19 =	rddreg [dreg:$0x4]  }
0x4d: {  	[tilespmem:s19], [sflag:$0x2] =	stream.indirect_vreg.gather [hbm4b:s6+s2], $0x80, v4, vm0, $0xb8;
	[tilespmem:$0x10800] =	vst v63  }
0x4e: {  	s20 =	rddreg [dreg:$0x5]  }
0x4f: {  	[tilespmem:s20], [sflag:$0x2] =	stream.indirect_vreg.gather [hbm4b:s7+s2], $0x80, v4, vm0, $0xb8;
	[tilespmem:$0x10800] =	vst v63  }
0x50: {  	s19 =	rddreg [dreg:$0x6]  }
0x51: {  	[tilespmem:s19], [sflag:$0x2] =	stream.indirect_vreg.gather [hbm4b:s8+s2], $0x80, v4, vm0, $0xb8;
	[tilespmem:$0x10800] =	vst v63  }
0x52: {  	v3 =	vperm.xlane v3, v2;
	s20 =	rddreg [dreg:$0x7]  }
0x53: {  	[tilespmem:s20], [sflag:$0x2] =	stream.indirect_vreg.gather [hbm4b:s9+s2], $0x80, v4, vm0, $0xb8;
	[tilespmem:$0x10800] =	vst v63  }
0x54: {  	v3 =	vadd.s32 v1, v3;
	s19 =	rddreg [dreg:$0x8]  }
0x55: {  	[tilespmem:s19], [sflag:$0x2] =	stream.indirect_vreg.gather [hbm4b:s10+s2], $0x80, v4, vm0, $0xb8;
	[tilespmem:$0x10800] =	vst v63  }
0x56: {  	s20 =	rddreg [dreg:$0x9]  }
0x57: {  	[tilespmem:s20], [sflag:$0x2] =	stream.indirect_vreg.gather [hbm4b:s11+s2], $0x80, v4, vm0, $0xb8;
	[tilespmem:$0x10800] =	vst v63  }
0x58: {  	s19 =	rddreg [dreg:$0xa]  }
0x59: {  	[tilespmem:s19], [sflag:$0x2] =	stream.indirect_vreg.gather [hbm4b:s3+s2], $0x80, v3, vm0, $0xb8;
	[tilespmem:$0x10800] =	vst v63  }
0x5a: {  	s20 =	rddreg [dreg:$0xb]  }
0x5b: {  	[tilespmem:s20], [sflag:$0x2] =	stream.indirect_vreg.gather [hbm4b:s5+s2], $0x80, v3, vm0, $0xb8;
	[tilespmem:$0x10800] =	vst v63  }
0x5c: {  	s19 =	rddreg [dreg:$0xc]  }
0x5d: {  	[tilespmem:s19], [sflag:$0x2] =	stream.indirect_vreg.gather [hbm4b:s6+s2], $0x80, v3, vm0, $0xb8;
	[tilespmem:$0x10800] =	vst v63  }
0x5e: {  	s20 =	rddreg [dreg:$0xd]  }
0x5f: {  	[tilespmem:s20], [sflag:$0x2] =	stream.indirect_vreg.gather [hbm4b:s7+s2], $0x80, v3, vm0, $0xb8;
	[tilespmem:$0x10800] =	vst v63  }
0x60: {  	s19 =	rddreg [dreg:$0xe]  }
0x61: {  	[tilespmem:s19], [sflag:$0x2] =	stream.indirect_vreg.gather [hbm4b:s8+s2], $0x80, v3, vm0, $0xb8;
	[tilespmem:$0x10800] =	vst v63  }
0x62: {  	s20 =	rddreg [dreg:$0xf]  }
0x63: {  	[tilespmem:s20], [sflag:$0x2] =	stream.indirect_vreg.gather [hbm4b:s9+s2], $0x80, v3, vm0, $0xb8;
	[tilespmem:$0x10800] =	vst v63  }
0x64: {  	s19 =	rddreg [dreg:$0x10]  }
0x65: {  	[tilespmem:s19], [sflag:$0x2] =	stream.indirect_vreg.gather [hbm4b:s10+s2], $0x80, v3, vm0, $0xb8;
	[tilespmem:$0x10800] =	vst v63  }
0x66: {  	s20 =	rddreg [dreg:$0x11]  }
0x67: {  	[tilespmem:s20], [sflag:$0x2] =	stream.indirect_vreg.gather [hbm4b:s11+s2], $0x80, v3, vm0, $0xb8;
	[tilespmem:$0x10800] =	vst v63  }
0x68: {  	_ =	swait.ge [sflag:s0], $0x8000  }
0x69: {  	s20 =	rddreg [dreg:$0x2];
	[sflag:s0] =	ssyncset.done $0x0  }
0x6a: {  	[sflag:s0] =	ssyncadd.s32 $0xFFFF8000;
	s18 =	sadd.s32 s17, s20  }
0x6b: {  	[hbm4b:s18+s2] =	stream.linear.scatter [tilespmem:s14], [sflag:$0x3], $0x8000, $0x38;
	[tilespmem:$0x10800] =	vst v63  }
0x6c: {  	_ =	swait.ge [sflag:s13], $0x8000  }
0x6d: {  	[sflag:s13] =	ssyncset.done $0x0  }
0x6e: {  	p0 =	seq.s32 s17, $0xE000;
	[sflag:s13] =	ssyncadd.s32 $0xFFFF8000  }
0x6f: {  	v3 =	vld @!p0 [tilespmem:s16+$0x0];
	_ =	sdelay $0x4  }
0x70: {  	v4 =	vshll.u32 @!p0 v3, $0x4  }
0x71: {  	v5 =	vlaneseq.u32 @!p0;
	v3 =	vand.u32 @!p0 $0x7, v3;
	v4 =	vand.u32 @!p0 $0xFFFFFF80, v4  }
0x72: {  	v6 =	vshrl.u32 @!p0 v5, $0x3;
	v3 =	vor.u32 @!p0 v3, v4;
	v4 =	vand.u32 @!p0 $0x7, v5  }
0x73: {  	v6 =	vmul.u32 @!p0 $0x8, v6;
	v4 =	vperm.xlane @!p0 v3, v4;
	_ =	sdelay $0x1  }
0x74: {  	v4 =	vadd.s32 @!p0 v6, v4;
	_ =	sdelay $0x3  }
0x75: {  	vm1 =	vmmov @!p0 $0xffff;
	s19 =	simm.s32 @!p0 $0x0;
	s20 =	simm.s32 @!p0 $0x800  }
0x76: {  	[tilespmem:s20], [sflag:$0x1] =	stream.indirect_vreg.gather @!p0 [hbm4b:s3+s19], $0x80, v4, vm1, $0xb8;
	[tilespmem:$0x10800] =	vst v63  }
0x77: {  	s20 =	simm.s32 @!p0 $0x1000  }
0x78: {  	[tilespmem:s20], [sflag:$0x1] =	stream.indirect_vreg.gather @!p0 [hbm4b:s5+s19], $0x80, v4, vm1, $0xb8;
	[tilespmem:$0x10800] =	vst v63  }
0x79: {  	s20 =	simm.s32 @!p0 $0x1800  }
0x7a: {  	[tilespmem:s20], [sflag:$0x1] =	stream.indirect_vreg.gather @!p0 [hbm4b:s6+s19], $0x80, v4, vm1, $0xb8;
	[tilespmem:$0x10800] =	vst v63  }
0x7b: {  	s20 =	simm.s32 @!p0 $0x2000  }
0x7c: {  	[tilespmem:s20], [sflag:$0x1] =	stream.indirect_vreg.gather @!p0 [hbm4b:s7+s19], $0x80, v4, vm1, $0xb8;
	[tilespmem:$0x10800] =	vst v63  }
0x7d: {  	s20 =	simm.s32 @!p0 $0x2800  }
0x7e: {  	v5 =	vor.u32 @!p0 $0x8, v5;
	[tilespmem:s20], [sflag:$0x1] =	stream.indirect_vreg.gather @!p0 [hbm4b:s8+s19], $0x80, v4, vm1, $0xb8;
	[tilespmem:$0x10800] =	vst v63  }
0x7f: {  	v3 =	vperm.xlane @!p0 v3, v5;
	s20 =	simm.s32 @!p0 $0x3000  }
0x80: {  	[tilespmem:s20], [sflag:$0x1] =	stream.indirect_vreg.gather @!p0 [hbm4b:s9+s19], $0x80, v4, vm1, $0xb8;
	[tilespmem:$0x10800] =	vst v63  }
0x81: {  	v3 =	vadd.s32 @!p0 v6, v3;
	s20 =	simm.s32 @!p0 $0x3800  }
0x82: {  	[tilespmem:s20], [sflag:$0x1] =	stream.indirect_vreg.gather @!p0 [hbm4b:s10+s19], $0x80, v4, vm1, $0xb8;
	[tilespmem:$0x10800] =	vst v63  }
0x83: {  	s20 =	simm.s32 @!p0 $0x4000  }
0x84: {  	[tilespmem:s20], [sflag:$0x1] =	stream.indirect_vreg.gather @!p0 [hbm4b:s11+s19], $0x80, v4, vm1, $0xb8;
	[tilespmem:$0x10800] =	vst v63  }
0x85: {  	s20 =	simm.s32 @!p0 $0x4800  }
0x86: {  	[tilespmem:s20], [sflag:$0x1] =	stream.indirect_vreg.gather @!p0 [hbm4b:s3+s19], $0x80, v3, vm1, $0xb8;
	[tilespmem:$0x10800] =	vst v63  }
0x87: {  	s20 =	simm.s32 @!p0 $0x5000  }
0x88: {  	[tilespmem:s20], [sflag:$0x1] =	stream.indirect_vreg.gather @!p0 [hbm4b:s5+s19], $0x80, v3, vm1, $0xb8;
	[tilespmem:$0x10800] =	vst v63  }
0x89: {  	s20 =	simm.s32 @!p0 $0x5800  }
0x8a: {  	[tilespmem:s20], [sflag:$0x1] =	stream.indirect_vreg.gather @!p0 [hbm4b:s6+s19], $0x80, v3, vm1, $0xb8;
	[tilespmem:$0x10800] =	vst v63  }
0x8b: {  	s20 =	simm.s32 @!p0 $0x6000  }
0x8c: {  	[tilespmem:s20], [sflag:$0x1] =	stream.indirect_vreg.gather @!p0 [hbm4b:s7+s19], $0x80, v3, vm1, $0xb8;
	[tilespmem:$0x10800] =	vst v63  }
0x8d: {  	s20 =	simm.s32 @!p0 $0x6800  }
0x8e: {  	[tilespmem:s20], [sflag:$0x1] =	stream.indirect_vreg.gather @!p0 [hbm4b:s8+s19], $0x80, v3, vm1, $0xb8;
	[tilespmem:$0x10800] =	vst v63  }
0x8f: {  	s20 =	simm.s32 @!p0 $0x7000  }
0x90: {  	[tilespmem:s20], [sflag:$0x1] =	stream.indirect_vreg.gather @!p0 [hbm4b:s9+s19], $0x80, v3, vm1, $0xb8;
	[tilespmem:$0x10800] =	vst v63  }
0x91: {  	s20 =	simm.s32 @!p0 $0x7800  }
0x92: {  	[tilespmem:s20], [sflag:$0x1] =	stream.indirect_vreg.gather @!p0 [hbm4b:s10+s19], $0x80, v3, vm1, $0xb8;
	[tilespmem:$0x10800] =	vst v63  }
0x93: {  	s20 =	simm.s32 @!p0 $0x8000  }
0x94: {  	[tilespmem:s20], [sflag:$0x1] =	stream.indirect_vreg.gather @!p0 [hbm4b:s11+s19], $0x80, v3, vm1, $0xb8;
	[tilespmem:$0x10800] =	vst v63  }
0x95: {  	s17 =	sadd.s32 $0x2000, s17;
	_ =	swait.ge [sflag:s1], $0x8000  }
0x96: {  	p0 =	sne.s32 s17, $0x10000;
	[sflag:s1] =	ssyncset.done $0x0  }
.Ltmp0:
0x97: {  	s18 =	sadd.s32 $0x1000, s18;
	[sflag:s1] =	ssyncadd.s32 $0xFFFF8000;
	(pc) =	sbr.rel @p0 .LBB2_2-.Ltmp0, $4  }
0x98: {  	[hbm4b:s18+s2] =	stream.linear.scatter [tilespmem:s31], [sflag:$0x3], $0x8000, $0x38;
	[tilespmem:$0x10800] =	vst v63  }
0x99: {  	_ =	swait.ge [sflag:s13], $0x8000  }
0x9a: {  	[sflag:s13] =	ssyncset.done $0x0  }
0x9b: {  	s16 =	sadd.s32 $0x100, s16;
	[sflag:s13] =	ssyncadd.s32 $0xFFFF8000  }
0x9c: {  	s15 =	sadd.s32 $0x1, s15  }
0x9d: {  	p0 =	sne.s32 s15, s12  }
.Ltmp1:
0x9e: {  	_ = 	snop;
	(pc) =	sbr.rel @p0 .LBB2_1-.Ltmp1, $1  }
0x9f: {  	_ =	sdelay $0x3  }
0xa0: {  	_ =	sfence.sel $0x180000  }
0xa1: {  	[bflag:$0x0] =	sbarrier.arrive $0xFFFF  }
0xa2: {  	_ =	strace $0x90000056  }
0xa3: {  	s0 =	stileid.u32;
	[bflag:$0x2] =	sbarrier.arrive $0xFFFF  }
0xa4: {  	p0 =	sne.s32 s0, $0x0;
	s0 =	rddreg [dreg:$0x1]  }
0xa5: {  	s0 =	sadd.s32 @!p0 $0x100000, s0  }
0xa6: {  	[sflag:s0] =	ssyncadd.tile.s32 @!p0 $0x1;
	_ =	shalt  }
.Lfunc_end2:
_tile_overlayer_lowered:
.L_overlay_start_2:
0xa7: {  	(tag) =	ssettag $0x2  }
0xa8: {  	s0 =	rddreg [dreg:$0x0];
	s2 =	stileid.u32  }
0xa9: {  	s1 =	rddreg [dreg:$0x1];
	p0 =	sne.s32 s2, $0x0  }
0xaa: {  	s3 =	rddreg [dreg:$0x2];
	[bflag:$0x3] =	sbarrier.arrive $0xFFFF;
	s2 =	simm.s32 @!p0 $0x1C03  }
0xab: {  	[timem:s3], [sflag:s2] =	dma.local @!p0 [hbm:s0], s1  }
0xac: {  	s0 =	simm.s32 @!p0 $0x3  }
0xad: {  	_ =	swait.ge @!p0 [sflag:s0], s1  }
0xae: {  	s1 =	ssub.s32 @!p0 $0x0, s1;
	[sflag:s0] =	ssyncset.done @!p0 $0x0  }
0xaf: {  	[sflag:s0] =	ssyncadd.s32 @!p0 s1  }
0xb0: {  	[bflag:$0x3] =	sbarrier.arrive $0xFFFF  }
0xb1: {  	_ =	shalt  }

</sc_bundles>
